<compile_context>
chip_gen: v7x
topology: tpu7x:2x2x1
jax: 0.10.2.dev20260603
libtpu: 0.0.44.dev20260713+nightly
codegen_flags: <defaults>
</compile_context>

<pallas_src>
import functools

import jax
import jax.numpy as jnp
from jax import lax
from jax.experimental import pallas as pl
from jax.experimental.pallas import tpu as pltpu
from jax.experimental.pallas import tpu_sc as plsc

F32 = jnp.float32

NUM_CORES = 2
NUM_SUBCORES = 16
LANES = 16
NUM_TILES = NUM_CORES * NUM_SUBCORES

CHUNK = 80


def _tc_prep_body(h_ref, w1_ref, a1_ref, a2_ref, g_ref, s1_ref, s2_ref, m_ref):
    g = jnp.dot(h_ref[...], w1_ref[...], preferred_element_type=F32)
    n, f = g.shape
    half = f // 2
    bi1 = lax.bitcast_convert_type(g[:, :half], jnp.int32)
    bi2 = lax.bitcast_convert_type(g[:, half:], jnp.int32)

    def rnd(bits):
        return (bits + 0x7FFF + ((bits >> 16) & 1)) >> 16

    g_ref[...] = (rnd(bi1) & 0xFFFF) | (rnd(bi2) << 16)
    s1 = jnp.dot(g, a1_ref[...], preferred_element_type=F32)
    s2 = jnp.dot(g, a2_ref[...], preferred_element_type=F32)
    s1_ref[...] = s1
    s2_ref[...] = s2
    m = jnp.maximum(jnp.max(s1) + jnp.max(s2), 0.0)
    m_ref[...] = jnp.full((1, 1), m, F32)


def _tc_prep(h2, w1, a1, a2):
    n, f = h2.shape
    return pl.pallas_call(
        _tc_prep_body,
        out_shape=[
            jax.ShapeDtypeStruct((n, f // 2), jnp.int32),
            jax.ShapeDtypeStruct((n, 1), F32),
            jax.ShapeDtypeStruct((n, 1), F32),
            jax.ShapeDtypeStruct((1, 1), F32),
        ],
    )(h2, w1, a1, a2)


def _sc_edge_body(n_nodes, feat, items_per_tile, n_edges,
                  g_hbm, src_hbm, dst_hbm, s1_hbm, s2_hbm, m_hbm, iota_hbm,
                  out_hbm,
                  srcv0, srcv1, srcv2, srcv3, dstv0, dstv1, dstv2, dstv3,
                  sx0, sx1, sx2, sx3, dx0, dx1, dx2, dx3,
                  xv0, xv1, xv2, xv3, raw0, raw1, rows0, rows1,
                  m_v, iota_v, acc,
                  i0, i1, i2, i3, g0, g1, sc0, sc1):
    c = lax.axis_index("c")
    s = lax.axis_index("s")
    tile = c * NUM_SUBCORES + s
    rows_per_sub = n_nodes // NUM_SUBCORES
    wide = feat + LANES

    srcv = [srcv0, srcv1, srcv2, srcv3]
    dstv = [dstv0, dstv1, dstv2, dstv3]
    sx = [sx0, sx1, sx2, sx3]
    dx = [dx0, dx1, dx2, dx3]
    xv = [xv0, xv1, xv2, xv3]
    raw = [raw0, raw1]
    rows = [rows0, rows1]
    isem = [i0, i1, i2, i3]
    gsem = [g0, g1]
    ssem = [sc0, sc1]

    pltpu.sync_copy(m_hbm, m_v)
    pltpu.sync_copy(iota_hbm, iota_v)
    mvec = m_v[...]

    zero16 = jnp.zeros((LANES,), F32)

    @plsc.parallel_loop(0, CHUNK, unroll=4)
    def _z(r):
        for jj in range(wide // LANES):
            rows0[r, pl.ds(jj * LANES, LANES)] = zero16

    r0 = s * rows_per_sub
    cz = max(d for d in range(1, min(CHUNK, rows_per_sub) + 1)
             if rows_per_sub % d == 0)
    for k in range(rows_per_sub // cz):
        pltpu.sync_copy(rows0.at[pl.ds(0, cz)],
                        acc.at[pl.ds(r0 + k * cz, cz)])
    plsc.subcore_barrier()

    base = tile * items_per_tile * CHUNK

    def issue_idx(j, b):
        cb = base + j * CHUNK
        pltpu.async_copy(src_hbm.at[pl.ds(cb, CHUNK)], srcv[b], isem[b])
        pltpu.async_copy(dst_hbm.at[pl.ds(cb, CHUNK)], dstv[b], isem[b])

    def wait_idx(b):
        pltpu.make_async_copy(src_hbm.at[pl.ds(0, CHUNK)], srcv[b], isem[b]).wait()
        pltpu.make_async_copy(dst_hbm.at[pl.ds(0, CHUNK)], dstv[b], isem[b]).wait()

    def issue_sx(b):
        pltpu.async_copy(s1_hbm.at[srcv[b]], sx[b], isem[b])
        pltpu.async_copy(s2_hbm.at[dstv[b]], dx[b], isem[b])

    def wait_sx(b):
        pltpu.make_async_copy(s1_hbm.at[srcv[b]], sx[b], isem[b]).wait()
        pltpu.make_async_copy(s2_hbm.at[dstv[b]], dx[b], isem[b]).wait()

    def compute_x(b, cb):
        for gi in range(CHUNK // LANES):
            sl = pl.ds(gi * LANES, LANES)
            e = sx[b][sl] + dx[b][sl]
            e = jnp.where(e >= 0.0, e, 0.2 * e)
            x = jnp.exp(e - mvec)
            gidx = iota_v[sl] + cb
            xv[b][sl] = jnp.where(gidx < n_edges, x, 0.0)

    def issue_gather(b4, b2):
        pltpu.async_copy(g_hbm.at[dstv[b4]], raw[b2], gsem[b2])

    def wait_gather(b4, b2):
        pltpu.make_async_copy(g_hbm.at[dstv[b4]], raw[b2], gsem[b2]).wait()

    def issue_scatter(b4, b2):
        pltpu.async_copy(rows[b2], acc.at[srcv[b4]], ssem[b2], add=True)

    def wait_scatter(b4, b2):
        pltpu.make_async_copy(rows[b2], acc.at[srcv[b4]], ssem[b2]).wait()

    issue_idx(0, 0)
    issue_idx(1, 1)
    wait_idx(0)
    issue_sx(0)
    issue_gather(0, 0)

    nsteps = items_per_tile // 4

    @pl.loop(0, nsteps)
    def _step(st):
        j0 = st * 4
        for u in range(4):
            b4 = u
            b2 = u & 1
            j = j0 + u
            wait_gather(b4, b2)
            @pl.when(j < items_per_tile - 1)
            def _():
                wait_idx((u + 1) % 4)
                issue_sx((u + 1) % 4)

            @pl.when(j > 0)
            def _():
                wait_scatter((u + 3) % 4, 1 - b2)

            @pl.when(j < items_per_tile - 1)
            def _():
                issue_gather((u + 1) % 4, 1 - b2)

            @pl.when(j < items_per_tile - 2)
            def _():
                issue_idx(j + 2, (u + 2) % 4)

            wait_sx(b4)
            compute_x(b4, base + j * CHUNK)

            @plsc.parallel_loop(0, CHUNK, unroll=4)
            def _scale(cc):
                xb = plsc.load_gather(xv[b4], [jnp.full((LANES,), cc, jnp.int32)])
                half = feat // 2
                for jj in range(half // LANES):
                    sl = pl.ds(jj * LANES, LANES)
                    v = raw[b2][cc, sl]
                    lo = lax.bitcast_convert_type(v << 16, F32)
                    hi = lax.bitcast_convert_type(
                        v & jnp.int32(-65536), F32)
                    rows[b2][cc, sl] = lo * xb
                    rows[b2][cc, pl.ds(half + jj * LANES, LANES)] = hi * xb
                rows[b2][cc, pl.ds(feat, LANES)] = xb

            issue_scatter(b4, b2)

    wait_scatter(3, 1)
    plsc.subcore_barrier()

    pltpu.sync_copy(acc.at[pl.ds(r0, rows_per_sub)],
                    out_hbm.at[c, pl.ds(r0, rows_per_sub)])


def _sc_edge(g, src_p, dst_p, s1, s2, m16, iota, n_edges):
    n_nodes, half = g.shape
    feat = 2 * half
    wide = feat + LANES
    n_edges_p = src_p.shape[0]
    items_per_tile = n_edges_p // (NUM_TILES * CHUNK)
    mesh = plsc.VectorSubcoreMesh(core_axis_name="c", subcore_axis_name="s",
                                  num_cores=NUM_CORES,
                                  num_subcores=NUM_SUBCORES)
    body = functools.partial(_sc_edge_body, n_nodes, feat, items_per_tile,
                             n_edges)
    idx_t = [pltpu.VMEM((CHUNK,), jnp.int32)] * 8
    sx_t = [pltpu.VMEM((CHUNK,), F32)] * 8
    xv_t = [pltpu.VMEM((CHUNK,), F32)] * 4
    return pl.kernel(
        body,
        out_type=jax.ShapeDtypeStruct((NUM_CORES, n_nodes, wide), F32),
        mesh=mesh,
        compiler_params=pltpu.CompilerParams(use_tc_tiling_on_sc=False,
                                             needs_layout_passes=False),
        scratch_types=idx_t + sx_t + xv_t + [
            pltpu.VMEM((CHUNK, half), jnp.int32),
            pltpu.VMEM((CHUNK, half), jnp.int32),
            pltpu.VMEM((CHUNK, wide), F32),
            pltpu.VMEM((CHUNK, wide), F32),
            pltpu.VMEM((LANES,), F32),
            pltpu.VMEM((CHUNK,), jnp.int32),
            pltpu.VMEM_SHARED((n_nodes, wide), F32),
        ] + [pltpu.SemaphoreType.DMA] * 8,
    )(g, src_p, dst_p, s1, s2, m16, iota)


def _tc_final_body(feat, acc_ref, w2_ref, out_ref):
    hp = acc_ref[0, :, :feat] + acc_ref[1, :, :feat]
    d = acc_ref[0, :, feat:feat + 1] + acc_ref[1, :, feat:feat + 1]
    dinv = jnp.where(d > 0.0, 1.0 / d, 0.0)
    out = jnp.dot(hp * dinv, w2_ref[...], preferred_element_type=F32)
    out_ref[...] = jnp.maximum(out, 0.0)


def _tc_final(acc, w2):
    n = acc.shape[1]
    feat = w2.shape[0]
    out_f = w2.shape[1]
    return pl.pallas_call(
        functools.partial(_tc_final_body, feat),
        out_shape=jax.ShapeDtypeStruct((n, out_f), F32),
    )(acc, w2)


def kernel(h, edge_index, W_1, W_2, a):
    b, n, f = h.shape
    h2 = h.reshape(n, f)
    a1 = a[:f]
    a2 = a[f:]
    g, s1c, s2c, m = _tc_prep(h2, W_1, a1, a2)
    s1 = s1c.reshape(n)
    s2 = s2c.reshape(n)
    m16 = jnp.broadcast_to(m.reshape(()), (LANES,))
    src = edge_index[0]
    dst = edge_index[1]
    n_edges = src.shape[0]
    quantum = NUM_TILES * CHUNK * 4
    n_pad = (-n_edges) % quantum
    pad_idx = (jnp.arange(n_pad, dtype=jnp.int32)) % n
    src_p = jnp.concatenate([src, pad_idx])
    dst_p = jnp.concatenate([dst, pad_idx])
    iota = jnp.arange(CHUNK, dtype=jnp.int32)
    acc = _sc_edge(g, src_p, dst_p, s1, s2, m16, iota, n_edges)
    out = _tc_final(acc, W_2)
    return out.reshape(b, n, W_2.shape[1])

# --- scband reference (transcript-rebuilt; emitter-appended) ---
"""Pipeline reference for scband-gat-69587060130269 (READ-ONLY COPY).

The authoritative reference and input builder live on the scoring server;
editing this copy changes nothing except your own understanding.
"""

import jax, jax.numpy as jnp
import numpy as np

N = 10000
E = 320000
F = 128
OUT = 128
B = 1


def _xavier_uniform(key, shape, gain=1.414):
    fan_in, fan_out = shape[0], shape[1]
    limit = gain * np.sqrt(6.0 / (fan_in + fan_out))
    return jax.random.uniform(key, shape, jnp.float32, -limit, limit)


def setup_inputs(seed: int = 0) -> dict:
    key = jax.random.key(seed)
    k1, k2, k3, k4, k5 = jax.random.split(key, 5)
    h = jax.random.normal(k1, (B, N, F), dtype=jnp.float32)
    # edge list equivalent of adjacency_matrix.nonzero(); row 0 = dst-of-aggregation (edges[0]/src-of-softmax-group), row 1 = neighbor
    edge_index = jax.random.randint(k2, (2, E), 0, N, dtype=jnp.int32)
    W_1 = _xavier_uniform(k3, (F, F))
    W_2 = _xavier_uniform(k4, (F, OUT))
    a = _xavier_uniform(k5, (2 * F, 1))
    return {"h": h, "edge_index": edge_index, "W_1": W_1, "W_2": W_2, "a": a}


def reference(h, edge_index, W_1, W_2, a):
    src = edge_index[0]  # edges[0] in torch: softmax group / index_add target
    dst = edge_index[1]  # edges[1]
    g = jnp.matmul(h, W_1)                      # [B, N, F]
    g_i = jnp.take(g, src, axis=1)              # [B, E, F]
    g_j = jnp.take(g, dst, axis=1)              # [B, E, F]
    e_in = jnp.concatenate([g_i, g_j], axis=-1)  # [B, E, 2F]
    e = jax.nn.leaky_relu(jnp.matmul(e_in, a), 0.2)[..., 0]  # [B, E]
    # per-src-node softmax over incident edges (equivalent to the python loop)
    eT = e.T                                     # [E, B]
    seg_max = jax.ops.segment_max(eT, src, num_segments=N)  # [N, B]
    seg_max = jnp.where(jnp.isfinite(seg_max), seg_max, 0.0)
    ex = jnp.exp(eT - seg_max[src])              # [E, B]
    denom = jax.ops.segment_sum(ex, src, num_segments=N)[src]  # [E, B]
    att = (ex / denom).T                         # [B, E]
    weighted = g_j * att[..., None]              # [B, E, F]
    h_prime = jax.ops.segment_sum(jnp.transpose(weighted, (1, 0, 2)), src, num_segments=N)  # [N, B, F]
    h_prime = jnp.transpose(h_prime, (1, 0, 2))  # [B, N, F]
    out = jax.nn.relu(jnp.matmul(h_prime, W_2))  # [B, N, OUT]
    return out

if __name__ == "__main__":
    import jax
    _d = setup_inputs()
    print(jax.jit(kernel)(*tuple(_d.values())))

</pallas_src>

<mosaic_0001>
#map = affine_map<(d0, d1) -> (0, 0)>
#map1 = affine_map<(d0, d1) -> (0)>
#map2 = affine_map<(d0, d1) -> (0, 0, 0)>
module attributes {stable_mosaic.version = 14 : i64} {
  func.func @_sc_edge_body(%arg0: i32, %arg1: i32, %arg2: memref<10000x64xi32, #tpu.memory_space<hbm>>, %arg3: memref<327680xi32, #tpu.memory_space<hbm>>, %arg4: memref<327680xi32, #tpu.memory_space<hbm>>, %arg5: memref<10000xf32, #tpu.memory_space<hbm>>, %arg6: memref<10000xf32, #tpu.memory_space<hbm>>, %arg7: memref<16xf32, #tpu.memory_space<hbm>>, %arg8: memref<80xi32, #tpu.memory_space<hbm>>, %arg9: memref<2x10000x144xf32, #tpu.memory_space<hbm>>, %arg10: memref<80xi32, #tpu.memory_space<vmem>>, %arg11: memref<80xi32, #tpu.memory_space<vmem>>, %arg12: memref<80xi32, #tpu.memory_space<vmem>>, %arg13: memref<80xi32, #tpu.memory_space<vmem>>, %arg14: memref<80xi32, #tpu.memory_space<vmem>>, %arg15: memref<80xi32, #tpu.memory_space<vmem>>, %arg16: memref<80xi32, #tpu.memory_space<vmem>>, %arg17: memref<80xi32, #tpu.memory_space<vmem>>, %arg18: memref<80xf32, #tpu.memory_space<vmem>>, %arg19: memref<80xf32, #tpu.memory_space<vmem>>, %arg20: memref<80xf32, #tpu.memory_space<vmem>>, %arg21: memref<80xf32, #tpu.memory_space<vmem>>, %arg22: memref<80xf32, #tpu.memory_space<vmem>>, %arg23: memref<80xf32, #tpu.memory_space<vmem>>, %arg24: memref<80xf32, #tpu.memory_space<vmem>>, %arg25: memref<80xf32, #tpu.memory_space<vmem>>, %arg26: memref<80xf32, #tpu.memory_space<vmem>>, %arg27: memref<80xf32, #tpu.memory_space<vmem>>, %arg28: memref<80xf32, #tpu.memory_space<vmem>>, %arg29: memref<80xf32, #tpu.memory_space<vmem>>, %arg30: memref<80x64xi32, #tpu.memory_space<vmem>>, %arg31: memref<80x64xi32, #tpu.memory_space<vmem>>, %arg32: memref<80x144xf32, #tpu.memory_space<vmem>>, %arg33: memref<80x144xf32, #tpu.memory_space<vmem>>, %arg34: memref<16xf32, #tpu.memory_space<vmem>>, %arg35: memref<80xi32, #tpu.memory_space<vmem>>, %arg36: memref<10000x144xf32, #tpu.memory_space<vmem_shared>>, %arg37: memref<!tpu.dma_semaphore, #tpu.memory_space<semaphore_mem>>, %arg38: memref<!tpu.dma_semaphore, #tpu.memory_space<semaphore_mem>>, %arg39: memref<!tpu.dma_semaphore, #tpu.memory_space<semaphore_mem>>, %arg40: memref<!tpu.dma_semaphore, #tpu.memory_space<semaphore_mem>>, %arg41: memref<!tpu.dma_semaphore, #tpu.memory_space<semaphore_mem>>, %arg42: memref<!tpu.dma_semaphore, #tpu.memory_space<semaphore_mem>>, %arg43: memref<!tpu.dma_semaphore, #tpu.memory_space<semaphore_mem>>, %arg44: memref<!tpu.dma_semaphore, #tpu.memory_space<semaphore_mem>>) attributes {dimension_semantics = [#tpu.dimension_semantics<core_parallel>, #tpu.dimension_semantics<subcore_parallel>], iteration_bounds = array<i64: 2, 16>, scalar_prefetch = 0 : i64, scratch_operands = 35 : i64, tpu.core_type = #tpu.core_type<sc_vector_subcore>, window_params = [{transform_indices = #map}, {transform_indices = #map1}, {transform_indices = #map1}, {transform_indices = #map1}, {transform_indices = #map1}, {transform_indices = #map1}, {transform_indices = #map1}, {transform_indices = #map2}]} {
    %mul3A = arith.constant 16 : i32
    %mul3A_0 = arith.muli %arg0, %mul3A : i32
    %add3A = arith.addi %mul3A_0, %arg1 : i32
    "tpu.region"() ({
      %run_scoped3A = tpu.sem_alloc : memref<!tpu.dma_semaphore, #tpu.memory_space<semaphore_mem>>
      tpu.enqueue_dma source(%arg7 : memref<16xf32, #tpu.memory_space<hbm>>) target(%arg34 : memref<16xf32, #tpu.memory_space<vmem>>) target_semaphore(%run_scoped3A : memref<!tpu.dma_semaphore, #tpu.memory_space<semaphore_mem>>)
      tpu.wait_dma2 semaphore(%run_scoped3A : memref<!tpu.dma_semaphore, #tpu.memory_space<semaphore_mem>>) src(%arg7 : memref<16xf32, #tpu.memory_space<hbm>>) dst(%arg34 : memref<16xf32, #tpu.memory_space<vmem>>)
      tpu.yield
    }) : () -> ()
    "tpu.region"() ({
      %run_scoped3A = tpu.sem_alloc : memref<!tpu.dma_semaphore, #tpu.memory_space<semaphore_mem>>
      tpu.enqueue_dma source(%arg8 : memref<80xi32, #tpu.memory_space<hbm>>) target(%arg35 : memref<80xi32, #tpu.memory_space<vmem>>) target_semaphore(%run_scoped3A : memref<!tpu.dma_semaphore, #tpu.memory_space<semaphore_mem>>)
      tpu.wait_dma2 semaphore(%run_scoped3A : memref<!tpu.dma_semaphore, #tpu.memory_space<semaphore_mem>>) src(%arg8 : memref<80xi32, #tpu.memory_space<hbm>>) dst(%arg35 : memref<80xi32, #tpu.memory_space<vmem>>)
      tpu.yield
    }) : () -> ()
    %get3A = arith.constant 0 : index
    %get3A_1 = tpu.vector_load %arg34[%get3A] {strides = array<i32>} : memref<16xf32, #tpu.memory_space<vmem>>, vector<16xf32>,
    %broadcast_in_dim3A = arith.constant 0.000000e+00 : f32
    %broadcast_in_dim3A_2 = vector.broadcast %broadcast_in_dim3A : f32 to vector<16xf32>
    %parallel_loop3A = arith.constant 0 : i32
    %parallel_loop3A_3 = arith.constant 80 : i32
    %parallel_loop3A_4 = arith.constant 1 : i32
    scf.for %parallel_loop3A_94 = %parallel_loop3A to %parallel_loop3A_3 step %parallel_loop3A_4  : i32 {
      %parallel_loop3A_95 = arith.index_cast %parallel_loop3A_94 : i32 to index
      %parallel_loop3A_96 = arith.constant 0 : index
      %parallel_loop3A_97 = tpu.vector_load %arg32[%parallel_loop3A_95, %parallel_loop3A_96] {strides = array<i32>} : memref<80x144xf32, #tpu.memory_space<vmem>>, vector<16xf32>,
      tpu.vector_store %arg32[%parallel_loop3A_95, %parallel_loop3A_96], %broadcast_in_dim3A_2 {strides = array<i32>} : memref<80x144xf32, #tpu.memory_space<vmem>>, vector<16xf32>,
      %parallel_loop3A_98 = arith.index_cast %parallel_loop3A_94 : i32 to index
      %parallel_loop3A_99 = arith.constant 16 : index
      %parallel_loop3A_100 = tpu.vector_load %arg32[%parallel_loop3A_98, %parallel_loop3A_99] {strides = array<i32>} : memref<80x144xf32, #tpu.memory_space<vmem>>, vector<16xf32>,
      tpu.vector_store %arg32[%parallel_loop3A_98, %parallel_loop3A_99], %broadcast_in_dim3A_2 {strides = array<i32>} : memref<80x144xf32, #tpu.memory_space<vmem>>, vector<16xf32>,
      %parallel_loop3A_101 = arith.index_cast %parallel_loop3A_94 : i32 to index
      %parallel_loop3A_102 = arith.constant 32 : index
      %parallel_loop3A_103 = tpu.vector_load %arg32[%parallel_loop3A_101, %parallel_loop3A_102] {strides = array<i32>} : memref<80x144xf32, #tpu.memory_space<vmem>>, vector<16xf32>,
      tpu.vector_store %arg32[%parallel_loop3A_101, %parallel_loop3A_102], %broadcast_in_dim3A_2 {strides = array<i32>} : memref<80x144xf32, #tpu.memory_space<vmem>>, vector<16xf32>,
      %parallel_loop3A_104 = arith.index_cast %parallel_loop3A_94 : i32 to index
      %parallel_loop3A_105 = arith.constant 48 : index
      %parallel_loop3A_106 = tpu.vector_load %arg32[%parallel_loop3A_104, %parallel_loop3A_105] {strides = array<i32>} : memref<80x144xf32, #tpu.memory_space<vmem>>, vector<16xf32>,
      tpu.vector_store %arg32[%parallel_loop3A_104, %parallel_loop3A_105], %broadcast_in_dim3A_2 {strides = array<i32>} : memref<80x144xf32, #tpu.memory_space<vmem>>, vector<16xf32>,
      %parallel_loop3A_107 = arith.index_cast %parallel_loop3A_94 : i32 to index
      %parallel_loop3A_108 = arith.constant 64 : index
      %parallel_loop3A_109 = tpu.vector_load %arg32[%parallel_loop3A_107, %parallel_loop3A_108] {strides = array<i32>} : memref<80x144xf32, #tpu.memory_space<vmem>>, vector<16xf32>,
      tpu.vector_store %arg32[%parallel_loop3A_107, %parallel_loop3A_108], %broadcast_in_dim3A_2 {strides = array<i32>} : memref<80x144xf32, #tpu.memory_space<vmem>>, vector<16xf32>,
      %parallel_loop3A_110 = arith.index_cast %parallel_loop3A_94 : i32 to index
      %parallel_loop3A_111 = arith.constant 80 : index
      %parallel_loop3A_112 = tpu.vector_load %arg32[%parallel_loop3A_110, %parallel_loop3A_111] {strides = array<i32>} : memref<80x144xf32, #tpu.memory_space<vmem>>, vector<16xf32>,
      tpu.vector_store %arg32[%parallel_loop3A_110, %parallel_loop3A_111], %broadcast_in_dim3A_2 {strides = array<i32>} : memref<80x144xf32, #tpu.memory_space<vmem>>, vector<16xf32>,
      %parallel_loop3A_113 = arith.index_cast %parallel_loop3A_94 : i32 to index
      %parallel_loop3A_114 = arith.constant 96 : index
      %parallel_loop3A_115 = tpu.vector_load %arg32[%parallel_loop3A_113, %parallel_loop3A_114] {strides = array<i32>} : memref<80x144xf32, #tpu.memory_space<vmem>>, vector<16xf32>,
      tpu.vector_store %arg32[%parallel_loop3A_113, %parallel_loop3A_114], %broadcast_in_dim3A_2 {strides = array<i32>} : memref<80x144xf32, #tpu.memory_space<vmem>>, vector<16xf32>,
      %parallel_loop3A_116 = arith.index_cast %parallel_loop3A_94 : i32 to index
      %parallel_loop3A_117 = arith.constant 112 : index
      %parallel_loop3A_118 = tpu.vector_load %arg32[%parallel_loop3A_116, %parallel_loop3A_117] {strides = array<i32>} : memref<80x144xf32, #tpu.memory_space<vmem>>, vector<16xf32>,
      tpu.vector_store %arg32[%parallel_loop3A_116, %parallel_loop3A_117], %broadcast_in_dim3A_2 {strides = array<i32>} : memref<80x144xf32, #tpu.memory_space<vmem>>, vector<16xf32>,
      %parallel_loop3A_119 = arith.index_cast %parallel_loop3A_94 : i32 to index
      %parallel_loop3A_120 = arith.constant 128 : index
      %parallel_loop3A_121 = tpu.vector_load %arg32[%parallel_loop3A_119, %parallel_loop3A_120] {strides = array<i32>} : memref<80x144xf32, #tpu.memory_space<vmem>>, vector<16xf32>,
      tpu.vector_store %arg32[%parallel_loop3A_119, %parallel_loop3A_120], %broadcast_in_dim3A_2 {strides = array<i32>} : memref<80x144xf32, #tpu.memory_space<vmem>>, vector<16xf32>,
    } {sc.loop_unroll_factor = 4 : i64, sc.parallel_access}
    %mul3A_5 = arith.constant 625 : i32
    %mul3A_6 = arith.muli %arg1, %mul3A_5 : i32
    %add3A_7 = arith.constant 0 : i32
    %add3A_8 = arith.addi %mul3A_6, %add3A_7 : i32
    "tpu.region"() ({
      %run_scoped3A = tpu.sem_alloc : memref<!tpu.dma_semaphore, #tpu.memory_space<semaphore_mem>>
      %dma_start3A_94 = arith.constant 0 : i32
      %dma_start3A_95 = arith.constant 0 : i32
      %dma_start3A_96 = tpu.memref_slice %arg32[%dma_start3A_94, %dma_start3A_95] : memref<80x144xf32, #tpu.memory_space<vmem>> -> memref<25x144xf32, #tpu.memory_space<vmem>>
      %dma_start3A_97 = arith.constant 0 : i32
      %dma_start3A_98 = tpu.memref_slice %arg36[%add3A_8, %dma_start3A_97] : memref<10000x144xf32, #tpu.memory_space<vmem_shared>> -> memref<25x144xf32, #tpu.memory_space<vmem_shared>>
      %dma_start3A_99 = arith.constant 0 : i32
      %dma_start3A_100 = tpu.memref_slice %arg36[%add3A_8, %dma_start3A_99] : memref<10000x144xf32, #tpu.memory_space<vmem_shared>> -> memref<25x144xf32, #tpu.memory_space<vmem_shared>>
      %dma_start3A_101 = arith.constant 0 : i32
      %dma_start3A_102 = arith.constant 0 : i32
      %dma_start3A_103 = tpu.memref_slice %arg32[%dma_start3A_101, %dma_start3A_102] : memref<80x144xf32, #tpu.memory_space<vmem>> -> memref<25x144xf32, #tpu.memory_space<vmem>>
      tpu.enqueue_dma source(%dma_start3A_103 : memref<25x144xf32, #tpu.memory_space<vmem>>) target(%dma_start3A_100 : memref<25x144xf32, #tpu.memory_space<vmem_shared>>) target_semaphore(%run_scoped3A : memref<!tpu.dma_semaphore, #tpu.memory_space<semaphore_mem>>)
      %dma_wait3A_104 = arith.constant 0 : i32
      %dma_wait3A_105 = arith.constant 0 : i32
      %dma_wait3A_106 = tpu.memref_slice %arg32[%dma_wait3A_104, %dma_wait3A_105] : memref<80x144xf32, #tpu.memory_space<vmem>> -> memref<25x144xf32, #tpu.memory_space<vmem>>
      %dma_wait3A_107 = arith.constant 0 : i32
      %dma_wait3A_108 = tpu.memref_slice %arg36[%add3A_8, %dma_wait3A_107] : memref<10000x144xf32, #tpu.memory_space<vmem_shared>> -> memref<25x144xf32, #tpu.memory_space<vmem_shared>>
      %dma_wait3A_109 = arith.constant 0 : i32
      %dma_wait3A_110 = tpu.memref_slice %arg36[%add3A_8, %dma_wait3A_109] : memref<10000x144xf32, #tpu.memory_space<vmem_shared>> -> memref<25x144xf32, #tpu.memory_space<vmem_shared>>
      %dma_wait3A_111 = arith.constant 0 : i32
      %dma_wait3A_112 = arith.constant 0 : i32
      %dma_wait3A_113 = tpu.memref_slice %arg32[%dma_wait3A_111, %dma_wait3A_112] : memref<80x144xf32, #tpu.memory_space<vmem>> -> memref<25x144xf32, #tpu.memory_space<vmem>>
      tpu.wait_dma2 semaphore(%run_scoped3A : memref<!tpu.dma_semaphore, #tpu.memory_space<semaphore_mem>>) src(%dma_wait3A_113 : memref<25x144xf32, #tpu.memory_space<vmem>>) dst(%dma_wait3A_110 : memref<25x144xf32, #tpu.memory_space<vmem_shared>>)
      tpu.yield
    }) : () -> ()
    %add3A_9 = arith.constant 25 : i32
    %add3A_10 = arith.addi %mul3A_6, %add3A_9 : i32
    "tpu.region"() ({
      %run_scoped3A = tpu.sem_alloc : memref<!tpu.dma_semaphore, #tpu.memory_space<semaphore_mem>>
      %dma_start3A_94 = arith.constant 0 : i32
      %dma_start3A_95 = arith.constant 0 : i32
      %dma_start3A_96 = tpu.memref_slice %arg32[%dma_start3A_94, %dma_start3A_95] : memref<80x144xf32, #tpu.memory_space<vmem>> -> memref<25x144xf32, #tpu.memory_space<vmem>>
      %dma_start3A_97 = arith.constant 0 : i32
      %dma_start3A_98 = tpu.memref_slice %arg36[%add3A_10, %dma_start3A_97] : memref<10000x144xf32, #tpu.memory_space<vmem_shared>> -> memref<25x144xf32, #tpu.memory_space<vmem_shared>>
      %dma_start3A_99 = arith.constant 0 : i32
      %dma_start3A_100 = tpu.memref_slice %arg36[%add3A_10, %dma_start3A_99] : memref<10000x144xf32, #tpu.memory_space<vmem_shared>> -> memref<25x144xf32, #tpu.memory_space<vmem_shared>>
      %dma_start3A_101 = arith.constant 0 : i32
      %dma_start3A_102 = arith.constant 0 : i32
      %dma_start3A_103 = tpu.memref_slice %arg32[%dma_start3A_101, %dma_start3A_102] : memref<80x144xf32, #tpu.memory_space<vmem>> -> memref<25x144xf32, #tpu.memory_space<vmem>>
      tpu.enqueue_dma source(%dma_start3A_103 : memref<25x144xf32, #tpu.memory_space<vmem>>) target(%dma_start3A_100 : memref<25x144xf32, #tpu.memory_space<vmem_shared>>) target_semaphore(%run_scoped3A : memref<!tpu.dma_semaphore, #tpu.memory_space<semaphore_mem>>)
      %dma_wait3A_104 = arith.constant 0 : i32
      %dma_wait3A_105 = arith.constant 0 : i32
      %dma_wait3A_106 = tpu.memref_slice %arg32[%dma_wait3A_104, %dma_wait3A_105] : memref<80x144xf32, #tpu.memory_space<vmem>> -> memref<25x144xf32, #tpu.memory_space<vmem>>
      %dma_wait3A_107 = arith.constant 0 : i32
      %dma_wait3A_108 = tpu.memref_slice %arg36[%add3A_10, %dma_wait3A_107] : memref<10000x144xf32, #tpu.memory_space<vmem_shared>> -> memref<25x144xf32, #tpu.memory_space<vmem_shared>>
      %dma_wait3A_109 = arith.constant 0 : i32
      %dma_wait3A_110 = tpu.memref_slice %arg36[%add3A_10, %dma_wait3A_109] : memref<10000x144xf32, #tpu.memory_space<vmem_shared>> -> memref<25x144xf32, #tpu.memory_space<vmem_shared>>
      %dma_wait3A_111 = arith.constant 0 : i32
      %dma_wait3A_112 = arith.constant 0 : i32
      %dma_wait3A_113 = tpu.memref_slice %arg32[%dma_wait3A_111, %dma_wait3A_112] : memref<80x144xf32, #tpu.memory_space<vmem>> -> memref<25x144xf32, #tpu.memory_space<vmem>>
      tpu.wait_dma2 semaphore(%run_scoped3A : memref<!tpu.dma_semaphore, #tpu.memory_space<semaphore_mem>>) src(%dma_wait3A_113 : memref<25x144xf32, #tpu.memory_space<vmem>>) dst(%dma_wait3A_110 : memref<25x144xf32, #tpu.memory_space<vmem_shared>>)
      tpu.yield
    }) : () -> ()
    %add3A_11 = arith.constant 50 : i32
    %add3A_12 = arith.addi %mul3A_6, %add3A_11 : i32
    "tpu.region"() ({
      %run_scoped3A = tpu.sem_alloc : memref<!tpu.dma_semaphore, #tpu.memory_space<semaphore_mem>>
      %dma_start3A_94 = arith.constant 0 : i32
      %dma_start3A_95 = arith.constant 0 : i32
      %dma_start3A_96 = tpu.memref_slice %arg32[%dma_start3A_94, %dma_start3A_95] : memref<80x144xf32, #tpu.memory_space<vmem>> -> memref<25x144xf32, #tpu.memory_space<vmem>>
      %dma_start3A_97 = arith.constant 0 : i32
      %dma_start3A_98 = tpu.memref_slice %arg36[%add3A_12, %dma_start3A_97] : memref<10000x144xf32, #tpu.memory_space<vmem_shared>> -> memref<25x144xf32, #tpu.memory_space<vmem_shared>>
      %dma_start3A_99 = arith.constant 0 : i32
      %dma_start3A_100 = tpu.memref_slice %arg36[%add3A_12, %dma_start3A_99] : memref<10000x144xf32, #tpu.memory_space<vmem_shared>> -> memref<25x144xf32, #tpu.memory_space<vmem_shared>>
      %dma_start3A_101 = arith.constant 0 : i32
      %dma_start3A_102 = arith.constant 0 : i32
      %dma_start3A_103 = tpu.memref_slice %arg32[%dma_start3A_101, %dma_start3A_102] : memref<80x144xf32, #tpu.memory_space<vmem>> -> memref<25x144xf32, #tpu.memory_space<vmem>>
      tpu.enqueue_dma source(%dma_start3A_103 : memref<25x144xf32, #tpu.memory_space<vmem>>) target(%dma_start3A_100 : memref<25x144xf32, #tpu.memory_space<vmem_shared>>) target_semaphore(%run_scoped3A : memref<!tpu.dma_semaphore, #tpu.memory_space<semaphore_mem>>)
      %dma_wait3A_104 = arith.constant 0 : i32
      %dma_wait3A_105 = arith.constant 0 : i32
      %dma_wait3A_106 = tpu.memref_slice %arg32[%dma_wait3A_104, %dma_wait3A_105] : memref<80x144xf32, #tpu.memory_space<vmem>> -> memref<25x144xf32, #tpu.memory_space<vmem>>
      %dma_wait3A_107 = arith.constant 0 : i32
      %dma_wait3A_108 = tpu.memref_slice %arg36[%add3A_12, %dma_wait3A_107] : memref<10000x144xf32, #tpu.memory_space<vmem_shared>> -> memref<25x144xf32, #tpu.memory_space<vmem_shared>>
      %dma_wait3A_109 = arith.constant 0 : i32
      %dma_wait3A_110 = tpu.memref_slice %arg36[%add3A_12, %dma_wait3A_109] : memref<10000x144xf32, #tpu.memory_space<vmem_shared>> -> memref<25x144xf32, #tpu.memory_space<vmem_shared>>
      %dma_wait3A_111 = arith.constant 0 : i32
      %dma_wait3A_112 = arith.constant 0 : i32
      %dma_wait3A_113 = tpu.memref_slice %arg32[%dma_wait3A_111, %dma_wait3A_112] : memref<80x144xf32, #tpu.memory_space<vmem>> -> memref<25x144xf32, #tpu.memory_space<vmem>>
      tpu.wait_dma2 semaphore(%run_scoped3A : memref<!tpu.dma_semaphore, #tpu.memory_space<semaphore_mem>>) src(%dma_wait3A_113 : memref<25x144xf32, #tpu.memory_space<vmem>>) dst(%dma_wait3A_110 : memref<25x144xf32, #tpu.memory_space<vmem_shared>>)
      tpu.yield
    }) : () -> ()
    %add3A_13 = arith.constant 75 : i32
    %add3A_14 = arith.addi %mul3A_6, %add3A_13 : i32
    "tpu.region"() ({
      %run_scoped3A = tpu.sem_alloc : memref<!tpu.dma_semaphore, #tpu.memory_space<semaphore_mem>>
      %dma_start3A_94 = arith.constant 0 : i32
      %dma_start3A_95 = arith.constant 0 : i32
      %dma_start3A_96 = tpu.memref_slice %arg32[%dma_start3A_94, %dma_start3A_95] : memref<80x144xf32, #tpu.memory_space<vmem>> -> memref<25x144xf32, #tpu.memory_space<vmem>>
      %dma_start3A_97 = arith.constant 0 : i32
      %dma_start3A_98 = tpu.memref_slice %arg36[%add3A_14, %dma_start3A_97] : memref<10000x144xf32, #tpu.memory_space<vmem_shared>> -> memref<25x144xf32, #tpu.memory_space<vmem_shared>>
      %dma_start3A_99 = arith.constant 0 : i32
      %dma_start3A_100 = tpu.memref_slice %arg36[%add3A_14, %dma_start3A_99] : memref<10000x144xf32, #tpu.memory_space<vmem_shared>> -> memref<25x144xf32, #tpu.memory_space<vmem_shared>>
      %dma_start3A_101 = arith.constant 0 : i32
      %dma_start3A_102 = arith.constant 0 : i32
      %dma_start3A_103 = tpu.memref_slice %arg32[%dma_start3A_101, %dma_start3A_102] : memref<80x144xf32, #tpu.memory_space<vmem>> -> memref<25x144xf32, #tpu.memory_space<vmem>>
      tpu.enqueue_dma source(%dma_start3A_103 : memref<25x144xf32, #tpu.memory_space<vmem>>) target(%dma_start3A_100 : memref<25x144xf32, #tpu.memory_space<vmem_shared>>) target_semaphore(%run_scoped3A : memref<!tpu.dma_semaphore, #tpu.memory_space<semaphore_mem>>)
      %dma_wait3A_104 = arith.constant 0 : i32
      %dma_wait3A_105 = arith.constant 0 : i32
      %dma_wait3A_106 = tpu.memref_slice %arg32[%dma_wait3A_104, %dma_wait3A_105] : memref<80x144xf32, #tpu.memory_space<vmem>> -> memref<25x144xf32, #tpu.memory_space<vmem>>
      %dma_wait3A_107 = arith.constant 0 : i32
      %dma_wait3A_108 = tpu.memref_slice %arg36[%add3A_14, %dma_wait3A_107] : memref<10000x144xf32, #tpu.memory_space<vmem_shared>> -> memref<25x144xf32, #tpu.memory_space<vmem_shared>>
      %dma_wait3A_109 = arith.constant 0 : i32
      %dma_wait3A_110 = tpu.memref_slice %arg36[%add3A_14, %dma_wait3A_109] : memref<10000x144xf32, #tpu.memory_space<vmem_shared>> -> memref<25x144xf32, #tpu.memory_space<vmem_shared>>
      %dma_wait3A_111 = arith.constant 0 : i32
      %dma_wait3A_112 = arith.constant 0 : i32
      %dma_wait3A_113 = tpu.memref_slice %arg32[%dma_wait3A_111, %dma_wait3A_112] : memref<80x144xf32, #tpu.memory_space<vmem>> -> memref<25x144xf32, #tpu.memory_space<vmem>>
      tpu.wait_dma2 semaphore(%run_scoped3A : memref<!tpu.dma_semaphore, #tpu.memory_space<semaphore_mem>>) src(%dma_wait3A_113 : memref<25x144xf32, #tpu.memory_space<vmem>>) dst(%dma_wait3A_110 : memref<25x144xf32, #tpu.memory_space<vmem_shared>>)
      tpu.yield
    }) : () -> ()
    %add3A_15 = arith.constant 100 : i32
    %add3A_16 = arith.addi %mul3A_6, %add3A_15 : i32
    "tpu.region"() ({
      %run_scoped3A = tpu.sem_alloc : memref<!tpu.dma_semaphore, #tpu.memory_space<semaphore_mem>>
      %dma_start3A_94 = arith.constant 0 : i32
      %dma_start3A_95 = arith.constant 0 : i32
      %dma_start3A_96 = tpu.memref_slice %arg32[%dma_start3A_94, %dma_start3A_95] : memref<80x144xf32, #tpu.memory_space<vmem>> -> memref<25x144xf32, #tpu.memory_space<vmem>>
      %dma_start3A_97 = arith.constant 0 : i32
      %dma_start3A_98 = tpu.memref_slice %arg36[%add3A_16, %dma_start3A_97] : memref<10000x144xf32, #tpu.memory_space<vmem_shared>> -> memref<25x144xf32, #tpu.memory_space<vmem_shared>>
      %dma_start3A_99 = arith.constant 0 : i32
      %dma_start3A_100 = tpu.memref_slice %arg36[%add3A_16, %dma_start3A_99] : memref<10000x144xf32, #tpu.memory_space<vmem_shared>> -> memref<25x144xf32, #tpu.memory_space<vmem_shared>>
      %dma_start3A_101 = arith.constant 0 : i32
      %dma_start3A_102 = arith.constant 0 : i32
      %dma_start3A_103 = tpu.memref_slice %arg32[%dma_start3A_101, %dma_start3A_102] : memref<80x144xf32, #tpu.memory_space<vmem>> -> memref<25x144xf32, #tpu.memory_space<vmem>>
      tpu.enqueue_dma source(%dma_start3A_103 : memref<25x144xf32, #tpu.memory_space<vmem>>) target(%dma_start3A_100 : memref<25x144xf32, #tpu.memory_space<vmem_shared>>) target_semaphore(%run_scoped3A : memref<!tpu.dma_semaphore, #tpu.memory_space<semaphore_mem>>)
      %dma_wait3A_104 = arith.constant 0 : i32
      %dma_wait3A_105 = arith.constant 0 : i32
      %dma_wait3A_106 = tpu.memref_slice %arg32[%dma_wait3A_104, %dma_wait3A_105] : memref<80x144xf32, #tpu.memory_space<vmem>> -> memref<25x144xf32, #tpu.memory_space<vmem>>
      %dma_wait3A_107 = arith.constant 0 : i32
      %dma_wait3A_108 = tpu.memref_slice %arg36[%add3A_16, %dma_wait3A_107] : memref<10000x144xf32, #tpu.memory_space<vmem_shared>> -> memref<25x144xf32, #tpu.memory_space<vmem_shared>>
      %dma_wait3A_109 = arith.constant 0 : i32
      %dma_wait3A_110 = tpu.memref_slice %arg36[%add3A_16, %dma_wait3A_109] : memref<10000x144xf32, #tpu.memory_space<vmem_shared>> -> memref<25x144xf32, #tpu.memory_space<vmem_shared>>
      %dma_wait3A_111 = arith.constant 0 : i32
      %dma_wait3A_112 = arith.constant 0 : i32
      %dma_wait3A_113 = tpu.memref_slice %arg32[%dma_wait3A_111, %dma_wait3A_112] : memref<80x144xf32, #tpu.memory_space<vmem>> -> memref<25x144xf32, #tpu.memory_space<vmem>>
      tpu.wait_dma2 semaphore(%run_scoped3A : memref<!tpu.dma_semaphore, #tpu.memory_space<semaphore_mem>>) src(%dma_wait3A_113 : memref<25x144xf32, #tpu.memory_space<vmem>>) dst(%dma_wait3A_110 : memref<25x144xf32, #tpu.memory_space<vmem_shared>>)
      tpu.yield
    }) : () -> ()
    %add3A_17 = arith.constant 125 : i32
    %add3A_18 = arith.addi %mul3A_6, %add3A_17 : i32
    "tpu.region"() ({
      %run_scoped3A = tpu.sem_alloc : memref<!tpu.dma_semaphore, #tpu.memory_space<semaphore_mem>>
      %dma_start3A_94 = arith.constant 0 : i32
      %dma_start3A_95 = arith.constant 0 : i32
      %dma_start3A_96 = tpu.memref_slice %arg32[%dma_start3A_94, %dma_start3A_95] : memref<80x144xf32, #tpu.memory_space<vmem>> -> memref<25x144xf32, #tpu.memory_space<vmem>>
      %dma_start3A_97 = arith.constant 0 : i32
      %dma_start3A_98 = tpu.memref_slice %arg36[%add3A_18, %dma_start3A_97] : memref<10000x144xf32, #tpu.memory_space<vmem_shared>> -> memref<25x144xf32, #tpu.memory_space<vmem_shared>>
      %dma_start3A_99 = arith.constant 0 : i32
      %dma_start3A_100 = tpu.memref_slice %arg36[%add3A_18, %dma_start3A_99] : memref<10000x144xf32, #tpu.memory_space<vmem_shared>> -> memref<25x144xf32, #tpu.memory_space<vmem_shared>>
      %dma_start3A_101 = arith.constant 0 : i32
      %dma_start3A_102 = arith.constant 0 : i32
      %dma_start3A_103 = tpu.memref_slice %arg32[%dma_start3A_101, %dma_start3A_102] : memref<80x144xf32, #tpu.memory_space<vmem>> -> memref<25x144xf32, #tpu.memory_space<vmem>>
      tpu.enqueue_dma source(%dma_start3A_103 : memref<25x144xf32, #tpu.memory_space<vmem>>) target(%dma_start3A_100 : memref<25x144xf32, #tpu.memory_space<vmem_shared>>) target_semaphore(%run_scoped3A : memref<!tpu.dma_semaphore, #tpu.memory_space<semaphore_mem>>)
      %dma_wait3A_104 = arith.constant 0 : i32
      %dma_wait3A_105 = arith.constant 0 : i32
      %dma_wait3A_106 = tpu.memref_slice %arg32[%dma_wait3A_104, %dma_wait3A_105] : memref<80x144xf32, #tpu.memory_space<vmem>> -> memref<25x144xf32, #tpu.memory_space<vmem>>
      %dma_wait3A_107 = arith.constant 0 : i32
      %dma_wait3A_108 = tpu.memref_slice %arg36[%add3A_18, %dma_wait3A_107] : memref<10000x144xf32, #tpu.memory_space<vmem_shared>> -> memref<25x144xf32, #tpu.memory_space<vmem_shared>>
      %dma_wait3A_109 = arith.constant 0 : i32
      %dma_wait3A_110 = tpu.memref_slice %arg36[%add3A_18, %dma_wait3A_109] : memref<10000x144xf32, #tpu.memory_space<vmem_shared>> -> memref<25x144xf32, #tpu.memory_space<vmem_shared>>
      %dma_wait3A_111 = arith.constant 0 : i32
      %dma_wait3A_112 = arith.constant 0 : i32
      %dma_wait3A_113 = tpu.memref_slice %arg32[%dma_wait3A_111, %dma_wait3A_112] : memref<80x144xf32, #tpu.memory_space<vmem>> -> memref<25x144xf32, #tpu.memory_space<vmem>>
      tpu.wait_dma2 semaphore(%run_scoped3A : memref<!tpu.dma_semaphore, #tpu.memory_space<semaphore_mem>>) src(%dma_wait3A_113 : memref<25x144xf32, #tpu.memory_space<vmem>>) dst(%dma_wait3A_110 : memref<25x144xf32, #tpu.memory_space<vmem_shared>>)
      tpu.yield
    }) : () -> ()
    %add3A_19 = arith.constant 150 : i32
    %add3A_20 = arith.addi %mul3A_6, %add3A_19 : i32
    "tpu.region"() ({
      %run_scoped3A = tpu.sem_alloc : memref<!tpu.dma_semaphore, #tpu.memory_space<semaphore_mem>>
      %dma_start3A_94 = arith.constant 0 : i32
      %dma_start3A_95 = arith.constant 0 : i32
      %dma_start3A_96 = tpu.memref_slice %arg32[%dma_start3A_94, %dma_start3A_95] : memref<80x144xf32, #tpu.memory_space<vmem>> -> memref<25x144xf32, #tpu.memory_space<vmem>>
      %dma_start3A_97 = arith.constant 0 : i32
      %dma_start3A_98 = tpu.memref_slice %arg36[%add3A_20, %dma_start3A_97] : memref<10000x144xf32, #tpu.memory_space<vmem_shared>> -> memref<25x144xf32, #tpu.memory_space<vmem_shared>>
      %dma_start3A_99 = arith.constant 0 : i32
      %dma_start3A_100 = tpu.memref_slice %arg36[%add3A_20, %dma_start3A_99] : memref<10000x144xf32, #tpu.memory_space<vmem_shared>> -> memref<25x144xf32, #tpu.memory_space<vmem_shared>>
      %dma_start3A_101 = arith.constant 0 : i32
      %dma_start3A_102 = arith.constant 0 : i32
      %dma_start3A_103 = tpu.memref_slice %arg32[%dma_start3A_101, %dma_start3A_102] : memref<80x144xf32, #tpu.memory_space<vmem>> -> memref<25x144xf32, #tpu.memory_space<vmem>>
      tpu.enqueue_dma source(%dma_start3A_103 : memref<25x144xf32, #tpu.memory_space<vmem>>) target(%dma_start3A_100 : memref<25x144xf32, #tpu.memory_space<vmem_shared>>) target_semaphore(%run_scoped3A : memref<!tpu.dma_semaphore, #tpu.memory_space<semaphore_mem>>)
      %dma_wait3A_104 = arith.constant 0 : i32
      %dma_wait3A_105 = arith.constant 0 : i32
      %dma_wait3A_106 = tpu.memref_slice %arg32[%dma_wait3A_104, %dma_wait3A_105] : memref<80x144xf32, #tpu.memory_space<vmem>> -> memref<25x144xf32, #tpu.memory_space<vmem>>
      %dma_wait3A_107 = arith.constant 0 : i32
      %dma_wait3A_108 = tpu.memref_slice %arg36[%add3A_20, %dma_wait3A_107] : memref<10000x144xf32, #tpu.memory_space<vmem_shared>> -> memref<25x144xf32, #tpu.memory_space<vmem_shared>>
      %dma_wait3A_109 = arith.constant 0 : i32
      %dma_wait3A_110 = tpu.memref_slice %arg36[%add3A_20, %dma_wait3A_109] : memref<10000x144xf32, #tpu.memory_space<vmem_shared>> -> memref<25x144xf32, #tpu.memory_space<vmem_shared>>
      %dma_wait3A_111 = arith.constant 0 : i32
      %dma_wait3A_112 = arith.constant 0 : i32
      %dma_wait3A_113 = tpu.memref_slice %arg32[%dma_wait3A_111, %dma_wait3A_112] : memref<80x144xf32, #tpu.memory_space<vmem>> -> memref<25x144xf32, #tpu.memory_space<vmem>>
      tpu.wait_dma2 semaphore(%run_scoped3A : memref<!tpu.dma_semaphore, #tpu.memory_space<semaphore_mem>>) src(%dma_wait3A_113 : memref<25x144xf32, #tpu.memory_space<vmem>>) dst(%dma_wait3A_110 : memref<25x144xf32, #tpu.memory_space<vmem_shared>>)
      tpu.yield
    }) : () -> ()
    %add3A_21 = arith.constant 175 : i32
    %add3A_22 = arith.addi %mul3A_6, %add3A_21 : i32
    "tpu.region"() ({
      %run_scoped3A = tpu.sem_alloc : memref<!tpu.dma_semaphore, #tpu.memory_space<semaphore_mem>>
      %dma_start3A_94 = arith.constant 0 : i32
      %dma_start3A_95 = arith.constant 0 : i32
      %dma_start3A_96 = tpu.memref_slice %arg32[%dma_start3A_94, %dma_start3A_95] : memref<80x144xf32, #tpu.memory_space<vmem>> -> memref<25x144xf32, #tpu.memory_space<vmem>>
      %dma_start3A_97 = arith.constant 0 : i32
      %dma_start3A_98 = tpu.memref_slice %arg36[%add3A_22, %dma_start3A_97] : memref<10000x144xf32, #tpu.memory_space<vmem_shared>> -> memref<25x144xf32, #tpu.memory_space<vmem_shared>>
      %dma_start3A_99 = arith.constant 0 : i32
      %dma_start3A_100 = tpu.memref_slice %arg36[%add3A_22, %dma_start3A_99] : memref<10000x144xf32, #tpu.memory_space<vmem_shared>> -> memref<25x144xf32, #tpu.memory_space<vmem_shared>>
      %dma_start3A_101 = arith.constant 0 : i32
      %dma_start3A_102 = arith.constant 0 : i32
      %dma_start3A_103 = tpu.memref_slice %arg32[%dma_start3A_101, %dma_start3A_102] : memref<80x144xf32, #tpu.memory_space<vmem>> -> memref<25x144xf32, #tpu.memory_space<vmem>>
      tpu.enqueue_dma source(%dma_start3A_103 : memref<25x144xf32, #tpu.memory_space<vmem>>) target(%dma_start3A_100 : memref<25x144xf32, #tpu.memory_space<vmem_shared>>) target_semaphore(%run_scoped3A : memref<!tpu.dma_semaphore, #tpu.memory_space<semaphore_mem>>)
      %dma_wait3A_104 = arith.constant 0 : i32
      %dma_wait3A_105 = arith.constant 0 : i32
      %dma_wait3A_106 = tpu.memref_slice %arg32[%dma_wait3A_104, %dma_wait3A_105] : memref<80x144xf32, #tpu.memory_space<vmem>> -> memref<25x144xf32, #tpu.memory_space<vmem>>
      %dma_wait3A_107 = arith.constant 0 : i32
      %dma_wait3A_108 = tpu.memref_slice %arg36[%add3A_22, %dma_wait3A_107] : memref<10000x144xf32, #tpu.memory_space<vmem_shared>> -> memref<25x144xf32, #tpu.memory_space<vmem_shared>>
      %dma_wait3A_109 = arith.constant 0 : i32
      %dma_wait3A_110 = tpu.memref_slice %arg36[%add3A_22, %dma_wait3A_109] : memref<10000x144xf32, #tpu.memory_space<vmem_shared>> -> memref<25x144xf32, #tpu.memory_space<vmem_shared>>
      %dma_wait3A_111 = arith.constant 0 : i32
      %dma_wait3A_112 = arith.constant 0 : i32
      %dma_wait3A_113 = tpu.memref_slice %arg32[%dma_wait3A_111, %dma_wait3A_112] : memref<80x144xf32, #tpu.memory_space<vmem>> -> memref<25x144xf32, #tpu.memory_space<vmem>>
      tpu.wait_dma2 semaphore(%run_scoped3A : memref<!tpu.dma_semaphore, #tpu.memory_space<semaphore_mem>>) src(%dma_wait3A_113 : memref<25x144xf32, #tpu.memory_space<vmem>>) dst(%dma_wait3A_110 : memref<25x144xf32, #tpu.memory_space<vmem_shared>>)
      tpu.yield
    }) : () -> ()
    %add3A_23 = arith.constant 200 : i32
    %add3A_24 = arith.addi %mul3A_6, %add3A_23 : i32
    "tpu.region"() ({
      %run_scoped3A = tpu.sem_alloc : memref<!tpu.dma_semaphore, #tpu.memory_space<semaphore_mem>>
      %dma_start3A_94 = arith.constant 0 : i32
      %dma_start3A_95 = arith.constant 0 : i32
      %dma_start3A_96 = tpu.memref_slice %arg32[%dma_start3A_94, %dma_start3A_95] : memref<80x144xf32, #tpu.memory_space<vmem>> -> memref<25x144xf32, #tpu.memory_space<vmem>>
      %dma_start3A_97 = arith.constant 0 : i32
      %dma_start3A_98 = tpu.memref_slice %arg36[%add3A_24, %dma_start3A_97] : memref<10000x144xf32, #tpu.memory_space<vmem_shared>> -> memref<25x144xf32, #tpu.memory_space<vmem_shared>>
      %dma_start3A_99 = arith.constant 0 : i32
      %dma_start3A_100 = tpu.memref_slice %arg36[%add3A_24, %dma_start3A_99] : memref<10000x144xf32, #tpu.memory_space<vmem_shared>> -> memref<25x144xf32, #tpu.memory_space<vmem_shared>>
      %dma_start3A_101 = arith.constant 0 : i32
      %dma_start3A_102 = arith.constant 0 : i32
      %dma_start3A_103 = tpu.memref_slice %arg32[%dma_start3A_101, %dma_start3A_102] : memref<80x144xf32, #tpu.memory_space<vmem>> -> memref<25x144xf32, #tpu.memory_space<vmem>>
      tpu.enqueue_dma source(%dma_start3A_103 : memref<25x144xf32, #tpu.memory_space<vmem>>) target(%dma_start3A_100 : memref<25x144xf32, #tpu.memory_space<vmem_shared>>) target_semaphore(%run_scoped3A : memref<!tpu.dma_semaphore, #tpu.memory_space<semaphore_mem>>)
      %dma_wait3A_104 = arith.constant 0 : i32
      %dma_wait3A_105 = arith.constant 0 : i32
      %dma_wait3A_106 = tpu.memref_slice %arg32[%dma_wait3A_104, %dma_wait3A_105] : memref<80x144xf32, #tpu.memory_space<vmem>> -> memref<25x144xf32, #tpu.memory_space<vmem>>
      %dma_wait3A_107 = arith.constant 0 : i32
      %dma_wait3A_108 = tpu.memref_slice %arg36[%add3A_24, %dma_wait3A_107] : memref<10000x144xf32, #tpu.memory_space<vmem_shared>> -> memref<25x144xf32, #tpu.memory_space<vmem_shared>>
      %dma_wait3A_109 = arith.constant 0 : i32
      %dma_wait3A_110 = tpu.memref_slice %arg36[%add3A_24, %dma_wait3A_109] : memref<10000x144xf32, #tpu.memory_space<vmem_shared>> -> memref<25x144xf32, #tpu.memory_space<vmem_shared>>
      %dma_wait3A_111 = arith.constant 0 : i32
      %dma_wait3A_112 = arith.constant 0 : i32
      %dma_wait3A_113 = tpu.memref_slice %arg32[%dma_wait3A_111, %dma_wait3A_112] : memref<80x144xf32, #tpu.memory_space<vmem>> -> memref<25x144xf32, #tpu.memory_space<vmem>>
      tpu.wait_dma2 semaphore(%run_scoped3A : memref<!tpu.dma_semaphore, #tpu.memory_space<semaphore_mem>>) src(%dma_wait3A_113 : memref<25x144xf32, #tpu.memory_space<vmem>>) dst(%dma_wait3A_110 : memref<25x144xf32, #tpu.memory_space<vmem_shared>>)
      tpu.yield
    }) : () -> ()
    %add3A_25 = arith.constant 225 : i32
    %add3A_26 = arith.addi %mul3A_6, %add3A_25 : i32
    "tpu.region"() ({
      %run_scoped3A = tpu.sem_alloc : memref<!tpu.dma_semaphore, #tpu.memory_space<semaphore_mem>>
      %dma_start3A_94 = arith.constant 0 : i32
      %dma_start3A_95 = arith.constant 0 : i32
      %dma_start3A_96 = tpu.memref_slice %arg32[%dma_start3A_94, %dma_start3A_95] : memref<80x144xf32, #tpu.memory_space<vmem>> -> memref<25x144xf32, #tpu.memory_space<vmem>>
      %dma_start3A_97 = arith.constant 0 : i32
      %dma_start3A_98 = tpu.memref_slice %arg36[%add3A_26, %dma_start3A_97] : memref<10000x144xf32, #tpu.memory_space<vmem_shared>> -> memref<25x144xf32, #tpu.memory_space<vmem_shared>>
      %dma_start3A_99 = arith.constant 0 : i32
      %dma_start3A_100 = tpu.memref_slice %arg36[%add3A_26, %dma_start3A_99] : memref<10000x144xf32, #tpu.memory_space<vmem_shared>> -> memref<25x144xf32, #tpu.memory_space<vmem_shared>>
      %dma_start3A_101 = arith.constant 0 : i32
      %dma_start3A_102 = arith.constant 0 : i32
      %dma_start3A_103 = tpu.memref_slice %arg32[%dma_start3A_101, %dma_start3A_102] : memref<80x144xf32, #tpu.memory_space<vmem>> -> memref<25x144xf32, #tpu.memory_space<vmem>>
      tpu.enqueue_dma source(%dma_start3A_103 : memref<25x144xf32, #tpu.memory_space<vmem>>) target(%dma_start3A_100 : memref<25x144xf32, #tpu.memory_space<vmem_shared>>) target_semaphore(%run_scoped3A : memref<!tpu.dma_semaphore, #tpu.memory_space<semaphore_mem>>)
      %dma_wait3A_104 = arith.constant 0 : i32
      %dma_wait3A_105 = arith.constant 0 : i32
      %dma_wait3A_106 = tpu.memref_slice %arg32[%dma_wait3A_104, %dma_wait3A_105] : memref<80x144xf32, #tpu.memory_space<vmem>> -> memref<25x144xf32, #tpu.memory_space<vmem>>
      %dma_wait3A_107 = arith.constant 0 : i32
      %dma_wait3A_108 = tpu.memref_slice %arg36[%add3A_26, %dma_wait3A_107] : memref<10000x144xf32, #tpu.memory_space<vmem_shared>> -> memref<25x144xf32, #tpu.memory_space<vmem_shared>>
      %dma_wait3A_109 = arith.constant 0 : i32
      %dma_wait3A_110 = tpu.memref_slice %arg36[%add3A_26, %dma_wait3A_109] : memref<10000x144xf32, #tpu.memory_space<vmem_shared>> -> memref<25x144xf32, #tpu.memory_space<vmem_shared>>
      %dma_wait3A_111 = arith.constant 0 : i32
      %dma_wait3A_112 = arith.constant 0 : i32
      %dma_wait3A_113 = tpu.memref_slice %arg32[%dma_wait3A_111, %dma_wait3A_112] : memref<80x144xf32, #tpu.memory_space<vmem>> -> memref<25x144xf32, #tpu.memory_space<vmem>>
      tpu.wait_dma2 semaphore(%run_scoped3A : memref<!tpu.dma_semaphore, #tpu.memory_space<semaphore_mem>>) src(%dma_wait3A_113 : memref<25x144xf32, #tpu.memory_space<vmem>>) dst(%dma_wait3A_110 : memref<25x144xf32, #tpu.memory_space<vmem_shared>>)
      tpu.yield
    }) : () -> ()
    %add3A_27 = arith.constant 250 : i32
    %add3A_28 = arith.addi %mul3A_6, %add3A_27 : i32
    "tpu.region"() ({
      %run_scoped3A = tpu.sem_alloc : memref<!tpu.dma_semaphore, #tpu.memory_space<semaphore_mem>>
      %dma_start3A_94 = arith.constant 0 : i32
      %dma_start3A_95 = arith.constant 0 : i32
      %dma_start3A_96 = tpu.memref_slice %arg32[%dma_start3A_94, %dma_start3A_95] : memref<80x144xf32, #tpu.memory_space<vmem>> -> memref<25x144xf32, #tpu.memory_space<vmem>>
      %dma_start3A_97 = arith.constant 0 : i32
      %dma_start3A_98 = tpu.memref_slice %arg36[%add3A_28, %dma_start3A_97] : memref<10000x144xf32, #tpu.memory_space<vmem_shared>> -> memref<25x144xf32, #tpu.memory_space<vmem_shared>>
      %dma_start3A_99 = arith.constant 0 : i32
      %dma_start3A_100 = tpu.memref_slice %arg36[%add3A_28, %dma_start3A_99] : memref<10000x144xf32, #tpu.memory_space<vmem_shared>> -> memref<25x144xf32, #tpu.memory_space<vmem_shared>>
      %dma_start3A_101 = arith.constant 0 : i32
      %dma_start3A_102 = arith.constant 0 : i32
      %dma_start3A_103 = tpu.memref_slice %arg32[%dma_start3A_101, %dma_start3A_102] : memref<80x144xf32, #tpu.memory_space<vmem>> -> memref<25x144xf32, #tpu.memory_space<vmem>>
      tpu.enqueue_dma source(%dma_start3A_103 : memref<25x144xf32, #tpu.memory_space<vmem>>) target(%dma_start3A_100 : memref<25x144xf32, #tpu.memory_space<vmem_shared>>) target_semaphore(%run_scoped3A : memref<!tpu.dma_semaphore, #tpu.memory_space<semaphore_mem>>)
      %dma_wait3A_104 = arith.constant 0 : i32
      %dma_wait3A_105 = arith.constant 0 : i32
      %dma_wait3A_106 = tpu.memref_slice %arg32[%dma_wait3A_104, %dma_wait3A_105] : memref<80x144xf32, #tpu.memory_space<vmem>> -> memref<25x144xf32, #tpu.memory_space<vmem>>
      %dma_wait3A_107 = arith.constant 0 : i32
      %dma_wait3A_108 = tpu.memref_slice %arg36[%add3A_28, %dma_wait3A_107] : memref<10000x144xf32, #tpu.memory_space<vmem_shared>> -> memref<25x144xf32, #tpu.memory_space<vmem_shared>>
      %dma_wait3A_109 = arith.constant 0 : i32
      %dma_wait3A_110 = tpu.memref_slice %arg36[%add3A_28, %dma_wait3A_109] : memref<10000x144xf32, #tpu.memory_space<vmem_shared>> -> memref<25x144xf32, #tpu.memory_space<vmem_shared>>
      %dma_wait3A_111 = arith.constant 0 : i32
      %dma_wait3A_112 = arith.constant 0 : i32
      %dma_wait3A_113 = tpu.memref_slice %arg32[%dma_wait3A_111, %dma_wait3A_112] : memref<80x144xf32, #tpu.memory_space<vmem>> -> memref<25x144xf32, #tpu.memory_space<vmem>>
      tpu.wait_dma2 semaphore(%run_scoped3A : memref<!tpu.dma_semaphore, #tpu.memory_space<semaphore_mem>>) src(%dma_wait3A_113 : memref<25x144xf32, #tpu.memory_space<vmem>>) dst(%dma_wait3A_110 : memref<25x144xf32, #tpu.memory_space<vmem_shared>>)
      tpu.yield
    }) : () -> ()
    %add3A_29 = arith.constant 275 : i32
    %add3A_30 = arith.addi %mul3A_6, %add3A_29 : i32
    "tpu.region"() ({
      %run_scoped3A = tpu.sem_alloc : memref<!tpu.dma_semaphore, #tpu.memory_space<semaphore_mem>>
      %dma_start3A_94 = arith.constant 0 : i32
      %dma_start3A_95 = arith.constant 0 : i32
      %dma_start3A_96 = tpu.memref_slice %arg32[%dma_start3A_94, %dma_start3A_95] : memref<80x144xf32, #tpu.memory_space<vmem>> -> memref<25x144xf32, #tpu.memory_space<vmem>>
      %dma_start3A_97 = arith.constant 0 : i32
      %dma_start3A_98 = tpu.memref_slice %arg36[%add3A_30, %dma_start3A_97] : memref<10000x144xf32, #tpu.memory_space<vmem_shared>> -> memref<25x144xf32, #tpu.memory_space<vmem_shared>>
      %dma_start3A_99 = arith.constant 0 : i32
      %dma_start3A_100 = tpu.memref_slice %arg36[%add3A_30, %dma_start3A_99] : memref<10000x144xf32, #tpu.memory_space<vmem_shared>> -> memref<25x144xf32, #tpu.memory_space<vmem_shared>>
      %dma_start3A_101 = arith.constant 0 : i32
      %dma_start3A_102 = arith.constant 0 : i32
      %dma_start3A_103 = tpu.memref_slice %arg32[%dma_start3A_101, %dma_start3A_102] : memref<80x144xf32, #tpu.memory_space<vmem>> -> memref<25x144xf32, #tpu.memory_space<vmem>>
      tpu.enqueue_dma source(%dma_start3A_103 : memref<25x144xf32, #tpu.memory_space<vmem>>) target(%dma_start3A_100 : memref<25x144xf32, #tpu.memory_space<vmem_shared>>) target_semaphore(%run_scoped3A : memref<!tpu.dma_semaphore, #tpu.memory_space<semaphore_mem>>)
      %dma_wait3A_104 = arith.constant 0 : i32
      %dma_wait3A_105 = arith.constant 0 : i32
      %dma_wait3A_106 = tpu.memref_slice %arg32[%dma_wait3A_104, %dma_wait3A_105] : memref<80x144xf32, #tpu.memory_space<vmem>> -> memref<25x144xf32, #tpu.memory_space<vmem>>
      %dma_wait3A_107 = arith.constant 0 : i32
      %dma_wait3A_108 = tpu.memref_slice %arg36[%add3A_30, %dma_wait3A_107] : memref<10000x144xf32, #tpu.memory_space<vmem_shared>> -> memref<25x144xf32, #tpu.memory_space<vmem_shared>>
      %dma_wait3A_109 = arith.constant 0 : i32
      %dma_wait3A_110 = tpu.memref_slice %arg36[%add3A_30, %dma_wait3A_109] : memref<10000x144xf32, #tpu.memory_space<vmem_shared>> -> memref<25x144xf32, #tpu.memory_space<vmem_shared>>
      %dma_wait3A_111 = arith.constant 0 : i32
      %dma_wait3A_112 = arith.constant 0 : i32
      %dma_wait3A_113 = tpu.memref_slice %arg32[%dma_wait3A_111, %dma_wait3A_112] : memref<80x144xf32, #tpu.memory_space<vmem>> -> memref<25x144xf32, #tpu.memory_space<vmem>>
      tpu.wait_dma2 semaphore(%run_scoped3A : memref<!tpu.dma_semaphore, #tpu.memory_space<semaphore_mem>>) src(%dma_wait3A_113 : memref<25x144xf32, #tpu.memory_space<vmem>>) dst(%dma_wait3A_110 : memref<25x144xf32, #tpu.memory_space<vmem_shared>>)
      tpu.yield
    }) : () -> ()
    %add3A_31 = arith.constant 300 : i32
    %add3A_32 = arith.addi %mul3A_6, %add3A_31 : i32
    "tpu.region"() ({
      %run_scoped3A = tpu.sem_alloc : memref<!tpu.dma_semaphore, #tpu.memory_space<semaphore_mem>>
      %dma_start3A_94 = arith.constant 0 : i32
      %dma_start3A_95 = arith.constant 0 : i32
      %dma_start3A_96 = tpu.memref_slice %arg32[%dma_start3A_94, %dma_start3A_95] : memref<80x144xf32, #tpu.memory_space<vmem>> -> memref<25x144xf32, #tpu.memory_space<vmem>>
      %dma_start3A_97 = arith.constant 0 : i32
      %dma_start3A_98 = tpu.memref_slice %arg36[%add3A_32, %dma_start3A_97] : memref<10000x144xf32, #tpu.memory_space<vmem_shared>> -> memref<25x144xf32, #tpu.memory_space<vmem_shared>>
      %dma_start3A_99 = arith.constant 0 : i32
      %dma_start3A_100 = tpu.memref_slice %arg36[%add3A_32, %dma_start3A_99] : memref<10000x144xf32, #tpu.memory_space<vmem_shared>> -> memref<25x144xf32, #tpu.memory_space<vmem_shared>>
      %dma_start3A_101 = arith.constant 0 : i32
      %dma_start3A_102 = arith.constant 0 : i32
      %dma_start3A_103 = tpu.memref_slice %arg32[%dma_start3A_101, %dma_start3A_102] : memref<80x144xf32, #tpu.memory_space<vmem>> -> memref<25x144xf32, #tpu.memory_space<vmem>>
      tpu.enqueue_dma source(%dma_start3A_103 : memref<25x144xf32, #tpu.memory_space<vmem>>) target(%dma_start3A_100 : memref<25x144xf32, #tpu.memory_space<vmem_shared>>) target_semaphore(%run_scoped3A : memref<!tpu.dma_semaphore, #tpu.memory_space<semaphore_mem>>)
      %dma_wait3A_104 = arith.constant 0 : i32
      %dma_wait3A_105 = arith.constant 0 : i32
      %dma_wait3A_106 = tpu.memref_slice %arg32[%dma_wait3A_104, %dma_wait3A_105] : memref<80x144xf32, #tpu.memory_space<vmem>> -> memref<25x144xf32, #tpu.memory_space<vmem>>
      %dma_wait3A_107 = arith.constant 0 : i32
      %dma_wait3A_108 = tpu.memref_slice %arg36[%add3A_32, %dma_wait3A_107] : memref<10000x144xf32, #tpu.memory_space<vmem_shared>> -> memref<25x144xf32, #tpu.memory_space<vmem_shared>>
      %dma_wait3A_109 = arith.constant 0 : i32
      %dma_wait3A_110 = tpu.memref_slice %arg36[%add3A_32, %dma_wait3A_109] : memref<10000x144xf32, #tpu.memory_space<vmem_shared>> -> memref<25x144xf32, #tpu.memory_space<vmem_shared>>
      %dma_wait3A_111 = arith.constant 0 : i32
      %dma_wait3A_112 = arith.constant 0 : i32
      %dma_wait3A_113 = tpu.memref_slice %arg32[%dma_wait3A_111, %dma_wait3A_112] : memref<80x144xf32, #tpu.memory_space<vmem>> -> memref<25x144xf32, #tpu.memory_space<vmem>>
      tpu.wait_dma2 semaphore(%run_scoped3A : memref<!tpu.dma_semaphore, #tpu.memory_space<semaphore_mem>>) src(%dma_wait3A_113 : memref<25x144xf32, #tpu.memory_space<vmem>>) dst(%dma_wait3A_110 : memref<25x144xf32, #tpu.memory_space<vmem_shared>>)
      tpu.yield
    }) : () -> ()
    %add3A_33 = arith.constant 325 : i32
    %add3A_34 = arith.addi %mul3A_6, %add3A_33 : i32
    "tpu.region"() ({
      %run_scoped3A = tpu.sem_alloc : memref<!tpu.dma_semaphore, #tpu.memory_space<semaphore_mem>>
      %dma_start3A_94 = arith.constant 0 : i32
      %dma_start3A_95 = arith.constant 0 : i32
      %dma_start3A_96 = tpu.memref_slice %arg32[%dma_start3A_94, %dma_start3A_95] : memref<80x144xf32, #tpu.memory_space<vmem>> -> memref<25x144xf32, #tpu.memory_space<vmem>>
      %dma_start3A_97 = arith.constant 0 : i32
      %dma_start3A_98 = tpu.memref_slice %arg36[%add3A_34, %dma_start3A_97] : memref<10000x144xf32, #tpu.memory_space<vmem_shared>> -> memref<25x144xf32, #tpu.memory_space<vmem_shared>>
      %dma_start3A_99 = arith.constant 0 : i32
      %dma_start3A_100 = tpu.memref_slice %arg36[%add3A_34, %dma_start3A_99] : memref<10000x144xf32, #tpu.memory_space<vmem_shared>> -> memref<25x144xf32, #tpu.memory_space<vmem_shared>>
      %dma_start3A_101 = arith.constant 0 : i32
      %dma_start3A_102 = arith.constant 0 : i32
      %dma_start3A_103 = tpu.memref_slice %arg32[%dma_start3A_101, %dma_start3A_102] : memref<80x144xf32, #tpu.memory_space<vmem>> -> memref<25x144xf32, #tpu.memory_space<vmem>>
      tpu.enqueue_dma source(%dma_start3A_103 : memref<25x144xf32, #tpu.memory_space<vmem>>) target(%dma_start3A_100 : memref<25x144xf32, #tpu.memory_space<vmem_shared>>) target_semaphore(%run_scoped3A : memref<!tpu.dma_semaphore, #tpu.memory_space<semaphore_mem>>)
      %dma_wait3A_104 = arith.constant 0 : i32
      %dma_wait3A_105 = arith.constant 0 : i32
      %dma_wait3A_106 = tpu.memref_slice %arg32[%dma_wait3A_104, %dma_wait3A_105] : memref<80x144xf32, #tpu.memory_space<vmem>> -> memref<25x144xf32, #tpu.memory_space<vmem>>
      %dma_wait3A_107 = arith.constant 0 : i32
      %dma_wait3A_108 = tpu.memref_slice %arg36[%add3A_34, %dma_wait3A_107] : memref<10000x144xf32, #tpu.memory_space<vmem_shared>> -> memref<25x144xf32, #tpu.memory_space<vmem_shared>>
      %dma_wait3A_109 = arith.constant 0 : i32
      %dma_wait3A_110 = tpu.memref_slice %arg36[%add3A_34, %dma_wait3A_109] : memref<10000x144xf32, #tpu.memory_space<vmem_shared>> -> memref<25x144xf32, #tpu.memory_space<vmem_shared>>
      %dma_wait3A_111 = arith.constant 0 : i32
      %dma_wait3A_112 = arith.constant 0 : i32
      %dma_wait3A_113 = tpu.memref_slice %arg32[%dma_wait3A_111, %dma_wait3A_112] : memref<80x144xf32, #tpu.memory_space<vmem>> -> memref<25x144xf32, #tpu.memory_space<vmem>>
      tpu.wait_dma2 semaphore(%run_scoped3A : memref<!tpu.dma_semaphore, #tpu.memory_space<semaphore_mem>>) src(%dma_wait3A_113 : memref<25x144xf32, #tpu.memory_space<vmem>>) dst(%dma_wait3A_110 : memref<25x144xf32, #tpu.memory_space<vmem_shared>>)
      tpu.yield
    }) : () -> ()
    %add3A_35 = arith.constant 350 : i32
    %add3A_36 = arith.addi %mul3A_6, %add3A_35 : i32
    "tpu.region"() ({
      %run_scoped3A = tpu.sem_alloc : memref<!tpu.dma_semaphore, #tpu.memory_space<semaphore_mem>>
      %dma_start3A_94 = arith.constant 0 : i32
      %dma_start3A_95 = arith.constant 0 : i32
      %dma_start3A_96 = tpu.memref_slice %arg32[%dma_start3A_94, %dma_start3A_95] : memref<80x144xf32, #tpu.memory_space<vmem>> -> memref<25x144xf32, #tpu.memory_space<vmem>>
      %dma_start3A_97 = arith.constant 0 : i32
      %dma_start3A_98 = tpu.memref_slice %arg36[%add3A_36, %dma_start3A_97] : memref<10000x144xf32, #tpu.memory_space<vmem_shared>> -> memref<25x144xf32, #tpu.memory_space<vmem_shared>>
      %dma_start3A_99 = arith.constant 0 : i32
      %dma_start3A_100 = tpu.memref_slice %arg36[%add3A_36, %dma_start3A_99] : memref<10000x144xf32, #tpu.memory_space<vmem_shared>> -> memref<25x144xf32, #tpu.memory_space<vmem_shared>>
      %dma_start3A_101 = arith.constant 0 : i32
      %dma_start3A_102 = arith.constant 0 : i32
      %dma_start3A_103 = tpu.memref_slice %arg32[%dma_start3A_101, %dma_start3A_102] : memref<80x144xf32, #tpu.memory_space<vmem>> -> memref<25x144xf32, #tpu.memory_space<vmem>>
      tpu.enqueue_dma source(%dma_start3A_103 : memref<25x144xf32, #tpu.memory_space<vmem>>) target(%dma_start3A_100 : memref<25x144xf32, #tpu.memory_space<vmem_shared>>) target_semaphore(%run_scoped3A : memref<!tpu.dma_semaphore, #tpu.memory_space<semaphore_mem>>)
      %dma_wait3A_104 = arith.constant 0 : i32
      %dma_wait3A_105 = arith.constant 0 : i32
      %dma_wait3A_106 = tpu.memref_slice %arg32[%dma_wait3A_104, %dma_wait3A_105] : memref<80x144xf32, #tpu.memory_space<vmem>> -> memref<25x144xf32, #tpu.memory_space<vmem>>
      %dma_wait3A_107 = arith.constant 0 : i32
      %dma_wait3A_108 = tpu.memref_slice %arg36[%add3A_36, %dma_wait3A_107] : memref<10000x144xf32, #tpu.memory_space<vmem_shared>> -> memref<25x144xf32, #tpu.memory_space<vmem_shared>>
      %dma_wait3A_109 = arith.constant 0 : i32
      %dma_wait3A_110 = tpu.memref_slice %arg36[%add3A_36, %dma_wait3A_109] : memref<10000x144xf32, #tpu.memory_space<vmem_shared>> -> memref<25x144xf32, #tpu.memory_space<vmem_shared>>
      %dma_wait3A_111 = arith.constant 0 : i32
      %dma_wait3A_112 = arith.constant 0 : i32
      %dma_wait3A_113 = tpu.memref_slice %arg32[%dma_wait3A_111, %dma_wait3A_112] : memref<80x144xf32, #tpu.memory_space<vmem>> -> memref<25x144xf32, #tpu.memory_space<vmem>>
      tpu.wait_dma2 semaphore(%run_scoped3A : memref<!tpu.dma_semaphore, #tpu.memory_space<semaphore_mem>>) src(%dma_wait3A_113 : memref<25x144xf32, #tpu.memory_space<vmem>>) dst(%dma_wait3A_110 : memref<25x144xf32, #tpu.memory_space<vmem_shared>>)
      tpu.yield
    }) : () -> ()
    %add3A_37 = arith.constant 375 : i32
    %add3A_38 = arith.addi %mul3A_6, %add3A_37 : i32
    "tpu.region"() ({
      %run_scoped3A = tpu.sem_alloc : memref<!tpu.dma_semaphore, #tpu.memory_space<semaphore_mem>>
      %dma_start3A_94 = arith.constant 0 : i32
      %dma_start3A_95 = arith.constant 0 : i32
      %dma_start3A_96 = tpu.memref_slice %arg32[%dma_start3A_94, %dma_start3A_95] : memref<80x144xf32, #tpu.memory_space<vmem>> -> memref<25x144xf32, #tpu.memory_space<vmem>>
      %dma_start3A_97 = arith.constant 0 : i32
      %dma_start3A_98 = tpu.memref_slice %arg36[%add3A_38, %dma_start3A_97] : memref<10000x144xf32, #tpu.memory_space<vmem_shared>> -> memref<25x144xf32, #tpu.memory_space<vmem_shared>>
      %dma_start3A_99 = arith.constant 0 : i32
      %dma_start3A_100 = tpu.memref_slice %arg36[%add3A_38, %dma_start3A_99] : memref<10000x144xf32, #tpu.memory_space<vmem_shared>> -> memref<25x144xf32, #tpu.memory_space<vmem_shared>>
      %dma_start3A_101 = arith.constant 0 : i32
      %dma_start3A_102 = arith.constant 0 : i32
      %dma_start3A_103 = tpu.memref_slice %arg32[%dma_start3A_101, %dma_start3A_102] : memref<80x144xf32, #tpu.memory_space<vmem>> -> memref<25x144xf32, #tpu.memory_space<vmem>>
      tpu.enqueue_dma source(%dma_start3A_103 : memref<25x144xf32, #tpu.memory_space<vmem>>) target(%dma_start3A_100 : memref<25x144xf32, #tpu.memory_space<vmem_shared>>) target_semaphore(%run_scoped3A : memref<!tpu.dma_semaphore, #tpu.memory_space<semaphore_mem>>)
      %dma_wait3A_104 = arith.constant 0 : i32
      %dma_wait3A_105 = arith.constant 0 : i32
      %dma_wait3A_106 = tpu.memref_slice %arg32[%dma_wait3A_104, %dma_wait3A_105] : memref<80x144xf32, #tpu.memory_space<vmem>> -> memref<25x144xf32, #tpu.memory_space<vmem>>
      %dma_wait3A_107 = arith.constant 0 : i32
      %dma_wait3A_108 = tpu.memref_slice %arg36[%add3A_38, %dma_wait3A_107] : memref<10000x144xf32, #tpu.memory_space<vmem_shared>> -> memref<25x144xf32, #tpu.memory_space<vmem_shared>>
      %dma_wait3A_109 = arith.constant 0 : i32
      %dma_wait3A_110 = tpu.memref_slice %arg36[%add3A_38, %dma_wait3A_109] : memref<10000x144xf32, #tpu.memory_space<vmem_shared>> -> memref<25x144xf32, #tpu.memory_space<vmem_shared>>
      %dma_wait3A_111 = arith.constant 0 : i32
      %dma_wait3A_112 = arith.constant 0 : i32
      %dma_wait3A_113 = tpu.memref_slice %arg32[%dma_wait3A_111, %dma_wait3A_112] : memref<80x144xf32, #tpu.memory_space<vmem>> -> memref<25x144xf32, #tpu.memory_space<vmem>>
      tpu.wait_dma2 semaphore(%run_scoped3A : memref<!tpu.dma_semaphore, #tpu.memory_space<semaphore_mem>>) src(%dma_wait3A_113 : memref<25x144xf32, #tpu.memory_space<vmem>>) dst(%dma_wait3A_110 : memref<25x144xf32, #tpu.memory_space<vmem_shared>>)
      tpu.yield
    }) : () -> ()
    %add3A_39 = arith.constant 400 : i32
    %add3A_40 = arith.addi %mul3A_6, %add3A_39 : i32
    "tpu.region"() ({
      %run_scoped3A = tpu.sem_alloc : memref<!tpu.dma_semaphore, #tpu.memory_space<semaphore_mem>>
      %dma_start3A_94 = arith.constant 0 : i32
      %dma_start3A_95 = arith.constant 0 : i32
      %dma_start3A_96 = tpu.memref_slice %arg32[%dma_start3A_94, %dma_start3A_95] : memref<80x144xf32, #tpu.memory_space<vmem>> -> memref<25x144xf32, #tpu.memory_space<vmem>>
      %dma_start3A_97 = arith.constant 0 : i32
      %dma_start3A_98 = tpu.memref_slice %arg36[%add3A_40, %dma_start3A_97] : memref<10000x144xf32, #tpu.memory_space<vmem_shared>> -> memref<25x144xf32, #tpu.memory_space<vmem_shared>>
      %dma_start3A_99 = arith.constant 0 : i32
      %dma_start3A_100 = tpu.memref_slice %arg36[%add3A_40, %dma_start3A_99] : memref<10000x144xf32, #tpu.memory_space<vmem_shared>> -> memref<25x144xf32, #tpu.memory_space<vmem_shared>>
      %dma_start3A_101 = arith.constant 0 : i32
      %dma_start3A_102 = arith.constant 0 : i32
      %dma_start3A_103 = tpu.memref_slice %arg32[%dma_start3A_101, %dma_start3A_102] : memref<80x144xf32, #tpu.memory_space<vmem>> -> memref<25x144xf32, #tpu.memory_space<vmem>>
      tpu.enqueue_dma source(%dma_start3A_103 : memref<25x144xf32, #tpu.memory_space<vmem>>) target(%dma_start3A_100 : memref<25x144xf32, #tpu.memory_space<vmem_shared>>) target_semaphore(%run_scoped3A : memref<!tpu.dma_semaphore, #tpu.memory_space<semaphore_mem>>)
      %dma_wait3A_104 = arith.constant 0 : i32
      %dma_wait3A_105 = arith.constant 0 : i32
      %dma_wait3A_106 = tpu.memref_slice %arg32[%dma_wait3A_104, %dma_wait3A_105] : memref<80x144xf32, #tpu.memory_space<vmem>> -> memref<25x144xf32, #tpu.memory_space<vmem>>
      %dma_wait3A_107 = arith.constant 0 : i32
      %dma_wait3A_108 = tpu.memref_slice %arg36[%add3A_40, %dma_wait3A_107] : memref<10000x144xf32, #tpu.memory_space<vmem_shared>> -> memref<25x144xf32, #tpu.memory_space<vmem_shared>>
      %dma_wait3A_109 = arith.constant 0 : i32
      %dma_wait3A_110 = tpu.memref_slice %arg36[%add3A_40, %dma_wait3A_109] : memref<10000x144xf32, #tpu.memory_space<vmem_shared>> -> memref<25x144xf32, #tpu.memory_space<vmem_shared>>
      %dma_wait3A_111 = arith.constant 0 : i32
      %dma_wait3A_112 = arith.constant 0 : i32
      %dma_wait3A_113 = tpu.memref_slice %arg32[%dma_wait3A_111, %dma_wait3A_112] : memref<80x144xf32, #tpu.memory_space<vmem>> -> memref<25x144xf32, #tpu.memory_space<vmem>>
      tpu.wait_dma2 semaphore(%run_scoped3A : memref<!tpu.dma_semaphore, #tpu.memory_space<semaphore_mem>>) src(%dma_wait3A_113 : memref<25x144xf32, #tpu.memory_space<vmem>>) dst(%dma_wait3A_110 : memref<25x144xf32, #tpu.memory_space<vmem_shared>>)
      tpu.yield
    }) : () -> ()
    %add3A_41 = arith.constant 425 : i32
    %add3A_42 = arith.addi %mul3A_6, %add3A_41 : i32
    "tpu.region"() ({
      %run_scoped3A = tpu.sem_alloc : memref<!tpu.dma_semaphore, #tpu.memory_space<semaphore_mem>>
      %dma_start3A_94 = arith.constant 0 : i32
      %dma_start3A_95 = arith.constant 0 : i32
      %dma_start3A_96 = tpu.memref_slice %arg32[%dma_start3A_94, %dma_start3A_95] : memref<80x144xf32, #tpu.memory_space<vmem>> -> memref<25x144xf32, #tpu.memory_space<vmem>>
      %dma_start3A_97 = arith.constant 0 : i32
      %dma_start3A_98 = tpu.memref_slice %arg36[%add3A_42, %dma_start3A_97] : memref<10000x144xf32, #tpu.memory_space<vmem_shared>> -> memref<25x144xf32, #tpu.memory_space<vmem_shared>>
      %dma_start3A_99 = arith.constant 0 : i32
      %dma_start3A_100 = tpu.memref_slice %arg36[%add3A_42, %dma_start3A_99] : memref<10000x144xf32, #tpu.memory_space<vmem_shared>> -> memref<25x144xf32, #tpu.memory_space<vmem_shared>>
      %dma_start3A_101 = arith.constant 0 : i32
      %dma_start3A_102 = arith.constant 0 : i32
      %dma_start3A_103 = tpu.memref_slice %arg32[%dma_start3A_101, %dma_start3A_102] : memref<80x144xf32, #tpu.memory_space<vmem>> -> memref<25x144xf32, #tpu.memory_space<vmem>>
      tpu.enqueue_dma source(%dma_start3A_103 : memref<25x144xf32, #tpu.memory_space<vmem>>) target(%dma_start3A_100 : memref<25x144xf32, #tpu.memory_space<vmem_shared>>) target_semaphore(%run_scoped3A : memref<!tpu.dma_semaphore, #tpu.memory_space<semaphore_mem>>)
      %dma_wait3A_104 = arith.constant 0 : i32
      %dma_wait3A_105 = arith.constant 0 : i32
      %dma_wait3A_106 = tpu.memref_slice %arg32[%dma_wait3A_104, %dma_wait3A_105] : memref<80x144xf32, #tpu.memory_space<vmem>> -> memref<25x144xf32, #tpu.memory_space<vmem>>
      %dma_wait3A_107 = arith.constant 0 : i32
      %dma_wait3A_108 = tpu.memref_slice %arg36[%add3A_42, %dma_wait3A_107] : memref<10000x144xf32, #tpu.memory_space<vmem_shared>> -> memref<25x144xf32, #tpu.memory_space<vmem_shared>>
      %dma_wait3A_109 = arith.constant 0 : i32
      %dma_wait3A_110 = tpu.memref_slice %arg36[%add3A_42, %dma_wait3A_109] : memref<10000x144xf32, #tpu.memory_space<vmem_shared>> -> memref<25x144xf32, #tpu.memory_space<vmem_shared>>
      %dma_wait3A_111 = arith.constant 0 : i32
      %dma_wait3A_112 = arith.constant 0 : i32
      %dma_wait3A_113 = tpu.memref_slice %arg32[%dma_wait3A_111, %dma_wait3A_112] : memref<80x144xf32, #tpu.memory_space<vmem>> -> memref<25x144xf32, #tpu.memory_space<vmem>>
      tpu.wait_dma2 semaphore(%run_scoped3A : memref<!tpu.dma_semaphore, #tpu.memory_space<semaphore_mem>>) src(%dma_wait3A_113 : memref<25x144xf32, #tpu.memory_space<vmem>>) dst(%dma_wait3A_110 : memref<25x144xf32, #tpu.memory_space<vmem_shared>>)
      tpu.yield
    }) : () -> ()
    %add3A_43 = arith.constant 450 : i32
    %add3A_44 = arith.addi %mul3A_6, %add3A_43 : i32
    "tpu.region"() ({
      %run_scoped3A = tpu.sem_alloc : memref<!tpu.dma_semaphore, #tpu.memory_space<semaphore_mem>>
      %dma_start3A_94 = arith.constant 0 : i32
      %dma_start3A_95 = arith.constant 0 : i32
      %dma_start3A_96 = tpu.memref_slice %arg32[%dma_start3A_94, %dma_start3A_95] : memref<80x144xf32, #tpu.memory_space<vmem>> -> memref<25x144xf32, #tpu.memory_space<vmem>>
      %dma_start3A_97 = arith.constant 0 : i32
      %dma_start3A_98 = tpu.memref_slice %arg36[%add3A_44, %dma_start3A_97] : memref<10000x144xf32, #tpu.memory_space<vmem_shared>> -> memref<25x144xf32, #tpu.memory_space<vmem_shared>>
      %dma_start3A_99 = arith.constant 0 : i32
      %dma_start3A_100 = tpu.memref_slice %arg36[%add3A_44, %dma_start3A_99] : memref<10000x144xf32, #tpu.memory_space<vmem_shared>> -> memref<25x144xf32, #tpu.memory_space<vmem_shared>>
      %dma_start3A_101 = arith.constant 0 : i32
      %dma_start3A_102 = arith.constant 0 : i32
      %dma_start3A_103 = tpu.memref_slice %arg32[%dma_start3A_101, %dma_start3A_102] : memref<80x144xf32, #tpu.memory_space<vmem>> -> memref<25x144xf32, #tpu.memory_space<vmem>>
      tpu.enqueue_dma source(%dma_start3A_103 : memref<25x144xf32, #tpu.memory_space<vmem>>) target(%dma_start3A_100 : memref<25x144xf32, #tpu.memory_space<vmem_shared>>) target_semaphore(%run_scoped3A : memref<!tpu.dma_semaphore, #tpu.memory_space<semaphore_mem>>)
      %dma_wait3A_104 = arith.constant 0 : i32
      %dma_wait3A_105 = arith.constant 0 : i32
      %dma_wait3A_106 = tpu.memref_slice %arg32[%dma_wait3A_104, %dma_wait3A_105] : memref<80x144xf32, #tpu.memory_space<vmem>> -> memref<25x144xf32, #tpu.memory_space<vmem>>
      %dma_wait3A_107 = arith.constant 0 : i32
      %dma_wait3A_108 = tpu.memref_slice %arg36[%add3A_44, %dma_wait3A_107] : memref<10000x144xf32, #tpu.memory_space<vmem_shared>> -> memref<25x144xf32, #tpu.memory_space<vmem_shared>>
      %dma_wait3A_109 = arith.constant 0 : i32
      %dma_wait3A_110 = tpu.memref_slice %arg36[%add3A_44, %dma_wait3A_109] : memref<10000x144xf32, #tpu.memory_space<vmem_shared>> -> memref<25x144xf32, #tpu.memory_space<vmem_shared>>
      %dma_wait3A_111 = arith.constant 0 : i32
      %dma_wait3A_112 = arith.constant 0 : i32
      %dma_wait3A_113 = tpu.memref_slice %arg32[%dma_wait3A_111, %dma_wait3A_112] : memref<80x144xf32, #tpu.memory_space<vmem>> -> memref<25x144xf32, #tpu.memory_space<vmem>>
      tpu.wait_dma2 semaphore(%run_scoped3A : memref<!tpu.dma_semaphore, #tpu.memory_space<semaphore_mem>>) src(%dma_wait3A_113 : memref<25x144xf32, #tpu.memory_space<vmem>>) dst(%dma_wait3A_110 : memref<25x144xf32, #tpu.memory_space<vmem_shared>>)
      tpu.yield
    }) : () -> ()
    %add3A_45 = arith.constant 475 : i32
    %add3A_46 = arith.addi %mul3A_6, %add3A_45 : i32
    "tpu.region"() ({
      %run_scoped3A = tpu.sem_alloc : memref<!tpu.dma_semaphore, #tpu.memory_space<semaphore_mem>>
      %dma_start3A_94 = arith.constant 0 : i32
      %dma_start3A_95 = arith.constant 0 : i32
      %dma_start3A_96 = tpu.memref_slice %arg32[%dma_start3A_94, %dma_start3A_95] : memref<80x144xf32, #tpu.memory_space<vmem>> -> memref<25x144xf32, #tpu.memory_space<vmem>>
      %dma_start3A_97 = arith.constant 0 : i32
      %dma_start3A_98 = tpu.memref_slice %arg36[%add3A_46, %dma_start3A_97] : memref<10000x144xf32, #tpu.memory_space<vmem_shared>> -> memref<25x144xf32, #tpu.memory_space<vmem_shared>>
      %dma_start3A_99 = arith.constant 0 : i32
      %dma_start3A_100 = tpu.memref_slice %arg36[%add3A_46, %dma_start3A_99] : memref<10000x144xf32, #tpu.memory_space<vmem_shared>> -> memref<25x144xf32, #tpu.memory_space<vmem_shared>>
      %dma_start3A_101 = arith.constant 0 : i32
      %dma_start3A_102 = arith.constant 0 : i32
      %dma_start3A_103 = tpu.memref_slice %arg32[%dma_start3A_101, %dma_start3A_102] : memref<80x144xf32, #tpu.memory_space<vmem>> -> memref<25x144xf32, #tpu.memory_space<vmem>>
      tpu.enqueue_dma source(%dma_start3A_103 : memref<25x144xf32, #tpu.memory_space<vmem>>) target(%dma_start3A_100 : memref<25x144xf32, #tpu.memory_space<vmem_shared>>) target_semaphore(%run_scoped3A : memref<!tpu.dma_semaphore, #tpu.memory_space<semaphore_mem>>)
      %dma_wait3A_104 = arith.constant 0 : i32
      %dma_wait3A_105 = arith.constant 0 : i32
      %dma_wait3A_106 = tpu.memref_slice %arg32[%dma_wait3A_104, %dma_wait3A_105] : memref<80x144xf32, #tpu.memory_space<vmem>> -> memref<25x144xf32, #tpu.memory_space<vmem>>
      %dma_wait3A_107 = arith.constant 0 : i32
      %dma_wait3A_108 = tpu.memref_slice %arg36[%add3A_46, %dma_wait3A_107] : memref<10000x144xf32, #tpu.memory_space<vmem_shared>> -> memref<25x144xf32, #tpu.memory_space<vmem_shared>>
      %dma_wait3A_109 = arith.constant 0 : i32
      %dma_wait3A_110 = tpu.memref_slice %arg36[%add3A_46, %dma_wait3A_109] : memref<10000x144xf32, #tpu.memory_space<vmem_shared>> -> memref<25x144xf32, #tpu.memory_space<vmem_shared>>
      %dma_wait3A_111 = arith.constant 0 : i32
      %dma_wait3A_112 = arith.constant 0 : i32
      %dma_wait3A_113 = tpu.memref_slice %arg32[%dma_wait3A_111, %dma_wait3A_112] : memref<80x144xf32, #tpu.memory_space<vmem>> -> memref<25x144xf32, #tpu.memory_space<vmem>>
      tpu.wait_dma2 semaphore(%run_scoped3A : memref<!tpu.dma_semaphore, #tpu.memory_space<semaphore_mem>>) src(%dma_wait3A_113 : memref<25x144xf32, #tpu.memory_space<vmem>>) dst(%dma_wait3A_110 : memref<25x144xf32, #tpu.memory_space<vmem_shared>>)
      tpu.yield
    }) : () -> ()
    %add3A_47 = arith.constant 500 : i32
    %add3A_48 = arith.addi %mul3A_6, %add3A_47 : i32
    "tpu.region"() ({
      %run_scoped3A = tpu.sem_alloc : memref<!tpu.dma_semaphore, #tpu.memory_space<semaphore_mem>>
      %dma_start3A_94 = arith.constant 0 : i32
      %dma_start3A_95 = arith.constant 0 : i32
      %dma_start3A_96 = tpu.memref_slice %arg32[%dma_start3A_94, %dma_start3A_95] : memref<80x144xf32, #tpu.memory_space<vmem>> -> memref<25x144xf32, #tpu.memory_space<vmem>>
      %dma_start3A_97 = arith.constant 0 : i32
      %dma_start3A_98 = tpu.memref_slice %arg36[%add3A_48, %dma_start3A_97] : memref<10000x144xf32, #tpu.memory_space<vmem_shared>> -> memref<25x144xf32, #tpu.memory_space<vmem_shared>>
      %dma_start3A_99 = arith.constant 0 : i32
      %dma_start3A_100 = tpu.memref_slice %arg36[%add3A_48, %dma_start3A_99] : memref<10000x144xf32, #tpu.memory_space<vmem_shared>> -> memref<25x144xf32, #tpu.memory_space<vmem_shared>>
      %dma_start3A_101 = arith.constant 0 : i32
      %dma_start3A_102 = arith.constant 0 : i32
      %dma_start3A_103 = tpu.memref_slice %arg32[%dma_start3A_101, %dma_start3A_102] : memref<80x144xf32, #tpu.memory_space<vmem>> -> memref<25x144xf32, #tpu.memory_space<vmem>>
      tpu.enqueue_dma source(%dma_start3A_103 : memref<25x144xf32, #tpu.memory_space<vmem>>) target(%dma_start3A_100 : memref<25x144xf32, #tpu.memory_space<vmem_shared>>) target_semaphore(%run_scoped3A : memref<!tpu.dma_semaphore, #tpu.memory_space<semaphore_mem>>)
      %dma_wait3A_104 = arith.constant 0 : i32
      %dma_wait3A_105 = arith.constant 0 : i32
      %dma_wait3A_106 = tpu.memref_slice %arg32[%dma_wait3A_104, %dma_wait3A_105] : memref<80x144xf32, #tpu.memory_space<vmem>> -> memref<25x144xf32, #tpu.memory_space<vmem>>
      %dma_wait3A_107 = arith.constant 0 : i32
      %dma_wait3A_108 = tpu.memref_slice %arg36[%add3A_48, %dma_wait3A_107] : memref<10000x144xf32, #tpu.memory_space<vmem_shared>> -> memref<25x144xf32, #tpu.memory_space<vmem_shared>>
      %dma_wait3A_109 = arith.constant 0 : i32
      %dma_wait3A_110 = tpu.memref_slice %arg36[%add3A_48, %dma_wait3A_109] : memref<10000x144xf32, #tpu.memory_space<vmem_shared>> -> memref<25x144xf32, #tpu.memory_space<vmem_shared>>
      %dma_wait3A_111 = arith.constant 0 : i32
      %dma_wait3A_112 = arith.constant 0 : i32
      %dma_wait3A_113 = tpu.memref_slice %arg32[%dma_wait3A_111, %dma_wait3A_112] : memref<80x144xf32, #tpu.memory_space<vmem>> -> memref<25x144xf32, #tpu.memory_space<vmem>>
      tpu.wait_dma2 semaphore(%run_scoped3A : memref<!tpu.dma_semaphore, #tpu.memory_space<semaphore_mem>>) src(%dma_wait3A_113 : memref<25x144xf32, #tpu.memory_space<vmem>>) dst(%dma_wait3A_110 : memref<25x144xf32, #tpu.memory_space<vmem_shared>>)
      tpu.yield
    }) : () -> ()
    %add3A_49 = arith.constant 525 : i32
    %add3A_50 = arith.addi %mul3A_6, %add3A_49 : i32
    "tpu.region"() ({
      %run_scoped3A = tpu.sem_alloc : memref<!tpu.dma_semaphore, #tpu.memory_space<semaphore_mem>>
      %dma_start3A_94 = arith.constant 0 : i32
      %dma_start3A_95 = arith.constant 0 : i32
      %dma_start3A_96 = tpu.memref_slice %arg32[%dma_start3A_94, %dma_start3A_95] : memref<80x144xf32, #tpu.memory_space<vmem>> -> memref<25x144xf32, #tpu.memory_space<vmem>>
      %dma_start3A_97 = arith.constant 0 : i32
      %dma_start3A_98 = tpu.memref_slice %arg36[%add3A_50, %dma_start3A_97] : memref<10000x144xf32, #tpu.memory_space<vmem_shared>> -> memref<25x144xf32, #tpu.memory_space<vmem_shared>>
      %dma_start3A_99 = arith.constant 0 : i32
      %dma_start3A_100 = tpu.memref_slice %arg36[%add3A_50, %dma_start3A_99] : memref<10000x144xf32, #tpu.memory_space<vmem_shared>> -> memref<25x144xf32, #tpu.memory_space<vmem_shared>>
      %dma_start3A_101 = arith.constant 0 : i32
      %dma_start3A_102 = arith.constant 0 : i32
      %dma_start3A_103 = tpu.memref_slice %arg32[%dma_start3A_101, %dma_start3A_102] : memref<80x144xf32, #tpu.memory_space<vmem>> -> memref<25x144xf32, #tpu.memory_space<vmem>>
      tpu.enqueue_dma source(%dma_start3A_103 : memref<25x144xf32, #tpu.memory_space<vmem>>) target(%dma_start3A_100 : memref<25x144xf32, #tpu.memory_space<vmem_shared>>) target_semaphore(%run_scoped3A : memref<!tpu.dma_semaphore, #tpu.memory_space<semaphore_mem>>)
      %dma_wait3A_104 = arith.constant 0 : i32
      %dma_wait3A_105 = arith.constant 0 : i32
      %dma_wait3A_106 = tpu.memref_slice %arg32[%dma_wait3A_104, %dma_wait3A_105] : memref<80x144xf32, #tpu.memory_space<vmem>> -> memref<25x144xf32, #tpu.memory_space<vmem>>
      %dma_wait3A_107 = arith.constant 0 : i32
      %dma_wait3A_108 = tpu.memref_slice %arg36[%add3A_50, %dma_wait3A_107] : memref<10000x144xf32, #tpu.memory_space<vmem_shared>> -> memref<25x144xf32, #tpu.memory_space<vmem_shared>>
      %dma_wait3A_109 = arith.constant 0 : i32
      %dma_wait3A_110 = tpu.memref_slice %arg36[%add3A_50, %dma_wait3A_109] : memref<10000x144xf32, #tpu.memory_space<vmem_shared>> -> memref<25x144xf32, #tpu.memory_space<vmem_shared>>
      %dma_wait3A_111 = arith.constant 0 : i32
      %dma_wait3A_112 = arith.constant 0 : i32
      %dma_wait3A_113 = tpu.memref_slice %arg32[%dma_wait3A_111, %dma_wait3A_112] : memref<80x144xf32, #tpu.memory_space<vmem>> -> memref<25x144xf32, #tpu.memory_space<vmem>>
      tpu.wait_dma2 semaphore(%run_scoped3A : memref<!tpu.dma_semaphore, #tpu.memory_space<semaphore_mem>>) src(%dma_wait3A_113 : memref<25x144xf32, #tpu.memory_space<vmem>>) dst(%dma_wait3A_110 : memref<25x144xf32, #tpu.memory_space<vmem_shared>>)
      tpu.yield
    }) : () -> ()
    %add3A_51 = arith.constant 550 : i32
    %add3A_52 = arith.addi %mul3A_6, %add3A_51 : i32
    "tpu.region"() ({
      %run_scoped3A = tpu.sem_alloc : memref<!tpu.dma_semaphore, #tpu.memory_space<semaphore_mem>>
      %dma_start3A_94 = arith.constant 0 : i32
      %dma_start3A_95 = arith.constant 0 : i32
      %dma_start3A_96 = tpu.memref_slice %arg32[%dma_start3A_94, %dma_start3A_95] : memref<80x144xf32, #tpu.memory_space<vmem>> -> memref<25x144xf32, #tpu.memory_space<vmem>>
      %dma_start3A_97 = arith.constant 0 : i32
      %dma_start3A_98 = tpu.memref_slice %arg36[%add3A_52, %dma_start3A_97] : memref<10000x144xf32, #tpu.memory_space<vmem_shared>> -> memref<25x144xf32, #tpu.memory_space<vmem_shared>>
      %dma_start3A_99 = arith.constant 0 : i32
      %dma_start3A_100 = tpu.memref_slice %arg36[%add3A_52, %dma_start3A_99] : memref<10000x144xf32, #tpu.memory_space<vmem_shared>> -> memref<25x144xf32, #tpu.memory_space<vmem_shared>>
      %dma_start3A_101 = arith.constant 0 : i32
      %dma_start3A_102 = arith.constant 0 : i32
      %dma_start3A_103 = tpu.memref_slice %arg32[%dma_start3A_101, %dma_start3A_102] : memref<80x144xf32, #tpu.memory_space<vmem>> -> memref<25x144xf32, #tpu.memory_space<vmem>>
      tpu.enqueue_dma source(%dma_start3A_103 : memref<25x144xf32, #tpu.memory_space<vmem>>) target(%dma_start3A_100 : memref<25x144xf32, #tpu.memory_space<vmem_shared>>) target_semaphore(%run_scoped3A : memref<!tpu.dma_semaphore, #tpu.memory_space<semaphore_mem>>)
      %dma_wait3A_104 = arith.constant 0 : i32
      %dma_wait3A_105 = arith.constant 0 : i32
      %dma_wait3A_106 = tpu.memref_slice %arg32[%dma_wait3A_104, %dma_wait3A_105] : memref<80x144xf32, #tpu.memory_space<vmem>> -> memref<25x144xf32, #tpu.memory_space<vmem>>
      %dma_wait3A_107 = arith.constant 0 : i32
      %dma_wait3A_108 = tpu.memref_slice %arg36[%add3A_52, %dma_wait3A_107] : memref<10000x144xf32, #tpu.memory_space<vmem_shared>> -> memref<25x144xf32, #tpu.memory_space<vmem_shared>>
      %dma_wait3A_109 = arith.constant 0 : i32
      %dma_wait3A_110 = tpu.memref_slice %arg36[%add3A_52, %dma_wait3A_109] : memref<10000x144xf32, #tpu.memory_space<vmem_shared>> -> memref<25x144xf32, #tpu.memory_space<vmem_shared>>
      %dma_wait3A_111 = arith.constant 0 : i32
      %dma_wait3A_112 = arith.constant 0 : i32
      %dma_wait3A_113 = tpu.memref_slice %arg32[%dma_wait3A_111, %dma_wait3A_112] : memref<80x144xf32, #tpu.memory_space<vmem>> -> memref<25x144xf32, #tpu.memory_space<vmem>>
      tpu.wait_dma2 semaphore(%run_scoped3A : memref<!tpu.dma_semaphore, #tpu.memory_space<semaphore_mem>>) src(%dma_wait3A_113 : memref<25x144xf32, #tpu.memory_space<vmem>>) dst(%dma_wait3A_110 : memref<25x144xf32, #tpu.memory_space<vmem_shared>>)
      tpu.yield
    }) : () -> ()
    %add3A_53 = arith.constant 575 : i32
    %add3A_54 = arith.addi %mul3A_6, %add3A_53 : i32
    "tpu.region"() ({
      %run_scoped3A = tpu.sem_alloc : memref<!tpu.dma_semaphore, #tpu.memory_space<semaphore_mem>>
      %dma_start3A_94 = arith.constant 0 : i32
      %dma_start3A_95 = arith.constant 0 : i32
      %dma_start3A_96 = tpu.memref_slice %arg32[%dma_start3A_94, %dma_start3A_95] : memref<80x144xf32, #tpu.memory_space<vmem>> -> memref<25x144xf32, #tpu.memory_space<vmem>>
      %dma_start3A_97 = arith.constant 0 : i32
      %dma_start3A_98 = tpu.memref_slice %arg36[%add3A_54, %dma_start3A_97] : memref<10000x144xf32, #tpu.memory_space<vmem_shared>> -> memref<25x144xf32, #tpu.memory_space<vmem_shared>>
      %dma_start3A_99 = arith.constant 0 : i32
      %dma_start3A_100 = tpu.memref_slice %arg36[%add3A_54, %dma_start3A_99] : memref<10000x144xf32, #tpu.memory_space<vmem_shared>> -> memref<25x144xf32, #tpu.memory_space<vmem_shared>>
      %dma_start3A_101 = arith.constant 0 : i32
      %dma_start3A_102 = arith.constant 0 : i32
      %dma_start3A_103 = tpu.memref_slice %arg32[%dma_start3A_101, %dma_start3A_102] : memref<80x144xf32, #tpu.memory_space<vmem>> -> memref<25x144xf32, #tpu.memory_space<vmem>>
      tpu.enqueue_dma source(%dma_start3A_103 : memref<25x144xf32, #tpu.memory_space<vmem>>) target(%dma_start3A_100 : memref<25x144xf32, #tpu.memory_space<vmem_shared>>) target_semaphore(%run_scoped3A : memref<!tpu.dma_semaphore, #tpu.memory_space<semaphore_mem>>)
      %dma_wait3A_104 = arith.constant 0 : i32
      %dma_wait3A_105 = arith.constant 0 : i32
      %dma_wait3A_106 = tpu.memref_slice %arg32[%dma_wait3A_104, %dma_wait3A_105] : memref<80x144xf32, #tpu.memory_space<vmem>> -> memref<25x144xf32, #tpu.memory_space<vmem>>
      %dma_wait3A_107 = arith.constant 0 : i32
      %dma_wait3A_108 = tpu.memref_slice %arg36[%add3A_54, %dma_wait3A_107] : memref<10000x144xf32, #tpu.memory_space<vmem_shared>> -> memref<25x144xf32, #tpu.memory_space<vmem_shared>>
      %dma_wait3A_109 = arith.constant 0 : i32
      %dma_wait3A_110 = tpu.memref_slice %arg36[%add3A_54, %dma_wait3A_109] : memref<10000x144xf32, #tpu.memory_space<vmem_shared>> -> memref<25x144xf32, #tpu.memory_space<vmem_shared>>
      %dma_wait3A_111 = arith.constant 0 : i32
      %dma_wait3A_112 = arith.constant 0 : i32
      %dma_wait3A_113 = tpu.memref_slice %arg32[%dma_wait3A_111, %dma_wait3A_112] : memref<80x144xf32, #tpu.memory_space<vmem>> -> memref<25x144xf32, #tpu.memory_space<vmem>>
      tpu.wait_dma2 semaphore(%run_scoped3A : memref<!tpu.dma_semaphore, #tpu.memory_space<semaphore_mem>>) src(%dma_wait3A_113 : memref<25x144xf32, #tpu.memory_space<vmem>>) dst(%dma_wait3A_110 : memref<25x144xf32, #tpu.memory_space<vmem_shared>>)
      tpu.yield
    }) : () -> ()
    %add3A_55 = arith.constant 600 : i32
    %add3A_56 = arith.addi %mul3A_6, %add3A_55 : i32
    "tpu.region"() ({
      %run_scoped3A = tpu.sem_alloc : memref<!tpu.dma_semaphore, #tpu.memory_space<semaphore_mem>>
      %dma_start3A_94 = arith.constant 0 : i32
      %dma_start3A_95 = arith.constant 0 : i32
      %dma_start3A_96 = tpu.memref_slice %arg32[%dma_start3A_94, %dma_start3A_95] : memref<80x144xf32, #tpu.memory_space<vmem>> -> memref<25x144xf32, #tpu.memory_space<vmem>>
      %dma_start3A_97 = arith.constant 0 : i32
      %dma_start3A_98 = tpu.memref_slice %arg36[%add3A_56, %dma_start3A_97] : memref<10000x144xf32, #tpu.memory_space<vmem_shared>> -> memref<25x144xf32, #tpu.memory_space<vmem_shared>>
      %dma_start3A_99 = arith.constant 0 : i32
      %dma_start3A_100 = tpu.memref_slice %arg36[%add3A_56, %dma_start3A_99] : memref<10000x144xf32, #tpu.memory_space<vmem_shared>> -> memref<25x144xf32, #tpu.memory_space<vmem_shared>>
      %dma_start3A_101 = arith.constant 0 : i32
      %dma_start3A_102 = arith.constant 0 : i32
      %dma_start3A_103 = tpu.memref_slice %arg32[%dma_start3A_101, %dma_start3A_102] : memref<80x144xf32, #tpu.memory_space<vmem>> -> memref<25x144xf32, #tpu.memory_space<vmem>>
      tpu.enqueue_dma source(%dma_start3A_103 : memref<25x144xf32, #tpu.memory_space<vmem>>) target(%dma_start3A_100 : memref<25x144xf32, #tpu.memory_space<vmem_shared>>) target_semaphore(%run_scoped3A : memref<!tpu.dma_semaphore, #tpu.memory_space<semaphore_mem>>)
      %dma_wait3A_104 = arith.constant 0 : i32
      %dma_wait3A_105 = arith.constant 0 : i32
      %dma_wait3A_106 = tpu.memref_slice %arg32[%dma_wait3A_104, %dma_wait3A_105] : memref<80x144xf32, #tpu.memory_space<vmem>> -> memref<25x144xf32, #tpu.memory_space<vmem>>
      %dma_wait3A_107 = arith.constant 0 : i32
      %dma_wait3A_108 = tpu.memref_slice %arg36[%add3A_56, %dma_wait3A_107] : memref<10000x144xf32, #tpu.memory_space<vmem_shared>> -> memref<25x144xf32, #tpu.memory_space<vmem_shared>>
      %dma_wait3A_109 = arith.constant 0 : i32
      %dma_wait3A_110 = tpu.memref_slice %arg36[%add3A_56, %dma_wait3A_109] : memref<10000x144xf32, #tpu.memory_space<vmem_shared>> -> memref<25x144xf32, #tpu.memory_space<vmem_shared>>
      %dma_wait3A_111 = arith.constant 0 : i32
      %dma_wait3A_112 = arith.constant 0 : i32
      %dma_wait3A_113 = tpu.memref_slice %arg32[%dma_wait3A_111, %dma_wait3A_112] : memref<80x144xf32, #tpu.memory_space<vmem>> -> memref<25x144xf32, #tpu.memory_space<vmem>>
      tpu.wait_dma2 semaphore(%run_scoped3A : memref<!tpu.dma_semaphore, #tpu.memory_space<semaphore_mem>>) src(%dma_wait3A_113 : memref<25x144xf32, #tpu.memory_space<vmem>>) dst(%dma_wait3A_110 : memref<25x144xf32, #tpu.memory_space<vmem_shared>>)
      tpu.yield
    }) : () -> ()
    %barrier3A = arith.constant 0 : index
    tpu.barrier barrier_id(%barrier3A)
    %mul3A_57 = arith.constant 128 : i32
    %mul3A_58 = arith.muli %add3A, %mul3A_57 : i32
    %mul3A_59 = arith.constant 80 : i32
    %mul3A_60 = arith.muli %mul3A_58, %mul3A_59 : i32
    %add3A_61 = arith.constant 0 : i32
    %add3A_62 = arith.addi %mul3A_60, %add3A_61 : i32
    %dma_start3A = tpu.memref_slice %arg3[%add3A_62] : memref<327680xi32, #tpu.memory_space<hbm>> -> memref<80xi32, #tpu.memory_space<hbm>>
    %dma_start3A_63 = tpu.memref_slice %arg3[%add3A_62] : memref<327680xi32, #tpu.memory_space<hbm>> -> memref<80xi32, #tpu.memory_space<hbm>>
    tpu.enqueue_dma source(%dma_start3A_63 : memref<80xi32, #tpu.memory_space<hbm>>) target(%arg10 : memref<80xi32, #tpu.memory_space<vmem>>) target_semaphore(%arg37 : memref<!tpu.dma_semaphore, #tpu.memory_space<semaphore_mem>>)
    %dma_start3A_64 = tpu.memref_slice %arg4[%add3A_62] : memref<327680xi32, #tpu.memory_space<hbm>> -> memref<80xi32, #tpu.memory_space<hbm>>
    %dma_start3A_65 = tpu.memref_slice %arg4[%add3A_62] : memref<327680xi32, #tpu.memory_space<hbm>> -> memref<80xi32, #tpu.memory_space<hbm>>
    tpu.enqueue_dma source(%dma_start3A_65 : memref<80xi32, #tpu.memory_space<hbm>>) target(%arg14 : memref<80xi32, #tpu.memory_space<vmem>>) target_semaphore(%arg37 : memref<!tpu.dma_semaphore, #tpu.memory_space<semaphore_mem>>)
    %add3A_66 = arith.constant 80 : i32
    %add3A_67 = arith.addi %mul3A_60, %add3A_66 : i32
    %dma_start3A_68 = tpu.memref_slice %arg3[%add3A_67] : memref<327680xi32, #tpu.memory_space<hbm>> -> memref<80xi32, #tpu.memory_space<hbm>>
    %dma_start3A_69 = tpu.memref_slice %arg3[%add3A_67] : memref<327680xi32, #tpu.memory_space<hbm>> -> memref<80xi32, #tpu.memory_space<hbm>>
    tpu.enqueue_dma source(%dma_start3A_69 : memref<80xi32, #tpu.memory_space<hbm>>) target(%arg11 : memref<80xi32, #tpu.memory_space<vmem>>) target_semaphore(%arg38 : memref<!tpu.dma_semaphore, #tpu.memory_space<semaphore_mem>>)
    %dma_start3A_70 = tpu.memref_slice %arg4[%add3A_67] : memref<327680xi32, #tpu.memory_space<hbm>> -> memref<80xi32, #tpu.memory_space<hbm>>
    %dma_start3A_71 = tpu.memref_slice %arg4[%add3A_67] : memref<327680xi32, #tpu.memory_space<hbm>> -> memref<80xi32, #tpu.memory_space<hbm>>
    tpu.enqueue_dma source(%dma_start3A_71 : memref<80xi32, #tpu.memory_space<hbm>>) target(%arg15 : memref<80xi32, #tpu.memory_space<vmem>>) target_semaphore(%arg38 : memref<!tpu.dma_semaphore, #tpu.memory_space<semaphore_mem>>)
    %dma_wait3A = arith.constant 0 : i32
    %dma_wait3A_72 = tpu.memref_slice %arg3[%dma_wait3A] : memref<327680xi32, #tpu.memory_space<hbm>> -> memref<80xi32, #tpu.memory_space<hbm>>
    %dma_wait3A_73 = arith.constant 0 : i32
    %dma_wait3A_74 = tpu.memref_slice %arg3[%dma_wait3A_73] : memref<327680xi32, #tpu.memory_space<hbm>> -> memref<80xi32, #tpu.memory_space<hbm>>
    tpu.wait_dma2 semaphore(%arg37 : memref<!tpu.dma_semaphore, #tpu.memory_space<semaphore_mem>>) src(%dma_wait3A_74 : memref<80xi32, #tpu.memory_space<hbm>>) dst(%arg10 : memref<80xi32, #tpu.memory_space<vmem>>)
    %dma_wait3A_75 = arith.constant 0 : i32
    %dma_wait3A_76 = tpu.memref_slice %arg4[%dma_wait3A_75] : memref<327680xi32, #tpu.memory_space<hbm>> -> memref<80xi32, #tpu.memory_space<hbm>>
    %dma_wait3A_77 = arith.constant 0 : i32
    %dma_wait3A_78 = tpu.memref_slice %arg4[%dma_wait3A_77] : memref<327680xi32, #tpu.memory_space<hbm>> -> memref<80xi32, #tpu.memory_space<hbm>>
    tpu.wait_dma2 semaphore(%arg37 : memref<!tpu.dma_semaphore, #tpu.memory_space<semaphore_mem>>) src(%dma_wait3A_78 : memref<80xi32, #tpu.memory_space<hbm>>) dst(%arg14 : memref<80xi32, #tpu.memory_space<vmem>>)
    %dma_start3A_79 = arith.constant 0 : i32
    %dma_start3A_80 = tpu.memref_slice %arg5[%dma_start3A_79] : memref<10000xf32, #tpu.memory_space<hbm>> -> memref<10000xf32, #tpu.memory_space<hbm>>
    tpu.enqueue_indirect_dma source(%dma_start3A_80 : memref<10000xf32, #tpu.memory_space<hbm>>) target(%arg18 : memref<80xf32, #tpu.memory_space<vmem>>) offsets(%arg10 : memref<80xi32, #tpu.memory_space<vmem>>) semaphore(%arg37 : memref<!tpu.dma_semaphore, #tpu.memory_space<semaphore_mem>>)
    %dma_start3A_81 = arith.constant 0 : i32
    %dma_start3A_82 = tpu.memref_slice %arg6[%dma_start3A_81] : memref<10000xf32, #tpu.memory_space<hbm>> -> memref<10000xf32, #tpu.memory_space<hbm>>
    tpu.enqueue_indirect_dma source(%dma_start3A_82 : memref<10000xf32, #tpu.memory_space<hbm>>) target(%arg22 : memref<80xf32, #tpu.memory_space<vmem>>) offsets(%arg14 : memref<80xi32, #tpu.memory_space<vmem>>) semaphore(%arg37 : memref<!tpu.dma_semaphore, #tpu.memory_space<semaphore_mem>>)
    %dma_start3A_83 = arith.constant 0 : i32
    %dma_start3A_84 = arith.constant 0 : i32
    %dma_start3A_85 = tpu.memref_slice %arg2[%dma_start3A_83, %dma_start3A_84] : memref<10000x64xi32, #tpu.memory_space<hbm>> -> memref<10000x64xi32, #tpu.memory_space<hbm>>
    tpu.enqueue_indirect_dma source(%dma_start3A_85 : memref<10000x64xi32, #tpu.memory_space<hbm>>) target(%arg30 : memref<80x64xi32, #tpu.memory_space<vmem>>) offsets(%arg14 : memref<80xi32, #tpu.memory_space<vmem>>) semaphore(%arg41 : memref<!tpu.dma_semaphore, #tpu.memory_space<semaphore_mem>>)
    %scan3A = arith.constant 0 : i32
    %scan3A_86 = arith.constant 32 : i32
    %scan3A_87 = arith.addi %scan3A, %scan3A_86 : i32
    %scan3A_88 = arith.constant 1 : i32
    scf.for %scan3A_94 = %scan3A to %scan3A_87 step %scan3A_88  : i32 {
      %mul3A_95 = arith.constant 1 : i32
      %mul3A_96 = arith.muli %scan3A_94, %mul3A_95 : i32
      %add3A_97 = arith.constant 0 : i32
      %add3A_98 = arith.addi %add3A_97, %mul3A_96 : i32
      %mul3A_99 = arith.constant 4 : i32
      %mul3A_100 = arith.muli %add3A_98, %mul3A_99 : i32
      %add3A_101 = arith.constant 0 : i32
      %add3A_102 = arith.addi %mul3A_100, %add3A_101 : i32
      %dma_wait3A_103 = arith.constant 0 : i32
      %dma_wait3A_104 = arith.constant 0 : i32
      %dma_wait3A_105 = tpu.memref_slice %arg2[%dma_wait3A_103, %dma_wait3A_104] : memref<10000x64xi32, #tpu.memory_space<hbm>> -> memref<10000x64xi32, #tpu.memory_space<hbm>>
      tpu.wait_indirect_dma semaphore(%arg41 : memref<!tpu.dma_semaphore, #tpu.memory_space<semaphore_mem>>) src(%dma_wait3A_105 : memref<10000x64xi32, #tpu.memory_space<hbm>>) dst(%arg30 : memref<80x64xi32, #tpu.memory_space<vmem>>)
      %lt3A = arith.constant 127 : i32
      %lt3A_106 = arith.cmpi slt, %add3A_102, %lt3A : i32
      %convert_element_type3A = arith.extui %lt3A_106 : i1 to i32
      %cond3A = arith.constant 0 : i32
      %cond3A_107 = arith.cmpi ne, %convert_element_type3A, %cond3A : i32
      scf.if %cond3A_107 {
        %dma_wait3A_763 = arith.constant 0 : i32
        %dma_wait3A_764 = tpu.memref_slice %arg3[%dma_wait3A_763] : memref<327680xi32, #tpu.memory_space<hbm>> -> memref<80xi32, #tpu.memory_space<hbm>>
        %dma_wait3A_765 = arith.constant 0 : i32
        %dma_wait3A_766 = tpu.memref_slice %arg3[%dma_wait3A_765] : memref<327680xi32, #tpu.memory_space<hbm>> -> memref<80xi32, #tpu.memory_space<hbm>>
        tpu.wait_dma2 semaphore(%arg38 : memref<!tpu.dma_semaphore, #tpu.memory_space<semaphore_mem>>) src(%dma_wait3A_766 : memref<80xi32, #tpu.memory_space<hbm>>) dst(%arg11 : memref<80xi32, #tpu.memory_space<vmem>>)
        %dma_wait3A_767 = arith.constant 0 : i32
        %dma_wait3A_768 = tpu.memref_slice %arg4[%dma_wait3A_767] : memref<327680xi32, #tpu.memory_space<hbm>> -> memref<80xi32, #tpu.memory_space<hbm>>
        %dma_wait3A_769 = arith.constant 0 : i32
        %dma_wait3A_770 = tpu.memref_slice %arg4[%dma_wait3A_769] : memref<327680xi32, #tpu.memory_space<hbm>> -> memref<80xi32, #tpu.memory_space<hbm>>
        tpu.wait_dma2 semaphore(%arg38 : memref<!tpu.dma_semaphore, #tpu.memory_space<semaphore_mem>>) src(%dma_wait3A_770 : memref<80xi32, #tpu.memory_space<hbm>>) dst(%arg15 : memref<80xi32, #tpu.memory_space<vmem>>)
        %dma_start3A_771 = arith.constant 0 : i32
        %dma_start3A_772 = tpu.memref_slice %arg5[%dma_start3A_771] : memref<10000xf32, #tpu.memory_space<hbm>> -> memref<10000xf32, #tpu.memory_space<hbm>>
        tpu.enqueue_indirect_dma source(%dma_start3A_772 : memref<10000xf32, #tpu.memory_space<hbm>>) target(%arg19 : memref<80xf32, #tpu.memory_space<vmem>>) offsets(%arg11 : memref<80xi32, #tpu.memory_space<vmem>>) semaphore(%arg38 : memref<!tpu.dma_semaphore, #tpu.memory_space<semaphore_mem>>)
        %dma_start3A_773 = arith.constant 0 : i32
        %dma_start3A_774 = tpu.memref_slice %arg6[%dma_start3A_773] : memref<10000xf32, #tpu.memory_space<hbm>> -> memref<10000xf32, #tpu.memory_space<hbm>>
        tpu.enqueue_indirect_dma source(%dma_start3A_774 : memref<10000xf32, #tpu.memory_space<hbm>>) target(%arg23 : memref<80xf32, #tpu.memory_space<vmem>>) offsets(%arg15 : memref<80xi32, #tpu.memory_space<vmem>>) semaphore(%arg38 : memref<!tpu.dma_semaphore, #tpu.memory_space<semaphore_mem>>)
      } else {
      }
      %gt3A = arith.constant 0 : i32
      %gt3A_108 = arith.cmpi sgt, %add3A_102, %gt3A : i32
      %convert_element_type3A_109 = arith.extui %gt3A_108 : i1 to i32
      %cond3A_110 = arith.constant 0 : i32
      %cond3A_111 = arith.cmpi ne, %convert_element_type3A_109, %cond3A_110 : i32
      scf.if %cond3A_111 {
        %dma_wait3A_763 = arith.constant 0 : i32
        %dma_wait3A_764 = arith.constant 0 : i32
        %dma_wait3A_765 = tpu.memref_slice %arg36[%dma_wait3A_763, %dma_wait3A_764] : memref<10000x144xf32, #tpu.memory_space<vmem_shared>> -> memref<10000x144xf32, #tpu.memory_space<vmem_shared>>
        tpu.wait_indirect_dma semaphore(%arg44 : memref<!tpu.dma_semaphore, #tpu.memory_space<semaphore_mem>>) src(%arg33 : memref<80x144xf32, #tpu.memory_space<vmem>>) dst(%dma_wait3A_765 : memref<10000x144xf32, #tpu.memory_space<vmem_shared>>)
      } else {
      }
      %lt3A_112 = arith.constant 127 : i32
      %lt3A_113 = arith.cmpi slt, %add3A_102, %lt3A_112 : i32
      %convert_element_type3A_114 = arith.extui %lt3A_113 : i1 to i32
      %cond3A_115 = arith.constant 0 : i32
      %cond3A_116 = arith.cmpi ne, %convert_element_type3A_114, %cond3A_115 : i32
      scf.if %cond3A_116 {
        %dma_start3A_763 = arith.constant 0 : i32
        %dma_start3A_764 = arith.constant 0 : i32
        %dma_start3A_765 = tpu.memref_slice %arg2[%dma_start3A_763, %dma_start3A_764] : memref<10000x64xi32, #tpu.memory_space<hbm>> -> memref<10000x64xi32, #tpu.memory_space<hbm>>
        tpu.enqueue_indirect_dma source(%dma_start3A_765 : memref<10000x64xi32, #tpu.memory_space<hbm>>) target(%arg31 : memref<80x64xi32, #tpu.memory_space<vmem>>) offsets(%arg15 : memref<80xi32, #tpu.memory_space<vmem>>) semaphore(%arg42 : memref<!tpu.dma_semaphore, #tpu.memory_space<semaphore_mem>>)
      } else {
      }
      %lt3A_117 = arith.constant 126 : i32
      %lt3A_118 = arith.cmpi slt, %add3A_102, %lt3A_117 : i32
      %convert_element_type3A_119 = arith.extui %lt3A_118 : i1 to i32
      %cond3A_120 = arith.constant 0 : i32
      %cond3A_121 = arith.cmpi ne, %convert_element_type3A_119, %cond3A_120 : i32
      scf.if %cond3A_121 {
        %add3A_763 = arith.constant 2 : i32
        %add3A_764 = arith.addi %add3A_102, %add3A_763 : i32
        %mul3A_765 = arith.constant 80 : i32
        %mul3A_766 = arith.muli %add3A_764, %mul3A_765 : i32
        %add3A_767 = arith.addi %mul3A_60, %mul3A_766 : i32
        %dma_start3A_768 = tpu.memref_slice %arg3[%add3A_767] : memref<327680xi32, #tpu.memory_space<hbm>> -> memref<80xi32, #tpu.memory_space<hbm>>
        %dma_start3A_769 = tpu.memref_slice %arg3[%add3A_767] : memref<327680xi32, #tpu.memory_space<hbm>> -> memref<80xi32, #tpu.memory_space<hbm>>
        tpu.enqueue_dma source(%dma_start3A_769 : memref<80xi32, #tpu.memory_space<hbm>>) target(%arg12 : memref<80xi32, #tpu.memory_space<vmem>>) target_semaphore(%arg39 : memref<!tpu.dma_semaphore, #tpu.memory_space<semaphore_mem>>)
        %dma_start3A_770 = tpu.memref_slice %arg4[%add3A_767] : memref<327680xi32, #tpu.memory_space<hbm>> -> memref<80xi32, #tpu.memory_space<hbm>>
        %dma_start3A_771 = tpu.memref_slice %arg4[%add3A_767] : memref<327680xi32, #tpu.memory_space<hbm>> -> memref<80xi32, #tpu.memory_space<hbm>>
        tpu.enqueue_dma source(%dma_start3A_771 : memref<80xi32, #tpu.memory_space<hbm>>) target(%arg16 : memref<80xi32, #tpu.memory_space<vmem>>) target_semaphore(%arg39 : memref<!tpu.dma_semaphore, #tpu.memory_space<semaphore_mem>>)
      } else {
      }
      %dma_wait3A_122 = arith.constant 0 : i32
      %dma_wait3A_123 = tpu.memref_slice %arg5[%dma_wait3A_122] : memref<10000xf32, #tpu.memory_space<hbm>> -> memref<10000xf32, #tpu.memory_space<hbm>>
      tpu.wait_indirect_dma semaphore(%arg37 : memref<!tpu.dma_semaphore, #tpu.memory_space<semaphore_mem>>) src(%dma_wait3A_123 : memref<10000xf32, #tpu.memory_space<hbm>>) dst(%arg18 : memref<80xf32, #tpu.memory_space<vmem>>)
      %dma_wait3A_124 = arith.constant 0 : i32
      %dma_wait3A_125 = tpu.memref_slice %arg6[%dma_wait3A_124] : memref<10000xf32, #tpu.memory_space<hbm>> -> memref<10000xf32, #tpu.memory_space<hbm>>
      tpu.wait_indirect_dma semaphore(%arg37 : memref<!tpu.dma_semaphore, #tpu.memory_space<semaphore_mem>>) src(%dma_wait3A_125 : memref<10000xf32, #tpu.memory_space<hbm>>) dst(%arg22 : memref<80xf32, #tpu.memory_space<vmem>>)
      %mul3A_126 = arith.constant 80 : i32
      %mul3A_127 = arith.muli %add3A_102, %mul3A_126 : i32
      %add3A_128 = arith.addi %mul3A_60, %mul3A_127 : i32
      %get3A_129 = arith.constant 0 : index
      %get3A_130 = tpu.vector_load %arg18[%get3A_129] {strides = array<i32>} : memref<80xf32, #tpu.memory_space<vmem>>, vector<16xf32>,
      %get3A_131 = arith.constant 0 : index
      %get3A_132 = tpu.vector_load %arg22[%get3A_131] {strides = array<i32>} : memref<80xf32, #tpu.memory_space<vmem>>, vector<16xf32>,
      %add3A_133 = arith.addf %get3A_130, %get3A_132 : vector<16xf32>
      %ge3A = arith.constant 0.000000e+00 : f32
      %ge3A_134 = vector.broadcast %ge3A : f32 to vector<16xf32>
      %ge3A_135 = arith.cmpf oge, %add3A_133, %ge3A_134 : vector<16xf32>
      %mul3A_136 = arith.constant 2.000000e-01 : f32
      %mul3A_137 = vector.broadcast %mul3A_136 : f32 to vector<16xf32>
      %mul3A_138 = arith.mulf %mul3A_137, %add3A_133 : vector<16xf32>
      %select_n3A = arith.select %ge3A_135, %add3A_133, %mul3A_138 : vector<16xi1>, vector<16xf32>
      %sub3A = arith.subf %select_n3A, %get3A_1 : vector<16xf32>
      %exp3A = math.exp %sub3A : vector<16xf32>
      %get3A_139 = arith.constant 0 : index
      %get3A_140 = tpu.vector_load %arg35[%get3A_139] {strides = array<i32>} : memref<80xi32, #tpu.memory_space<vmem>>, vector<16xi32>,
      %add3A_141 = vector.broadcast %add3A_128 : i32 to vector<16xi32>
      %add3A_142 = arith.addi %get3A_140, %add3A_141 : vector<16xi32>
      %lt3A_143 = arith.constant 320000 : i32
      %lt3A_144 = vector.broadcast %lt3A_143 : i32 to vector<16xi32>
      %lt3A_145 = arith.cmpi slt, %add3A_142, %lt3A_144 : vector<16xi32>
      %jit3A = arith.constant 0.000000e+00 : f32
      %broadcast_in_dim3A_146 = vector.broadcast %jit3A : f32 to vector<16xf32>
      %select_n3A_147 = arith.select %lt3A_145, %exp3A, %broadcast_in_dim3A_146 : vector<16xi1>, vector<16xf32>
      %swap3A = arith.constant 0 : index
      %swap3A_148 = tpu.vector_load %arg26[%swap3A] {strides = array<i32>} : memref<80xf32, #tpu.memory_space<vmem>>, vector<16xf32>,
      tpu.vector_store %arg26[%swap3A], %select_n3A_147 {strides = array<i32>} : memref<80xf32, #tpu.memory_space<vmem>>, vector<16xf32>,
      %get3A_149 = arith.constant 16 : index
      %get3A_150 = tpu.vector_load %arg18[%get3A_149] {strides = array<i32>} : memref<80xf32, #tpu.memory_space<vmem>>, vector<16xf32>,
      %get3A_151 = arith.constant 16 : index
      %get3A_152 = tpu.vector_load %arg22[%get3A_151] {strides = array<i32>} : memref<80xf32, #tpu.memory_space<vmem>>, vector<16xf32>,
      %add3A_153 = arith.addf %get3A_150, %get3A_152 : vector<16xf32>
      %ge3A_154 = arith.constant 0.000000e+00 : f32
      %ge3A_155 = vector.broadcast %ge3A_154 : f32 to vector<16xf32>
      %ge3A_156 = arith.cmpf oge, %add3A_153, %ge3A_155 : vector<16xf32>
      %mul3A_157 = arith.constant 2.000000e-01 : f32
      %mul3A_158 = vector.broadcast %mul3A_157 : f32 to vector<16xf32>
      %mul3A_159 = arith.mulf %mul3A_158, %add3A_153 : vector<16xf32>
      %select_n3A_160 = arith.select %ge3A_156, %add3A_153, %mul3A_159 : vector<16xi1>, vector<16xf32>
      %sub3A_161 = arith.subf %select_n3A_160, %get3A_1 : vector<16xf32>
      %exp3A_162 = math.exp %sub3A_161 : vector<16xf32>
      %get3A_163 = arith.constant 16 : index
      %get3A_164 = tpu.vector_load %arg35[%get3A_163] {strides = array<i32>} : memref<80xi32, #tpu.memory_space<vmem>>, vector<16xi32>,
      %add3A_165 = vector.broadcast %add3A_128 : i32 to vector<16xi32>
      %add3A_166 = arith.addi %get3A_164, %add3A_165 : vector<16xi32>
      %lt3A_167 = arith.constant 320000 : i32
      %lt3A_168 = vector.broadcast %lt3A_167 : i32 to vector<16xi32>
      %lt3A_169 = arith.cmpi slt, %add3A_166, %lt3A_168 : vector<16xi32>
      %jit3A_170 = arith.constant 0.000000e+00 : f32
      %broadcast_in_dim3A_171 = vector.broadcast %jit3A_170 : f32 to vector<16xf32>
      %select_n3A_172 = arith.select %lt3A_169, %exp3A_162, %broadcast_in_dim3A_171 : vector<16xi1>, vector<16xf32>
      %swap3A_173 = arith.constant 16 : index
      %swap3A_174 = tpu.vector_load %arg26[%swap3A_173] {strides = array<i32>} : memref<80xf32, #tpu.memory_space<vmem>>, vector<16xf32>,
      tpu.vector_store %arg26[%swap3A_173], %select_n3A_172 {strides = array<i32>} : memref<80xf32, #tpu.memory_space<vmem>>, vector<16xf32>,
      %get3A_175 = arith.constant 32 : index
      %get3A_176 = tpu.vector_load %arg18[%get3A_175] {strides = array<i32>} : memref<80xf32, #tpu.memory_space<vmem>>, vector<16xf32>,
      %get3A_177 = arith.constant 32 : index
      %get3A_178 = tpu.vector_load %arg22[%get3A_177] {strides = array<i32>} : memref<80xf32, #tpu.memory_space<vmem>>, vector<16xf32>,
      %add3A_179 = arith.addf %get3A_176, %get3A_178 : vector<16xf32>
      %ge3A_180 = arith.constant 0.000000e+00 : f32
      %ge3A_181 = vector.broadcast %ge3A_180 : f32 to vector<16xf32>
      %ge3A_182 = arith.cmpf oge, %add3A_179, %ge3A_181 : vector<16xf32>
      %mul3A_183 = arith.constant 2.000000e-01 : f32
      %mul3A_184 = vector.broadcast %mul3A_183 : f32 to vector<16xf32>
      %mul3A_185 = arith.mulf %mul3A_184, %add3A_179 : vector<16xf32>
      %select_n3A_186 = arith.select %ge3A_182, %add3A_179, %mul3A_185 : vector<16xi1>, vector<16xf32>
      %sub3A_187 = arith.subf %select_n3A_186, %get3A_1 : vector<16xf32>
      %exp3A_188 = math.exp %sub3A_187 : vector<16xf32>
      %get3A_189 = arith.constant 32 : index
      %get3A_190 = tpu.vector_load %arg35[%get3A_189] {strides = array<i32>} : memref<80xi32, #tpu.memory_space<vmem>>, vector<16xi32>,
      %add3A_191 = vector.broadcast %add3A_128 : i32 to vector<16xi32>
      %add3A_192 = arith.addi %get3A_190, %add3A_191 : vector<16xi32>
      %lt3A_193 = arith.constant 320000 : i32
      %lt3A_194 = vector.broadcast %lt3A_193 : i32 to vector<16xi32>
      %lt3A_195 = arith.cmpi slt, %add3A_192, %lt3A_194 : vector<16xi32>
      %jit3A_196 = arith.constant 0.000000e+00 : f32
      %broadcast_in_dim3A_197 = vector.broadcast %jit3A_196 : f32 to vector<16xf32>
      %select_n3A_198 = arith.select %lt3A_195, %exp3A_188, %broadcast_in_dim3A_197 : vector<16xi1>, vector<16xf32>
      %swap3A_199 = arith.constant 32 : index
      %swap3A_200 = tpu.vector_load %arg26[%swap3A_199] {strides = array<i32>} : memref<80xf32, #tpu.memory_space<vmem>>, vector<16xf32>,
      tpu.vector_store %arg26[%swap3A_199], %select_n3A_198 {strides = array<i32>} : memref<80xf32, #tpu.memory_space<vmem>>, vector<16xf32>,
      %get3A_201 = arith.constant 48 : index
      %get3A_202 = tpu.vector_load %arg18[%get3A_201] {strides = array<i32>} : memref<80xf32, #tpu.memory_space<vmem>>, vector<16xf32>,
      %get3A_203 = arith.constant 48 : index
      %get3A_204 = tpu.vector_load %arg22[%get3A_203] {strides = array<i32>} : memref<80xf32, #tpu.memory_space<vmem>>, vector<16xf32>,
      %add3A_205 = arith.addf %get3A_202, %get3A_204 : vector<16xf32>
      %ge3A_206 = arith.constant 0.000000e+00 : f32
      %ge3A_207 = vector.broadcast %ge3A_206 : f32 to vector<16xf32>
      %ge3A_208 = arith.cmpf oge, %add3A_205, %ge3A_207 : vector<16xf32>
      %mul3A_209 = arith.constant 2.000000e-01 : f32
      %mul3A_210 = vector.broadcast %mul3A_209 : f32 to vector<16xf32>
      %mul3A_211 = arith.mulf %mul3A_210, %add3A_205 : vector<16xf32>
      %select_n3A_212 = arith.select %ge3A_208, %add3A_205, %mul3A_211 : vector<16xi1>, vector<16xf32>
      %sub3A_213 = arith.subf %select_n3A_212, %get3A_1 : vector<16xf32>
      %exp3A_214 = math.exp %sub3A_213 : vector<16xf32>
      %get3A_215 = arith.constant 48 : index
      %get3A_216 = tpu.vector_load %arg35[%get3A_215] {strides = array<i32>} : memref<80xi32, #tpu.memory_space<vmem>>, vector<16xi32>,
      %add3A_217 = vector.broadcast %add3A_128 : i32 to vector<16xi32>
      %add3A_218 = arith.addi %get3A_216, %add3A_217 : vector<16xi32>
      %lt3A_219 = arith.constant 320000 : i32
      %lt3A_220 = vector.broadcast %lt3A_219 : i32 to vector<16xi32>
      %lt3A_221 = arith.cmpi slt, %add3A_218, %lt3A_220 : vector<16xi32>
      %jit3A_222 = arith.constant 0.000000e+00 : f32
      %broadcast_in_dim3A_223 = vector.broadcast %jit3A_222 : f32 to vector<16xf32>
      %select_n3A_224 = arith.select %lt3A_221, %exp3A_214, %broadcast_in_dim3A_223 : vector<16xi1>, vector<16xf32>
      %swap3A_225 = arith.constant 48 : index
      %swap3A_226 = tpu.vector_load %arg26[%swap3A_225] {strides = array<i32>} : memref<80xf32, #tpu.memory_space<vmem>>, vector<16xf32>,
      tpu.vector_store %arg26[%swap3A_225], %select_n3A_224 {strides = array<i32>} : memref<80xf32, #tpu.memory_space<vmem>>, vector<16xf32>,
      %get3A_227 = arith.constant 64 : index
      %get3A_228 = tpu.vector_load %arg18[%get3A_227] {strides = array<i32>} : memref<80xf32, #tpu.memory_space<vmem>>, vector<16xf32>,
      %get3A_229 = arith.constant 64 : index
      %get3A_230 = tpu.vector_load %arg22[%get3A_229] {strides = array<i32>} : memref<80xf32, #tpu.memory_space<vmem>>, vector<16xf32>,
      %add3A_231 = arith.addf %get3A_228, %get3A_230 : vector<16xf32>
      %ge3A_232 = arith.constant 0.000000e+00 : f32
      %ge3A_233 = vector.broadcast %ge3A_232 : f32 to vector<16xf32>
      %ge3A_234 = arith.cmpf oge, %add3A_231, %ge3A_233 : vector<16xf32>
      %mul3A_235 = arith.constant 2.000000e-01 : f32
      %mul3A_236 = vector.broadcast %mul3A_235 : f32 to vector<16xf32>
      %mul3A_237 = arith.mulf %mul3A_236, %add3A_231 : vector<16xf32>
      %select_n3A_238 = arith.select %ge3A_234, %add3A_231, %mul3A_237 : vector<16xi1>, vector<16xf32>
      %sub3A_239 = arith.subf %select_n3A_238, %get3A_1 : vector<16xf32>
      %exp3A_240 = math.exp %sub3A_239 : vector<16xf32>
      %get3A_241 = arith.constant 64 : index
      %get3A_242 = tpu.vector_load %arg35[%get3A_241] {strides = array<i32>} : memref<80xi32, #tpu.memory_space<vmem>>, vector<16xi32>,
      %add3A_243 = vector.broadcast %add3A_128 : i32 to vector<16xi32>
      %add3A_244 = arith.addi %get3A_242, %add3A_243 : vector<16xi32>
      %lt3A_245 = arith.constant 320000 : i32
      %lt3A_246 = vector.broadcast %lt3A_245 : i32 to vector<16xi32>
      %lt3A_247 = arith.cmpi slt, %add3A_244, %lt3A_246 : vector<16xi32>
      %jit3A_248 = arith.constant 0.000000e+00 : f32
      %broadcast_in_dim3A_249 = vector.broadcast %jit3A_248 : f32 to vector<16xf32>
      %select_n3A_250 = arith.select %lt3A_247, %exp3A_240, %broadcast_in_dim3A_249 : vector<16xi1>, vector<16xf32>
      %swap3A_251 = arith.constant 64 : index
      %swap3A_252 = tpu.vector_load %arg26[%swap3A_251] {strides = array<i32>} : memref<80xf32, #tpu.memory_space<vmem>>, vector<16xf32>,
      tpu.vector_store %arg26[%swap3A_251], %select_n3A_250 {strides = array<i32>} : memref<80xf32, #tpu.memory_space<vmem>>, vector<16xf32>,
      %parallel_loop3A_253 = arith.constant 0 : i32
      %parallel_loop3A_254 = arith.constant 80 : i32
      %parallel_loop3A_255 = arith.constant 1 : i32
      scf.for %parallel_loop3A_763 = %parallel_loop3A_253 to %parallel_loop3A_254 step %parallel_loop3A_255  : i32 {
        %parallel_loop3A_764 = vector.broadcast %parallel_loop3A_763 : i32 to vector<16xi32>
        %parallel_loop3A_765 = tpu.vector_load_idx %arg26[%parallel_loop3A_764] : memref<80xf32, #tpu.memory_space<vmem>>[vector<16xi32>], vector<16xf32>,
        %parallel_loop3A_766 = arith.index_cast %parallel_loop3A_763 : i32 to index
        %parallel_loop3A_767 = arith.constant 0 : index
        %parallel_loop3A_768 = tpu.vector_load %arg30[%parallel_loop3A_766, %parallel_loop3A_767] {strides = array<i32>} : memref<80x64xi32, #tpu.memory_space<vmem>>, vector<16xi32>,
        %parallel_loop3A_769 = arith.constant 16 : i32
        %parallel_loop3A_770 = vector.broadcast %parallel_loop3A_769 : i32 to vector<16xi32>
        %parallel_loop3A_771 = arith.shli %parallel_loop3A_768, %parallel_loop3A_770 : vector<16xi32>
        %parallel_loop3A_772 = tpu.bitcast %parallel_loop3A_771 : vector<16xi32> -> vector<16xf32>
        %parallel_loop3A_773 = arith.constant -65536 : i32
        %parallel_loop3A_774 = vector.broadcast %parallel_loop3A_773 : i32 to vector<16xi32>
        %parallel_loop3A_775 = arith.andi %parallel_loop3A_768, %parallel_loop3A_774 : vector<16xi32>
        %parallel_loop3A_776 = tpu.bitcast %parallel_loop3A_775 : vector<16xi32> -> vector<16xf32>
        %parallel_loop3A_777 = arith.mulf %parallel_loop3A_772, %parallel_loop3A_765 : vector<16xf32>
        %parallel_loop3A_778 = arith.index_cast %parallel_loop3A_763 : i32 to index
        %parallel_loop3A_779 = arith.constant 0 : index
        %parallel_loop3A_780 = tpu.vector_load %arg32[%parallel_loop3A_778, %parallel_loop3A_779] {strides = array<i32>} : memref<80x144xf32, #tpu.memory_space<vmem>>, vector<16xf32>,
        tpu.vector_store %arg32[%parallel_loop3A_778, %parallel_loop3A_779], %parallel_loop3A_777 {strides = array<i32>} : memref<80x144xf32, #tpu.memory_space<vmem>>, vector<16xf32>,
        %parallel_loop3A_781 = arith.mulf %parallel_loop3A_776, %parallel_loop3A_765 : vector<16xf32>
        %parallel_loop3A_782 = arith.index_cast %parallel_loop3A_763 : i32 to index
        %parallel_loop3A_783 = arith.constant 64 : index
        %parallel_loop3A_784 = tpu.vector_load %arg32[%parallel_loop3A_782, %parallel_loop3A_783] {strides = array<i32>} : memref<80x144xf32, #tpu.memory_space<vmem>>, vector<16xf32>,
        tpu.vector_store %arg32[%parallel_loop3A_782, %parallel_loop3A_783], %parallel_loop3A_781 {strides = array<i32>} : memref<80x144xf32, #tpu.memory_space<vmem>>, vector<16xf32>,
        %parallel_loop3A_785 = arith.index_cast %parallel_loop3A_763 : i32 to index
        %parallel_loop3A_786 = arith.constant 16 : index
        %parallel_loop3A_787 = tpu.vector_load %arg30[%parallel_loop3A_785, %parallel_loop3A_786] {strides = array<i32>} : memref<80x64xi32, #tpu.memory_space<vmem>>, vector<16xi32>,
        %parallel_loop3A_788 = arith.constant 16 : i32
        %parallel_loop3A_789 = vector.broadcast %parallel_loop3A_788 : i32 to vector<16xi32>
        %parallel_loop3A_790 = arith.shli %parallel_loop3A_787, %parallel_loop3A_789 : vector<16xi32>
        %parallel_loop3A_791 = tpu.bitcast %parallel_loop3A_790 : vector<16xi32> -> vector<16xf32>
        %parallel_loop3A_792 = arith.constant -65536 : i32
        %parallel_loop3A_793 = vector.broadcast %parallel_loop3A_792 : i32 to vector<16xi32>
        %parallel_loop3A_794 = arith.andi %parallel_loop3A_787, %parallel_loop3A_793 : vector<16xi32>
        %parallel_loop3A_795 = tpu.bitcast %parallel_loop3A_794 : vector<16xi32> -> vector<16xf32>
        %parallel_loop3A_796 = arith.mulf %parallel_loop3A_791, %parallel_loop3A_765 : vector<16xf32>
        %parallel_loop3A_797 = arith.index_cast %parallel_loop3A_763 : i32 to index
        %parallel_loop3A_798 = arith.constant 16 : index
        %parallel_loop3A_799 = tpu.vector_load %arg32[%parallel_loop3A_797, %parallel_loop3A_798] {strides = array<i32>} : memref<80x144xf32, #tpu.memory_space<vmem>>, vector<16xf32>,
        tpu.vector_store %arg32[%parallel_loop3A_797, %parallel_loop3A_798], %parallel_loop3A_796 {strides = array<i32>} : memref<80x144xf32, #tpu.memory_space<vmem>>, vector<16xf32>,
        %parallel_loop3A_800 = arith.mulf %parallel_loop3A_795, %parallel_loop3A_765 : vector<16xf32>
        %parallel_loop3A_801 = arith.index_cast %parallel_loop3A_763 : i32 to index
        %parallel_loop3A_802 = arith.constant 80 : index
        %parallel_loop3A_803 = tpu.vector_load %arg32[%parallel_loop3A_801, %parallel_loop3A_802] {strides = array<i32>} : memref<80x144xf32, #tpu.memory_space<vmem>>, vector<16xf32>,
        tpu.vector_store %arg32[%parallel_loop3A_801, %parallel_loop3A_802], %parallel_loop3A_800 {strides = array<i32>} : memref<80x144xf32, #tpu.memory_space<vmem>>, vector<16xf32>,
        %parallel_loop3A_804 = arith.index_cast %parallel_loop3A_763 : i32 to index
        %parallel_loop3A_805 = arith.constant 32 : index
        %parallel_loop3A_806 = tpu.vector_load %arg30[%parallel_loop3A_804, %parallel_loop3A_805] {strides = array<i32>} : memref<80x64xi32, #tpu.memory_space<vmem>>, vector<16xi32>,
        %parallel_loop3A_807 = arith.constant 16 : i32
        %parallel_loop3A_808 = vector.broadcast %parallel_loop3A_807 : i32 to vector<16xi32>
        %parallel_loop3A_809 = arith.shli %parallel_loop3A_806, %parallel_loop3A_808 : vector<16xi32>
        %parallel_loop3A_810 = tpu.bitcast %parallel_loop3A_809 : vector<16xi32> -> vector<16xf32>
        %parallel_loop3A_811 = arith.constant -65536 : i32
        %parallel_loop3A_812 = vector.broadcast %parallel_loop3A_811 : i32 to vector<16xi32>
        %parallel_loop3A_813 = arith.andi %parallel_loop3A_806, %parallel_loop3A_812 : vector<16xi32>
        %parallel_loop3A_814 = tpu.bitcast %parallel_loop3A_813 : vector<16xi32> -> vector<16xf32>
        %parallel_loop3A_815 = arith.mulf %parallel_loop3A_810, %parallel_loop3A_765 : vector<16xf32>
        %parallel_loop3A_816 = arith.index_cast %parallel_loop3A_763 : i32 to index
        %parallel_loop3A_817 = arith.constant 32 : index
        %parallel_loop3A_818 = tpu.vector_load %arg32[%parallel_loop3A_816, %parallel_loop3A_817] {strides = array<i32>} : memref<80x144xf32, #tpu.memory_space<vmem>>, vector<16xf32>,
        tpu.vector_store %arg32[%parallel_loop3A_816, %parallel_loop3A_817], %parallel_loop3A_815 {strides = array<i32>} : memref<80x144xf32, #tpu.memory_space<vmem>>, vector<16xf32>,
        %parallel_loop3A_819 = arith.mulf %parallel_loop3A_814, %parallel_loop3A_765 : vector<16xf32>
        %parallel_loop3A_820 = arith.index_cast %parallel_loop3A_763 : i32 to index
        %parallel_loop3A_821 = arith.constant 96 : index
        %parallel_loop3A_822 = tpu.vector_load %arg32[%parallel_loop3A_820, %parallel_loop3A_821] {strides = array<i32>} : memref<80x144xf32, #tpu.memory_space<vmem>>, vector<16xf32>,
        tpu.vector_store %arg32[%parallel_loop3A_820, %parallel_loop3A_821], %parallel_loop3A_819 {strides = array<i32>} : memref<80x144xf32, #tpu.memory_space<vmem>>, vector<16xf32>,
        %parallel_loop3A_823 = arith.index_cast %parallel_loop3A_763 : i32 to index
        %parallel_loop3A_824 = arith.constant 48 : index
        %parallel_loop3A_825 = tpu.vector_load %arg30[%parallel_loop3A_823, %parallel_loop3A_824] {strides = array<i32>} : memref<80x64xi32, #tpu.memory_space<vmem>>, vector<16xi32>,
        %parallel_loop3A_826 = arith.constant 16 : i32
        %parallel_loop3A_827 = vector.broadcast %parallel_loop3A_826 : i32 to vector<16xi32>
        %parallel_loop3A_828 = arith.shli %parallel_loop3A_825, %parallel_loop3A_827 : vector<16xi32>
        %parallel_loop3A_829 = tpu.bitcast %parallel_loop3A_828 : vector<16xi32> -> vector<16xf32>
        %parallel_loop3A_830 = arith.constant -65536 : i32
        %parallel_loop3A_831 = vector.broadcast %parallel_loop3A_830 : i32 to vector<16xi32>
        %parallel_loop3A_832 = arith.andi %parallel_loop3A_825, %parallel_loop3A_831 : vector<16xi32>
        %parallel_loop3A_833 = tpu.bitcast %parallel_loop3A_832 : vector<16xi32> -> vector<16xf32>
        %parallel_loop3A_834 = arith.mulf %parallel_loop3A_829, %parallel_loop3A_765 : vector<16xf32>
        %parallel_loop3A_835 = arith.index_cast %parallel_loop3A_763 : i32 to index
        %parallel_loop3A_836 = arith.constant 48 : index
        %parallel_loop3A_837 = tpu.vector_load %arg32[%parallel_loop3A_835, %parallel_loop3A_836] {strides = array<i32>} : memref<80x144xf32, #tpu.memory_space<vmem>>, vector<16xf32>,
        tpu.vector_store %arg32[%parallel_loop3A_835, %parallel_loop3A_836], %parallel_loop3A_834 {strides = array<i32>} : memref<80x144xf32, #tpu.memory_space<vmem>>, vector<16xf32>,
        %parallel_loop3A_838 = arith.mulf %parallel_loop3A_833, %parallel_loop3A_765 : vector<16xf32>
        %parallel_loop3A_839 = arith.index_cast %parallel_loop3A_763 : i32 to index
        %parallel_loop3A_840 = arith.constant 112 : index
        %parallel_loop3A_841 = tpu.vector_load %arg32[%parallel_loop3A_839, %parallel_loop3A_840] {strides = array<i32>} : memref<80x144xf32, #tpu.memory_space<vmem>>, vector<16xf32>,
        tpu.vector_store %arg32[%parallel_loop3A_839, %parallel_loop3A_840], %parallel_loop3A_838 {strides = array<i32>} : memref<80x144xf32, #tpu.memory_space<vmem>>, vector<16xf32>,
        %parallel_loop3A_842 = arith.index_cast %parallel_loop3A_763 : i32 to index
        %parallel_loop3A_843 = arith.constant 128 : index
        %parallel_loop3A_844 = tpu.vector_load %arg32[%parallel_loop3A_842, %parallel_loop3A_843] {strides = array<i32>} : memref<80x144xf32, #tpu.memory_space<vmem>>, vector<16xf32>,
        tpu.vector_store %arg32[%parallel_loop3A_842, %parallel_loop3A_843], %parallel_loop3A_765 {strides = array<i32>} : memref<80x144xf32, #tpu.memory_space<vmem>>, vector<16xf32>,
      } {sc.loop_unroll_factor = 4 : i64, sc.parallel_access}
      %dma_start3A_256 = arith.constant 0 : i32
      %dma_start3A_257 = arith.constant 0 : i32
      %dma_start3A_258 = tpu.memref_slice %arg36[%dma_start3A_256, %dma_start3A_257] : memref<10000x144xf32, #tpu.memory_space<vmem_shared>> -> memref<10000x144xf32, #tpu.memory_space<vmem_shared>>
      tpu.enqueue_indirect_dma source(%arg32 : memref<80x144xf32, #tpu.memory_space<vmem>>) target(%dma_start3A_258 : memref<10000x144xf32, #tpu.memory_space<vmem_shared>>) offsets(%arg10 : memref<80xi32, #tpu.memory_space<vmem>>) semaphore(%arg43 : memref<!tpu.dma_semaphore, #tpu.memory_space<semaphore_mem>>) {add = true}
      %add3A_259 = arith.constant 1 : i32
      %add3A_260 = arith.addi %mul3A_100, %add3A_259 : i32
      %dma_wait3A_261 = arith.constant 0 : i32
      %dma_wait3A_262 = arith.constant 0 : i32
      %dma_wait3A_263 = tpu.memref_slice %arg2[%dma_wait3A_261, %dma_wait3A_262] : memref<10000x64xi32, #tpu.memory_space<hbm>> -> memref<10000x64xi32, #tpu.memory_space<hbm>>
      tpu.wait_indirect_dma semaphore(%arg42 : memref<!tpu.dma_semaphore, #tpu.memory_space<semaphore_mem>>) src(%dma_wait3A_263 : memref<10000x64xi32, #tpu.memory_space<hbm>>) dst(%arg31 : memref<80x64xi32, #tpu.memory_space<vmem>>)
      %lt3A_264 = arith.constant 127 : i32
      %lt3A_265 = arith.cmpi slt, %add3A_260, %lt3A_264 : i32
      %convert_element_type3A_266 = arith.extui %lt3A_265 : i1 to i32
      %cond3A_267 = arith.constant 0 : i32
      %cond3A_268 = arith.cmpi ne, %convert_element_type3A_266, %cond3A_267 : i32
      scf.if %cond3A_268 {
        %dma_wait3A_763 = arith.constant 0 : i32
        %dma_wait3A_764 = tpu.memref_slice %arg3[%dma_wait3A_763] : memref<327680xi32, #tpu.memory_space<hbm>> -> memref<80xi32, #tpu.memory_space<hbm>>
        %dma_wait3A_765 = arith.constant 0 : i32
        %dma_wait3A_766 = tpu.memref_slice %arg3[%dma_wait3A_765] : memref<327680xi32, #tpu.memory_space<hbm>> -> memref<80xi32, #tpu.memory_space<hbm>>
        tpu.wait_dma2 semaphore(%arg39 : memref<!tpu.dma_semaphore, #tpu.memory_space<semaphore_mem>>) src(%dma_wait3A_766 : memref<80xi32, #tpu.memory_space<hbm>>) dst(%arg12 : memref<80xi32, #tpu.memory_space<vmem>>)
        %dma_wait3A_767 = arith.constant 0 : i32
        %dma_wait3A_768 = tpu.memref_slice %arg4[%dma_wait3A_767] : memref<327680xi32, #tpu.memory_space<hbm>> -> memref<80xi32, #tpu.memory_space<hbm>>
        %dma_wait3A_769 = arith.constant 0 : i32
        %dma_wait3A_770 = tpu.memref_slice %arg4[%dma_wait3A_769] : memref<327680xi32, #tpu.memory_space<hbm>> -> memref<80xi32, #tpu.memory_space<hbm>>
        tpu.wait_dma2 semaphore(%arg39 : memref<!tpu.dma_semaphore, #tpu.memory_space<semaphore_mem>>) src(%dma_wait3A_770 : memref<80xi32, #tpu.memory_space<hbm>>) dst(%arg16 : memref<80xi32, #tpu.memory_space<vmem>>)
        %dma_start3A_771 = arith.constant 0 : i32
        %dma_start3A_772 = tpu.memref_slice %arg5[%dma_start3A_771] : memref<10000xf32, #tpu.memory_space<hbm>> -> memref<10000xf32, #tpu.memory_space<hbm>>
        tpu.enqueue_indirect_dma source(%dma_start3A_772 : memref<10000xf32, #tpu.memory_space<hbm>>) target(%arg20 : memref<80xf32, #tpu.memory_space<vmem>>) offsets(%arg12 : memref<80xi32, #tpu.memory_space<vmem>>) semaphore(%arg39 : memref<!tpu.dma_semaphore, #tpu.memory_space<semaphore_mem>>)
        %dma_start3A_773 = arith.constant 0 : i32
        %dma_start3A_774 = tpu.memref_slice %arg6[%dma_start3A_773] : memref<10000xf32, #tpu.memory_space<hbm>> -> memref<10000xf32, #tpu.memory_space<hbm>>
        tpu.enqueue_indirect_dma source(%dma_start3A_774 : memref<10000xf32, #tpu.memory_space<hbm>>) target(%arg24 : memref<80xf32, #tpu.memory_space<vmem>>) offsets(%arg16 : memref<80xi32, #tpu.memory_space<vmem>>) semaphore(%arg39 : memref<!tpu.dma_semaphore, #tpu.memory_space<semaphore_mem>>)
      } else {
      }
      %gt3A_269 = arith.constant 0 : i32
      %gt3A_270 = arith.cmpi sgt, %add3A_260, %gt3A_269 : i32
      %convert_element_type3A_271 = arith.extui %gt3A_270 : i1 to i32
      %cond3A_272 = arith.constant 0 : i32
      %cond3A_273 = arith.cmpi ne, %convert_element_type3A_271, %cond3A_272 : i32
      scf.if %cond3A_273 {
        %dma_wait3A_763 = arith.constant 0 : i32
        %dma_wait3A_764 = arith.constant 0 : i32
        %dma_wait3A_765 = tpu.memref_slice %arg36[%dma_wait3A_763, %dma_wait3A_764] : memref<10000x144xf32, #tpu.memory_space<vmem_shared>> -> memref<10000x144xf32, #tpu.memory_space<vmem_shared>>
        tpu.wait_indirect_dma semaphore(%arg43 : memref<!tpu.dma_semaphore, #tpu.memory_space<semaphore_mem>>) src(%arg32 : memref<80x144xf32, #tpu.memory_space<vmem>>) dst(%dma_wait3A_765 : memref<10000x144xf32, #tpu.memory_space<vmem_shared>>)
      } else {
      }
      %lt3A_274 = arith.constant 127 : i32
      %lt3A_275 = arith.cmpi slt, %add3A_260, %lt3A_274 : i32
      %convert_element_type3A_276 = arith.extui %lt3A_275 : i1 to i32
      %cond3A_277 = arith.constant 0 : i32
      %cond3A_278 = arith.cmpi ne, %convert_element_type3A_276, %cond3A_277 : i32
      scf.if %cond3A_278 {
        %dma_start3A_763 = arith.constant 0 : i32
        %dma_start3A_764 = arith.constant 0 : i32
        %dma_start3A_765 = tpu.memref_slice %arg2[%dma_start3A_763, %dma_start3A_764] : memref<10000x64xi32, #tpu.memory_space<hbm>> -> memref<10000x64xi32, #tpu.memory_space<hbm>>
        tpu.enqueue_indirect_dma source(%dma_start3A_765 : memref<10000x64xi32, #tpu.memory_space<hbm>>) target(%arg30 : memref<80x64xi32, #tpu.memory_space<vmem>>) offsets(%arg16 : memref<80xi32, #tpu.memory_space<vmem>>) semaphore(%arg41 : memref<!tpu.dma_semaphore, #tpu.memory_space<semaphore_mem>>)
      } else {
      }
      %lt3A_279 = arith.constant 126 : i32
      %lt3A_280 = arith.cmpi slt, %add3A_260, %lt3A_279 : i32
      %convert_element_type3A_281 = arith.extui %lt3A_280 : i1 to i32
      %cond3A_282 = arith.constant 0 : i32
      %cond3A_283 = arith.cmpi ne, %convert_element_type3A_281, %cond3A_282 : i32
      scf.if %cond3A_283 {
        %add3A_763 = arith.constant 2 : i32
        %add3A_764 = arith.addi %add3A_260, %add3A_763 : i32
        %mul3A_765 = arith.constant 80 : i32
        %mul3A_766 = arith.muli %add3A_764, %mul3A_765 : i32
        %add3A_767 = arith.addi %mul3A_60, %mul3A_766 : i32
        %dma_start3A_768 = tpu.memref_slice %arg3[%add3A_767] : memref<327680xi32, #tpu.memory_space<hbm>> -> memref<80xi32, #tpu.memory_space<hbm>>
        %dma_start3A_769 = tpu.memref_slice %arg3[%add3A_767] : memref<327680xi32, #tpu.memory_space<hbm>> -> memref<80xi32, #tpu.memory_space<hbm>>
        tpu.enqueue_dma source(%dma_start3A_769 : memref<80xi32, #tpu.memory_space<hbm>>) target(%arg13 : memref<80xi32, #tpu.memory_space<vmem>>) target_semaphore(%arg40 : memref<!tpu.dma_semaphore, #tpu.memory_space<semaphore_mem>>)
        %dma_start3A_770 = tpu.memref_slice %arg4[%add3A_767] : memref<327680xi32, #tpu.memory_space<hbm>> -> memref<80xi32, #tpu.memory_space<hbm>>
        %dma_start3A_771 = tpu.memref_slice %arg4[%add3A_767] : memref<327680xi32, #tpu.memory_space<hbm>> -> memref<80xi32, #tpu.memory_space<hbm>>
        tpu.enqueue_dma source(%dma_start3A_771 : memref<80xi32, #tpu.memory_space<hbm>>) target(%arg17 : memref<80xi32, #tpu.memory_space<vmem>>) target_semaphore(%arg40 : memref<!tpu.dma_semaphore, #tpu.memory_space<semaphore_mem>>)
      } else {
      }
      %dma_wait3A_284 = arith.constant 0 : i32
      %dma_wait3A_285 = tpu.memref_slice %arg5[%dma_wait3A_284] : memref<10000xf32, #tpu.memory_space<hbm>> -> memref<10000xf32, #tpu.memory_space<hbm>>
      tpu.wait_indirect_dma semaphore(%arg38 : memref<!tpu.dma_semaphore, #tpu.memory_space<semaphore_mem>>) src(%dma_wait3A_285 : memref<10000xf32, #tpu.memory_space<hbm>>) dst(%arg19 : memref<80xf32, #tpu.memory_space<vmem>>)
      %dma_wait3A_286 = arith.constant 0 : i32
      %dma_wait3A_287 = tpu.memref_slice %arg6[%dma_wait3A_286] : memref<10000xf32, #tpu.memory_space<hbm>> -> memref<10000xf32, #tpu.memory_space<hbm>>
      tpu.wait_indirect_dma semaphore(%arg38 : memref<!tpu.dma_semaphore, #tpu.memory_space<semaphore_mem>>) src(%dma_wait3A_287 : memref<10000xf32, #tpu.memory_space<hbm>>) dst(%arg23 : memref<80xf32, #tpu.memory_space<vmem>>)
      %mul3A_288 = arith.constant 80 : i32
      %mul3A_289 = arith.muli %add3A_260, %mul3A_288 : i32
      %add3A_290 = arith.addi %mul3A_60, %mul3A_289 : i32
      %get3A_291 = arith.constant 0 : index
      %get3A_292 = tpu.vector_load %arg19[%get3A_291] {strides = array<i32>} : memref<80xf32, #tpu.memory_space<vmem>>, vector<16xf32>,
      %get3A_293 = arith.constant 0 : index
      %get3A_294 = tpu.vector_load %arg23[%get3A_293] {strides = array<i32>} : memref<80xf32, #tpu.memory_space<vmem>>, vector<16xf32>,
      %add3A_295 = arith.addf %get3A_292, %get3A_294 : vector<16xf32>
      %ge3A_296 = arith.constant 0.000000e+00 : f32
      %ge3A_297 = vector.broadcast %ge3A_296 : f32 to vector<16xf32>
      %ge3A_298 = arith.cmpf oge, %add3A_295, %ge3A_297 : vector<16xf32>
      %mul3A_299 = arith.constant 2.000000e-01 : f32
      %mul3A_300 = vector.broadcast %mul3A_299 : f32 to vector<16xf32>
      %mul3A_301 = arith.mulf %mul3A_300, %add3A_295 : vector<16xf32>
      %select_n3A_302 = arith.select %ge3A_298, %add3A_295, %mul3A_301 : vector<16xi1>, vector<16xf32>
      %sub3A_303 = arith.subf %select_n3A_302, %get3A_1 : vector<16xf32>
      %exp3A_304 = math.exp %sub3A_303 : vector<16xf32>
      %get3A_305 = arith.constant 0 : index
      %get3A_306 = tpu.vector_load %arg35[%get3A_305] {strides = array<i32>} : memref<80xi32, #tpu.memory_space<vmem>>, vector<16xi32>,
      %add3A_307 = vector.broadcast %add3A_290 : i32 to vector<16xi32>
      %add3A_308 = arith.addi %get3A_306, %add3A_307 : vector<16xi32>
      %lt3A_309 = arith.constant 320000 : i32
      %lt3A_310 = vector.broadcast %lt3A_309 : i32 to vector<16xi32>
      %lt3A_311 = arith.cmpi slt, %add3A_308, %lt3A_310 : vector<16xi32>
      %jit3A_312 = arith.constant 0.000000e+00 : f32
      %broadcast_in_dim3A_313 = vector.broadcast %jit3A_312 : f32 to vector<16xf32>
      %select_n3A_314 = arith.select %lt3A_311, %exp3A_304, %broadcast_in_dim3A_313 : vector<16xi1>, vector<16xf32>
      %swap3A_315 = arith.constant 0 : index
      %swap3A_316 = tpu.vector_load %arg27[%swap3A_315] {strides = array<i32>} : memref<80xf32, #tpu.memory_space<vmem>>, vector<16xf32>,
      tpu.vector_store %arg27[%swap3A_315], %select_n3A_314 {strides = array<i32>} : memref<80xf32, #tpu.memory_space<vmem>>, vector<16xf32>,
      %get3A_317 = arith.constant 16 : index
      %get3A_318 = tpu.vector_load %arg19[%get3A_317] {strides = array<i32>} : memref<80xf32, #tpu.memory_space<vmem>>, vector<16xf32>,
      %get3A_319 = arith.constant 16 : index
      %get3A_320 = tpu.vector_load %arg23[%get3A_319] {strides = array<i32>} : memref<80xf32, #tpu.memory_space<vmem>>, vector<16xf32>,
      %add3A_321 = arith.addf %get3A_318, %get3A_320 : vector<16xf32>
      %ge3A_322 = arith.constant 0.000000e+00 : f32
      %ge3A_323 = vector.broadcast %ge3A_322 : f32 to vector<16xf32>
      %ge3A_324 = arith.cmpf oge, %add3A_321, %ge3A_323 : vector<16xf32>
      %mul3A_325 = arith.constant 2.000000e-01 : f32
      %mul3A_326 = vector.broadcast %mul3A_325 : f32 to vector<16xf32>
      %mul3A_327 = arith.mulf %mul3A_326, %add3A_321 : vector<16xf32>
      %select_n3A_328 = arith.select %ge3A_324, %add3A_321, %mul3A_327 : vector<16xi1>, vector<16xf32>
      %sub3A_329 = arith.subf %select_n3A_328, %get3A_1 : vector<16xf32>
      %exp3A_330 = math.exp %sub3A_329 : vector<16xf32>
      %get3A_331 = arith.constant 16 : index
      %get3A_332 = tpu.vector_load %arg35[%get3A_331] {strides = array<i32>} : memref<80xi32, #tpu.memory_space<vmem>>, vector<16xi32>,
      %add3A_333 = vector.broadcast %add3A_290 : i32 to vector<16xi32>
      %add3A_334 = arith.addi %get3A_332, %add3A_333 : vector<16xi32>
      %lt3A_335 = arith.constant 320000 : i32
      %lt3A_336 = vector.broadcast %lt3A_335 : i32 to vector<16xi32>
      %lt3A_337 = arith.cmpi slt, %add3A_334, %lt3A_336 : vector<16xi32>
      %jit3A_338 = arith.constant 0.000000e+00 : f32
      %broadcast_in_dim3A_339 = vector.broadcast %jit3A_338 : f32 to vector<16xf32>
      %select_n3A_340 = arith.select %lt3A_337, %exp3A_330, %broadcast_in_dim3A_339 : vector<16xi1>, vector<16xf32>
      %swap3A_341 = arith.constant 16 : index
      %swap3A_342 = tpu.vector_load %arg27[%swap3A_341] {strides = array<i32>} : memref<80xf32, #tpu.memory_space<vmem>>, vector<16xf32>,
      tpu.vector_store %arg27[%swap3A_341], %select_n3A_340 {strides = array<i32>} : memref<80xf32, #tpu.memory_space<vmem>>, vector<16xf32>,
      %get3A_343 = arith.constant 32 : index
      %get3A_344 = tpu.vector_load %arg19[%get3A_343] {strides = array<i32>} : memref<80xf32, #tpu.memory_space<vmem>>, vector<16xf32>,
      %get3A_345 = arith.constant 32 : index
      %get3A_346 = tpu.vector_load %arg23[%get3A_345] {strides = array<i32>} : memref<80xf32, #tpu.memory_space<vmem>>, vector<16xf32>,
      %add3A_347 = arith.addf %get3A_344, %get3A_346 : vector<16xf32>
      %ge3A_348 = arith.constant 0.000000e+00 : f32
      %ge3A_349 = vector.broadcast %ge3A_348 : f32 to vector<16xf32>
      %ge3A_350 = arith.cmpf oge, %add3A_347, %ge3A_349 : vector<16xf32>
      %mul3A_351 = arith.constant 2.000000e-01 : f32
      %mul3A_352 = vector.broadcast %mul3A_351 : f32 to vector<16xf32>
      %mul3A_353 = arith.mulf %mul3A_352, %add3A_347 : vector<16xf32>
      %select_n3A_354 = arith.select %ge3A_350, %add3A_347, %mul3A_353 : vector<16xi1>, vector<16xf32>
      %sub3A_355 = arith.subf %select_n3A_354, %get3A_1 : vector<16xf32>
      %exp3A_356 = math.exp %sub3A_355 : vector<16xf32>
      %get3A_357 = arith.constant 32 : index
      %get3A_358 = tpu.vector_load %arg35[%get3A_357] {strides = array<i32>} : memref<80xi32, #tpu.memory_space<vmem>>, vector<16xi32>,
      %add3A_359 = vector.broadcast %add3A_290 : i32 to vector<16xi32>
      %add3A_360 = arith.addi %get3A_358, %add3A_359 : vector<16xi32>
      %lt3A_361 = arith.constant 320000 : i32
      %lt3A_362 = vector.broadcast %lt3A_361 : i32 to vector<16xi32>
      %lt3A_363 = arith.cmpi slt, %add3A_360, %lt3A_362 : vector<16xi32>
      %jit3A_364 = arith.constant 0.000000e+00 : f32
      %broadcast_in_dim3A_365 = vector.broadcast %jit3A_364 : f32 to vector<16xf32>
      %select_n3A_366 = arith.select %lt3A_363, %exp3A_356, %broadcast_in_dim3A_365 : vector<16xi1>, vector<16xf32>
      %swap3A_367 = arith.constant 32 : index
      %swap3A_368 = tpu.vector_load %arg27[%swap3A_367] {strides = array<i32>} : memref<80xf32, #tpu.memory_space<vmem>>, vector<16xf32>,
      tpu.vector_store %arg27[%swap3A_367], %select_n3A_366 {strides = array<i32>} : memref<80xf32, #tpu.memory_space<vmem>>, vector<16xf32>,
      %get3A_369 = arith.constant 48 : index
      %get3A_370 = tpu.vector_load %arg19[%get3A_369] {strides = array<i32>} : memref<80xf32, #tpu.memory_space<vmem>>, vector<16xf32>,
      %get3A_371 = arith.constant 48 : index
      %get3A_372 = tpu.vector_load %arg23[%get3A_371] {strides = array<i32>} : memref<80xf32, #tpu.memory_space<vmem>>, vector<16xf32>,
      %add3A_373 = arith.addf %get3A_370, %get3A_372 : vector<16xf32>
      %ge3A_374 = arith.constant 0.000000e+00 : f32
      %ge3A_375 = vector.broadcast %ge3A_374 : f32 to vector<16xf32>
      %ge3A_376 = arith.cmpf oge, %add3A_373, %ge3A_375 : vector<16xf32>
      %mul3A_377 = arith.constant 2.000000e-01 : f32
      %mul3A_378 = vector.broadcast %mul3A_377 : f32 to vector<16xf32>
      %mul3A_379 = arith.mulf %mul3A_378, %add3A_373 : vector<16xf32>
      %select_n3A_380 = arith.select %ge3A_376, %add3A_373, %mul3A_379 : vector<16xi1>, vector<16xf32>
      %sub3A_381 = arith.subf %select_n3A_380, %get3A_1 : vector<16xf32>
      %exp3A_382 = math.exp %sub3A_381 : vector<16xf32>
      %get3A_383 = arith.constant 48 : index
      %get3A_384 = tpu.vector_load %arg35[%get3A_383] {strides = array<i32>} : memref<80xi32, #tpu.memory_space<vmem>>, vector<16xi32>,
      %add3A_385 = vector.broadcast %add3A_290 : i32 to vector<16xi32>
      %add3A_386 = arith.addi %get3A_384, %add3A_385 : vector<16xi32>
      %lt3A_387 = arith.constant 320000 : i32
      %lt3A_388 = vector.broadcast %lt3A_387 : i32 to vector<16xi32>
      %lt3A_389 = arith.cmpi slt, %add3A_386, %lt3A_388 : vector<16xi32>
      %jit3A_390 = arith.constant 0.000000e+00 : f32
      %broadcast_in_dim3A_391 = vector.broadcast %jit3A_390 : f32 to vector<16xf32>
      %select_n3A_392 = arith.select %lt3A_389, %exp3A_382, %broadcast_in_dim3A_391 : vector<16xi1>, vector<16xf32>
      %swap3A_393 = arith.constant 48 : index
      %swap3A_394 = tpu.vector_load %arg27[%swap3A_393] {strides = array<i32>} : memref<80xf32, #tpu.memory_space<vmem>>, vector<16xf32>,
      tpu.vector_store %arg27[%swap3A_393], %select_n3A_392 {strides = array<i32>} : memref<80xf32, #tpu.memory_space<vmem>>, vector<16xf32>,
      %get3A_395 = arith.constant 64 : index
      %get3A_396 = tpu.vector_load %arg19[%get3A_395] {strides = array<i32>} : memref<80xf32, #tpu.memory_space<vmem>>, vector<16xf32>,
      %get3A_397 = arith.constant 64 : index
      %get3A_398 = tpu.vector_load %arg23[%get3A_397] {strides = array<i32>} : memref<80xf32, #tpu.memory_space<vmem>>, vector<16xf32>,
      %add3A_399 = arith.addf %get3A_396, %get3A_398 : vector<16xf32>
      %ge3A_400 = arith.constant 0.000000e+00 : f32
      %ge3A_401 = vector.broadcast %ge3A_400 : f32 to vector<16xf32>
      %ge3A_402 = arith.cmpf oge, %add3A_399, %ge3A_401 : vector<16xf32>
      %mul3A_403 = arith.constant 2.000000e-01 : f32
      %mul3A_404 = vector.broadcast %mul3A_403 : f32 to vector<16xf32>
      %mul3A_405 = arith.mulf %mul3A_404, %add3A_399 : vector<16xf32>
      %select_n3A_406 = arith.select %ge3A_402, %add3A_399, %mul3A_405 : vector<16xi1>, vector<16xf32>
      %sub3A_407 = arith.subf %select_n3A_406, %get3A_1 : vector<16xf32>
      %exp3A_408 = math.exp %sub3A_407 : vector<16xf32>
      %get3A_409 = arith.constant 64 : index
      %get3A_410 = tpu.vector_load %arg35[%get3A_409] {strides = array<i32>} : memref<80xi32, #tpu.memory_space<vmem>>, vector<16xi32>,
      %add3A_411 = vector.broadcast %add3A_290 : i32 to vector<16xi32>
      %add3A_412 = arith.addi %get3A_410, %add3A_411 : vector<16xi32>
      %lt3A_413 = arith.constant 320000 : i32
      %lt3A_414 = vector.broadcast %lt3A_413 : i32 to vector<16xi32>
      %lt3A_415 = arith.cmpi slt, %add3A_412, %lt3A_414 : vector<16xi32>
      %jit3A_416 = arith.constant 0.000000e+00 : f32
      %broadcast_in_dim3A_417 = vector.broadcast %jit3A_416 : f32 to vector<16xf32>
      %select_n3A_418 = arith.select %lt3A_415, %exp3A_408, %broadcast_in_dim3A_417 : vector<16xi1>, vector<16xf32>
      %swap3A_419 = arith.constant 64 : index
      %swap3A_420 = tpu.vector_load %arg27[%swap3A_419] {strides = array<i32>} : memref<80xf32, #tpu.memory_space<vmem>>, vector<16xf32>,
      tpu.vector_store %arg27[%swap3A_419], %select_n3A_418 {strides = array<i32>} : memref<80xf32, #tpu.memory_space<vmem>>, vector<16xf32>,
      %parallel_loop3A_421 = arith.constant 0 : i32
      %parallel_loop3A_422 = arith.constant 80 : i32
      %parallel_loop3A_423 = arith.constant 1 : i32
      scf.for %parallel_loop3A_763 = %parallel_loop3A_421 to %parallel_loop3A_422 step %parallel_loop3A_423  : i32 {
        %parallel_loop3A_764 = vector.broadcast %parallel_loop3A_763 : i32 to vector<16xi32>
        %parallel_loop3A_765 = tpu.vector_load_idx %arg27[%parallel_loop3A_764] : memref<80xf32, #tpu.memory_space<vmem>>[vector<16xi32>], vector<16xf32>,
        %parallel_loop3A_766 = arith.index_cast %parallel_loop3A_763 : i32 to index
        %parallel_loop3A_767 = arith.constant 0 : index
        %parallel_loop3A_768 = tpu.vector_load %arg31[%parallel_loop3A_766, %parallel_loop3A_767] {strides = array<i32>} : memref<80x64xi32, #tpu.memory_space<vmem>>, vector<16xi32>,
        %parallel_loop3A_769 = arith.constant 16 : i32
        %parallel_loop3A_770 = vector.broadcast %parallel_loop3A_769 : i32 to vector<16xi32>
        %parallel_loop3A_771 = arith.shli %parallel_loop3A_768, %parallel_loop3A_770 : vector<16xi32>
        %parallel_loop3A_772 = tpu.bitcast %parallel_loop3A_771 : vector<16xi32> -> vector<16xf32>
        %parallel_loop3A_773 = arith.constant -65536 : i32
        %parallel_loop3A_774 = vector.broadcast %parallel_loop3A_773 : i32 to vector<16xi32>
        %parallel_loop3A_775 = arith.andi %parallel_loop3A_768, %parallel_loop3A_774 : vector<16xi32>
        %parallel_loop3A_776 = tpu.bitcast %parallel_loop3A_775 : vector<16xi32> -> vector<16xf32>
        %parallel_loop3A_777 = arith.mulf %parallel_loop3A_772, %parallel_loop3A_765 : vector<16xf32>
        %parallel_loop3A_778 = arith.index_cast %parallel_loop3A_763 : i32 to index
        %parallel_loop3A_779 = arith.constant 0 : index
        %parallel_loop3A_780 = tpu.vector_load %arg33[%parallel_loop3A_778, %parallel_loop3A_779] {strides = array<i32>} : memref<80x144xf32, #tpu.memory_space<vmem>>, vector<16xf32>,
        tpu.vector_store %arg33[%parallel_loop3A_778, %parallel_loop3A_779], %parallel_loop3A_777 {strides = array<i32>} : memref<80x144xf32, #tpu.memory_space<vmem>>, vector<16xf32>,
        %parallel_loop3A_781 = arith.mulf %parallel_loop3A_776, %parallel_loop3A_765 : vector<16xf32>
        %parallel_loop3A_782 = arith.index_cast %parallel_loop3A_763 : i32 to index
        %parallel_loop3A_783 = arith.constant 64 : index
        %parallel_loop3A_784 = tpu.vector_load %arg33[%parallel_loop3A_782, %parallel_loop3A_783] {strides = array<i32>} : memref<80x144xf32, #tpu.memory_space<vmem>>, vector<16xf32>,
        tpu.vector_store %arg33[%parallel_loop3A_782, %parallel_loop3A_783], %parallel_loop3A_781 {strides = array<i32>} : memref<80x144xf32, #tpu.memory_space<vmem>>, vector<16xf32>,
        %parallel_loop3A_785 = arith.index_cast %parallel_loop3A_763 : i32 to index
        %parallel_loop3A_786 = arith.constant 16 : index
        %parallel_loop3A_787 = tpu.vector_load %arg31[%parallel_loop3A_785, %parallel_loop3A_786] {strides = array<i32>} : memref<80x64xi32, #tpu.memory_space<vmem>>, vector<16xi32>,
        %parallel_loop3A_788 = arith.constant 16 : i32
        %parallel_loop3A_789 = vector.broadcast %parallel_loop3A_788 : i32 to vector<16xi32>
        %parallel_loop3A_790 = arith.shli %parallel_loop3A_787, %parallel_loop3A_789 : vector<16xi32>
        %parallel_loop3A_791 = tpu.bitcast %parallel_loop3A_790 : vector<16xi32> -> vector<16xf32>
        %parallel_loop3A_792 = arith.constant -65536 : i32
        %parallel_loop3A_793 = vector.broadcast %parallel_loop3A_792 : i32 to vector<16xi32>
        %parallel_loop3A_794 = arith.andi %parallel_loop3A_787, %parallel_loop3A_793 : vector<16xi32>
        %parallel_loop3A_795 = tpu.bitcast %parallel_loop3A_794 : vector<16xi32> -> vector<16xf32>
        %parallel_loop3A_796 = arith.mulf %parallel_loop3A_791, %parallel_loop3A_765 : vector<16xf32>
        %parallel_loop3A_797 = arith.index_cast %parallel_loop3A_763 : i32 to index
        %parallel_loop3A_798 = arith.constant 16 : index
        %parallel_loop3A_799 = tpu.vector_load %arg33[%parallel_loop3A_797, %parallel_loop3A_798] {strides = array<i32>} : memref<80x144xf32, #tpu.memory_space<vmem>>, vector<16xf32>,
        tpu.vector_store %arg33[%parallel_loop3A_797, %parallel_loop3A_798], %parallel_loop3A_796 {strides = array<i32>} : memref<80x144xf32, #tpu.memory_space<vmem>>, vector<16xf32>,
        %parallel_loop3A_800 = arith.mulf %parallel_loop3A_795, %parallel_loop3A_765 : vector<16xf32>
        %parallel_loop3A_801 = arith.index_cast %parallel_loop3A_763 : i32 to index
        %parallel_loop3A_802 = arith.constant 80 : index
        %parallel_loop3A_803 = tpu.vector_load %arg33[%parallel_loop3A_801, %parallel_loop3A_802] {strides = array<i32>} : memref<80x144xf32, #tpu.memory_space<vmem>>, vector<16xf32>,
        tpu.vector_store %arg33[%parallel_loop3A_801, %parallel_loop3A_802], %parallel_loop3A_800 {strides = array<i32>} : memref<80x144xf32, #tpu.memory_space<vmem>>, vector<16xf32>,
        %parallel_loop3A_804 = arith.index_cast %parallel_loop3A_763 : i32 to index
        %parallel_loop3A_805 = arith.constant 32 : index
        %parallel_loop3A_806 = tpu.vector_load %arg31[%parallel_loop3A_804, %parallel_loop3A_805] {strides = array<i32>} : memref<80x64xi32, #tpu.memory_space<vmem>>, vector<16xi32>,
        %parallel_loop3A_807 = arith.constant 16 : i32
        %parallel_loop3A_808 = vector.broadcast %parallel_loop3A_807 : i32 to vector<16xi32>
        %parallel_loop3A_809 = arith.shli %parallel_loop3A_806, %parallel_loop3A_808 : vector<16xi32>
        %parallel_loop3A_810 = tpu.bitcast %parallel_loop3A_809 : vector<16xi32> -> vector<16xf32>
        %parallel_loop3A_811 = arith.constant -65536 : i32
        %parallel_loop3A_812 = vector.broadcast %parallel_loop3A_811 : i32 to vector<16xi32>
        %parallel_loop3A_813 = arith.andi %parallel_loop3A_806, %parallel_loop3A_812 : vector<16xi32>
        %parallel_loop3A_814 = tpu.bitcast %parallel_loop3A_813 : vector<16xi32> -> vector<16xf32>
        %parallel_loop3A_815 = arith.mulf %parallel_loop3A_810, %parallel_loop3A_765 : vector<16xf32>
        %parallel_loop3A_816 = arith.index_cast %parallel_loop3A_763 : i32 to index
        %parallel_loop3A_817 = arith.constant 32 : index
        %parallel_loop3A_818 = tpu.vector_load %arg33[%parallel_loop3A_816, %parallel_loop3A_817] {strides = array<i32>} : memref<80x144xf32, #tpu.memory_space<vmem>>, vector<16xf32>,
        tpu.vector_store %arg33[%parallel_loop3A_816, %parallel_loop3A_817], %parallel_loop3A_815 {strides = array<i32>} : memref<80x144xf32, #tpu.memory_space<vmem>>, vector<16xf32>,
        %parallel_loop3A_819 = arith.mulf %parallel_loop3A_814, %parallel_loop3A_765 : vector<16xf32>
        %parallel_loop3A_820 = arith.index_cast %parallel_loop3A_763 : i32 to index
        %parallel_loop3A_821 = arith.constant 96 : index
        %parallel_loop3A_822 = tpu.vector_load %arg33[%parallel_loop3A_820, %parallel_loop3A_821] {strides = array<i32>} : memref<80x144xf32, #tpu.memory_space<vmem>>, vector<16xf32>,
        tpu.vector_store %arg33[%parallel_loop3A_820, %parallel_loop3A_821], %parallel_loop3A_819 {strides = array<i32>} : memref<80x144xf32, #tpu.memory_space<vmem>>, vector<16xf32>,
        %parallel_loop3A_823 = arith.index_cast %parallel_loop3A_763 : i32 to index
        %parallel_loop3A_824 = arith.constant 48 : index
        %parallel_loop3A_825 = tpu.vector_load %arg31[%parallel_loop3A_823, %parallel_loop3A_824] {strides = array<i32>} : memref<80x64xi32, #tpu.memory_space<vmem>>, vector<16xi32>,
        %parallel_loop3A_826 = arith.constant 16 : i32
        %parallel_loop3A_827 = vector.broadcast %parallel_loop3A_826 : i32 to vector<16xi32>
        %parallel_loop3A_828 = arith.shli %parallel_loop3A_825, %parallel_loop3A_827 : vector<16xi32>
        %parallel_loop3A_829 = tpu.bitcast %parallel_loop3A_828 : vector<16xi32> -> vector<16xf32>
        %parallel_loop3A_830 = arith.constant -65536 : i32
        %parallel_loop3A_831 = vector.broadcast %parallel_loop3A_830 : i32 to vector<16xi32>
        %parallel_loop3A_832 = arith.andi %parallel_loop3A_825, %parallel_loop3A_831 : vector<16xi32>
        %parallel_loop3A_833 = tpu.bitcast %parallel_loop3A_832 : vector<16xi32> -> vector<16xf32>
        %parallel_loop3A_834 = arith.mulf %parallel_loop3A_829, %parallel_loop3A_765 : vector<16xf32>
        %parallel_loop3A_835 = arith.index_cast %parallel_loop3A_763 : i32 to index
        %parallel_loop3A_836 = arith.constant 48 : index
        %parallel_loop3A_837 = tpu.vector_load %arg33[%parallel_loop3A_835, %parallel_loop3A_836] {strides = array<i32>} : memref<80x144xf32, #tpu.memory_space<vmem>>, vector<16xf32>,
        tpu.vector_store %arg33[%parallel_loop3A_835, %parallel_loop3A_836], %parallel_loop3A_834 {strides = array<i32>} : memref<80x144xf32, #tpu.memory_space<vmem>>, vector<16xf32>,
        %parallel_loop3A_838 = arith.mulf %parallel_loop3A_833, %parallel_loop3A_765 : vector<16xf32>
        %parallel_loop3A_839 = arith.index_cast %parallel_loop3A_763 : i32 to index
        %parallel_loop3A_840 = arith.constant 112 : index
        %parallel_loop3A_841 = tpu.vector_load %arg33[%parallel_loop3A_839, %parallel_loop3A_840] {strides = array<i32>} : memref<80x144xf32, #tpu.memory_space<vmem>>, vector<16xf32>,
        tpu.vector_store %arg33[%parallel_loop3A_839, %parallel_loop3A_840], %parallel_loop3A_838 {strides = array<i32>} : memref<80x144xf32, #tpu.memory_space<vmem>>, vector<16xf32>,
        %parallel_loop3A_842 = arith.index_cast %parallel_loop3A_763 : i32 to index
        %parallel_loop3A_843 = arith.constant 128 : index
        %parallel_loop3A_844 = tpu.vector_load %arg33[%parallel_loop3A_842, %parallel_loop3A_843] {strides = array<i32>} : memref<80x144xf32, #tpu.memory_space<vmem>>, vector<16xf32>,
        tpu.vector_store %arg33[%parallel_loop3A_842, %parallel_loop3A_843], %parallel_loop3A_765 {strides = array<i32>} : memref<80x144xf32, #tpu.memory_space<vmem>>, vector<16xf32>,
      } {sc.loop_unroll_factor = 4 : i64, sc.parallel_access}
      %dma_start3A_424 = arith.constant 0 : i32
      %dma_start3A_425 = arith.constant 0 : i32
      %dma_start3A_426 = tpu.memref_slice %arg36[%dma_start3A_424, %dma_start3A_425] : memref<10000x144xf32, #tpu.memory_space<vmem_shared>> -> memref<10000x144xf32, #tpu.memory_space<vmem_shared>>
      tpu.enqueue_indirect_dma source(%arg33 : memref<80x144xf32, #tpu.memory_space<vmem>>) target(%dma_start3A_426 : memref<10000x144xf32, #tpu.memory_space<vmem_shared>>) offsets(%arg11 : memref<80xi32, #tpu.memory_space<vmem>>) semaphore(%arg44 : memref<!tpu.dma_semaphore, #tpu.memory_space<semaphore_mem>>) {add = true}
      %add3A_427 = arith.constant 2 : i32
      %add3A_428 = arith.addi %mul3A_100, %add3A_427 : i32
      %dma_wait3A_429 = arith.constant 0 : i32
      %dma_wait3A_430 = arith.constant 0 : i32
      %dma_wait3A_431 = tpu.memref_slice %arg2[%dma_wait3A_429, %dma_wait3A_430] : memref<10000x64xi32, #tpu.memory_space<hbm>> -> memref<10000x64xi32, #tpu.memory_space<hbm>>
      tpu.wait_indirect_dma semaphore(%arg41 : memref<!tpu.dma_semaphore, #tpu.memory_space<semaphore_mem>>) src(%dma_wait3A_431 : memref<10000x64xi32, #tpu.memory_space<hbm>>) dst(%arg30 : memref<80x64xi32, #tpu.memory_space<vmem>>)
      %lt3A_432 = arith.constant 127 : i32
      %lt3A_433 = arith.cmpi slt, %add3A_428, %lt3A_432 : i32
      %convert_element_type3A_434 = arith.extui %lt3A_433 : i1 to i32
      %cond3A_435 = arith.constant 0 : i32
      %cond3A_436 = arith.cmpi ne, %convert_element_type3A_434, %cond3A_435 : i32
      scf.if %cond3A_436 {
        %dma_wait3A_763 = arith.constant 0 : i32
        %dma_wait3A_764 = tpu.memref_slice %arg3[%dma_wait3A_763] : memref<327680xi32, #tpu.memory_space<hbm>> -> memref<80xi32, #tpu.memory_space<hbm>>
        %dma_wait3A_765 = arith.constant 0 : i32
        %dma_wait3A_766 = tpu.memref_slice %arg3[%dma_wait3A_765] : memref<327680xi32, #tpu.memory_space<hbm>> -> memref<80xi32, #tpu.memory_space<hbm>>
        tpu.wait_dma2 semaphore(%arg40 : memref<!tpu.dma_semaphore, #tpu.memory_space<semaphore_mem>>) src(%dma_wait3A_766 : memref<80xi32, #tpu.memory_space<hbm>>) dst(%arg13 : memref<80xi32, #tpu.memory_space<vmem>>)
        %dma_wait3A_767 = arith.constant 0 : i32
        %dma_wait3A_768 = tpu.memref_slice %arg4[%dma_wait3A_767] : memref<327680xi32, #tpu.memory_space<hbm>> -> memref<80xi32, #tpu.memory_space<hbm>>
        %dma_wait3A_769 = arith.constant 0 : i32
        %dma_wait3A_770 = tpu.memref_slice %arg4[%dma_wait3A_769] : memref<327680xi32, #tpu.memory_space<hbm>> -> memref<80xi32, #tpu.memory_space<hbm>>
        tpu.wait_dma2 semaphore(%arg40 : memref<!tpu.dma_semaphore, #tpu.memory_space<semaphore_mem>>) src(%dma_wait3A_770 : memref<80xi32, #tpu.memory_space<hbm>>) dst(%arg17 : memref<80xi32, #tpu.memory_space<vmem>>)
        %dma_start3A_771 = arith.constant 0 : i32
        %dma_start3A_772 = tpu.memref_slice %arg5[%dma_start3A_771] : memref<10000xf32, #tpu.memory_space<hbm>> -> memref<10000xf32, #tpu.memory_space<hbm>>
        tpu.enqueue_indirect_dma source(%dma_start3A_772 : memref<10000xf32, #tpu.memory_space<hbm>>) target(%arg21 : memref<80xf32, #tpu.memory_space<vmem>>) offsets(%arg13 : memref<80xi32, #tpu.memory_space<vmem>>) semaphore(%arg40 : memref<!tpu.dma_semaphore, #tpu.memory_space<semaphore_mem>>)
        %dma_start3A_773 = arith.constant 0 : i32
        %dma_start3A_774 = tpu.memref_slice %arg6[%dma_start3A_773] : memref<10000xf32, #tpu.memory_space<hbm>> -> memref<10000xf32, #tpu.memory_space<hbm>>
        tpu.enqueue_indirect_dma source(%dma_start3A_774 : memref<10000xf32, #tpu.memory_space<hbm>>) target(%arg25 : memref<80xf32, #tpu.memory_space<vmem>>) offsets(%arg17 : memref<80xi32, #tpu.memory_space<vmem>>) semaphore(%arg40 : memref<!tpu.dma_semaphore, #tpu.memory_space<semaphore_mem>>)
      } else {
      }
      %gt3A_437 = arith.constant 0 : i32
      %gt3A_438 = arith.cmpi sgt, %add3A_428, %gt3A_437 : i32
      %convert_element_type3A_439 = arith.extui %gt3A_438 : i1 to i32
      %cond3A_440 = arith.constant 0 : i32
      %cond3A_441 = arith.cmpi ne, %convert_element_type3A_439, %cond3A_440 : i32
      scf.if %cond3A_441 {
        %dma_wait3A_763 = arith.constant 0 : i32
        %dma_wait3A_764 = arith.constant 0 : i32
        %dma_wait3A_765 = tpu.memref_slice %arg36[%dma_wait3A_763, %dma_wait3A_764] : memref<10000x144xf32, #tpu.memory_space<vmem_shared>> -> memref<10000x144xf32, #tpu.memory_space<vmem_shared>>
        tpu.wait_indirect_dma semaphore(%arg44 : memref<!tpu.dma_semaphore, #tpu.memory_space<semaphore_mem>>) src(%arg33 : memref<80x144xf32, #tpu.memory_space<vmem>>) dst(%dma_wait3A_765 : memref<10000x144xf32, #tpu.memory_space<vmem_shared>>)
      } else {
      }
      %lt3A_442 = arith.constant 127 : i32
      %lt3A_443 = arith.cmpi slt, %add3A_428, %lt3A_442 : i32
      %convert_element_type3A_444 = arith.extui %lt3A_443 : i1 to i32
      %cond3A_445 = arith.constant 0 : i32
      %cond3A_446 = arith.cmpi ne, %convert_element_type3A_444, %cond3A_445 : i32
      scf.if %cond3A_446 {
        %dma_start3A_763 = arith.constant 0 : i32
        %dma_start3A_764 = arith.constant 0 : i32
        %dma_start3A_765 = tpu.memref_slice %arg2[%dma_start3A_763, %dma_start3A_764] : memref<10000x64xi32, #tpu.memory_space<hbm>> -> memref<10000x64xi32, #tpu.memory_space<hbm>>
        tpu.enqueue_indirect_dma source(%dma_start3A_765 : memref<10000x64xi32, #tpu.memory_space<hbm>>) target(%arg31 : memref<80x64xi32, #tpu.memory_space<vmem>>) offsets(%arg17 : memref<80xi32, #tpu.memory_space<vmem>>) semaphore(%arg42 : memref<!tpu.dma_semaphore, #tpu.memory_space<semaphore_mem>>)
      } else {
      }
      %lt3A_447 = arith.constant 126 : i32
      %lt3A_448 = arith.cmpi slt, %add3A_428, %lt3A_447 : i32
      %convert_element_type3A_449 = arith.extui %lt3A_448 : i1 to i32
      %cond3A_450 = arith.constant 0 : i32
      %cond3A_451 = arith.cmpi ne, %convert_element_type3A_449, %cond3A_450 : i32
      scf.if %cond3A_451 {
        %add3A_763 = arith.constant 2 : i32
        %add3A_764 = arith.addi %add3A_428, %add3A_763 : i32
        %mul3A_765 = arith.constant 80 : i32
        %mul3A_766 = arith.muli %add3A_764, %mul3A_765 : i32
        %add3A_767 = arith.addi %mul3A_60, %mul3A_766 : i32
        %dma_start3A_768 = tpu.memref_slice %arg3[%add3A_767] : memref<327680xi32, #tpu.memory_space<hbm>> -> memref<80xi32, #tpu.memory_space<hbm>>
        %dma_start3A_769 = tpu.memref_slice %arg3[%add3A_767] : memref<327680xi32, #tpu.memory_space<hbm>> -> memref<80xi32, #tpu.memory_space<hbm>>
        tpu.enqueue_dma source(%dma_start3A_769 : memref<80xi32, #tpu.memory_space<hbm>>) target(%arg10 : memref<80xi32, #tpu.memory_space<vmem>>) target_semaphore(%arg37 : memref<!tpu.dma_semaphore, #tpu.memory_space<semaphore_mem>>)
        %dma_start3A_770 = tpu.memref_slice %arg4[%add3A_767] : memref<327680xi32, #tpu.memory_space<hbm>> -> memref<80xi32, #tpu.memory_space<hbm>>
        %dma_start3A_771 = tpu.memref_slice %arg4[%add3A_767] : memref<327680xi32, #tpu.memory_space<hbm>> -> memref<80xi32, #tpu.memory_space<hbm>>
        tpu.enqueue_dma source(%dma_start3A_771 : memref<80xi32, #tpu.memory_space<hbm>>) target(%arg14 : memref<80xi32, #tpu.memory_space<vmem>>) target_semaphore(%arg37 : memref<!tpu.dma_semaphore, #tpu.memory_space<semaphore_mem>>)
      } else {
      }
      %dma_wait3A_452 = arith.constant 0 : i32
      %dma_wait3A_453 = tpu.memref_slice %arg5[%dma_wait3A_452] : memref<10000xf32, #tpu.memory_space<hbm>> -> memref<10000xf32, #tpu.memory_space<hbm>>
      tpu.wait_indirect_dma semaphore(%arg39 : memref<!tpu.dma_semaphore, #tpu.memory_space<semaphore_mem>>) src(%dma_wait3A_453 : memref<10000xf32, #tpu.memory_space<hbm>>) dst(%arg20 : memref<80xf32, #tpu.memory_space<vmem>>)
      %dma_wait3A_454 = arith.constant 0 : i32
      %dma_wait3A_455 = tpu.memref_slice %arg6[%dma_wait3A_454] : memref<10000xf32, #tpu.memory_space<hbm>> -> memref<10000xf32, #tpu.memory_space<hbm>>
      tpu.wait_indirect_dma semaphore(%arg39 : memref<!tpu.dma_semaphore, #tpu.memory_space<semaphore_mem>>) src(%dma_wait3A_455 : memref<10000xf32, #tpu.memory_space<hbm>>) dst(%arg24 : memref<80xf32, #tpu.memory_space<vmem>>)
      %mul3A_456 = arith.constant 80 : i32
      %mul3A_457 = arith.muli %add3A_428, %mul3A_456 : i32
      %add3A_458 = arith.addi %mul3A_60, %mul3A_457 : i32
      %get3A_459 = arith.constant 0 : index
      %get3A_460 = tpu.vector_load %arg20[%get3A_459] {strides = array<i32>} : memref<80xf32, #tpu.memory_space<vmem>>, vector<16xf32>,
      %get3A_461 = arith.constant 0 : index
      %get3A_462 = tpu.vector_load %arg24[%get3A_461] {strides = array<i32>} : memref<80xf32, #tpu.memory_space<vmem>>, vector<16xf32>,
      %add3A_463 = arith.addf %get3A_460, %get3A_462 : vector<16xf32>
      %ge3A_464 = arith.constant 0.000000e+00 : f32
      %ge3A_465 = vector.broadcast %ge3A_464 : f32 to vector<16xf32>
      %ge3A_466 = arith.cmpf oge, %add3A_463, %ge3A_465 : vector<16xf32>
      %mul3A_467 = arith.constant 2.000000e-01 : f32
      %mul3A_468 = vector.broadcast %mul3A_467 : f32 to vector<16xf32>
      %mul3A_469 = arith.mulf %mul3A_468, %add3A_463 : vector<16xf32>
      %select_n3A_470 = arith.select %ge3A_466, %add3A_463, %mul3A_469 : vector<16xi1>, vector<16xf32>
      %sub3A_471 = arith.subf %select_n3A_470, %get3A_1 : vector<16xf32>
      %exp3A_472 = math.exp %sub3A_471 : vector<16xf32>
      %get3A_473 = arith.constant 0 : index
      %get3A_474 = tpu.vector_load %arg35[%get3A_473] {strides = array<i32>} : memref<80xi32, #tpu.memory_space<vmem>>, vector<16xi32>,
      %add3A_475 = vector.broadcast %add3A_458 : i32 to vector<16xi32>
      %add3A_476 = arith.addi %get3A_474, %add3A_475 : vector<16xi32>
      %lt3A_477 = arith.constant 320000 : i32
      %lt3A_478 = vector.broadcast %lt3A_477 : i32 to vector<16xi32>
      %lt3A_479 = arith.cmpi slt, %add3A_476, %lt3A_478 : vector<16xi32>
      %jit3A_480 = arith.constant 0.000000e+00 : f32
      %broadcast_in_dim3A_481 = vector.broadcast %jit3A_480 : f32 to vector<16xf32>
      %select_n3A_482 = arith.select %lt3A_479, %exp3A_472, %broadcast_in_dim3A_481 : vector<16xi1>, vector<16xf32>
      %swap3A_483 = arith.constant 0 : index
      %swap3A_484 = tpu.vector_load %arg28[%swap3A_483] {strides = array<i32>} : memref<80xf32, #tpu.memory_space<vmem>>, vector<16xf32>,
      tpu.vector_store %arg28[%swap3A_483], %select_n3A_482 {strides = array<i32>} : memref<80xf32, #tpu.memory_space<vmem>>, vector<16xf32>,
      %get3A_485 = arith.constant 16 : index
      %get3A_486 = tpu.vector_load %arg20[%get3A_485] {strides = array<i32>} : memref<80xf32, #tpu.memory_space<vmem>>, vector<16xf32>,
      %get3A_487 = arith.constant 16 : index
      %get3A_488 = tpu.vector_load %arg24[%get3A_487] {strides = array<i32>} : memref<80xf32, #tpu.memory_space<vmem>>, vector<16xf32>,
      %add3A_489 = arith.addf %get3A_486, %get3A_488 : vector<16xf32>
      %ge3A_490 = arith.constant 0.000000e+00 : f32
      %ge3A_491 = vector.broadcast %ge3A_490 : f32 to vector<16xf32>
      %ge3A_492 = arith.cmpf oge, %add3A_489, %ge3A_491 : vector<16xf32>
      %mul3A_493 = arith.constant 2.000000e-01 : f32
      %mul3A_494 = vector.broadcast %mul3A_493 : f32 to vector<16xf32>
      %mul3A_495 = arith.mulf %mul3A_494, %add3A_489 : vector<16xf32>
      %select_n3A_496 = arith.select %ge3A_492, %add3A_489, %mul3A_495 : vector<16xi1>, vector<16xf32>
      %sub3A_497 = arith.subf %select_n3A_496, %get3A_1 : vector<16xf32>
      %exp3A_498 = math.exp %sub3A_497 : vector<16xf32>
      %get3A_499 = arith.constant 16 : index
      %get3A_500 = tpu.vector_load %arg35[%get3A_499] {strides = array<i32>} : memref<80xi32, #tpu.memory_space<vmem>>, vector<16xi32>,
      %add3A_501 = vector.broadcast %add3A_458 : i32 to vector<16xi32>
      %add3A_502 = arith.addi %get3A_500, %add3A_501 : vector<16xi32>
      %lt3A_503 = arith.constant 320000 : i32
      %lt3A_504 = vector.broadcast %lt3A_503 : i32 to vector<16xi32>
      %lt3A_505 = arith.cmpi slt, %add3A_502, %lt3A_504 : vector<16xi32>
      %jit3A_506 = arith.constant 0.000000e+00 : f32
      %broadcast_in_dim3A_507 = vector.broadcast %jit3A_506 : f32 to vector<16xf32>
      %select_n3A_508 = arith.select %lt3A_505, %exp3A_498, %broadcast_in_dim3A_507 : vector<16xi1>, vector<16xf32>
      %swap3A_509 = arith.constant 16 : index
      %swap3A_510 = tpu.vector_load %arg28[%swap3A_509] {strides = array<i32>} : memref<80xf32, #tpu.memory_space<vmem>>, vector<16xf32>,
      tpu.vector_store %arg28[%swap3A_509], %select_n3A_508 {strides = array<i32>} : memref<80xf32, #tpu.memory_space<vmem>>, vector<16xf32>,
      %get3A_511 = arith.constant 32 : index
      %get3A_512 = tpu.vector_load %arg20[%get3A_511] {strides = array<i32>} : memref<80xf32, #tpu.memory_space<vmem>>, vector<16xf32>,
      %get3A_513 = arith.constant 32 : index
      %get3A_514 = tpu.vector_load %arg24[%get3A_513] {strides = array<i32>} : memref<80xf32, #tpu.memory_space<vmem>>, vector<16xf32>,
      %add3A_515 = arith.addf %get3A_512, %get3A_514 : vector<16xf32>
      %ge3A_516 = arith.constant 0.000000e+00 : f32
      %ge3A_517 = vector.broadcast %ge3A_516 : f32 to vector<16xf32>
      %ge3A_518 = arith.cmpf oge, %add3A_515, %ge3A_517 : vector<16xf32>
      %mul3A_519 = arith.constant 2.000000e-01 : f32
      %mul3A_520 = vector.broadcast %mul3A_519 : f32 to vector<16xf32>
      %mul3A_521 = arith.mulf %mul3A_520, %add3A_515 : vector<16xf32>
      %select_n3A_522 = arith.select %ge3A_518, %add3A_515, %mul3A_521 : vector<16xi1>, vector<16xf32>
      %sub3A_523 = arith.subf %select_n3A_522, %get3A_1 : vector<16xf32>
      %exp3A_524 = math.exp %sub3A_523 : vector<16xf32>
      %get3A_525 = arith.constant 32 : index
      %get3A_526 = tpu.vector_load %arg35[%get3A_525] {strides = array<i32>} : memref<80xi32, #tpu.memory_space<vmem>>, vector<16xi32>,
      %add3A_527 = vector.broadcast %add3A_458 : i32 to vector<16xi32>
      %add3A_528 = arith.addi %get3A_526, %add3A_527 : vector<16xi32>
      %lt3A_529 = arith.constant 320000 : i32
      %lt3A_530 = vector.broadcast %lt3A_529 : i32 to vector<16xi32>
      %lt3A_531 = arith.cmpi slt, %add3A_528, %lt3A_530 : vector<16xi32>
      %jit3A_532 = arith.constant 0.000000e+00 : f32
      %broadcast_in_dim3A_533 = vector.broadcast %jit3A_532 : f32 to vector<16xf32>
      %select_n3A_534 = arith.select %lt3A_531, %exp3A_524, %broadcast_in_dim3A_533 : vector<16xi1>, vector<16xf32>
      %swap3A_535 = arith.constant 32 : index
      %swap3A_536 = tpu.vector_load %arg28[%swap3A_535] {strides = array<i32>} : memref<80xf32, #tpu.memory_space<vmem>>, vector<16xf32>,
      tpu.vector_store %arg28[%swap3A_535], %select_n3A_534 {strides = array<i32>} : memref<80xf32, #tpu.memory_space<vmem>>, vector<16xf32>,
      %get3A_537 = arith.constant 48 : index
      %get3A_538 = tpu.vector_load %arg20[%get3A_537] {strides = array<i32>} : memref<80xf32, #tpu.memory_space<vmem>>, vector<16xf32>,
      %get3A_539 = arith.constant 48 : index
      %get3A_540 = tpu.vector_load %arg24[%get3A_539] {strides = array<i32>} : memref<80xf32, #tpu.memory_space<vmem>>, vector<16xf32>,
      %add3A_541 = arith.addf %get3A_538, %get3A_540 : vector<16xf32>
      %ge3A_542 = arith.constant 0.000000e+00 : f32
      %ge3A_543 = vector.broadcast %ge3A_542 : f32 to vector<16xf32>
      %ge3A_544 = arith.cmpf oge, %add3A_541, %ge3A_543 : vector<16xf32>
      %mul3A_545 = arith.constant 2.000000e-01 : f32
      %mul3A_546 = vector.broadcast %mul3A_545 : f32 to vector<16xf32>
      %mul3A_547 = arith.mulf %mul3A_546, %add3A_541 : vector<16xf32>
      %select_n3A_548 = arith.select %ge3A_544, %add3A_541, %mul3A_547 : vector<16xi1>, vector<16xf32>
      %sub3A_549 = arith.subf %select_n3A_548, %get3A_1 : vector<16xf32>
      %exp3A_550 = math.exp %sub3A_549 : vector<16xf32>
      %get3A_551 = arith.constant 48 : index
      %get3A_552 = tpu.vector_load %arg35[%get3A_551] {strides = array<i32>} : memref<80xi32, #tpu.memory_space<vmem>>, vector<16xi32>,
      %add3A_553 = vector.broadcast %add3A_458 : i32 to vector<16xi32>
      %add3A_554 = arith.addi %get3A_552, %add3A_553 : vector<16xi32>
      %lt3A_555 = arith.constant 320000 : i32
      %lt3A_556 = vector.broadcast %lt3A_555 : i32 to vector<16xi32>
      %lt3A_557 = arith.cmpi slt, %add3A_554, %lt3A_556 : vector<16xi32>
      %jit3A_558 = arith.constant 0.000000e+00 : f32
      %broadcast_in_dim3A_559 = vector.broadcast %jit3A_558 : f32 to vector<16xf32>
      %select_n3A_560 = arith.select %lt3A_557, %exp3A_550, %broadcast_in_dim3A_559 : vector<16xi1>, vector<16xf32>
      %swap3A_561 = arith.constant 48 : index
      %swap3A_562 = tpu.vector_load %arg28[%swap3A_561] {strides = array<i32>} : memref<80xf32, #tpu.memory_space<vmem>>, vector<16xf32>,
      tpu.vector_store %arg28[%swap3A_561], %select_n3A_560 {strides = array<i32>} : memref<80xf32, #tpu.memory_space<vmem>>, vector<16xf32>,
      %get3A_563 = arith.constant 64 : index
      %get3A_564 = tpu.vector_load %arg20[%get3A_563] {strides = array<i32>} : memref<80xf32, #tpu.memory_space<vmem>>, vector<16xf32>,
      %get3A_565 = arith.constant 64 : index
      %get3A_566 = tpu.vector_load %arg24[%get3A_565] {strides = array<i32>} : memref<80xf32, #tpu.memory_space<vmem>>, vector<16xf32>,
      %add3A_567 = arith.addf %get3A_564, %get3A_566 : vector<16xf32>
      %ge3A_568 = arith.constant 0.000000e+00 : f32
      %ge3A_569 = vector.broadcast %ge3A_568 : f32 to vector<16xf32>
      %ge3A_570 = arith.cmpf oge, %add3A_567, %ge3A_569 : vector<16xf32>
      %mul3A_571 = arith.constant 2.000000e-01 : f32
      %mul3A_572 = vector.broadcast %mul3A_571 : f32 to vector<16xf32>
      %mul3A_573 = arith.mulf %mul3A_572, %add3A_567 : vector<16xf32>
      %select_n3A_574 = arith.select %ge3A_570, %add3A_567, %mul3A_573 : vector<16xi1>, vector<16xf32>
      %sub3A_575 = arith.subf %select_n3A_574, %get3A_1 : vector<16xf32>
      %exp3A_576 = math.exp %sub3A_575 : vector<16xf32>
      %get3A_577 = arith.constant 64 : index
      %get3A_578 = tpu.vector_load %arg35[%get3A_577] {strides = array<i32>} : memref<80xi32, #tpu.memory_space<vmem>>, vector<16xi32>,
      %add3A_579 = vector.broadcast %add3A_458 : i32 to vector<16xi32>
      %add3A_580 = arith.addi %get3A_578, %add3A_579 : vector<16xi32>
      %lt3A_581 = arith.constant 320000 : i32
      %lt3A_582 = vector.broadcast %lt3A_581 : i32 to vector<16xi32>
      %lt3A_583 = arith.cmpi slt, %add3A_580, %lt3A_582 : vector<16xi32>
      %jit3A_584 = arith.constant 0.000000e+00 : f32
      %broadcast_in_dim3A_585 = vector.broadcast %jit3A_584 : f32 to vector<16xf32>
      %select_n3A_586 = arith.select %lt3A_583, %exp3A_576, %broadcast_in_dim3A_585 : vector<16xi1>, vector<16xf32>
      %swap3A_587 = arith.constant 64 : index
      %swap3A_588 = tpu.vector_load %arg28[%swap3A_587] {strides = array<i32>} : memref<80xf32, #tpu.memory_space<vmem>>, vector<16xf32>,
      tpu.vector_store %arg28[%swap3A_587], %select_n3A_586 {strides = array<i32>} : memref<80xf32, #tpu.memory_space<vmem>>, vector<16xf32>,
      %parallel_loop3A_589 = arith.constant 0 : i32
      %parallel_loop3A_590 = arith.constant 80 : i32
      %parallel_loop3A_591 = arith.constant 1 : i32
      scf.for %parallel_loop3A_763 = %parallel_loop3A_589 to %parallel_loop3A_590 step %parallel_loop3A_591  : i32 {
        %parallel_loop3A_764 = vector.broadcast %parallel_loop3A_763 : i32 to vector<16xi32>
        %parallel_loop3A_765 = tpu.vector_load_idx %arg28[%parallel_loop3A_764] : memref<80xf32, #tpu.memory_space<vmem>>[vector<16xi32>], vector<16xf32>,
        %parallel_loop3A_766 = arith.index_cast %parallel_loop3A_763 : i32 to index
        %parallel_loop3A_767 = arith.constant 0 : index
        %parallel_loop3A_768 = tpu.vector_load %arg30[%parallel_loop3A_766, %parallel_loop3A_767] {strides = array<i32>} : memref<80x64xi32, #tpu.memory_space<vmem>>, vector<16xi32>,
        %parallel_loop3A_769 = arith.constant 16 : i32
        %parallel_loop3A_770 = vector.broadcast %parallel_loop3A_769 : i32 to vector<16xi32>
        %parallel_loop3A_771 = arith.shli %parallel_loop3A_768, %parallel_loop3A_770 : vector<16xi32>
        %parallel_loop3A_772 = tpu.bitcast %parallel_loop3A_771 : vector<16xi32> -> vector<16xf32>
        %parallel_loop3A_773 = arith.constant -65536 : i32
        %parallel_loop3A_774 = vector.broadcast %parallel_loop3A_773 : i32 to vector<16xi32>
        %parallel_loop3A_775 = arith.andi %parallel_loop3A_768, %parallel_loop3A_774 : vector<16xi32>
        %parallel_loop3A_776 = tpu.bitcast %parallel_loop3A_775 : vector<16xi32> -> vector<16xf32>
        %parallel_loop3A_777 = arith.mulf %parallel_loop3A_772, %parallel_loop3A_765 : vector<16xf32>
        %parallel_loop3A_778 = arith.index_cast %parallel_loop3A_763 : i32 to index
        %parallel_loop3A_779 = arith.constant 0 : index
        %parallel_loop3A_780 = tpu.vector_load %arg32[%parallel_loop3A_778, %parallel_loop3A_779] {strides = array<i32>} : memref<80x144xf32, #tpu.memory_space<vmem>>, vector<16xf32>,
        tpu.vector_store %arg32[%parallel_loop3A_778, %parallel_loop3A_779], %parallel_loop3A_777 {strides = array<i32>} : memref<80x144xf32, #tpu.memory_space<vmem>>, vector<16xf32>,
        %parallel_loop3A_781 = arith.mulf %parallel_loop3A_776, %parallel_loop3A_765 : vector<16xf32>
        %parallel_loop3A_782 = arith.index_cast %parallel_loop3A_763 : i32 to index
        %parallel_loop3A_783 = arith.constant 64 : index
        %parallel_loop3A_784 = tpu.vector_load %arg32[%parallel_loop3A_782, %parallel_loop3A_783] {strides = array<i32>} : memref<80x144xf32, #tpu.memory_space<vmem>>, vector<16xf32>,
        tpu.vector_store %arg32[%parallel_loop3A_782, %parallel_loop3A_783], %parallel_loop3A_781 {strides = array<i32>} : memref<80x144xf32, #tpu.memory_space<vmem>>, vector<16xf32>,
        %parallel_loop3A_785 = arith.index_cast %parallel_loop3A_763 : i32 to index
        %parallel_loop3A_786 = arith.constant 16 : index
        %parallel_loop3A_787 = tpu.vector_load %arg30[%parallel_loop3A_785, %parallel_loop3A_786] {strides = array<i32>} : memref<80x64xi32, #tpu.memory_space<vmem>>, vector<16xi32>,
        %parallel_loop3A_788 = arith.constant 16 : i32
        %parallel_loop3A_789 = vector.broadcast %parallel_loop3A_788 : i32 to vector<16xi32>
        %parallel_loop3A_790 = arith.shli %parallel_loop3A_787, %parallel_loop3A_789 : vector<16xi32>
        %parallel_loop3A_791 = tpu.bitcast %parallel_loop3A_790 : vector<16xi32> -> vector<16xf32>
        %parallel_loop3A_792 = arith.constant -65536 : i32
        %parallel_loop3A_793 = vector.broadcast %parallel_loop3A_792 : i32 to vector<16xi32>
        %parallel_loop3A_794 = arith.andi %parallel_loop3A_787, %parallel_loop3A_793 : vector<16xi32>
        %parallel_loop3A_795 = tpu.bitcast %parallel_loop3A_794 : vector<16xi32> -> vector<16xf32>
        %parallel_loop3A_796 = arith.mulf %parallel_loop3A_791, %parallel_loop3A_765 : vector<16xf32>
        %parallel_loop3A_797 = arith.index_cast %parallel_loop3A_763 : i32 to index
        %parallel_loop3A_798 = arith.constant 16 : index
        %parallel_loop3A_799 = tpu.vector_load %arg32[%parallel_loop3A_797, %parallel_loop3A_798] {strides = array<i32>} : memref<80x144xf32, #tpu.memory_space<vmem>>, vector<16xf32>,
        tpu.vector_store %arg32[%parallel_loop3A_797, %parallel_loop3A_798], %parallel_loop3A_796 {strides = array<i32>} : memref<80x144xf32, #tpu.memory_space<vmem>>, vector<16xf32>,
        %parallel_loop3A_800 = arith.mulf %parallel_loop3A_795, %parallel_loop3A_765 : vector<16xf32>
        %parallel_loop3A_801 = arith.index_cast %parallel_loop3A_763 : i32 to index
        %parallel_loop3A_802 = arith.constant 80 : index
        %parallel_loop3A_803 = tpu.vector_load %arg32[%parallel_loop3A_801, %parallel_loop3A_802] {strides = array<i32>} : memref<80x144xf32, #tpu.memory_space<vmem>>, vector<16xf32>,
        tpu.vector_store %arg32[%parallel_loop3A_801, %parallel_loop3A_802], %parallel_loop3A_800 {strides = array<i32>} : memref<80x144xf32, #tpu.memory_space<vmem>>, vector<16xf32>,
        %parallel_loop3A_804 = arith.index_cast %parallel_loop3A_763 : i32 to index
        %parallel_loop3A_805 = arith.constant 32 : index
        %parallel_loop3A_806 = tpu.vector_load %arg30[%parallel_loop3A_804, %parallel_loop3A_805] {strides = array<i32>} : memref<80x64xi32, #tpu.memory_space<vmem>>, vector<16xi32>,
        %parallel_loop3A_807 = arith.constant 16 : i32
        %parallel_loop3A_808 = vector.broadcast %parallel_loop3A_807 : i32 to vector<16xi32>
        %parallel_loop3A_809 = arith.shli %parallel_loop3A_806, %parallel_loop3A_808 : vector<16xi32>
        %parallel_loop3A_810 = tpu.bitcast %parallel_loop3A_809 : vector<16xi32> -> vector<16xf32>
        %parallel_loop3A_811 = arith.constant -65536 : i32
        %parallel_loop3A_812 = vector.broadcast %parallel_loop3A_811 : i32 to vector<16xi32>
        %parallel_loop3A_813 = arith.andi %parallel_loop3A_806, %parallel_loop3A_812 : vector<16xi32>
        %parallel_loop3A_814 = tpu.bitcast %parallel_loop3A_813 : vector<16xi32> -> vector<16xf32>
        %parallel_loop3A_815 = arith.mulf %parallel_loop3A_810, %parallel_loop3A_765 : vector<16xf32>
        %parallel_loop3A_816 = arith.index_cast %parallel_loop3A_763 : i32 to index
        %parallel_loop3A_817 = arith.constant 32 : index
        %parallel_loop3A_818 = tpu.vector_load %arg32[%parallel_loop3A_816, %parallel_loop3A_817] {strides = array<i32>} : memref<80x144xf32, #tpu.memory_space<vmem>>, vector<16xf32>,
        tpu.vector_store %arg32[%parallel_loop3A_816, %parallel_loop3A_817], %parallel_loop3A_815 {strides = array<i32>} : memref<80x144xf32, #tpu.memory_space<vmem>>, vector<16xf32>,
        %parallel_loop3A_819 = arith.mulf %parallel_loop3A_814, %parallel_loop3A_765 : vector<16xf32>
        %parallel_loop3A_820 = arith.index_cast %parallel_loop3A_763 : i32 to index
        %parallel_loop3A_821 = arith.constant 96 : index
        %parallel_loop3A_822 = tpu.vector_load %arg32[%parallel_loop3A_820, %parallel_loop3A_821] {strides = array<i32>} : memref<80x144xf32, #tpu.memory_space<vmem>>, vector<16xf32>,
        tpu.vector_store %arg32[%parallel_loop3A_820, %parallel_loop3A_821], %parallel_loop3A_819 {strides = array<i32>} : memref<80x144xf32, #tpu.memory_space<vmem>>, vector<16xf32>,
        %parallel_loop3A_823 = arith.index_cast %parallel_loop3A_763 : i32 to index
        %parallel_loop3A_824 = arith.constant 48 : index
        %parallel_loop3A_825 = tpu.vector_load %arg30[%parallel_loop3A_823, %parallel_loop3A_824] {strides = array<i32>} : memref<80x64xi32, #tpu.memory_space<vmem>>, vector<16xi32>,
        %parallel_loop3A_826 = arith.constant 16 : i32
        %parallel_loop3A_827 = vector.broadcast %parallel_loop3A_826 : i32 to vector<16xi32>
        %parallel_loop3A_828 = arith.shli %parallel_loop3A_825, %parallel_loop3A_827 : vector<16xi32>
        %parallel_loop3A_829 = tpu.bitcast %parallel_loop3A_828 : vector<16xi32> -> vector<16xf32>
        %parallel_loop3A_830 = arith.constant -65536 : i32
        %parallel_loop3A_831 = vector.broadcast %parallel_loop3A_830 : i32 to vector<16xi32>
        %parallel_loop3A_832 = arith.andi %parallel_loop3A_825, %parallel_loop3A_831 : vector<16xi32>
        %parallel_loop3A_833 = tpu.bitcast %parallel_loop3A_832 : vector<16xi32> -> vector<16xf32>
        %parallel_loop3A_834 = arith.mulf %parallel_loop3A_829, %parallel_loop3A_765 : vector<16xf32>
        %parallel_loop3A_835 = arith.index_cast %parallel_loop3A_763 : i32 to index
        %parallel_loop3A_836 = arith.constant 48 : index
        %parallel_loop3A_837 = tpu.vector_load %arg32[%parallel_loop3A_835, %parallel_loop3A_836] {strides = array<i32>} : memref<80x144xf32, #tpu.memory_space<vmem>>, vector<16xf32>,
        tpu.vector_store %arg32[%parallel_loop3A_835, %parallel_loop3A_836], %parallel_loop3A_834 {strides = array<i32>} : memref<80x144xf32, #tpu.memory_space<vmem>>, vector<16xf32>,
        %parallel_loop3A_838 = arith.mulf %parallel_loop3A_833, %parallel_loop3A_765 : vector<16xf32>
        %parallel_loop3A_839 = arith.index_cast %parallel_loop3A_763 : i32 to index
        %parallel_loop3A_840 = arith.constant 112 : index
        %parallel_loop3A_841 = tpu.vector_load %arg32[%parallel_loop3A_839, %parallel_loop3A_840] {strides = array<i32>} : memref<80x144xf32, #tpu.memory_space<vmem>>, vector<16xf32>,
        tpu.vector_store %arg32[%parallel_loop3A_839, %parallel_loop3A_840], %parallel_loop3A_838 {strides = array<i32>} : memref<80x144xf32, #tpu.memory_space<vmem>>, vector<16xf32>,
        %parallel_loop3A_842 = arith.index_cast %parallel_loop3A_763 : i32 to index
        %parallel_loop3A_843 = arith.constant 128 : index
        %parallel_loop3A_844 = tpu.vector_load %arg32[%parallel_loop3A_842, %parallel_loop3A_843] {strides = array<i32>} : memref<80x144xf32, #tpu.memory_space<vmem>>, vector<16xf32>,
        tpu.vector_store %arg32[%parallel_loop3A_842, %parallel_loop3A_843], %parallel_loop3A_765 {strides = array<i32>} : memref<80x144xf32, #tpu.memory_space<vmem>>, vector<16xf32>,
      } {sc.loop_unroll_factor = 4 : i64, sc.parallel_access}
      %dma_start3A_592 = arith.constant 0 : i32
      %dma_start3A_593 = arith.constant 0 : i32
      %dma_start3A_594 = tpu.memref_slice %arg36[%dma_start3A_592, %dma_start3A_593] : memref<10000x144xf32, #tpu.memory_space<vmem_shared>> -> memref<10000x144xf32, #tpu.memory_space<vmem_shared>>
      tpu.enqueue_indirect_dma source(%arg32 : memref<80x144xf32, #tpu.memory_space<vmem>>) target(%dma_start3A_594 : memref<10000x144xf32, #tpu.memory_space<vmem_shared>>) offsets(%arg12 : memref<80xi32, #tpu.memory_space<vmem>>) semaphore(%arg43 : memref<!tpu.dma_semaphore, #tpu.memory_space<semaphore_mem>>) {add = true}
      %add3A_595 = arith.constant 3 : i32
      %add3A_596 = arith.addi %mul3A_100, %add3A_595 : i32
      %dma_wait3A_597 = arith.constant 0 : i32
      %dma_wait3A_598 = arith.constant 0 : i32
      %dma_wait3A_599 = tpu.memref_slice %arg2[%dma_wait3A_597, %dma_wait3A_598] : memref<10000x64xi32, #tpu.memory_space<hbm>> -> memref<10000x64xi32, #tpu.memory_space<hbm>>
      tpu.wait_indirect_dma semaphore(%arg42 : memref<!tpu.dma_semaphore, #tpu.memory_space<semaphore_mem>>) src(%dma_wait3A_599 : memref<10000x64xi32, #tpu.memory_space<hbm>>) dst(%arg31 : memref<80x64xi32, #tpu.memory_space<vmem>>)
      %lt3A_600 = arith.constant 127 : i32
      %lt3A_601 = arith.cmpi slt, %add3A_596, %lt3A_600 : i32
      %convert_element_type3A_602 = arith.extui %lt3A_601 : i1 to i32
      %cond3A_603 = arith.constant 0 : i32
      %cond3A_604 = arith.cmpi ne, %convert_element_type3A_602, %cond3A_603 : i32
      scf.if %cond3A_604 {
        %dma_wait3A_763 = arith.constant 0 : i32
        %dma_wait3A_764 = tpu.memref_slice %arg3[%dma_wait3A_763] : memref<327680xi32, #tpu.memory_space<hbm>> -> memref<80xi32, #tpu.memory_space<hbm>>
        %dma_wait3A_765 = arith.constant 0 : i32
        %dma_wait3A_766 = tpu.memref_slice %arg3[%dma_wait3A_765] : memref<327680xi32, #tpu.memory_space<hbm>> -> memref<80xi32, #tpu.memory_space<hbm>>
        tpu.wait_dma2 semaphore(%arg37 : memref<!tpu.dma_semaphore, #tpu.memory_space<semaphore_mem>>) src(%dma_wait3A_766 : memref<80xi32, #tpu.memory_space<hbm>>) dst(%arg10 : memref<80xi32, #tpu.memory_space<vmem>>)
        %dma_wait3A_767 = arith.constant 0 : i32
        %dma_wait3A_768 = tpu.memref_slice %arg4[%dma_wait3A_767] : memref<327680xi32, #tpu.memory_space<hbm>> -> memref<80xi32, #tpu.memory_space<hbm>>
        %dma_wait3A_769 = arith.constant 0 : i32
        %dma_wait3A_770 = tpu.memref_slice %arg4[%dma_wait3A_769] : memref<327680xi32, #tpu.memory_space<hbm>> -> memref<80xi32, #tpu.memory_space<hbm>>
        tpu.wait_dma2 semaphore(%arg37 : memref<!tpu.dma_semaphore, #tpu.memory_space<semaphore_mem>>) src(%dma_wait3A_770 : memref<80xi32, #tpu.memory_space<hbm>>) dst(%arg14 : memref<80xi32, #tpu.memory_space<vmem>>)
        %dma_start3A_771 = arith.constant 0 : i32
        %dma_start3A_772 = tpu.memref_slice %arg5[%dma_start3A_771] : memref<10000xf32, #tpu.memory_space<hbm>> -> memref<10000xf32, #tpu.memory_space<hbm>>
        tpu.enqueue_indirect_dma source(%dma_start3A_772 : memref<10000xf32, #tpu.memory_space<hbm>>) target(%arg18 : memref<80xf32, #tpu.memory_space<vmem>>) offsets(%arg10 : memref<80xi32, #tpu.memory_space<vmem>>) semaphore(%arg37 : memref<!tpu.dma_semaphore, #tpu.memory_space<semaphore_mem>>)
        %dma_start3A_773 = arith.constant 0 : i32
        %dma_start3A_774 = tpu.memref_slice %arg6[%dma_start3A_773] : memref<10000xf32, #tpu.memory_space<hbm>> -> memref<10000xf32, #tpu.memory_space<hbm>>
        tpu.enqueue_indirect_dma source(%dma_start3A_774 : memref<10000xf32, #tpu.memory_space<hbm>>) target(%arg22 : memref<80xf32, #tpu.memory_space<vmem>>) offsets(%arg14 : memref<80xi32, #tpu.memory_space<vmem>>) semaphore(%arg37 : memref<!tpu.dma_semaphore, #tpu.memory_space<semaphore_mem>>)
      } else {
      }
      %gt3A_605 = arith.constant 0 : i32
      %gt3A_606 = arith.cmpi sgt, %add3A_596, %gt3A_605 : i32
      %convert_element_type3A_607 = arith.extui %gt3A_606 : i1 to i32
      %cond3A_608 = arith.constant 0 : i32
      %cond3A_609 = arith.cmpi ne, %convert_element_type3A_607, %cond3A_608 : i32
      scf.if %cond3A_609 {
        %dma_wait3A_763 = arith.constant 0 : i32
        %dma_wait3A_764 = arith.constant 0 : i32
        %dma_wait3A_765 = tpu.memref_slice %arg36[%dma_wait3A_763, %dma_wait3A_764] : memref<10000x144xf32, #tpu.memory_space<vmem_shared>> -> memref<10000x144xf32, #tpu.memory_space<vmem_shared>>
        tpu.wait_indirect_dma semaphore(%arg43 : memref<!tpu.dma_semaphore, #tpu.memory_space<semaphore_mem>>) src(%arg32 : memref<80x144xf32, #tpu.memory_space<vmem>>) dst(%dma_wait3A_765 : memref<10000x144xf32, #tpu.memory_space<vmem_shared>>)
      } else {
      }
      %lt3A_610 = arith.constant 127 : i32
      %lt3A_611 = arith.cmpi slt, %add3A_596, %lt3A_610 : i32
      %convert_element_type3A_612 = arith.extui %lt3A_611 : i1 to i32
      %cond3A_613 = arith.constant 0 : i32
      %cond3A_614 = arith.cmpi ne, %convert_element_type3A_612, %cond3A_613 : i32
      scf.if %cond3A_614 {
        %dma_start3A_763 = arith.constant 0 : i32
        %dma_start3A_764 = arith.constant 0 : i32
        %dma_start3A_765 = tpu.memref_slice %arg2[%dma_start3A_763, %dma_start3A_764] : memref<10000x64xi32, #tpu.memory_space<hbm>> -> memref<10000x64xi32, #tpu.memory_space<hbm>>
        tpu.enqueue_indirect_dma source(%dma_start3A_765 : memref<10000x64xi32, #tpu.memory_space<hbm>>) target(%arg30 : memref<80x64xi32, #tpu.memory_space<vmem>>) offsets(%arg14 : memref<80xi32, #tpu.memory_space<vmem>>) semaphore(%arg41 : memref<!tpu.dma_semaphore, #tpu.memory_space<semaphore_mem>>)
      } else {
      }
      %lt3A_615 = arith.constant 126 : i32
      %lt3A_616 = arith.cmpi slt, %add3A_596, %lt3A_615 : i32
      %convert_element_type3A_617 = arith.extui %lt3A_616 : i1 to i32
      %cond3A_618 = arith.constant 0 : i32
      %cond3A_619 = arith.cmpi ne, %convert_element_type3A_617, %cond3A_618 : i32
      scf.if %cond3A_619 {
        %add3A_763 = arith.constant 2 : i32
        %add3A_764 = arith.addi %add3A_596, %add3A_763 : i32
        %mul3A_765 = arith.constant 80 : i32
        %mul3A_766 = arith.muli %add3A_764, %mul3A_765 : i32
        %add3A_767 = arith.addi %mul3A_60, %mul3A_766 : i32
        %dma_start3A_768 = tpu.memref_slice %arg3[%add3A_767] : memref<327680xi32, #tpu.memory_space<hbm>> -> memref<80xi32, #tpu.memory_space<hbm>>
        %dma_start3A_769 = tpu.memref_slice %arg3[%add3A_767] : memref<327680xi32, #tpu.memory_space<hbm>> -> memref<80xi32, #tpu.memory_space<hbm>>
        tpu.enqueue_dma source(%dma_start3A_769 : memref<80xi32, #tpu.memory_space<hbm>>) target(%arg11 : memref<80xi32, #tpu.memory_space<vmem>>) target_semaphore(%arg38 : memref<!tpu.dma_semaphore, #tpu.memory_space<semaphore_mem>>)
        %dma_start3A_770 = tpu.memref_slice %arg4[%add3A_767] : memref<327680xi32, #tpu.memory_space<hbm>> -> memref<80xi32, #tpu.memory_space<hbm>>
        %dma_start3A_771 = tpu.memref_slice %arg4[%add3A_767] : memref<327680xi32, #tpu.memory_space<hbm>> -> memref<80xi32, #tpu.memory_space<hbm>>
        tpu.enqueue_dma source(%dma_start3A_771 : memref<80xi32, #tpu.memory_space<hbm>>) target(%arg15 : memref<80xi32, #tpu.memory_space<vmem>>) target_semaphore(%arg38 : memref<!tpu.dma_semaphore, #tpu.memory_space<semaphore_mem>>)
      } else {
      }
      %dma_wait3A_620 = arith.constant 0 : i32
      %dma_wait3A_621 = tpu.memref_slice %arg5[%dma_wait3A_620] : memref<10000xf32, #tpu.memory_space<hbm>> -> memref<10000xf32, #tpu.memory_space<hbm>>
      tpu.wait_indirect_dma semaphore(%arg40 : memref<!tpu.dma_semaphore, #tpu.memory_space<semaphore_mem>>) src(%dma_wait3A_621 : memref<10000xf32, #tpu.memory_space<hbm>>) dst(%arg21 : memref<80xf32, #tpu.memory_space<vmem>>)
      %dma_wait3A_622 = arith.constant 0 : i32
      %dma_wait3A_623 = tpu.memref_slice %arg6[%dma_wait3A_622] : memref<10000xf32, #tpu.memory_space<hbm>> -> memref<10000xf32, #tpu.memory_space<hbm>>
      tpu.wait_indirect_dma semaphore(%arg40 : memref<!tpu.dma_semaphore, #tpu.memory_space<semaphore_mem>>) src(%dma_wait3A_623 : memref<10000xf32, #tpu.memory_space<hbm>>) dst(%arg25 : memref<80xf32, #tpu.memory_space<vmem>>)
      %mul3A_624 = arith.constant 80 : i32
      %mul3A_625 = arith.muli %add3A_596, %mul3A_624 : i32
      %add3A_626 = arith.addi %mul3A_60, %mul3A_625 : i32
      %get3A_627 = arith.constant 0 : index
      %get3A_628 = tpu.vector_load %arg21[%get3A_627] {strides = array<i32>} : memref<80xf32, #tpu.memory_space<vmem>>, vector<16xf32>,
      %get3A_629 = arith.constant 0 : index
      %get3A_630 = tpu.vector_load %arg25[%get3A_629] {strides = array<i32>} : memref<80xf32, #tpu.memory_space<vmem>>, vector<16xf32>,
      %add3A_631 = arith.addf %get3A_628, %get3A_630 : vector<16xf32>
      %ge3A_632 = arith.constant 0.000000e+00 : f32
      %ge3A_633 = vector.broadcast %ge3A_632 : f32 to vector<16xf32>
      %ge3A_634 = arith.cmpf oge, %add3A_631, %ge3A_633 : vector<16xf32>
      %mul3A_635 = arith.constant 2.000000e-01 : f32
      %mul3A_636 = vector.broadcast %mul3A_635 : f32 to vector<16xf32>
      %mul3A_637 = arith.mulf %mul3A_636, %add3A_631 : vector<16xf32>
      %select_n3A_638 = arith.select %ge3A_634, %add3A_631, %mul3A_637 : vector<16xi1>, vector<16xf32>
      %sub3A_639 = arith.subf %select_n3A_638, %get3A_1 : vector<16xf32>
      %exp3A_640 = math.exp %sub3A_639 : vector<16xf32>
      %get3A_641 = arith.constant 0 : index
      %get3A_642 = tpu.vector_load %arg35[%get3A_641] {strides = array<i32>} : memref<80xi32, #tpu.memory_space<vmem>>, vector<16xi32>,
      %add3A_643 = vector.broadcast %add3A_626 : i32 to vector<16xi32>
      %add3A_644 = arith.addi %get3A_642, %add3A_643 : vector<16xi32>
      %lt3A_645 = arith.constant 320000 : i32
      %lt3A_646 = vector.broadcast %lt3A_645 : i32 to vector<16xi32>
      %lt3A_647 = arith.cmpi slt, %add3A_644, %lt3A_646 : vector<16xi32>
      %jit3A_648 = arith.constant 0.000000e+00 : f32
      %broadcast_in_dim3A_649 = vector.broadcast %jit3A_648 : f32 to vector<16xf32>
      %select_n3A_650 = arith.select %lt3A_647, %exp3A_640, %broadcast_in_dim3A_649 : vector<16xi1>, vector<16xf32>
      %swap3A_651 = arith.constant 0 : index
      %swap3A_652 = tpu.vector_load %arg29[%swap3A_651] {strides = array<i32>} : memref<80xf32, #tpu.memory_space<vmem>>, vector<16xf32>,
      tpu.vector_store %arg29[%swap3A_651], %select_n3A_650 {strides = array<i32>} : memref<80xf32, #tpu.memory_space<vmem>>, vector<16xf32>,
      %get3A_653 = arith.constant 16 : index
      %get3A_654 = tpu.vector_load %arg21[%get3A_653] {strides = array<i32>} : memref<80xf32, #tpu.memory_space<vmem>>, vector<16xf32>,
      %get3A_655 = arith.constant 16 : index
      %get3A_656 = tpu.vector_load %arg25[%get3A_655] {strides = array<i32>} : memref<80xf32, #tpu.memory_space<vmem>>, vector<16xf32>,
      %add3A_657 = arith.addf %get3A_654, %get3A_656 : vector<16xf32>
      %ge3A_658 = arith.constant 0.000000e+00 : f32
      %ge3A_659 = vector.broadcast %ge3A_658 : f32 to vector<16xf32>
      %ge3A_660 = arith.cmpf oge, %add3A_657, %ge3A_659 : vector<16xf32>
      %mul3A_661 = arith.constant 2.000000e-01 : f32
      %mul3A_662 = vector.broadcast %mul3A_661 : f32 to vector<16xf32>
      %mul3A_663 = arith.mulf %mul3A_662, %add3A_657 : vector<16xf32>
      %select_n3A_664 = arith.select %ge3A_660, %add3A_657, %mul3A_663 : vector<16xi1>, vector<16xf32>
      %sub3A_665 = arith.subf %select_n3A_664, %get3A_1 : vector<16xf32>
      %exp3A_666 = math.exp %sub3A_665 : vector<16xf32>
      %get3A_667 = arith.constant 16 : index
      %get3A_668 = tpu.vector_load %arg35[%get3A_667] {strides = array<i32>} : memref<80xi32, #tpu.memory_space<vmem>>, vector<16xi32>,
      %add3A_669 = vector.broadcast %add3A_626 : i32 to vector<16xi32>
      %add3A_670 = arith.addi %get3A_668, %add3A_669 : vector<16xi32>
      %lt3A_671 = arith.constant 320000 : i32
      %lt3A_672 = vector.broadcast %lt3A_671 : i32 to vector<16xi32>
      %lt3A_673 = arith.cmpi slt, %add3A_670, %lt3A_672 : vector<16xi32>
      %jit3A_674 = arith.constant 0.000000e+00 : f32
      %broadcast_in_dim3A_675 = vector.broadcast %jit3A_674 : f32 to vector<16xf32>
      %select_n3A_676 = arith.select %lt3A_673, %exp3A_666, %broadcast_in_dim3A_675 : vector<16xi1>, vector<16xf32>
      %swap3A_677 = arith.constant 16 : index
      %swap3A_678 = tpu.vector_load %arg29[%swap3A_677] {strides = array<i32>} : memref<80xf32, #tpu.memory_space<vmem>>, vector<16xf32>,
      tpu.vector_store %arg29[%swap3A_677], %select_n3A_676 {strides = array<i32>} : memref<80xf32, #tpu.memory_space<vmem>>, vector<16xf32>,
      %get3A_679 = arith.constant 32 : index
      %get3A_680 = tpu.vector_load %arg21[%get3A_679] {strides = array<i32>} : memref<80xf32, #tpu.memory_space<vmem>>, vector<16xf32>,
      %get3A_681 = arith.constant 32 : index
      %get3A_682 = tpu.vector_load %arg25[%get3A_681] {strides = array<i32>} : memref<80xf32, #tpu.memory_space<vmem>>, vector<16xf32>,
      %add3A_683 = arith.addf %get3A_680, %get3A_682 : vector<16xf32>
      %ge3A_684 = arith.constant 0.000000e+00 : f32
      %ge3A_685 = vector.broadcast %ge3A_684 : f32 to vector<16xf32>
      %ge3A_686 = arith.cmpf oge, %add3A_683, %ge3A_685 : vector<16xf32>
      %mul3A_687 = arith.constant 2.000000e-01 : f32
      %mul3A_688 = vector.broadcast %mul3A_687 : f32 to vector<16xf32>
      %mul3A_689 = arith.mulf %mul3A_688, %add3A_683 : vector<16xf32>
      %select_n3A_690 = arith.select %ge3A_686, %add3A_683, %mul3A_689 : vector<16xi1>, vector<16xf32>
      %sub3A_691 = arith.subf %select_n3A_690, %get3A_1 : vector<16xf32>
      %exp3A_692 = math.exp %sub3A_691 : vector<16xf32>
      %get3A_693 = arith.constant 32 : index
      %get3A_694 = tpu.vector_load %arg35[%get3A_693] {strides = array<i32>} : memref<80xi32, #tpu.memory_space<vmem>>, vector<16xi32>,
      %add3A_695 = vector.broadcast %add3A_626 : i32 to vector<16xi32>
      %add3A_696 = arith.addi %get3A_694, %add3A_695 : vector<16xi32>
      %lt3A_697 = arith.constant 320000 : i32
      %lt3A_698 = vector.broadcast %lt3A_697 : i32 to vector<16xi32>
      %lt3A_699 = arith.cmpi slt, %add3A_696, %lt3A_698 : vector<16xi32>
      %jit3A_700 = arith.constant 0.000000e+00 : f32
      %broadcast_in_dim3A_701 = vector.broadcast %jit3A_700 : f32 to vector<16xf32>
      %select_n3A_702 = arith.select %lt3A_699, %exp3A_692, %broadcast_in_dim3A_701 : vector<16xi1>, vector<16xf32>
      %swap3A_703 = arith.constant 32 : index
      %swap3A_704 = tpu.vector_load %arg29[%swap3A_703] {strides = array<i32>} : memref<80xf32, #tpu.memory_space<vmem>>, vector<16xf32>,
      tpu.vector_store %arg29[%swap3A_703], %select_n3A_702 {strides = array<i32>} : memref<80xf32, #tpu.memory_space<vmem>>, vector<16xf32>,
      %get3A_705 = arith.constant 48 : index
      %get3A_706 = tpu.vector_load %arg21[%get3A_705] {strides = array<i32>} : memref<80xf32, #tpu.memory_space<vmem>>, vector<16xf32>,
      %get3A_707 = arith.constant 48 : index
      %get3A_708 = tpu.vector_load %arg25[%get3A_707] {strides = array<i32>} : memref<80xf32, #tpu.memory_space<vmem>>, vector<16xf32>,
      %add3A_709 = arith.addf %get3A_706, %get3A_708 : vector<16xf32>
      %ge3A_710 = arith.constant 0.000000e+00 : f32
      %ge3A_711 = vector.broadcast %ge3A_710 : f32 to vector<16xf32>
      %ge3A_712 = arith.cmpf oge, %add3A_709, %ge3A_711 : vector<16xf32>
      %mul3A_713 = arith.constant 2.000000e-01 : f32
      %mul3A_714 = vector.broadcast %mul3A_713 : f32 to vector<16xf32>
      %mul3A_715 = arith.mulf %mul3A_714, %add3A_709 : vector<16xf32>
      %select_n3A_716 = arith.select %ge3A_712, %add3A_709, %mul3A_715 : vector<16xi1>, vector<16xf32>
      %sub3A_717 = arith.subf %select_n3A_716, %get3A_1 : vector<16xf32>
      %exp3A_718 = math.exp %sub3A_717 : vector<16xf32>
      %get3A_719 = arith.constant 48 : index
      %get3A_720 = tpu.vector_load %arg35[%get3A_719] {strides = array<i32>} : memref<80xi32, #tpu.memory_space<vmem>>, vector<16xi32>,
      %add3A_721 = vector.broadcast %add3A_626 : i32 to vector<16xi32>
      %add3A_722 = arith.addi %get3A_720, %add3A_721 : vector<16xi32>
      %lt3A_723 = arith.constant 320000 : i32
      %lt3A_724 = vector.broadcast %lt3A_723 : i32 to vector<16xi32>
      %lt3A_725 = arith.cmpi slt, %add3A_722, %lt3A_724 : vector<16xi32>
      %jit3A_726 = arith.constant 0.000000e+00 : f32
      %broadcast_in_dim3A_727 = vector.broadcast %jit3A_726 : f32 to vector<16xf32>
      %select_n3A_728 = arith.select %lt3A_725, %exp3A_718, %broadcast_in_dim3A_727 : vector<16xi1>, vector<16xf32>
      %swap3A_729 = arith.constant 48 : index
      %swap3A_730 = tpu.vector_load %arg29[%swap3A_729] {strides = array<i32>} : memref<80xf32, #tpu.memory_space<vmem>>, vector<16xf32>,
      tpu.vector_store %arg29[%swap3A_729], %select_n3A_728 {strides = array<i32>} : memref<80xf32, #tpu.memory_space<vmem>>, vector<16xf32>,
      %get3A_731 = arith.constant 64 : index
      %get3A_732 = tpu.vector_load %arg21[%get3A_731] {strides = array<i32>} : memref<80xf32, #tpu.memory_space<vmem>>, vector<16xf32>,
      %get3A_733 = arith.constant 64 : index
      %get3A_734 = tpu.vector_load %arg25[%get3A_733] {strides = array<i32>} : memref<80xf32, #tpu.memory_space<vmem>>, vector<16xf32>,
      %add3A_735 = arith.addf %get3A_732, %get3A_734 : vector<16xf32>
      %ge3A_736 = arith.constant 0.000000e+00 : f32
      %ge3A_737 = vector.broadcast %ge3A_736 : f32 to vector<16xf32>
      %ge3A_738 = arith.cmpf oge, %add3A_735, %ge3A_737 : vector<16xf32>
      %mul3A_739 = arith.constant 2.000000e-01 : f32
      %mul3A_740 = vector.broadcast %mul3A_739 : f32 to vector<16xf32>
      %mul3A_741 = arith.mulf %mul3A_740, %add3A_735 : vector<16xf32>
      %select_n3A_742 = arith.select %ge3A_738, %add3A_735, %mul3A_741 : vector<16xi1>, vector<16xf32>
      %sub3A_743 = arith.subf %select_n3A_742, %get3A_1 : vector<16xf32>
      %exp3A_744 = math.exp %sub3A_743 : vector<16xf32>
      %get3A_745 = arith.constant 64 : index
      %get3A_746 = tpu.vector_load %arg35[%get3A_745] {strides = array<i32>} : memref<80xi32, #tpu.memory_space<vmem>>, vector<16xi32>,
      %add3A_747 = vector.broadcast %add3A_626 : i32 to vector<16xi32>
      %add3A_748 = arith.addi %get3A_746, %add3A_747 : vector<16xi32>
      %lt3A_749 = arith.constant 320000 : i32
      %lt3A_750 = vector.broadcast %lt3A_749 : i32 to vector<16xi32>
      %lt3A_751 = arith.cmpi slt, %add3A_748, %lt3A_750 : vector<16xi32>
      %jit3A_752 = arith.constant 0.000000e+00 : f32
      %broadcast_in_dim3A_753 = vector.broadcast %jit3A_752 : f32 to vector<16xf32>
      %select_n3A_754 = arith.select %lt3A_751, %exp3A_744, %broadcast_in_dim3A_753 : vector<16xi1>, vector<16xf32>
      %swap3A_755 = arith.constant 64 : index
      %swap3A_756 = tpu.vector_load %arg29[%swap3A_755] {strides = array<i32>} : memref<80xf32, #tpu.memory_space<vmem>>, vector<16xf32>,
      tpu.vector_store %arg29[%swap3A_755], %select_n3A_754 {strides = array<i32>} : memref<80xf32, #tpu.memory_space<vmem>>, vector<16xf32>,
      %parallel_loop3A_757 = arith.constant 0 : i32
      %parallel_loop3A_758 = arith.constant 80 : i32
      %parallel_loop3A_759 = arith.constant 1 : i32
      scf.for %parallel_loop3A_763 = %parallel_loop3A_757 to %parallel_loop3A_758 step %parallel_loop3A_759  : i32 {
        %parallel_loop3A_764 = vector.broadcast %parallel_loop3A_763 : i32 to vector<16xi32>
        %parallel_loop3A_765 = tpu.vector_load_idx %arg29[%parallel_loop3A_764] : memref<80xf32, #tpu.memory_space<vmem>>[vector<16xi32>], vector<16xf32>,
        %parallel_loop3A_766 = arith.index_cast %parallel_loop3A_763 : i32 to index
        %parallel_loop3A_767 = arith.constant 0 : index
        %parallel_loop3A_768 = tpu.vector_load %arg31[%parallel_loop3A_766, %parallel_loop3A_767] {strides = array<i32>} : memref<80x64xi32, #tpu.memory_space<vmem>>, vector<16xi32>,
        %parallel_loop3A_769 = arith.constant 16 : i32
        %parallel_loop3A_770 = vector.broadcast %parallel_loop3A_769 : i32 to vector<16xi32>
        %parallel_loop3A_771 = arith.shli %parallel_loop3A_768, %parallel_loop3A_770 : vector<16xi32>
        %parallel_loop3A_772 = tpu.bitcast %parallel_loop3A_771 : vector<16xi32> -> vector<16xf32>
        %parallel_loop3A_773 = arith.constant -65536 : i32
        %parallel_loop3A_774 = vector.broadcast %parallel_loop3A_773 : i32 to vector<16xi32>
        %parallel_loop3A_775 = arith.andi %parallel_loop3A_768, %parallel_loop3A_774 : vector<16xi32>
        %parallel_loop3A_776 = tpu.bitcast %parallel_loop3A_775 : vector<16xi32> -> vector<16xf32>
        %parallel_loop3A_777 = arith.mulf %parallel_loop3A_772, %parallel_loop3A_765 : vector<16xf32>
        %parallel_loop3A_778 = arith.index_cast %parallel_loop3A_763 : i32 to index
        %parallel_loop3A_779 = arith.constant 0 : index
        %parallel_loop3A_780 = tpu.vector_load %arg33[%parallel_loop3A_778, %parallel_loop3A_779] {strides = array<i32>} : memref<80x144xf32, #tpu.memory_space<vmem>>, vector<16xf32>,
        tpu.vector_store %arg33[%parallel_loop3A_778, %parallel_loop3A_779], %parallel_loop3A_777 {strides = array<i32>} : memref<80x144xf32, #tpu.memory_space<vmem>>, vector<16xf32>,
        %parallel_loop3A_781 = arith.mulf %parallel_loop3A_776, %parallel_loop3A_765 : vector<16xf32>
        %parallel_loop3A_782 = arith.index_cast %parallel_loop3A_763 : i32 to index
        %parallel_loop3A_783 = arith.constant 64 : index
        %parallel_loop3A_784 = tpu.vector_load %arg33[%parallel_loop3A_782, %parallel_loop3A_783] {strides = array<i32>} : memref<80x144xf32, #tpu.memory_space<vmem>>, vector<16xf32>,
        tpu.vector_store %arg33[%parallel_loop3A_782, %parallel_loop3A_783], %parallel_loop3A_781 {strides = array<i32>} : memref<80x144xf32, #tpu.memory_space<vmem>>, vector<16xf32>,
        %parallel_loop3A_785 = arith.index_cast %parallel_loop3A_763 : i32 to index
        %parallel_loop3A_786 = arith.constant 16 : index
        %parallel_loop3A_787 = tpu.vector_load %arg31[%parallel_loop3A_785, %parallel_loop3A_786] {strides = array<i32>} : memref<80x64xi32, #tpu.memory_space<vmem>>, vector<16xi32>,
        %parallel_loop3A_788 = arith.constant 16 : i32
        %parallel_loop3A_789 = vector.broadcast %parallel_loop3A_788 : i32 to vector<16xi32>
        %parallel_loop3A_790 = arith.shli %parallel_loop3A_787, %parallel_loop3A_789 : vector<16xi32>
        %parallel_loop3A_791 = tpu.bitcast %parallel_loop3A_790 : vector<16xi32> -> vector<16xf32>
        %parallel_loop3A_792 = arith.constant -65536 : i32
        %parallel_loop3A_793 = vector.broadcast %parallel_loop3A_792 : i32 to vector<16xi32>
        %parallel_loop3A_794 = arith.andi %parallel_loop3A_787, %parallel_loop3A_793 : vector<16xi32>
        %parallel_loop3A_795 = tpu.bitcast %parallel_loop3A_794 : vector<16xi32> -> vector<16xf32>
        %parallel_loop3A_796 = arith.mulf %parallel_loop3A_791, %parallel_loop3A_765 : vector<16xf32>
        %parallel_loop3A_797 = arith.index_cast %parallel_loop3A_763 : i32 to index
        %parallel_loop3A_798 = arith.constant 16 : index
        %parallel_loop3A_799 = tpu.vector_load %arg33[%parallel_loop3A_797, %parallel_loop3A_798] {strides = array<i32>} : memref<80x144xf32, #tpu.memory_space<vmem>>, vector<16xf32>,
        tpu.vector_store %arg33[%parallel_loop3A_797, %parallel_loop3A_798], %parallel_loop3A_796 {strides = array<i32>} : memref<80x144xf32, #tpu.memory_space<vmem>>, vector<16xf32>,
        %parallel_loop3A_800 = arith.mulf %parallel_loop3A_795, %parallel_loop3A_765 : vector<16xf32>
        %parallel_loop3A_801 = arith.index_cast %parallel_loop3A_763 : i32 to index
        %parallel_loop3A_802 = arith.constant 80 : index
        %parallel_loop3A_803 = tpu.vector_load %arg33[%parallel_loop3A_801, %parallel_loop3A_802] {strides = array<i32>} : memref<80x144xf32, #tpu.memory_space<vmem>>, vector<16xf32>,
        tpu.vector_store %arg33[%parallel_loop3A_801, %parallel_loop3A_802], %parallel_loop3A_800 {strides = array<i32>} : memref<80x144xf32, #tpu.memory_space<vmem>>, vector<16xf32>,
        %parallel_loop3A_804 = arith.index_cast %parallel_loop3A_763 : i32 to index
        %parallel_loop3A_805 = arith.constant 32 : index
        %parallel_loop3A_806 = tpu.vector_load %arg31[%parallel_loop3A_804, %parallel_loop3A_805] {strides = array<i32>} : memref<80x64xi32, #tpu.memory_space<vmem>>, vector<16xi32>,
        %parallel_loop3A_807 = arith.constant 16 : i32
        %parallel_loop3A_808 = vector.broadcast %parallel_loop3A_807 : i32 to vector<16xi32>
        %parallel_loop3A_809 = arith.shli %parallel_loop3A_806, %parallel_loop3A_808 : vector<16xi32>
        %parallel_loop3A_810 = tpu.bitcast %parallel_loop3A_809 : vector<16xi32> -> vector<16xf32>
        %parallel_loop3A_811 = arith.constant -65536 : i32
        %parallel_loop3A_812 = vector.broadcast %parallel_loop3A_811 : i32 to vector<16xi32>
        %parallel_loop3A_813 = arith.andi %parallel_loop3A_806, %parallel_loop3A_812 : vector<16xi32>
        %parallel_loop3A_814 = tpu.bitcast %parallel_loop3A_813 : vector<16xi32> -> vector<16xf32>
        %parallel_loop3A_815 = arith.mulf %parallel_loop3A_810, %parallel_loop3A_765 : vector<16xf32>
        %parallel_loop3A_816 = arith.index_cast %parallel_loop3A_763 : i32 to index
        %parallel_loop3A_817 = arith.constant 32 : index
        %parallel_loop3A_818 = tpu.vector_load %arg33[%parallel_loop3A_816, %parallel_loop3A_817] {strides = array<i32>} : memref<80x144xf32, #tpu.memory_space<vmem>>, vector<16xf32>,
        tpu.vector_store %arg33[%parallel_loop3A_816, %parallel_loop3A_817], %parallel_loop3A_815 {strides = array<i32>} : memref<80x144xf32, #tpu.memory_space<vmem>>, vector<16xf32>,
        %parallel_loop3A_819 = arith.mulf %parallel_loop3A_814, %parallel_loop3A_765 : vector<16xf32>
        %parallel_loop3A_820 = arith.index_cast %parallel_loop3A_763 : i32 to index
        %parallel_loop3A_821 = arith.constant 96 : index
        %parallel_loop3A_822 = tpu.vector_load %arg33[%parallel_loop3A_820, %parallel_loop3A_821] {strides = array<i32>} : memref<80x144xf32, #tpu.memory_space<vmem>>, vector<16xf32>,
        tpu.vector_store %arg33[%parallel_loop3A_820, %parallel_loop3A_821], %parallel_loop3A_819 {strides = array<i32>} : memref<80x144xf32, #tpu.memory_space<vmem>>, vector<16xf32>,
        %parallel_loop3A_823 = arith.index_cast %parallel_loop3A_763 : i32 to index
        %parallel_loop3A_824 = arith.constant 48 : index
        %parallel_loop3A_825 = tpu.vector_load %arg31[%parallel_loop3A_823, %parallel_loop3A_824] {strides = array<i32>} : memref<80x64xi32, #tpu.memory_space<vmem>>, vector<16xi32>,
        %parallel_loop3A_826 = arith.constant 16 : i32
        %parallel_loop3A_827 = vector.broadcast %parallel_loop3A_826 : i32 to vector<16xi32>
        %parallel_loop3A_828 = arith.shli %parallel_loop3A_825, %parallel_loop3A_827 : vector<16xi32>
        %parallel_loop3A_829 = tpu.bitcast %parallel_loop3A_828 : vector<16xi32> -> vector<16xf32>
        %parallel_loop3A_830 = arith.constant -65536 : i32
        %parallel_loop3A_831 = vector.broadcast %parallel_loop3A_830 : i32 to vector<16xi32>
        %parallel_loop3A_832 = arith.andi %parallel_loop3A_825, %parallel_loop3A_831 : vector<16xi32>
        %parallel_loop3A_833 = tpu.bitcast %parallel_loop3A_832 : vector<16xi32> -> vector<16xf32>
        %parallel_loop3A_834 = arith.mulf %parallel_loop3A_829, %parallel_loop3A_765 : vector<16xf32>
        %parallel_loop3A_835 = arith.index_cast %parallel_loop3A_763 : i32 to index
        %parallel_loop3A_836 = arith.constant 48 : index
        %parallel_loop3A_837 = tpu.vector_load %arg33[%parallel_loop3A_835, %parallel_loop3A_836] {strides = array<i32>} : memref<80x144xf32, #tpu.memory_space<vmem>>, vector<16xf32>,
        tpu.vector_store %arg33[%parallel_loop3A_835, %parallel_loop3A_836], %parallel_loop3A_834 {strides = array<i32>} : memref<80x144xf32, #tpu.memory_space<vmem>>, vector<16xf32>,
        %parallel_loop3A_838 = arith.mulf %parallel_loop3A_833, %parallel_loop3A_765 : vector<16xf32>
        %parallel_loop3A_839 = arith.index_cast %parallel_loop3A_763 : i32 to index
        %parallel_loop3A_840 = arith.constant 112 : index
        %parallel_loop3A_841 = tpu.vector_load %arg33[%parallel_loop3A_839, %parallel_loop3A_840] {strides = array<i32>} : memref<80x144xf32, #tpu.memory_space<vmem>>, vector<16xf32>,
        tpu.vector_store %arg33[%parallel_loop3A_839, %parallel_loop3A_840], %parallel_loop3A_838 {strides = array<i32>} : memref<80x144xf32, #tpu.memory_space<vmem>>, vector<16xf32>,
        %parallel_loop3A_842 = arith.index_cast %parallel_loop3A_763 : i32 to index
        %parallel_loop3A_843 = arith.constant 128 : index
        %parallel_loop3A_844 = tpu.vector_load %arg33[%parallel_loop3A_842, %parallel_loop3A_843] {strides = array<i32>} : memref<80x144xf32, #tpu.memory_space<vmem>>, vector<16xf32>,
        tpu.vector_store %arg33[%parallel_loop3A_842, %parallel_loop3A_843], %parallel_loop3A_765 {strides = array<i32>} : memref<80x144xf32, #tpu.memory_space<vmem>>, vector<16xf32>,
      } {sc.loop_unroll_factor = 4 : i64, sc.parallel_access}
      %dma_start3A_760 = arith.constant 0 : i32
      %dma_start3A_761 = arith.constant 0 : i32
      %dma_start3A_762 = tpu.memref_slice %arg36[%dma_start3A_760, %dma_start3A_761] : memref<10000x144xf32, #tpu.memory_space<vmem_shared>> -> memref<10000x144xf32, #tpu.memory_space<vmem_shared>>
      tpu.enqueue_indirect_dma source(%arg33 : memref<80x144xf32, #tpu.memory_space<vmem>>) target(%dma_start3A_762 : memref<10000x144xf32, #tpu.memory_space<vmem_shared>>) offsets(%arg13 : memref<80xi32, #tpu.memory_space<vmem>>) semaphore(%arg44 : memref<!tpu.dma_semaphore, #tpu.memory_space<semaphore_mem>>) {add = true}
    }
    %scan3A_89 = arith.constant 32 : i32
    %dma_wait3A_90 = arith.constant 0 : i32
    %dma_wait3A_91 = arith.constant 0 : i32
    %dma_wait3A_92 = tpu.memref_slice %arg36[%dma_wait3A_90, %dma_wait3A_91] : memref<10000x144xf32, #tpu.memory_space<vmem_shared>> -> memref<10000x144xf32, #tpu.memory_space<vmem_shared>>
    tpu.wait_indirect_dma semaphore(%arg44 : memref<!tpu.dma_semaphore, #tpu.memory_space<semaphore_mem>>) src(%arg33 : memref<80x144xf32, #tpu.memory_space<vmem>>) dst(%dma_wait3A_92 : memref<10000x144xf32, #tpu.memory_space<vmem_shared>>)
    %barrier3A_93 = arith.constant 0 : index
    tpu.barrier barrier_id(%barrier3A_93)
    "tpu.region"() ({
      %run_scoped3A = tpu.sem_alloc : memref<!tpu.dma_semaphore, #tpu.memory_space<semaphore_mem>>
      %dma_start3A_94 = arith.constant 0 : i32
      %dma_start3A_95 = tpu.memref_slice %arg9[%arg0, %mul3A_6, %dma_start3A_94] : memref<2x10000x144xf32, #tpu.memory_space<hbm>> -> memref<1x625x144xf32, #tpu.memory_space<hbm>>
      %dma_start3A_96 = tpu.memref_squeeze %dma_start3A_95 : memref<1x625x144xf32, #tpu.memory_space<hbm>> -> memref<625x144xf32, #tpu.memory_space<hbm>>
      %dma_start3A_97 = arith.constant 0 : i32
      %dma_start3A_98 = tpu.memref_slice %arg36[%mul3A_6, %dma_start3A_97] : memref<10000x144xf32, #tpu.memory_space<vmem_shared>> -> memref<625x144xf32, #tpu.memory_space<vmem_shared>>
      tpu.enqueue_dma source(%dma_start3A_98 : memref<625x144xf32, #tpu.memory_space<vmem_shared>>) target(%dma_start3A_96 : memref<625x144xf32, #tpu.memory_space<hbm>>) target_semaphore(%run_scoped3A : memref<!tpu.dma_semaphore, #tpu.memory_space<semaphore_mem>>)
      %dma_wait3A_99 = arith.constant 0 : i32
      %dma_wait3A_100 = tpu.memref_slice %arg9[%arg0, %mul3A_6, %dma_wait3A_99] : memref<2x10000x144xf32, #tpu.memory_space<hbm>> -> memref<1x625x144xf32, #tpu.memory_space<hbm>>
      %dma_wait3A_101 = tpu.memref_squeeze %dma_wait3A_100 : memref<1x625x144xf32, #tpu.memory_space<hbm>> -> memref<625x144xf32, #tpu.memory_space<hbm>>
      %dma_wait3A_102 = arith.constant 0 : i32
      %dma_wait3A_103 = tpu.memref_slice %arg36[%mul3A_6, %dma_wait3A_102] : memref<10000x144xf32, #tpu.memory_space<vmem_shared>> -> memref<625x144xf32, #tpu.memory_space<vmem_shared>>
      tpu.wait_dma2 semaphore(%run_scoped3A : memref<!tpu.dma_semaphore, #tpu.memory_space<semaphore_mem>>) src(%dma_wait3A_103 : memref<625x144xf32, #tpu.memory_space<vmem_shared>>) dst(%dma_wait3A_101 : memref<625x144xf32, #tpu.memory_space<hbm>>)
      tpu.yield
    }) : () -> ()
    return
  }
}

module attributes {stable_mosaic.version = 14 : i64} {
  func.func @_tc_prep_body(%arg0: memref<10000x128xf32, #tpu.memory_space<vmem>>, %arg1: memref<128x128xf32, #tpu.memory_space<vmem>>, %arg2: memref<128x1xf32, #tpu.memory_space<vmem>>, %arg3: memref<128x1xf32, #tpu.memory_space<vmem>>, %arg4: memref<10000x64xi32, #tpu.memory_space<vmem>>, %arg5: memref<10000x1xf32, #tpu.memory_space<vmem>>, %arg6: memref<10000x1xf32, #tpu.memory_space<vmem>>, %arg7: memref<1x1xf32, #tpu.memory_space<vmem>>) attributes {dimension_semantics = [], scalar_prefetch = 0 : i64, scratch_operands = 0 : i64, tpu.core_type = #tpu.core_type<tc>} {
    %get3A = arith.constant 0 : index
    %get3A_0 = arith.constant 0 : index
    %get3A_1 = vector.load %arg0[%get3A, %get3A_0] : memref<10000x128xf32, #tpu.memory_space<vmem>>, vector<10000x128xf32>
    %get3A_2 = arith.constant 0 : index
    %get3A_3 = arith.constant 0 : index
    %get3A_4 = vector.load %arg1[%get3A_2, %get3A_3] : memref<128x128xf32, #tpu.memory_space<vmem>>, vector<128x128xf32>
    %dot_general3A = arith.constant dense<0.000000e+00> : vector<10000x128xf32>
    %dot_general3A_5 = tpu.matmul %get3A_1, %get3A_4, %dot_general3A {dimension_numbers = #tpu.dot_dimension_numbers<[1], [0], [0], [1], [0, 0, 1, 1], [], []>, transpose_lhs_hint = false} : vector<10000x128xf32>, vector<128x128xf32>, vector<10000x128xf32> -> vector<10000x128xf32>
    %slice3A = vector.extract_strided_slice %dot_general3A_5 {offsets = [0, 0], sizes = [10000, 64], strides = [1, 1]} : vector<10000x128xf32> to vector<10000x64xf32>
    %bitcast_convert_type3A = tpu.bitcast %slice3A : vector<10000x64xf32> -> vector<10000x64xi32>
    %slice3A_6 = vector.extract_strided_slice %dot_general3A_5 {offsets = [0, 64], sizes = [10000, 64], strides = [1, 1]} : vector<10000x128xf32> to vector<10000x64xf32>
    %bitcast_convert_type3A_7 = tpu.bitcast %slice3A_6 : vector<10000x64xf32> -> vector<10000x64xi32>
    %add3A = arith.constant 32767 : i32
    %add3A_8 = vector.broadcast %add3A : i32 to vector<10000x64xi32>
    %add3A_9 = arith.addi %bitcast_convert_type3A, %add3A_8 : vector<10000x64xi32>
    %shift_right_arithmetic3A = arith.constant 16 : i32
    %shift_right_arithmetic3A_10 = vector.broadcast %shift_right_arithmetic3A : i32 to vector<10000x64xi32>
    %shift_right_arithmetic3A_11 = arith.shrsi %bitcast_convert_type3A, %shift_right_arithmetic3A_10 : vector<10000x64xi32>
    %and3A = arith.constant 1 : i32
    %and3A_12 = vector.broadcast %and3A : i32 to vector<10000x64xi32>
    %and3A_13 = arith.andi %shift_right_arithmetic3A_11, %and3A_12 : vector<10000x64xi32>
    %add3A_14 = arith.addi %add3A_9, %and3A_13 : vector<10000x64xi32>
    %shift_right_arithmetic3A_15 = arith.constant 16 : i32
    %shift_right_arithmetic3A_16 = vector.broadcast %shift_right_arithmetic3A_15 : i32 to vector<10000x64xi32>
    %shift_right_arithmetic3A_17 = arith.shrsi %add3A_14, %shift_right_arithmetic3A_16 : vector<10000x64xi32>
    %and3A_18 = arith.constant 65535 : i32
    %and3A_19 = vector.broadcast %and3A_18 : i32 to vector<10000x64xi32>
    %and3A_20 = arith.andi %shift_right_arithmetic3A_17, %and3A_19 : vector<10000x64xi32>
    %add3A_21 = arith.constant 32767 : i32
    %add3A_22 = vector.broadcast %add3A_21 : i32 to vector<10000x64xi32>
    %add3A_23 = arith.addi %bitcast_convert_type3A_7, %add3A_22 : vector<10000x64xi32>
    %shift_right_arithmetic3A_24 = arith.constant 16 : i32
    %shift_right_arithmetic3A_25 = vector.broadcast %shift_right_arithmetic3A_24 : i32 to vector<10000x64xi32>
    %shift_right_arithmetic3A_26 = arith.shrsi %bitcast_convert_type3A_7, %shift_right_arithmetic3A_25 : vector<10000x64xi32>
    %and3A_27 = arith.constant 1 : i32
    %and3A_28 = vector.broadcast %and3A_27 : i32 to vector<10000x64xi32>
    %and3A_29 = arith.andi %shift_right_arithmetic3A_26, %and3A_28 : vector<10000x64xi32>
    %add3A_30 = arith.addi %add3A_23, %and3A_29 : vector<10000x64xi32>
    %shift_right_arithmetic3A_31 = arith.constant 16 : i32
    %shift_right_arithmetic3A_32 = vector.broadcast %shift_right_arithmetic3A_31 : i32 to vector<10000x64xi32>
    %shift_right_arithmetic3A_33 = arith.shrsi %add3A_30, %shift_right_arithmetic3A_32 : vector<10000x64xi32>
    %shift_left3A = arith.constant 16 : i32
    %shift_left3A_34 = vector.broadcast %shift_left3A : i32 to vector<10000x64xi32>
    %shift_left3A_35 = arith.shli %shift_right_arithmetic3A_33, %shift_left3A_34 : vector<10000x64xi32>
    %or3A = arith.ori %and3A_20, %shift_left3A_35 : vector<10000x64xi32>
    %swap3A = arith.constant 0 : index
    %swap3A_36 = arith.constant 0 : index
    %swap3A_37 = vector.load %arg4[%swap3A, %swap3A_36] : memref<10000x64xi32, #tpu.memory_space<vmem>>, vector<10000x64xi32>
    tpu.vector_store %arg4[%swap3A, %swap3A_36], %or3A {strides = array<i32>} : memref<10000x64xi32, #tpu.memory_space<vmem>>, vector<10000x64xi32>,
    %get3A_38 = arith.constant 0 : index
    %get3A_39 = arith.constant 0 : index
    %get3A_40 = vector.load %arg2[%get3A_38, %get3A_39] : memref<128x1xf32, #tpu.memory_space<vmem>>, vector<128x1xf32>
    %dot_general3A_41 = arith.constant dense<0.000000e+00> : vector<10000x1xf32>
    %dot_general3A_42 = tpu.matmul %dot_general3A_5, %get3A_40, %dot_general3A_41 {dimension_numbers = #tpu.dot_dimension_numbers<[1], [0], [0], [1], [0, 0, 1, 1], [], []>, transpose_lhs_hint = false} : vector<10000x128xf32>, vector<128x1xf32>, vector<10000x1xf32> -> vector<10000x1xf32>
    %get3A_43 = arith.constant 0 : index
    %get3A_44 = arith.constant 0 : index
    %get3A_45 = vector.load %arg3[%get3A_43, %get3A_44] : memref<128x1xf32, #tpu.memory_space<vmem>>, vector<128x1xf32>
    %dot_general3A_46 = arith.constant dense<0.000000e+00> : vector<10000x1xf32>
    %dot_general3A_47 = tpu.matmul %dot_general3A_5, %get3A_45, %dot_general3A_46 {dimension_numbers = #tpu.dot_dimension_numbers<[1], [0], [0], [1], [0, 0, 1, 1], [], []>, transpose_lhs_hint = false} : vector<10000x128xf32>, vector<128x1xf32>, vector<10000x1xf32> -> vector<10000x1xf32>
    %swap3A_48 = arith.constant 0 : index
    %swap3A_49 = arith.constant 0 : index
    %swap3A_50 = vector.load %arg5[%swap3A_48, %swap3A_49] : memref<10000x1xf32, #tpu.memory_space<vmem>>, vector<10000x1xf32>
    tpu.vector_store %arg5[%swap3A_48, %swap3A_49], %dot_general3A_42 {strides = array<i32>} : memref<10000x1xf32, #tpu.memory_space<vmem>>, vector<10000x1xf32>,
    %swap3A_51 = arith.constant 0 : index
    %swap3A_52 = arith.constant 0 : index
    %swap3A_53 = vector.load %arg6[%swap3A_51, %swap3A_52] : memref<10000x1xf32, #tpu.memory_space<vmem>>, vector<10000x1xf32>
    tpu.vector_store %arg6[%swap3A_51, %swap3A_52], %dot_general3A_47 {strides = array<i32>} : memref<10000x1xf32, #tpu.memory_space<vmem>>, vector<10000x1xf32>,
    %reduce_max3A = vector.shape_cast %dot_general3A_42 : vector<10000x1xf32> to vector<1x10000x1xf32>
    %reduce_max3A_54 = arith.constant dense<0xFF800000> : vector<1xf32>
    %reduce_max3A_55 = vector.multi_reduction <maximumf>, %reduce_max3A, %reduce_max3A_54 [1, 2] : vector<1x10000x1xf32> to vector<1xf32>
    %reduce_max3A_56 = vector.shape_cast %reduce_max3A_55 : vector<1xf32> to vector<1x1x1xf32>
    %reduce_max3A_57 = vector.extract %reduce_max3A_56[0, 0, 0] : f32 from vector<1x1x1xf32>
    %reduce_max3A_58 = vector.shape_cast %dot_general3A_47 : vector<10000x1xf32> to vector<1x10000x1xf32>
    %reduce_max3A_59 = arith.constant dense<0xFF800000> : vector<1xf32>
    %reduce_max3A_60 = vector.multi_reduction <maximumf>, %reduce_max3A_58, %reduce_max3A_59 [1, 2] : vector<1x10000x1xf32> to vector<1xf32>
    %reduce_max3A_61 = vector.shape_cast %reduce_max3A_60 : vector<1xf32> to vector<1x1x1xf32>
    %reduce_max3A_62 = vector.extract %reduce_max3A_61[0, 0, 0] : f32 from vector<1x1x1xf32>
    %add3A_63 = arith.addf %reduce_max3A_57, %reduce_max3A_62 : f32
    %max3A = arith.constant 0.000000e+00 : f32
    %max3A_64 = arith.maximumf %add3A_63, %max3A : f32
    %broadcast_in_dim3A = vector.broadcast %max3A_64 : f32 to vector<1x1xf32>
    %swap3A_65 = arith.constant 0 : index
    %swap3A_66 = arith.constant 0 : index
    %swap3A_67 = vector.load %arg7[%swap3A_65, %swap3A_66] : memref<1x1xf32, #tpu.memory_space<vmem>>, vector<1x1xf32>
    tpu.vector_store %arg7[%swap3A_65, %swap3A_66], %broadcast_in_dim3A {strides = array<i32>} : memref<1x1xf32, #tpu.memory_space<vmem>>, vector<1x1xf32>,
    return
  }
}

module attributes {stable_mosaic.version = 14 : i64} {
  func.func @_tc_final_body(%arg0: memref<2x10000x144xf32, #tpu.memory_space<vmem>>, %arg1: memref<128x128xf32, #tpu.memory_space<vmem>>, %arg2: memref<10000x128xf32, #tpu.memory_space<vmem>>) attributes {dimension_semantics = [], scalar_prefetch = 0 : i64, scratch_operands = 0 : i64, tpu.core_type = #tpu.core_type<tc>} {
    %get3A = arith.constant 0 : index
    %get3A_0 = arith.constant 0 : index
    %get3A_1 = arith.constant 0 : index
    %get3A_2 = vector.load %arg0[%get3A, %get3A_0, %get3A_1] : memref<2x10000x144xf32, #tpu.memory_space<vmem>>, vector<1x10000x128xf32>
    %get3A_3 = vector.shape_cast %get3A_2 : vector<1x10000x128xf32> to vector<10000x128xf32>
    %get3A_4 = arith.constant 1 : index
    %get3A_5 = arith.constant 0 : index
    %get3A_6 = arith.constant 0 : index
    %get3A_7 = vector.load %arg0[%get3A_4, %get3A_5, %get3A_6] : memref<2x10000x144xf32, #tpu.memory_space<vmem>>, vector<1x10000x128xf32>
    %get3A_8 = vector.shape_cast %get3A_7 : vector<1x10000x128xf32> to vector<10000x128xf32>
    %add3A = arith.addf %get3A_3, %get3A_8 : vector<10000x128xf32>
    %get3A_9 = arith.constant 0 : index
    %get3A_10 = arith.constant 0 : index
    %get3A_11 = arith.constant 128 : index
    %get3A_12 = vector.load %arg0[%get3A_9, %get3A_10, %get3A_11] : memref<2x10000x144xf32, #tpu.memory_space<vmem>>, vector<1x10000x1xf32>
    %get3A_13 = vector.shape_cast %get3A_12 : vector<1x10000x1xf32> to vector<10000x1xf32>
    %get3A_14 = arith.constant 1 : index
    %get3A_15 = arith.constant 0 : index
    %get3A_16 = arith.constant 128 : index
    %get3A_17 = vector.load %arg0[%get3A_14, %get3A_15, %get3A_16] : memref<2x10000x144xf32, #tpu.memory_space<vmem>>, vector<1x10000x1xf32>
    %get3A_18 = vector.shape_cast %get3A_17 : vector<1x10000x1xf32> to vector<10000x1xf32>
    %add3A_19 = arith.addf %get3A_13, %get3A_18 : vector<10000x1xf32>
    %gt3A = arith.constant 0.000000e+00 : f32
    %gt3A_20 = vector.broadcast %gt3A : f32 to vector<10000x1xf32>
    %gt3A_21 = arith.cmpf ogt, %add3A_19, %gt3A_20 : vector<10000x1xf32>
    %div3A = arith.constant 1.000000e+00 : f32
    %div3A_22 = vector.broadcast %div3A : f32 to vector<10000x1xf32>
    %div3A_23 = arith.divf %div3A_22, %add3A_19 : vector<10000x1xf32>
    %jit3A = arith.constant 0.000000e+00 : f32
    %broadcast_in_dim3A = vector.broadcast %jit3A : f32 to vector<10000x1xf32>
    %select_n3A = arith.select %gt3A_21, %div3A_23, %broadcast_in_dim3A : vector<10000x1xi1>, vector<10000x1xf32>
    %mul3A = vector.broadcast %select_n3A : vector<10000x1xf32> to vector<10000x128xf32>
    %mul3A_24 = arith.mulf %add3A, %mul3A : vector<10000x128xf32>
    %get3A_25 = arith.constant 0 : index
    %get3A_26 = arith.constant 0 : index
    %get3A_27 = vector.load %arg1[%get3A_25, %get3A_26] : memref<128x128xf32, #tpu.memory_space<vmem>>, vector<128x128xf32>
    %dot_general3A = arith.constant dense<0.000000e+00> : vector<10000x128xf32>
    %dot_general3A_28 = tpu.matmul %mul3A_24, %get3A_27, %dot_general3A {dimension_numbers = #tpu.dot_dimension_numbers<[1], [0], [0], [1], [0, 0, 1, 1], [], []>, transpose_lhs_hint = false} : vector<10000x128xf32>, vector<128x128xf32>, vector<10000x128xf32> -> vector<10000x128xf32>
    %max3A = arith.constant 0.000000e+00 : f32
    %max3A_29 = vector.broadcast %max3A : f32 to vector<10000x128xf32>
    %max3A_30 = arith.maximumf %dot_general3A_28, %max3A_29 : vector<10000x128xf32>
    %swap3A = arith.constant 0 : index
    %swap3A_31 = arith.constant 0 : index
    %swap3A_32 = vector.load %arg2[%swap3A, %swap3A_31] : memref<10000x128xf32, #tpu.memory_space<vmem>>, vector<10000x128xf32>
    tpu.vector_store %arg2[%swap3A, %swap3A_31], %max3A_30 {strides = array<i32>} : memref<10000x128xf32, #tpu.memory_space<vmem>>, vector<10000x128xf32>,
    return
  }
}

</mosaic_0001>

<sc_bundles>
// kernel: kernel.5.cloned.1.call-start
scs
__scs_entry_jumppad:
0x0: {  	(pc) =	sbr.rel $0x88, $3  }
0x1: {  	(tag) =	ssettag $0x0;
	lr =	simm.s32 $0x1  }
0x2: {  	[smem:$0x3F9C] =	sst lr;
	_ =	strace $0xD0000000  }
0x3: {  	_ = 	snop  }
0x4: {  	_ = 	snop  }
0x5: {  	_ = 	snop  }
0x6: {  	_ = 	snop  }
0x7: {  	_ = 	snop  }
__scs_overlays_trampoline_lowered:
0x8: {  	[smem:$0x3FAB] =	sst s0  }
0x9: {  	[smem:$0x3FAC] =	sst s1  }
0xa: {  	[smem:$0x3FAD] =	sst s2  }
0xb: {  	[smem:$0x3FAE] =	sst s3  }
0xc: {  	[smem:$0x3FAF] =	sst s4  }
0xd: {  	[smem:$0x3FB0] =	sst s5  }
0xe: {  	[smem:$0x3FB1] =	sst s6  }
0xf: {  	[smem:$0x3FB2] =	sst s7  }
0x10: {  	[smem:$0x3FB3] =	sst s8  }
0x11: {  	[smem:$0x3FB4] =	sst s9;
	s0 =	simm.s32 @!p0 $0x0  }
0x12: {  	s1 =	sld [smem:$0x3F9A];
	s0 =	simm.s32 @p0 $0x1  }
0x13: {  	[smem:$0x3FB5] =	sst s0;
	s0 =	simm.s32 @!p1 $0x0  }
0x14: {  	s2 =	sld [smem:$0x3F99];
	s0 =	simm.s32 @p1 $0x1  }
0x15: {  	[smem:$0x3FB6] =	sst s0;
	s0 =	simm.s32 @!p2 $0x0  }
0x16: {  	s3 =	sld [smem:$0x3FDB];
	s0 =	simm.s32 @p2 $0x1  }
0x17: {  	s4 =	simm.s32 $0x1BF5;
	[smem:$0x3FB8] =	sst s0  }
0x18: {  	s0 =	sld [smem:$0x3F9B];
	_ =	swait.ge [sflag:s4], $0x0  }
0x19: {  	s7 =	sld [smem:$0x3F9C]  }
0x1a: {  	s8 =	sadd.s32 $0xFFFFE003, lr  }
0x1b: {  	s9 =	sadd.s32 $0xFFFFFEF7, lr;
	s5 =	simm.s32 $0xFFFFFFFF;
	p2 =	slt.u32 s8, $0xFFFFF086  }
0x1c: {  	p1 =	slt.u32 s9, $0xF7A;
	s5 =	simm.s32 @!p2 $0x0  }
0x1d: {  	s5 =	simm.s32 @p1 $0x1;
	p0 =	seq.s32 s7, s2  }
0x1e: {  	s7 =	smul.u32 @!p0 $0xF7A, s2;
	p2 =	seq.s32 @!p0 s5, $0x0  }
0x1f: {  	s9 =	smul.u32 $0xF7A, s1;
	s8 =	simm.s32 @!p0 $0x1BF5;
	p2 =	por !p2, p0  }
0x20: {  	[sflag:s8] =	ssyncset.s32 @!p0 $0xFFFFF086;
	s6 =	sadd.s32 @!p0 s3, s7;
	s7 =	simm.s32 @!p0 $0x108  }
0x21: {  	s3 =	sadd.s32 s3, s9;
	s6 =	sadd.s32 @!p0 $0x88, s6;
	s7 =	simm.s32 @p2 $0x1082  }
0x22: {  	[simem:s7], [sflag:s8] =	dma.local @!p0 [hbm:s6], $0xF7A  }
0x23: {  	s9 =	sor.u32 $0xD0000000, s2;
	s6 =	simm.s32 $0x108;
	_ =	swait.ge @!p0 [sflag:s8], $0x0  }
0x24: {  	s3 =	sadd.s32 $0x88, s3;
	s6 =	simm.s32 @!p1 $0x1082;
	[sflag:s4] =	ssyncset.s32 $0xFFFFF086  }
0x25: {  	[simem:s6], [sflag:s4] =	dma.local [hbm:s3], $0xF7A  }
0x26: {  	[smem:$0x3F9C] =	sst s1;
	(tag) =	ssettag s2;
	_ =	strace s9  }
0x27: {  	s1 =	sld [smem:$0x3FAC]  }
0x28: {  	s2 =	sld [smem:$0x3FAD]  }
0x29: {  	s4 =	sld [smem:$0x3FAF]  }
0x2a: {  	p0 =	seq.s32 s5, $0x0;
	s5 =	sld [smem:$0x3FB0]  }
0x2b: {  	s6 =	sld [smem:$0x3FB1]  }
0x2c: {  	s7 =	sld [smem:$0x3FB2]  }
0x2d: {  	s3 =	simm.s32 $0x108;
	s8 =	sld [smem:$0x3FB3]  }
0x2e: {  	s3 =	simm.s32 @!p0 $0x1082;
	s9 =	sld [smem:$0x3FB4]  }
0x2f: {  	lr =	sadd.s32 s0, s3;
	s0 =	sld [smem:$0x3FAB]  }
0x30: {  	s3 =	sld [smem:$0x3FAE]  }
0x31: {  	[smem:$0x3FB7] =	sst s10  }
0x32: {  	s10 =	sld [smem:$0x3FB5];
	_ =	sdelay $0x3  }
0x33: {  	p0 =	seq.s32 s10, $0x1;
	s10 =	sld [smem:$0x3FB7];
	_ =	sdelay $0x3  }
0x34: {  	[smem:$0x3FB7] =	sst s10  }
0x35: {  	s10 =	sld [smem:$0x3FB6];
	_ =	sdelay $0x3  }
0x36: {  	p1 =	seq.s32 s10, $0x1;
	s10 =	sld [smem:$0x3FB7];
	_ =	sdelay $0x3  }
0x37: {  	[smem:$0x3FB7] =	sst s10  }
0x38: {  	s10 =	sld [smem:$0x3FB8]  }
0x39: {  	_ = 	snop;
	(pc) =	sbr.ind lr, $3  }
0x3a: {  	_ = 	snop  }
0x3b: {  	_ = 	snop  }
0x3c: {  	p2 =	seq.s32 s10, $0x1;
	s10 =	sld [smem:$0x3FB7]  }
0x3d: {  	_ =	shalt  }
0x3e: {  	_ =	shalt  }
0x3f: {  	_ =	shalt  }
0x40: {  	_ =	shalt  }
0x41: {  	_ =	shalt  }
0x42: {  	_ =	shalt  }
0x43: {  	_ =	shalt  }
0x44: {  	_ =	shalt  }
0x45: {  	_ =	shalt  }
0x46: {  	_ =	shalt  }
0x47: {  	_ =	shalt  }
0x48: {  	_ =	shalt  }
0x49: {  	_ =	shalt  }
0x4a: {  	_ =	shalt  }
0x4b: {  	_ =	shalt  }
0x4c: {  	_ =	shalt  }
0x4d: {  	_ =	shalt  }
0x4e: {  	_ =	shalt  }
0x4f: {  	_ =	shalt  }
0x50: {  	_ =	shalt  }
0x51: {  	_ =	shalt  }
0x52: {  	_ =	shalt  }
0x53: {  	_ =	shalt  }
0x54: {  	_ =	shalt  }
0x55: {  	_ =	shalt  }
0x56: {  	_ =	shalt  }
0x57: {  	_ =	shalt  }
0x58: {  	_ =	shalt  }
0x59: {  	_ =	shalt  }
0x5a: {  	_ =	shalt  }
0x5b: {  	_ =	shalt  }
0x5c: {  	_ =	shalt  }
0x5d: {  	_ =	shalt  }
0x5e: {  	_ =	shalt  }
0x5f: {  	_ =	shalt  }
0x60: {  	_ =	shalt  }
0x61: {  	_ =	shalt  }
0x62: {  	_ =	shalt  }
0x63: {  	_ =	shalt  }
0x64: {  	_ =	shalt  }
0x65: {  	_ =	shalt  }
0x66: {  	_ =	shalt  }
0x67: {  	_ =	shalt  }
0x68: {  	_ =	shalt  }
0x69: {  	_ =	shalt  }
0x6a: {  	_ =	shalt  }
0x6b: {  	_ =	shalt  }
0x6c: {  	_ =	shalt  }
0x6d: {  	_ =	shalt  }
0x6e: {  	_ =	shalt  }
0x6f: {  	_ =	shalt  }
0x70: {  	_ =	shalt  }
0x71: {  	_ =	shalt  }
0x72: {  	_ =	shalt  }
0x73: {  	_ =	shalt  }
0x74: {  	_ =	shalt  }
0x75: {  	_ =	shalt  }
0x76: {  	_ =	shalt  }
0x77: {  	_ =	shalt  }
0x78: {  	_ =	shalt  }
0x79: {  	_ =	shalt  }
0x7a: {  	_ =	shalt  }
0x7b: {  	_ =	shalt  }
0x7c: {  	_ =	shalt  }
0x7d: {  	_ =	shalt  }
0x7e: {  	_ =	shalt  }
0x7f: {  	_ =	shalt  }
0x80: {  	_ =	shalt  }
0x81: {  	_ =	shalt  }
0x82: {  	_ =	shalt  }
0x83: {  	_ =	shalt  }
0x84: {  	_ =	shalt  }
0x85: {  	_ =	shalt  }
0x86: {  	_ =	shalt  }
0x87: {  	_ =	shalt  }
.Lfunc_end0:
.L_simem_size_0:
called_computation_lowered:
.L_overlay_start_0:
0x88: {  	s2 =	sld [smem:$0x3FD9]  }
0x89: {  	s3 =	sld [smem:$0x3FFE];
	_ =	sdelay $0x1  }
0x8a: {  	s1 =	srdreg.scid  }
0x8b: {  	s0 =	sand.u32 $0x1, s1  }
0x8c: {  	s17 =	sshll.u32 s0, $0xA;
	s2 =	sadd.s32 s3, s2  }
0x8d: {  	s2 =	sadd.s32 s2, s17  }
0x8e: {  	[smem:$0x3FC3] =	sst s2  }
0x8f: {  	_ = 	snop  }
0x90: {  	s2 =	sld [smem:$0x3FD0];
	(tm) =	ssettm $0x1  }
0x91: {  	s18 =	sld [smem:$0x3FFB];
	_ =	sdelay $0x3  }
0x92: {  	_ =	strace s18  }
0x93: {  	s3 =	sld [smem:$0x3FFC];
	_ =	sdelay $0x3  }
0x94: {  	_ =	strace s3  }
0x95: {  	s3 =	sld [smem:$0x3FFD];
	_ =	sdelay $0x3  }
0x96: {  	_ =	strace s3  }
0x97: {  	_ =	strace $0x8FFFFFFF  }
0x98: {  	s19 =	sld [smem:$0x3FDB];
	_ =	sdelay $0x1  }
0x99: {  	s4 =	simm.s32 $_scs_section_size  }
0x9a: {  	s5 =	simm.s32 $_size__tile_overlayer_lowered;
	s6 =	simm.s32 $_tile_overlayer_lowered  }
0x9b: {  	s22 =	simm.s32 $0x1BFF;
	s21 =	sshll.u32 s6, $0x1;
	s3 =	sadd.s32 s4, s19  }
0x9c: {  	s7 =	simm.s32 $0x0;
	s20 =	sshll.u32 s5, $0x1;
	s5 =	sadd.s32 s21, s3  }
0x9d: {  	[timem:s7], [sflag:s22] =	dma.local [hbm:s5], s20  }
0x9e: {  	_ =	swait.ge [sflag:s22], s20  }
0x9f: {  	s4 =	ssub.s32 $0x0, s20;
	[sflag:s22] =	ssyncset.done $0x0  }
0xa0: {  	[sflag:s22] =	ssyncadd.s32 s4;
	_ =	sdelay $0x1  }
0xa1: {  	s23 =	simm.s32 $0x1B8B  }
0xa2: {  	_ =	swait.ge [sflag:s23], $0x1  }
0xa3: {  	[sflag:s23] =	ssyncset.done $0x0  }
0xa4: {  	s25 =	simm.s32 $0x1B8E;
	s24 =	sld [smem:$0x3FFE];
	[sflag:s23] =	ssyncadd.s32 $0xFFFFFFFF  }
0xa5: {  	s26 =	simm.s32 $execute0_lowered;
	[smem:$0x3FD2] =	sst s25  }
0xa6: {  	s5 =	sshll.u32 s26, $0x1;
	_ =	strace $0x80000046;
	[dreg:$0x1] =	wrdreg $0xFFFFFFFF  }
0xa7: {  	s28 =	simm.s32 $_size_execute0_lowered;
	s3 =	sadd.s32 s3, s5;
	[dreg:$0x0] =	wrdreg $0x0  }
0xa8: {  	s5 =	sshll.u32 s28, $0x1;
	[dreg:$0x2] =	wrdreg s3  }
0xa9: {  	[dreg:$0x3] =	wrdreg s5  }
0xaa: {  	[dreg:$0x4] =	wrdreg $0xC0  }
0xab: {  	_ =	task [dreg:s7], $0x5FFFF  }
0xac: {  	[dreg:$0x1] =	wrdreg $0xFFFFFFFF  }
0xad: {  	[dreg:$0x0] =	wrdreg $0x60  }
0xae: {  	[dreg:$0x2] =	wrdreg s2  }
0xaf: {  	[dreg:$0x3] =	wrdreg s24  }
0xb0: {  	[dreg:$0x4] =	wrdreg $0x88A00  }
0xb1: {  	[dreg:$0x5] =	wrdreg $0x9  }
0xb2: {  	_ =	task.clear_ibuf [dreg:s7], $0x6FFFF;
	_ =	strace $0x90000046  }
0xb3: {  	s29 =	simm.s32 $0x9;
	_ =	strace $0x80000048  }
0xb4: {  	_ =	swait.ge [sflag:s29], $0x1  }
0xb5: {  	[sflag:s29] =	ssyncadd.s32 $0xFFFFFFFF  }
0xb6: {  	_ =	strace $0x90000048  }
0xb7: {  	_ =	sfence  }
0xb8: {  	s30 =	sld [smem:$0x0];
	_ =	sdelay $0x2  }
0xb9: {  	s31 =	sshll.u32 s1, $0xD;
	s1 =	sshrl.u32 s1, $0x2  }
0xba: {  	s3 =	sand.u32 $0x4000, s31;
	s1 =	sadd.s32 s1, s30  }
0xbb: {  	s0 =	sor.u32 s3, s0;
	s1 =	sshll.u32 s1, $0x11  }
0xbc: {  	s0 =	sor.u32 s1, s0  }
0xbd: {  	s0 =	sadd.s32 $0x8F2B, s0  }
0xbe: {  	[sflag:s0] =	ssyncadd.remote.s32 $0x1  }
0xbf: {  	_ =	sfence.sel $0xFFFF  }
0xc0: {  	[dreg:$0x0] =	wrdreg $0xFFFFFFFF;
	(pc) =	sbr.abs _section_cstart, $3  }
0xc1: {  	[dreg:$0x1] =	wrdreg $0xFFFFFFFF  }
0xc2: {  	_ =	task.clear_ibuf [dreg:s7], $0x2FFFF;
	_ =	strace $0x9FFFFFFF  }
0xc3: {  	(tm) =	ssettm $0x7FFFFFFF  }
tec
execute0_lowered:
.L_overlay_start_1:
0x0: {  	(tag) =	ssettag $0x1  }
0x1: {  	s1 =	rddreg [dreg:$0x0]  }
0x2: {  	s0 =	rddreg [dreg:$0x1]  }
0x3: {  	s2 =	rddreg [dreg:$0x2]  }
0x4: {  	s3 =	simm.s32 $0x0;
	s23 =	srdreg.scid;
	s12 =	stileid.u32  }
0x5: {  	[smem:$0x7FF] =	sst s3;
	s3 =	sand.u32 $0x1, s23;
	s24 =	smul.u32 $0x57E40, s12  }
0x6: {  	s4 =	smul.u32 $0x15F90, s12;
	s10 =	sadd.s32 $0x15000, s0;
	s11 =	sadd.s32 $0x14E00, s0  }
0x7: {  	_ =	strace $0x80000047;
	[dreg:$0x4] =	wrdreg s10;
	s10 =	sshrl.u32 s24, $0x2  }
0x8: {  	[dreg:$0x5] =	wrdreg s11;
	s13 =	sadd.s32 s4, s2;
	s10 =	sadd.s32 s10, s2  }
0x9: {  	s9 =	smul.u32 $0x15F900, s3;
	[dreg:$0x6] =	wrdreg s13;
	s28 =	sadd.s32 $0xE10, s10  }
0xa: {  	s25 =	ssub.s32 $0x2, s3;
	s30 =	sadd.s32 $0x1C20, s10;
	[dreg:$0x7] =	wrdreg s28  }
0xb: {  	s3 =	sshll.u32 s3, $0x4;
	s11 =	sadd.s32 $0x2A30, s10;
	[dreg:$0x8] =	wrdreg s30  }
0xc: {  	s3 =	sor.u32 s12, s3;
	s12 =	sadd.s32 $0x3840, s10;
	[dreg:$0x9] =	wrdreg s11  }
0xd: {  	s14 =	sadd.s32 $0x4650, s10;
	[dreg:$0xa] =	wrdreg s12  }
0xe: {  	s15 =	sadd.s32 $0x5460, s10;
	[dreg:$0xb] =	wrdreg s14  }
0xf: {  	s16 =	sadd.s32 $0x6270, s10;
	[dreg:$0xc] =	wrdreg s15  }
0x10: {  	s5 =	sadd.s32 $0xAE00, s0;
	s17 =	sadd.s32 $0x7080, s10;
	[dreg:$0xd] =	wrdreg s16  }
0x11: {  	s6 =	sadd.s32 $0xE00, s0;
	s18 =	sadd.s32 $0x7E90, s10;
	[dreg:$0xe] =	wrdreg s17  }
0x12: {  	s7 =	sadd.s32 $0x200, s0;
	s19 =	sadd.s32 $0x8CA0, s10;
	[dreg:$0xf] =	wrdreg s18  }
0x13: {  	s8 =	sadd.s32 $0x800, s0;
	s20 =	sadd.s32 $0x9AB0, s10;
	[dreg:$0x10] =	wrdreg s19  }
0x14: {  	s26 =	sshrl.u32 s25, $0x1;
	s21 =	sadd.s32 $0xA8C0, s10;
	[dreg:$0x11] =	wrdreg s20  }
0x15: {  	s9 =	sadd.s32 s4, s9;
	s23 =	sadd.s32 $0xB6D0, s10;
	[dreg:$0x12] =	wrdreg s21  }
0x16: {  	s9 =	sshrl.u32 s9, $0x3;
	s24 =	sadd.s32 $0xC4E0, s10;
	[dreg:$0x13] =	wrdreg s23  }
0x17: {  	s4 =	sadd.s32 $0x10B30, s10;
	s0 =	sadd.s32 s9, s0;
	[dreg:$0x14] =	wrdreg s24  }
0x18: {  	s9 =	ssub.s32 s25, s26;
	s25 =	sadd.s32 $0xD2F0, s10;
	[dreg:$0x19] =	wrdreg s4  }
0x19: {  	s26 =	sadd.s32 $0xE100, s10;
	[dreg:$0x15] =	wrdreg s25  }
0x1a: {  	s28 =	sadd.s32 $0xEF10, s10;
	[dreg:$0x16] =	wrdreg s26  }
0x1b: {  	s30 =	sadd.s32 $0xFD20, s10;
	[dreg:$0x17] =	wrdreg s28  }
0x1c: {  	s11 =	sadd.s32 $0x11940, s10;
	[dreg:$0x18] =	wrdreg s30  }
0x1d: {  	s12 =	sadd.s32 $0x12750, s10;
	[dreg:$0x1a] =	wrdreg s11  }
0x1e: {  	s14 =	sadd.s32 $0x13560, s10;
	[dreg:$0x1b] =	wrdreg s12  }
0x1f: {  	s22 =	smul.u32 $0x2800, s3;
	s15 =	sadd.s32 $0x14370, s10;
	[dreg:$0x1c] =	wrdreg s14  }
0x20: {  	s29 =	simm.s32 $0x50;
	s17 =	sadd.s32 $0x15180, s10;
	[dreg:$0x1d] =	wrdreg s15  }
0x21: {  	s16 =	sshrl.u32 s22, $0x3;
	s24 =	sor.u32 $0xA0, s22;
	[dreg:$0x1e] =	wrdreg s17  }
0x22: {  	s31 =	simm.s32 $0x1;
	s18 =	sadd.s32 s5, s16;
	[smem:$0x7F9] =	sst s24  }
0x23: {  	s4 =	simm.s32 $0x2;
	s3 =	sadd.s32 s6, s16;
	[dreg:$0x1f] =	wrdreg s18  }
0x24: {  	s10 =	simm.s32 $0x0;
	s0 =	sadd.s32 $0x15200, s0;
	[smem:$0x7F4] =	sst s3  }
0x25: {  	s19 =	sor.u32 $0xA, s16;
	s23 =	smax.u32 s9, $0x1;
	[smem:$0x7F7] =	sst s0  }
0x26: {  	s25 =	sor.u32 $0xF0, s22;
	s26 =	sor.u32 $0x140, s22;
	[smem:$0x7F8] =	sst s23  }
0x27: {  	s28 =	sor.u32 $0x190, s22;
	s30 =	sor.u32 $0x50, s22;
	[smem:$0x7FA] =	sst s25  }
0x28: {  	s14 =	simm.s32 $0x9;
	s15 =	simm.s32 $0x500;
	[smem:$0x7FB] =	sst s26  }
0x29: {  	s16 =	simm.s32 $0x6;
	s17 =	simm.s32 $0x3;
	[smem:$0x7FC] =	sst s28  }
0x2a: {  	s20 =	sadd.s32 s5, s19;
	s21 =	sadd.s32 s6, s19;
	[smem:$0x7FD] =	sst s30  }
0x2b: {  	s3 =	simm.s32 $0x5;
	s19 =	simm.s32 $0x1E0;
	s23 =	simm.s32 $0x230  }
0x2c: {  	s18 =	simm.s32 $0x550;
	s0 =	simm.s32 $0x4;
	[smem:$0x7F5] =	sst s20  }
0x2d: {  	v0 =	vimm.f32 $0.0e+00;
	[smem:$0x7F6] =	sst s21;
	s20 =	simm.s32 $0x5A0;
	s21 =	simm.s32 $0x5F0  }
.LBB2_1:
0x2e: {  	[smem:$0x7F3] =	sst s10  }
0x2f: {  	s9 =	simm.s32 $0x0;
	s26 =	rddreg [dreg:$0x4];
	s11 =	simm.s32 $0x8840  }
0x30: {  	[tilespmem:s11], [sflag:$0x9] =	stream.linear.gather [hbm4b:s26+s9], $0x10, $0x38;
	[tilespmem:$0x1E830] =	vst v63  }
0x31: {  	_ =	swait.ge [sflag:s14], $0x10  }
0x32: {  	[sflag:s14] =	ssyncset.done $0x0  }
0x33: {  	s30 =	simm.s32 $0x8850;
	s28 =	rddreg [dreg:$0x5];
	[sflag:s14] =	ssyncadd.s32 $0xFFFFFFF0  }
0x34: {  	[tilespmem:s30], [sflag:$0x9] =	stream.linear.gather [hbm4b:s28+s9], $0x50, $0x38;
	[tilespmem:$0x1E830] =	vst v63  }
0x35: {  	_ =	swait.ge [sflag:s14], $0x50  }
0x36: {  	[sflag:s14] =	ssyncset.done $0x0  }
0x37: {  	s11 =	simm.s32 $0x2F60;
	[sflag:s14] =	ssyncadd.s32 $0xFFFFFFB0  }
0x38: {  	v1 =	vld [tilespmem:$0x8840];
	[tilespmem:s11+$0xFFFFFEE0] =	vst v0  }
0x39: {  	[tilespmem:s11+$0x110] =	vst v0  }
0x3a: {  	[tilespmem:s11+$0x100] =	vst v0  }
0x3b: {  	[tilespmem:s11+$0xF0] =	vst v0  }
0x3c: {  	[tilespmem:s11+$0xE0] =	vst v0  }
0x3d: {  	[tilespmem:s11+$0xD0] =	vst v0  }
0x3e: {  	[tilespmem:s11+$0xC0] =	vst v0  }
0x3f: {  	[tilespmem:s11+$0xB0] =	vst v0  }
0x40: {  	[tilespmem:s11+$0xA0] =	vst v0  }
0x41: {  	[tilespmem:s11+$0x90] =	vst v0  }
0x42: {  	[tilespmem:s11+$0x80] =	vst v0  }
0x43: {  	[tilespmem:s11+$0x70] =	vst v0  }
0x44: {  	[tilespmem:s11+$0x60] =	vst v0  }
0x45: {  	[tilespmem:s11+$0x50] =	vst v0  }
0x46: {  	[tilespmem:s11+$0x40] =	vst v0  }
0x47: {  	[tilespmem:s11+$0x30] =	vst v0  }
0x48: {  	[tilespmem:s11+$0x20] =	vst v0  }
0x49: {  	[tilespmem:s11+$0x10] =	vst v0  }
0x4a: {  	[tilespmem:s11+$0x0] =	vst v0  }
0x4b: {  	[tilespmem:s11+$0xFFFFFFF0] =	vst v0  }
0x4c: {  	[tilespmem:s11+$0xFFFFFFE0] =	vst v0  }
0x4d: {  	[tilespmem:s11+$0xFFFFFFD0] =	vst v0  }
0x4e: {  	[tilespmem:s11+$0xFFFFFFC0] =	vst v0  }
0x4f: {  	[tilespmem:s11+$0xFFFFFFB0] =	vst v0  }
0x50: {  	[tilespmem:s11+$0xFFFFFFA0] =	vst v0  }
0x51: {  	[tilespmem:s11+$0xFFFFFF90] =	vst v0  }
0x52: {  	[tilespmem:s11+$0xFFFFFF80] =	vst v0  }
0x53: {  	[tilespmem:s11+$0xFFFFFF70] =	vst v0  }
0x54: {  	[tilespmem:s11+$0xFFFFFF60] =	vst v0  }
0x55: {  	[tilespmem:s11+$0xFFFFFF50] =	vst v0  }
0x56: {  	[tilespmem:s11+$0xFFFFFF40] =	vst v0  }
0x57: {  	[tilespmem:s11+$0xFFFFFF30] =	vst v0  }
0x58: {  	[tilespmem:s11+$0xFFFFFF20] =	vst v0  }
0x59: {  	[tilespmem:s11+$0xFFFFFF10] =	vst v0  }
0x5a: {  	s12 =	simm.s32 $0x0;
	[tilespmem:s11+$0xFFFFFF00] =	vst v0  }
.LBB2_2:
0x5b: {  	s12 =	sadd.s32 $0x4, s12;
	[tilespmem:s11+$0xFFFFFEF0] =	vst v0;
	s11 =	sadd.s32 $0x240, s11  }
0x5c: {  	[tilespmem:s11+$0xFFFFFEE0] =	vst v0;
	p0 =	slt.u32 s12, $0x4C  }
0x5d: {  	[tilespmem:s11+$0x110] =	vst v0  }
0x5e: {  	[tilespmem:s11+$0x100] =	vst v0  }
0x5f: {  	[tilespmem:s11+$0xF0] =	vst v0  }
0x60: {  	[tilespmem:s11+$0xE0] =	vst v0  }
0x61: {  	[tilespmem:s11+$0xD0] =	vst v0  }
0x62: {  	[tilespmem:s11+$0xC0] =	vst v0  }
0x63: {  	[tilespmem:s11+$0xB0] =	vst v0  }
0x64: {  	[tilespmem:s11+$0xA0] =	vst v0  }
0x65: {  	[tilespmem:s11+$0x90] =	vst v0  }
0x66: {  	[tilespmem:s11+$0x80] =	vst v0  }
0x67: {  	[tilespmem:s11+$0x70] =	vst v0  }
0x68: {  	[tilespmem:s11+$0x60] =	vst v0  }
0x69: {  	[tilespmem:s11+$0x50] =	vst v0  }
0x6a: {  	[tilespmem:s11+$0x40] =	vst v0  }
0x6b: {  	[tilespmem:s11+$0x30] =	vst v0  }
0x6c: {  	[tilespmem:s11+$0x20] =	vst v0  }
0x6d: {  	[tilespmem:s11+$0x10] =	vst v0  }
0x6e: {  	[tilespmem:s11+$0x0] =	vst v0  }
0x6f: {  	[tilespmem:s11+$0xFFFFFFF0] =	vst v0  }
0x70: {  	[tilespmem:s11+$0xFFFFFFE0] =	vst v0  }
0x71: {  	[tilespmem:s11+$0xFFFFFFD0] =	vst v0  }
0x72: {  	[tilespmem:s11+$0xFFFFFFC0] =	vst v0  }
0x73: {  	[tilespmem:s11+$0xFFFFFFB0] =	vst v0  }
0x74: {  	[tilespmem:s11+$0xFFFFFFA0] =	vst v0  }
0x75: {  	[tilespmem:s11+$0xFFFFFF90] =	vst v0  }
0x76: {  	[tilespmem:s11+$0xFFFFFF80] =	vst v0  }
0x77: {  	[tilespmem:s11+$0xFFFFFF70] =	vst v0  }
0x78: {  	[tilespmem:s11+$0xFFFFFF60] =	vst v0  }
0x79: {  	[tilespmem:s11+$0xFFFFFF50] =	vst v0  }
.Ltmp0:
0x7a: {  	[tilespmem:s11+$0xFFFFFF40] =	vst v0;
	(pc) =	sbr.rel @p0 .LBB2_2-.Ltmp0, $4  }
0x7b: {  	[tilespmem:s11+$0xFFFFFF30] =	vst v0  }
0x7c: {  	[tilespmem:s11+$0xFFFFFF20] =	vst v0  }
0x7d: {  	[tilespmem:s11+$0xFFFFFF10] =	vst v0  }
0x7e: {  	[tilespmem:s11+$0xFFFFFF00] =	vst v0  }
0x7f: {  	[tilespmem:s11+$0xFFFFFEF0] =	vst v0;
	s10 =	simm.s32 $0x2E40  }
0x80: {  	[spmem:s13] =	stream.linear.scatter [tilespmem:s10], [sflag:$0x9], $0xE10, $0x38;
	[tilespmem:$0x1E830] =	vst v63  }
0x81: {  	_ =	swait.ge [sflag:s14], $0xE10  }
0x82: {  	[sflag:s14] =	ssyncset.done $0x0  }
0x83: {  	s9 =	rddreg [dreg:$0x7];
	[sflag:s14] =	ssyncadd.s32 $0xFFFFF1F0  }
0x84: {  	[spmem:s9] =	stream.linear.scatter [tilespmem:s10], [sflag:$0x9], $0xE10, $0x38;
	[tilespmem:$0x1E830] =	vst v63  }
0x85: {  	_ =	swait.ge [sflag:s14], $0xE10  }
0x86: {  	[sflag:s14] =	ssyncset.done $0x0  }
0x87: {  	s12 =	rddreg [dreg:$0x8];
	[sflag:s14] =	ssyncadd.s32 $0xFFFFF1F0  }
0x88: {  	[spmem:s12] =	stream.linear.scatter [tilespmem:s10], [sflag:$0x9], $0xE10, $0x38;
	[tilespmem:$0x1E830] =	vst v63  }
0x89: {  	_ =	swait.ge [sflag:s14], $0xE10  }
0x8a: {  	[sflag:s14] =	ssyncset.done $0x0  }
0x8b: {  	s13 =	rddreg [dreg:$0x9];
	[sflag:s14] =	ssyncadd.s32 $0xFFFFF1F0  }
0x8c: {  	[spmem:s13] =	stream.linear.scatter [tilespmem:s10], [sflag:$0x9], $0xE10, $0x38;
	[tilespmem:$0x1E830] =	vst v63  }
0x8d: {  	_ =	swait.ge [sflag:s14], $0xE10  }
0x8e: {  	[sflag:s14] =	ssyncset.done $0x0  }
0x8f: {  	s24 =	rddreg [dreg:$0xa];
	[sflag:s14] =	ssyncadd.s32 $0xFFFFF1F0  }
0x90: {  	[spmem:s24] =	stream.linear.scatter [tilespmem:s10], [sflag:$0x9], $0xE10, $0x38;
	[tilespmem:$0x1E830] =	vst v63  }
0x91: {  	_ =	swait.ge [sflag:s14], $0xE10  }
0x92: {  	[sflag:s14] =	ssyncset.done $0x0  }
0x93: {  	s25 =	rddreg [dreg:$0xb];
	[sflag:s14] =	ssyncadd.s32 $0xFFFFF1F0  }
0x94: {  	[spmem:s25] =	stream.linear.scatter [tilespmem:s10], [sflag:$0x9], $0xE10, $0x38;
	[tilespmem:$0x1E830] =	vst v63  }
0x95: {  	_ =	swait.ge [sflag:s14], $0xE10  }
0x96: {  	[sflag:s14] =	ssyncset.done $0x0  }
0x97: {  	s26 =	rddreg [dreg:$0xc];
	[sflag:s14] =	ssyncadd.s32 $0xFFFFF1F0  }
0x98: {  	[spmem:s26] =	stream.linear.scatter [tilespmem:s10], [sflag:$0x9], $0xE10, $0x38;
	[tilespmem:$0x1E830] =	vst v63  }
0x99: {  	_ =	swait.ge [sflag:s14], $0xE10  }
0x9a: {  	[sflag:s14] =	ssyncset.done $0x0  }
0x9b: {  	s28 =	rddreg [dreg:$0xd];
	[sflag:s14] =	ssyncadd.s32 $0xFFFFF1F0  }
0x9c: {  	[spmem:s28] =	stream.linear.scatter [tilespmem:s10], [sflag:$0x9], $0xE10, $0x38;
	[tilespmem:$0x1E830] =	vst v63  }
0x9d: {  	_ =	swait.ge [sflag:s14], $0xE10  }
0x9e: {  	[sflag:s14] =	ssyncset.done $0x0  }
0x9f: {  	s30 =	rddreg [dreg:$0xe];
	[sflag:s14] =	ssyncadd.s32 $0xFFFFF1F0  }
0xa0: {  	[spmem:s30] =	stream.linear.scatter [tilespmem:s10], [sflag:$0x9], $0xE10, $0x38;
	[tilespmem:$0x1E830] =	vst v63  }
0xa1: {  	_ =	swait.ge [sflag:s14], $0xE10  }
0xa2: {  	[sflag:s14] =	ssyncset.done $0x0  }
0xa3: {  	s11 =	rddreg [dreg:$0xf];
	[sflag:s14] =	ssyncadd.s32 $0xFFFFF1F0  }
0xa4: {  	[spmem:s11] =	stream.linear.scatter [tilespmem:s10], [sflag:$0x9], $0xE10, $0x38;
	[tilespmem:$0x1E830] =	vst v63  }
0xa5: {  	_ =	swait.ge [sflag:s14], $0xE10  }
0xa6: {  	[sflag:s14] =	ssyncset.done $0x0  }
0xa7: {  	s12 =	rddreg [dreg:$0x10];
	[sflag:s14] =	ssyncadd.s32 $0xFFFFF1F0  }
0xa8: {  	[spmem:s12] =	stream.linear.scatter [tilespmem:s10], [sflag:$0x9], $0xE10, $0x38;
	[tilespmem:$0x1E830] =	vst v63  }
0xa9: {  	_ =	swait.ge [sflag:s14], $0xE10  }
0xaa: {  	[sflag:s14] =	ssyncset.done $0x0  }
0xab: {  	s13 =	rddreg [dreg:$0x11];
	[sflag:s14] =	ssyncadd.s32 $0xFFFFF1F0  }
0xac: {  	[spmem:s13] =	stream.linear.scatter [tilespmem:s10], [sflag:$0x9], $0xE10, $0x38;
	[tilespmem:$0x1E830] =	vst v63  }
0xad: {  	_ =	swait.ge [sflag:s14], $0xE10  }
0xae: {  	[sflag:s14] =	ssyncset.done $0x0  }
0xaf: {  	s24 =	rddreg [dreg:$0x12];
	[sflag:s14] =	ssyncadd.s32 $0xFFFFF1F0  }
0xb0: {  	[spmem:s24] =	stream.linear.scatter [tilespmem:s10], [sflag:$0x9], $0xE10, $0x38;
	[tilespmem:$0x1E830] =	vst v63  }
0xb1: {  	_ =	swait.ge [sflag:s14], $0xE10  }
0xb2: {  	[sflag:s14] =	ssyncset.done $0x0  }
0xb3: {  	s25 =	rddreg [dreg:$0x13];
	[sflag:s14] =	ssyncadd.s32 $0xFFFFF1F0  }
0xb4: {  	[spmem:s25] =	stream.linear.scatter [tilespmem:s10], [sflag:$0x9], $0xE10, $0x38;
	[tilespmem:$0x1E830] =	vst v63  }
0xb5: {  	_ =	swait.ge [sflag:s14], $0xE10  }
0xb6: {  	[sflag:s14] =	ssyncset.done $0x0  }
0xb7: {  	s26 =	rddreg [dreg:$0x14];
	[sflag:s14] =	ssyncadd.s32 $0xFFFFF1F0  }
0xb8: {  	[spmem:s26] =	stream.linear.scatter [tilespmem:s10], [sflag:$0x9], $0xE10, $0x38;
	[tilespmem:$0x1E830] =	vst v63  }
0xb9: {  	_ =	swait.ge [sflag:s14], $0xE10  }
0xba: {  	[sflag:s14] =	ssyncset.done $0x0  }
0xbb: {  	s28 =	rddreg [dreg:$0x15];
	[sflag:s14] =	ssyncadd.s32 $0xFFFFF1F0  }
0xbc: {  	[spmem:s28] =	stream.linear.scatter [tilespmem:s10], [sflag:$0x9], $0xE10, $0x38;
	[tilespmem:$0x1E830] =	vst v63  }
0xbd: {  	_ =	swait.ge [sflag:s14], $0xE10  }
0xbe: {  	[sflag:s14] =	ssyncset.done $0x0  }
0xbf: {  	s30 =	rddreg [dreg:$0x16];
	[sflag:s14] =	ssyncadd.s32 $0xFFFFF1F0  }
0xc0: {  	[spmem:s30] =	stream.linear.scatter [tilespmem:s10], [sflag:$0x9], $0xE10, $0x38;
	[tilespmem:$0x1E830] =	vst v63  }
0xc1: {  	_ =	swait.ge [sflag:s14], $0xE10  }
0xc2: {  	[sflag:s14] =	ssyncset.done $0x0  }
0xc3: {  	s11 =	rddreg [dreg:$0x17];
	[sflag:s14] =	ssyncadd.s32 $0xFFFFF1F0  }
0xc4: {  	[spmem:s11] =	stream.linear.scatter [tilespmem:s10], [sflag:$0x9], $0xE10, $0x38;
	[tilespmem:$0x1E830] =	vst v63  }
0xc5: {  	_ =	swait.ge [sflag:s14], $0xE10  }
0xc6: {  	[sflag:s14] =	ssyncset.done $0x0  }
0xc7: {  	s12 =	rddreg [dreg:$0x18];
	[sflag:s14] =	ssyncadd.s32 $0xFFFFF1F0  }
0xc8: {  	[spmem:s12] =	stream.linear.scatter [tilespmem:s10], [sflag:$0x9], $0xE10, $0x38;
	[tilespmem:$0x1E830] =	vst v63  }
0xc9: {  	_ =	swait.ge [sflag:s14], $0xE10  }
0xca: {  	[sflag:s14] =	ssyncset.done $0x0  }
0xcb: {  	s13 =	rddreg [dreg:$0x19];
	[sflag:s14] =	ssyncadd.s32 $0xFFFFF1F0  }
0xcc: {  	[spmem:s13] =	stream.linear.scatter [tilespmem:s10], [sflag:$0x9], $0xE10, $0x38;
	[tilespmem:$0x1E830] =	vst v63  }
0xcd: {  	_ =	swait.ge [sflag:s14], $0xE10  }
0xce: {  	[sflag:s14] =	ssyncset.done $0x0  }
0xcf: {  	s24 =	rddreg [dreg:$0x1a];
	[sflag:s14] =	ssyncadd.s32 $0xFFFFF1F0  }
0xd0: {  	[spmem:s24] =	stream.linear.scatter [tilespmem:s10], [sflag:$0x9], $0xE10, $0x38;
	[tilespmem:$0x1E830] =	vst v63  }
0xd1: {  	_ =	swait.ge [sflag:s14], $0xE10  }
0xd2: {  	[sflag:s14] =	ssyncset.done $0x0  }
0xd3: {  	s25 =	rddreg [dreg:$0x1b];
	[sflag:s14] =	ssyncadd.s32 $0xFFFFF1F0  }
0xd4: {  	[spmem:s25] =	stream.linear.scatter [tilespmem:s10], [sflag:$0x9], $0xE10, $0x38;
	[tilespmem:$0x1E830] =	vst v63  }
0xd5: {  	_ =	swait.ge [sflag:s14], $0xE10  }
0xd6: {  	[sflag:s14] =	ssyncset.done $0x0  }
0xd7: {  	s26 =	rddreg [dreg:$0x1c];
	[sflag:s14] =	ssyncadd.s32 $0xFFFFF1F0  }
0xd8: {  	[spmem:s26] =	stream.linear.scatter [tilespmem:s10], [sflag:$0x9], $0xE10, $0x38;
	[tilespmem:$0x1E830] =	vst v63  }
0xd9: {  	_ =	swait.ge [sflag:s14], $0xE10  }
0xda: {  	[sflag:s14] =	ssyncset.done $0x0  }
0xdb: {  	s28 =	rddreg [dreg:$0x1d];
	[sflag:s14] =	ssyncadd.s32 $0xFFFFF1F0  }
0xdc: {  	[spmem:s28] =	stream.linear.scatter [tilespmem:s10], [sflag:$0x9], $0xE10, $0x38;
	[tilespmem:$0x1E830] =	vst v63  }
0xdd: {  	_ =	swait.ge [sflag:s14], $0xE10  }
0xde: {  	[sflag:s14] =	ssyncset.done $0x0  }
0xdf: {  	s30 =	rddreg [dreg:$0x1e];
	[sflag:s14] =	ssyncadd.s32 $0xFFFFF1F0  }
0xe0: {  	[spmem:s30] =	stream.linear.scatter [tilespmem:s10], [sflag:$0x9], $0xE10, $0x38;
	[tilespmem:$0x1E830] =	vst v63  }
0xe1: {  	_ =	swait.ge [sflag:s14], $0xE10  }
0xe2: {  	[sflag:s14] =	ssyncset.done $0x0  }
0xe3: {  	[sflag:s14] =	ssyncadd.s32 $0xFFFFF1F0  }
0xe4: {  	[bflag:$0x0] =	sbarrier.arrive $0xFFFF  }
0xe5: {  	s10 =	rddreg [dreg:$0x1f]  }
0xe6: {  	s12 =	simm.s32 $0x0;
	s11 =	sld [smem:$0x7F4]  }
0xe7: {  	[tilespmem:s12], [sflag:$0x1] =	stream.linear.gather [hbm4b:s10+s12], $0x50, $0x38;
	[tilespmem:$0x1E830] =	vst v63  }
0xe8: {  	s13 =	simm.s32 $0x140;
	s14 =	sld [smem:$0x7F5]  }
0xe9: {  	[tilespmem:s13], [sflag:$0x1] =	stream.linear.gather [hbm4b:s11+s12], $0x50, $0x38;
	[tilespmem:$0x1E830] =	vst v63  }
0xea: {  	s24 =	sld [smem:$0x7F6]  }
0xeb: {  	[tilespmem:s29], [sflag:$0x2] =	stream.linear.gather [hbm4b:s14+s12], $0x50, $0x38;
	[tilespmem:$0x1E830] =	vst v63  }
0xec: {  	s25 =	simm.s32 $0x190  }
0xed: {  	[tilespmem:s25], [sflag:$0x2] =	stream.linear.gather [hbm4b:s24+s12], $0x50, $0x38;
	[tilespmem:$0x1E830] =	vst v63  }
0xee: {  	_ =	swait.ge [sflag:s31], $0x50  }
0xef: {  	[sflag:s31] =	ssyncset.done $0x0  }
0xf0: {  	[sflag:s31] =	ssyncadd.s32 $0xFFFFFFB0  }
0xf1: {  	_ =	swait.ge [sflag:s31], $0x50  }
0xf2: {  	[sflag:s31] =	ssyncset.done $0x0  }
0xf3: {  	s26 =	simm.s32 $0x280;
	[sflag:s31] =	ssyncadd.s32 $0xFFFFFFB0  }
0xf4: {  	[tilespmem:s26], [sflag:$0x1] =	stream.indirect.gather [hbm4b:s7+s29], $0x1, s12, s29, $0xb8;
	[tilespmem:$0x1E830] =	vst v63  }
0xf5: {  	s28 =	simm.s32 $0x3C0  }
0xf6: {  	[tilespmem:s28], [sflag:$0x1] =	stream.indirect.gather [hbm4b:s8+s29], $0x1, s13, s29, $0xb8;
	[tilespmem:$0x1E830] =	vst v63  }
0xf7: {  	s30 =	simm.s32 $0x640;
	s24 =	simm.s32 $0x0  }
0xf8: {  	[tilespmem:s30], [sflag:$0x5] =	stream.indirect.gather [hbm4b:s1+s29], $0x40, s13, s29, $0xb8;
	[tilespmem:$0x1E830] =	vst v63  }
.LBB2_4:
0xf9: {  	_ =	swait.ge [sflag:s3], $0x1400  }
0xfa: {  	[sflag:s3] =	ssyncset.done $0x0  }
0xfb: {  	[sflag:s3] =	ssyncadd.s32 $0xFFFFEC00  }
0xfc: {  	_ =	swait.ge [sflag:s4], $0x50  }
0xfd: {  	[sflag:s4] =	ssyncset.done $0x0  }
0xfe: {  	[sflag:s4] =	ssyncadd.s32 $0xFFFFFFB0  }
0xff: {  	_ =	swait.ge [sflag:s4], $0x50  }
0x100: {  	[sflag:s4] =	ssyncset.done $0x0  }
0x101: {  	s9 =	simm.s32 $0x2D0;
	p0 =	seq.s32 s24, $0x0;
	[sflag:s4] =	ssyncadd.s32 $0xFFFFFFB0  }
0x102: {  	[tilespmem:s9], [sflag:$0x2] =	stream.indirect.gather [hbm4b:s7+s29], $0x1, s29, s29, $0xb8;
	[tilespmem:$0x1E830] =	vst v63  }
0x103: {  	s13 =	simm.s32 $0x190;
	s10 =	simm.s32 $0x410;
	s11 =	simm.s32 @!p0 $0x8  }
0x104: {  	[tilespmem:s10], [sflag:$0x2] =	stream.indirect.gather [hbm4b:s8+s29], $0x1, s13, s29, $0xb8;
	[tilespmem:$0x1E830] =	vst v63  }
0x105: {  	_ =	swait.ge @!p0 [sflag:s11], $0x2D00  }
0x106: {  	[sflag:s11] =	ssyncset.done @!p0 $0x0;
	s25 =	sld [smem:$0x7F9]  }
0x107: {  	s12 =	smul.u32 $0x140, s24;
	s14 =	simm.s32 $0x1A40;
	[sflag:s11] =	ssyncadd.s32 @!p0 $0xFFFFD300  }
0x108: {  	[tilespmem:s14], [sflag:$0x6] =	stream.indirect.gather [hbm4b:s1+s29], $0x40, s13, s29, $0xb8;
	[tilespmem:$0x1E830] =	vst v63  }
0x109: {  	s30 =	sadd.s32 s12, s25  }
0x10a: {  	s26 =	sshrl.u32 s30, $0x3  }
0x10b: {  	s10 =	simm.s32 $0xA0;
	s14 =	simm.s32 $0x0;
	s13 =	sadd.s32 s5, s26  }
0x10c: {  	[tilespmem:s10], [sflag:$0x3] =	stream.linear.gather [hbm4b:s13+s14], $0x50, $0x38;
	[tilespmem:$0x1E830] =	vst v63  }
0x10d: {  	s11 =	sadd.s32 s6, s26  }
0x10e: {  	[tilespmem:s19], [sflag:$0x3] =	stream.linear.gather [hbm4b:s11+s14], $0x50, $0x38;
	[tilespmem:$0x1E830] =	vst v63  }
0x10f: {  	_ =	swait.ge [sflag:s31], $0x50  }
0x110: {  	[sflag:s31] =	ssyncset.done $0x0  }
0x111: {  	[sflag:s31] =	ssyncadd.s32 $0xFFFFFFB0  }
0x112: {  	_ =	swait.ge [sflag:s31], $0x50  }
0x113: {  	[sflag:s31] =	ssyncset.done $0x0  }
0x114: {  	[sflag:s31] =	ssyncadd.s32 $0xFFFFFFB0  }
0x115: {  	v2 =	vld [tilespmem:$0x280]  }
0x116: {  	v3 =	vld [tilespmem:$0x3C0];
	_ =	sdelay $0x3  }
0x117: {  	v4 =	vld [tilespmem:$0x290]  }
0x118: {  	v5 =	vld [tilespmem:$0x2A0];
	v2 =	vadd.f32 v3, v2  }
0x119: {  	v7 =	vld [tilespmem:$0x3E0]  }
0x11a: {  	v3 =	vld [tilespmem:$0x3D0];
	v6 =	vmul.f32 $2.000000030e-01, v2  }
0x11b: {  	v8 =	vld [tilespmem:$0x2B0];
	vm0 =	vge.f32 v2, $0.0e+00  }
0x11c: {  	v9 =	vld [tilespmem:$0x2C0];
	v2 =	vsel vm0, v2, v6  }
0x11d: {  	v6 =	vld [tilespmem:$0x3F0];
	v2 =	vsub.f32 v2, v1  }
0x11e: {  	v10 =	vld [tilespmem:$0x400]  }
0x11f: {  	v3 =	vadd.f32 v3, v4;
	v2 =	vmul.f32 $1.442695020e+00, v2  }
0x120: {  	v4 =	vadd.f32 v7, v5  }
0x121: {  	(erf) = vpow2.f32 v2;
	v2 =	vmul.f32 $2.000000030e-01, v3  }
0x122: {  	vm7 =	vge.f32 v3, $0.0e+00;
	v5 =	vmul.f32 $2.000000030e-01, v4;
	v6 =	vadd.f32 v6, v8  }
0x123: {  	vm8 =	vge.f32 v4, $0.0e+00;
	v2 =	vsel vm7, v3, v2;
	v3 =	vadd.f32 v10, v9  }
0x124: {  	v4 =	vsel vm8, v4, v5;
	v5 =	vmul.f32 $2.000000030e-01, v6;
	v2 =	vsub.f32 v2, v1  }
0x125: {  	v4 =	vsub.f32 v4, v1;
	vm9 =	vge.f32 v6, $0.0e+00;
	v7 =	vmul.f32 $2.000000030e-01, v3  }
0x126: {  	v5 =	vsel vm9, v6, v5;
	vm10 =	vge.f32 v3, $0.0e+00;
	v2 =	vmul.f32 $1.442695020e+00, v2  }
0x127: {  	v4 =	vmul.f32 $1.442695020e+00, v4;
	v5 =	vsub.f32 v5, v1;
	v3 =	vsel vm10, v3, v7  }
0x128: {  	(erf) = vpow2.f32 v2;
	v2 =	vsub.f32 v3, v1  }
0x129: {  	v3 =	vld [tilespmem:$0x8850];
	(erf) = vpow2.f32 v4;
	v4 =	vmul.f32 $1.442695020e+00, v5  }
0x12a: {  	v2 =	vmul.f32 $1.442695020e+00, v2  }
0x12b: {  	v5 =	vld [tilespmem:$0x8860];
	(erf) = vpow2.f32 v4  }
0x12c: {  	v4 =	vld [tilespmem:$0x8870];
	(erf) = vpow2.f32 v2  }
0x12d: {  	s19 =	sadd.s32 s22, s12  }
0x12e: {  	v2 =	vadd.s32 s19, v3;
	v3 =	vld [tilespmem:$0x8880]  }
0x12f: {  	v6 =	vpop (erf);
	vm11 =	vlt.s32 v2, $0x4E200;
	v2 =	vld [tilespmem:$0x8890]  }
0x130: {  	s25 =	simm.s32 $0x2;
	v5 =	vadd.s32 s19, v5;
	v6 =	vnsel vm11, $0x0, v6  }
0x131: {  	vm12 =	vlt.s32 v5, $0x4E200;
	v5 =	vmov s25;
	v4 =	vadd.s32 s19, v4;
	v7 =	vpop (erf)  }
0x132: {  	vm13 =	vlt.s32 v4, $0x4E200;
	v4 =	vand.u32 $0xFFFFFFFE, v5;
	v8 =	vpop (erf);
	v7 =	vnsel vm12, $0x0, v7  }
0x133: {  	s26 =	simm.s32 $0x1;
	[tilespmem:$0x500] =	vst v6;
	v3 =	vadd.s32 s19, v3;
	v4 =	vbroadcast v4, $0x0;
	v5 =	vnsel vm13, $0x0, v8  }
0x134: {  	[tilespmem:$0x510] =	vst v7;
	vm14 =	vlt.s32 v3, $0x4E200;
	v2 =	vadd.s32 s19, v2;
	v3 =	vmov s26;
	v6 =	vpop (erf)  }
0x135: {  	[tilespmem:$0x520] =	vst v5;
	vm15 =	vlt.s32 v2, $0x4E200;
	v2 =	vand.u32 $0xFFFFFFFD, v3;
	v5 =	vnsel vm14, $0x0, v6;
	v6 =	vpop (erf)  }
0x136: {  	v2 =	vbroadcast v2, $0x0;
	[tilespmem:$0x530] =	vst v5;
	v3 =	vnsel vm15, $0x0, v6;
	v5 =	vmov s14  }
0x137: {  	s13 =	simm.s32 $0x6C0;
	[tilespmem:$0x540] =	vst v3;
	v3 =	vand.u32 $0xFFFFFFFC, v5  }
0x138: {  	v3 =	vbroadcast v3, $0x0;
	v6 =	vld [tilespmem:s13+$0x0]  }
0x139: {  	v5 =	vld.idx.msk [tilespmem:v4+s15+$0x0], $0xffff  }
0x13a: {  	s9 =	simm.s32 $0x3  }
0x13b: {  	v8 =	vmov s9;
	v7 =	vld [tilespmem:s13+$0xFFFFFFC0]  }
0x13c: {  	v4 =	vld.idx.msk [tilespmem:v2+s15+$0x0], $0xffff  }
0x13d: {  	v9 =	vld [tilespmem:s13+$0xFFFFFF80];
	v2 =	vshll.u32 v6, $0x10  }
0x13e: {  	v6 =	vand.u32 $0xFFFF0000, v6;
	v3 =	vld.idx.msk [tilespmem:v3+s15+$0x0], $0xffff;
	v2 =	vmul.f32 v2, v5  }
0x13f: {  	s25 =	simm.s32 $0x2F60;
	v10 =	vld [tilespmem:s13+$0x40];
	v6 =	vmul.f32 v6, v5  }
0x140: {  	v11 =	vshll.u32 v7, $0x10;
	[tilespmem:s25+$0x0] =	vst v2;
	v2 =	vld.idx.msk [tilespmem:v8+s15+$0x0], $0xffff  }
0x141: {  	v7 =	vand.u32 $0xFFFF0000, v7;
	v8 =	vmul.f32 v11, v4;
	[tilespmem:s25+$0x40] =	vst v6  }
0x142: {  	v6 =	vshll.u32 v9, $0x10;
	v7 =	vmul.f32 v7, v4;
	v11 =	vld [tilespmem:s13+$0x10]  }
0x143: {  	v9 =	vand.u32 $0xFFFF0000, v9;
	[tilespmem:s25+$0xFFFFFF70] =	vst v8;
	v6 =	vmul.f32 v6, v3  }
0x144: {  	[tilespmem:s25+$0xFFFFFFB0] =	vst v7;
	v7 =	vshll.u32 v10, $0x10;
	v8 =	vmul.f32 v9, v3  }
0x145: {  	v9 =	vand.u32 $0xFFFF0000, v10;
	[tilespmem:s25+$0xFFFFFEE0] =	vst v6;
	v6 =	vld [tilespmem:s13+$0xFFFFFFD0];
	v7 =	vmul.f32 v7, v2  }
0x146: {  	[tilespmem:s25+$0xFFFFFF20] =	vst v8;
	v8 =	vmul.f32 v9, v2  }
0x147: {  	v9 =	vld [tilespmem:s13+$0xFFFFFF90];
	v10 =	vshll.u32 v11, $0x10;
	[tilespmem:s25+$0x90] =	vst v7  }
0x148: {  	v7 =	vand.u32 $0xFFFF0000, v11;
	v10 =	vmul.f32 v10, v5;
	[tilespmem:s25+$0xD0] =	vst v8  }
0x149: {  	v7 =	vmul.f32 v7, v5;
	v8 =	vld [tilespmem:s13+$0x50]  }
0x14a: {  	[tilespmem:s25+$0x10] =	vst v10;
	v11 =	vshll.u32 v6, $0x10  }
0x14b: {  	v6 =	vand.u32 $0xFFFF0000, v6;
	[tilespmem:s25+$0x50] =	vst v7;
	v10 =	vmul.f32 v11, v4  }
0x14c: {  	v6 =	vmul.f32 v6, v4;
	v7 =	vshll.u32 v9, $0x10;
	v11 =	vld [tilespmem:s13+$0x20]  }
0x14d: {  	v9 =	vand.u32 $0xFFFF0000, v9;
	v7 =	vmul.f32 v7, v3;
	[tilespmem:s25+$0xFFFFFF80] =	vst v10  }
0x14e: {  	s10 =	simm.s32 $0x4;
	v9 =	vmul.f32 v9, v3;
	[tilespmem:s25+$0xFFFFFFC0] =	vst v6;
	v6 =	vshll.u32 v8, $0x10  }
0x14f: {  	s14 =	simm.s32 $0x5;
	v8 =	vand.u32 $0xFFFF0000, v8;
	v10 =	vmov s10;
	[tilespmem:s25+$0xFFFFFEF0] =	vst v7;
	v7 =	vld [tilespmem:s13+$0xFFFFFFE0];
	v12 =	vmul.f32 v6, v2  }
0x150: {  	v13 =	vmul.f32 v8, v2;
	v6 =	vand.u32 $0xFFFFFFFC, v10;
	[tilespmem:s25+$0xFFFFFF30] =	vst v9;
	v8 =	vmov s14  }
0x151: {  	s19 =	simm.s32 $0x7;
	v6 =	vbroadcast v6, $0x0;
	v14 =	vld [tilespmem:s13+$0xFFFFFFA0];
	v10 =	vand.u32 $0xFFFFFFFD, v8;
	v9 =	vshll.u32 v11, $0x10;
	[tilespmem:s25+$0xA0] =	vst v12  }
0x152: {  	v8 =	vmov s19;
	v11 =	vand.u32 $0xFFFF0000, v11;
	[tilespmem:s25+$0xE0] =	vst v13;
	v12 =	vmul.f32 v9, v5  }
0x153: {  	s26 =	simm.s32 $0x6;
	v9 =	vbroadcast v10, $0x0;
	v11 =	vmul.f32 v11, v5;
	v10 =	vld [tilespmem:s13+$0x60]  }
0x154: {  	v13 =	vmov s26;
	v15 =	vshll.u32 v7, $0x10;
	v7 =	vand.u32 $0xFFFF0000, v7;
	[tilespmem:s25+$0x20] =	vst v12  }
0x155: {  	s28 =	sshll.u32 s24, $0x2;
	v16 =	vand.u32 $0xFFFFFFFE, v13;
	[tilespmem:s25+$0x60] =	vst v11;
	v13 =	vmul.f32 v15, v4;
	v12 =	vmul.f32 v7, v4  }
0x156: {  	s11 =	simm.s32 $0x8;
	s14 =	simm.s32 $0x6C0;
	s26 =	simm.s32 $0x2F60;
	v7 =	vbroadcast v16, $0x0;
	v15 =	vshll.u32 v14, $0x10;
	v14 =	vand.u32 $0xFFFF0000, v14;
	v11 =	vld [tilespmem:s13+$0x30]  }
.LBB2_5:
0x157: {  	p0 =	slt.u32 s11, $0x4C;
	v8 =	vld.idx.msk [tilespmem:v8+s15+$0x0], $0xffff;
	v15 =	vmul.f32 v15, v3;
	v14 =	vmul.f32 v14, v3;
	[tilespmem:s25+$0xFFFFFF90] =	vst v13  }
0x158: {  	v6 =	vld.idx.msk [tilespmem:v6+s15+$0x0], $0xffff;
	[tilespmem:s25+$0xFFFFFFD0] =	vst v12;
	v12 =	vshll.u32 v10, $0x10;
	v10 =	vand.u32 $0xFFFF0000, v10  }
0x159: {  	[tilespmem:s25+$0xFFFFFF00] =	vst v15;
	v13 =	vld [tilespmem:s13+$0xFFFFFFF0];
	v12 =	vmul.f32 v12, v2;
	v10 =	vmul.f32 v10, v2  }
0x15a: {  	s13 =	sadd.s32 $0x100, s13;
	v9 =	vld.idx.msk [tilespmem:v9+s15+$0x0], $0xffff;
	[tilespmem:s25+$0xFFFFFF40] =	vst v14  }
0x15b: {  	v14 =	vld [tilespmem:s13+$0x0];
	v15 =	vshll.u32 v11, $0x10;
	v11 =	vand.u32 $0xFFFF0000, v11;
	[tilespmem:s25+$0xB0] =	vst v12  }
0x15c: {  	v7 =	vld.idx.msk [tilespmem:v7+s15+$0x0], $0xffff;
	v12 =	vmul.f32 v15, v5;
	v11 =	vmul.f32 v11, v5;
	[tilespmem:s25+$0xF0] =	vst v10  }
0x15d: {  	v10 =	vld [tilespmem:s13+$0xFFFFFF80];
	[tilespmem:s25+$0xFFFFFFF0] =	vst v4  }
0x15e: {  	v15 =	vld [tilespmem:s13+$0xFFFFFFC0];
	v16 =	vshll.u32 v13, $0x10;
	v13 =	vand.u32 $0xFFFF0000, v13;
	[tilespmem:s25+$0x70] =	vst v11  }
0x15f: {  	v11 =	vld [tilespmem:s13+$0x40];
	v16 =	vmul.f32 v16, v4;
	v13 =	vmul.f32 v13, v4;
	[tilespmem:s25+$0x30] =	vst v12  }
0x160: {  	v4 =	vmov v9;
	v12 =	vld [tilespmem:s14+$0xFFFFFFB0];
	[tilespmem:s25+$0x80] =	vst v5  }
0x161: {  	v18 =	vshll.u32 v14, $0x10;
	[tilespmem:s25+$0xFFFFFFA0] =	vst v16;
	v9 =	vld [tilespmem:s14+$0x70];
	s14 =	smov.u32 s13  }
0x162: {  	v14 =	vand.u32 $0xFFFF0000, v14;
	v17 =	vmul.f32 v18, v7;
	v5 =	vmovc v7;
	v16 =	vshll.u32 v10, $0x10;
	[tilespmem:s25+$0xFFFFFFE0] =	vst v13  }
0x163: {  	v7 =	vand.u32 $0xFFFF0000, v10;
	v13 =	vmul.f32 v14, v5;
	s25 =	sadd.s32 $0x240, s25;
	v10 =	vshll.u32 v15, $0x10;
	[tilespmem:s26+$0xFFFFFF60] =	vst v3  }
0x164: {  	v14 =	vand.u32 $0xFFFF0000, v15;
	[tilespmem:s25+$0x0] =	vst v17;
	v15 =	vshll.u32 v11, $0x10;
	v11 =	vand.u32 $0xFFFF0000, v11  }
0x165: {  	v10 =	vmul.f32 v10, v4;
	v14 =	vmul.f32 v14, v4;
	[tilespmem:s25+$0x40] =	vst v13;
	v13 =	vshll.u32 v12, $0x10  }
0x166: {  	v16 =	vmul.f32 v16, v6;
	v7 =	vmul.f32 v7, v6;
	v12 =	vand.u32 $0xFFFF0000, v12;
	v17 =	vld [tilespmem:s13+$0x10];
	[tilespmem:s26+$0x110] =	vst v2  }
0x167: {  	v11 =	vmul.f32 v11, v8;
	[tilespmem:s25+$0xFFFFFF70] =	vst v10;
	v10 =	vmul.f32 v15, v8;
	v15 =	vshll.u32 v9, $0x10  }
0x168: {  	v13 =	vmul.f32 v13, v3;
	v12 =	vmul.f32 v12, v3;
	v3 =	vmovc v6;
	v9 =	vand.u32 $0xFFFF0000, v9;
	[tilespmem:s25+$0xFFFFFFB0] =	vst v14  }
0x169: {  	v14 =	vmul.f32 v15, v2;
	[tilespmem:s25+$0xFFFFFEE0] =	vst v16;
	v6 =	vld [tilespmem:s13+$0xFFFFFFD0];
	v16 =	vmul.f32 v9, v2;
	v2 =	vmov v8  }
0x16a: {  	[tilespmem:s25+$0xFFFFFF20] =	vst v7  }
0x16b: {  	v7 =	vld [tilespmem:s13+$0xFFFFFF90];
	v8 =	vshll.u32 v17, $0x10;
	[tilespmem:s25+$0x90] =	vst v10  }
0x16c: {  	v9 =	vand.u32 $0xFFFF0000, v17;
	v8 =	vmul.f32 v8, v5;
	[tilespmem:s25+$0xD0] =	vst v11  }
0x16d: {  	v9 =	vmul.f32 v9, v5;
	v10 =	vld [tilespmem:s13+$0x50];
	[tilespmem:s26+$0xFFFFFF10] =	vst v13  }
0x16e: {  	v11 =	vshll.u32 v6, $0x10;
	v6 =	vand.u32 $0xFFFF0000, v6;
	[tilespmem:s25+$0x10] =	vst v8  }
0x16f: {  	v8 =	vmul.f32 v11, v4;
	v6 =	vmul.f32 v6, v4;
	[tilespmem:s25+$0x50] =	vst v9  }
0x170: {  	v9 =	vshll.u32 v7, $0x10;
	v7 =	vand.u32 $0xFFFF0000, v7;
	v11 =	vld [tilespmem:s13+$0x20];
	[tilespmem:s26+$0xFFFFFF50] =	vst v12  }
0x171: {  	v9 =	vmul.f32 v9, v3;
	v7 =	vmul.f32 v7, v3;
	[tilespmem:s25+$0xFFFFFF80] =	vst v8  }
0x172: {  	[tilespmem:s25+$0xFFFFFFC0] =	vst v6;
	v6 =	vshll.u32 v10, $0x10;
	v8 =	vand.u32 $0xFFFF0000, v10  }
0x173: {  	s9 =	sadd.s32 $0x3, s11;
	v10 =	vmov s11;
	[tilespmem:s25+$0xFFFFFEF0] =	vst v9;
	v12 =	vld [tilespmem:s13+$0xFFFFFFE0];
	v9 =	vmul.f32 v6, v2;
	v13 =	vmul.f32 v8, v2  }
0x174: {  	s10 =	sadd.s32 $0x1, s11;
	v6 =	vand.u32 $0xFFFFFFFC, v10;
	v8 =	vmov s9;
	[tilespmem:s25+$0xFFFFFF30] =	vst v7  }
0x175: {  	v6 =	vbroadcast v6, $0x0;
	v7 =	vmov s10;
	v17 =	vld [tilespmem:s13+$0xFFFFFFA0];
	v10 =	vshll.u32 v11, $0x10;
	[tilespmem:s25+$0xA0] =	vst v9  }
.Ltmp1:
0x176: {  	v7 =	vand.u32 $0xFFFFFFFD, v7;
	v11 =	vand.u32 $0xFFFF0000, v11;
	v15 =	vmul.f32 v10, v5;
	[tilespmem:s25+$0xE0] =	vst v13;
	(pc) =	sbr.rel @p0 .LBB2_5-.Ltmp1, $4  }
0x177: {  	s9 =	sadd.s32 $0x2, s11;
	v9 =	vbroadcast v7, $0x0;
	v7 =	vmul.f32 v11, v5;
	v10 =	vld [tilespmem:s13+$0x60];
	[tilespmem:s26+$0xC0] =	vst v14  }
0x178: {  	v11 =	vmov s9;
	v13 =	vshll.u32 v12, $0x10;
	v12 =	vand.u32 $0xFFFF0000, v12;
	[tilespmem:s25+$0x20] =	vst v15  }
0x179: {  	v11 =	vand.u32 $0xFFFFFFFE, v11;
	v13 =	vmul.f32 v13, v4;
	v12 =	vmul.f32 v12, v4;
	[tilespmem:s25+$0x60] =	vst v7  }
0x17a: {  	s11 =	sadd.s32 $0x4, s11;
	v7 =	vbroadcast v11, $0x0;
	v15 =	vshll.u32 v17, $0x10;
	v14 =	vand.u32 $0xFFFF0000, v17;
	v11 =	vld [tilespmem:s13+$0x30];
	[tilespmem:s26+$0x100] =	vst v16;
	s26 =	smov.u32 s25  }
0x17b: {  	[tilespmem:s25+$0xFFFFFF90] =	vst v13  }
0x17c: {  	[tilespmem:s25+$0xFFFFFFD0] =	vst v12  }
0x17d: {  	v13 =	vmul.f32 v14, v3;
	[tilespmem:s25+$0x80] =	vst v5;
	v12 =	vshll.u32 v10, $0x10;
	v14 =	vld [tilespmem:s13+$0xFFFFFFF0]  }
0x17e: {  	[tilespmem:s25+$0xFFFFFFF0] =	vst v4;
	v12 =	vmul.f32 v12, v2  }
0x17f: {  	v15 =	vmul.f32 v15, v3;
	s11 =	sadd.s32 $0x100, s13;
	v10 =	vand.u32 $0xFFFF0000, v10;
	[tilespmem:s25+$0xFFFFFF40] =	vst v13  }
0x180: {  	v10 =	vmul.f32 v10, v2;
	v13 =	vand.u32 $0xFFFF0000, v11;
	[tilespmem:s25+$0xB0] =	vst v12;
	v12 =	vld [tilespmem:s11+$0x0]  }
0x181: {  	v7 =	vld.idx.msk [tilespmem:v7+s15+$0x0], $0xffff;
	[tilespmem:s25+$0xFFFFFF00] =	vst v15;
	v11 =	vshll.u32 v11, $0x10;
	v13 =	vmul.f32 v13, v5  }
0x182: {  	v6 =	vld.idx.msk [tilespmem:v6+s15+$0x0], $0xffff;
	[tilespmem:s25+$0xF0] =	vst v10;
	v10 =	vmul.f32 v11, v5;
	v11 =	vshll.u32 v14, $0x10  }
0x183: {  	v14 =	vand.u32 $0xFFFF0000, v14;
	[tilespmem:s25+$0x70] =	vst v13;
	v13 =	vld [tilespmem:s11+$0xFFFFFFC0];
	v11 =	vmul.f32 v11, v4  }
0x184: {  	v9 =	vld.idx.msk [tilespmem:v9+s15+$0x0], $0xffff;
	[tilespmem:s25+$0x30] =	vst v10;
	v4 =	vmul.f32 v14, v4  }
0x185: {  	v5 =	vld [tilespmem:s11+$0xFFFFFF80];
	v10 =	vshll.u32 v12, $0x10;
	[tilespmem:s25+$0xFFFFFFA0] =	vst v11  }
0x186: {  	v11 =	vld [tilespmem:s14+$0xFFFFFFB0];
	v12 =	vand.u32 $0xFFFF0000, v12;
	[tilespmem:s25+$0xFFFFFFE0] =	vst v4;
	v10 =	vmul.f32 v10, v7  }
0x187: {  	s10 =	sadd.s32 $0x240, s25;
	v4 =	vld [tilespmem:s11+$0x40];
	[tilespmem:s26+$0xFFFFFF60] =	vst v3;
	v12 =	vmul.f32 v12, v7  }
0x188: {  	v8 =	vld.idx.msk [tilespmem:v8+s15+$0x0], $0xffff;
	v14 =	vshll.u32 v13, $0x10;
	[tilespmem:s10+$0x0] =	vst v10  }
0x189: {  	v10 =	vld [tilespmem:s14+$0x70];
	v13 =	vand.u32 $0xFFFF0000, v13;
	[tilespmem:s10+$0x40] =	vst v12;
	v14 =	vmul.f32 v14, v9  }
0x18a: {  	v12 =	vshll.u32 v5, $0x10;
	[tilespmem:s26+$0x110] =	vst v2;
	v13 =	vmul.f32 v13, v9;
	v15 =	vld [tilespmem:s11+$0x10]  }
0x18b: {  	v5 =	vand.u32 $0xFFFF0000, v5;
	v12 =	vmul.f32 v12, v6;
	[tilespmem:s10+$0xFFFFFF70] =	vst v14  }
0x18c: {  	v5 =	vmul.f32 v5, v6;
	v14 =	vshll.u32 v4, $0x10;
	[tilespmem:s10+$0xFFFFFFB0] =	vst v13  }
0x18d: {  	v4 =	vand.u32 $0xFFFF0000, v4;
	[tilespmem:s10+$0xFFFFFEE0] =	vst v12;
	v13 =	vmul.f32 v14, v8;
	v12 =	vld [tilespmem:s11+$0xFFFFFFD0]  }
0x18e: {  	[tilespmem:s10+$0xFFFFFF20] =	vst v5;
	v14 =	vshll.u32 v11, $0x10;
	v4 =	vmul.f32 v4, v8  }
0x18f: {  	v5 =	vmul.f32 v14, v3;
	v14 =	vld [tilespmem:s11+$0xFFFFFF90];
	v16 =	vshll.u32 v15, $0x10;
	[tilespmem:s10+$0x90] =	vst v13  }
0x190: {  	v13 =	vand.u32 $0xFFFF0000, v15;
	[tilespmem:s10+$0xD0] =	vst v4;
	v15 =	vmul.f32 v16, v7  }
0x191: {  	v4 =	vand.u32 $0xFFFF0000, v11;
	v11 =	vmul.f32 v13, v7;
	v13 =	vld [tilespmem:s11+$0x50];
	[tilespmem:s26+$0xFFFFFF10] =	vst v5  }
0x192: {  	v3 =	vmul.f32 v4, v3;
	v4 =	vshll.u32 v12, $0x10;
	[tilespmem:s10+$0x10] =	vst v15  }
0x193: {  	v5 =	vand.u32 $0xFFFF0000, v12;
	[tilespmem:s10+$0x50] =	vst v11;
	v4 =	vmul.f32 v4, v9  }
0x194: {  	[tilespmem:s26+$0xFFFFFF50] =	vst v3;
	v5 =	vmul.f32 v5, v9;
	v11 =	vshll.u32 v14, $0x10;
	v12 =	vld [tilespmem:s11+$0x20]  }
0x195: {  	v3 =	vand.u32 $0xFFFF0000, v14;
	v11 =	vmul.f32 v11, v6;
	[tilespmem:s10+$0xFFFFFF80] =	vst v4  }
0x196: {  	v3 =	vmul.f32 v3, v6;
	[tilespmem:s10+$0xFFFFFFC0] =	vst v5;
	v4 =	vshll.u32 v13, $0x10  }
0x197: {  	v5 =	vand.u32 $0xFFFF0000, v13;
	[tilespmem:s10+$0xFFFFFEF0] =	vst v11;
	v4 =	vmul.f32 v4, v8  }
0x198: {  	v13 =	vshll.u32 v10, $0x10;
	v11 =	vld [tilespmem:s11+$0xFFFFFFE0];
	v5 =	vmul.f32 v5, v8;
	[tilespmem:s10+$0xFFFFFF30] =	vst v3  }
0x199: {  	v3 =	vmul.f32 v13, v2;
	v14 =	vshll.u32 v12, $0x10;
	[tilespmem:s10+$0xA0] =	vst v4  }
0x19a: {  	v13 =	vld [tilespmem:s11+$0xFFFFFFA0];
	v4 =	vand.u32 $0xFFFF0000, v12;
	[tilespmem:s10+$0xE0] =	vst v5;
	v12 =	vmul.f32 v14, v7  }
0x19b: {  	v5 =	vand.u32 $0xFFFF0000, v10;
	[tilespmem:s26+$0xC0] =	vst v3;
	v4 =	vmul.f32 v4, v7  }
0x19c: {  	v10 =	vld [tilespmem:s11+$0x60];
	v2 =	vmul.f32 v5, v2;
	[tilespmem:s10+$0x20] =	vst v12  }
0x19d: {  	v3 =	vshll.u32 v11, $0x10;
	[tilespmem:s10+$0x60] =	vst v4  }
0x19e: {  	v5 =	vand.u32 $0xFFFF0000, v11;
	[tilespmem:s26+$0x100] =	vst v2;
	v3 =	vmul.f32 v3, v9;
	v11 =	vld [tilespmem:s11+$0x30]  }
0x19f: {  	v4 =	vmul.f32 v5, v9;
	v5 =	vshll.u32 v13, $0x10;
	[tilespmem:s10+$0x80] =	vst v7  }
0x1a0: {  	v2 =	vand.u32 $0xFFFF0000, v13;
	v5 =	vmul.f32 v5, v6;
	[tilespmem:s10+$0xFFFFFF90] =	vst v3  }
0x1a1: {  	v2 =	vmul.f32 v2, v6;
	[tilespmem:s10+$0xFFFFFFD0] =	vst v4;
	v3 =	vshll.u32 v10, $0x10  }
0x1a2: {  	v4 =	vand.u32 $0xFFFF0000, v10;
	[tilespmem:s10+$0xFFFFFF00] =	vst v5;
	v5 =	vld [tilespmem:s11+$0xFFFFFFF0];
	v3 =	vmul.f32 v3, v8  }
0x1a3: {  	v4 =	vmul.f32 v4, v8;
	[tilespmem:s10+$0xFFFFFF40] =	vst v2;
	v2 =	vand.u32 $0xFFFF0000, v11  }
0x1a4: {  	[tilespmem:s10+$0xB0] =	vst v3;
	v3 =	vshll.u32 v11, $0x10;
	v2 =	vmul.f32 v2, v7  }
0x1a5: {  	[tilespmem:s10+$0xF0] =	vst v4;
	v4 =	vld [tilespmem:s11+$0xFFFFFFB0];
	v3 =	vmul.f32 v3, v7  }
0x1a6: {  	[tilespmem:s10+$0x70] =	vst v2  }
0x1a7: {  	v2 =	vand.u32 $0xFFFF0000, v5;
	[tilespmem:s10+$0x30] =	vst v3;
	v3 =	vld [tilespmem:s11+$0x70]  }
0x1a8: {  	[tilespmem:s10+$0xFFFFFFF0] =	vst v9;
	v2 =	vmul.f32 v2, v9  }
0x1a9: {  	[tilespmem:s10+$0xFFFFFF60] =	vst v6;
	v10 =	vshll.u32 v5, $0x10  }
0x1aa: {  	v5 =	vmul.f32 v10, v9;
	[tilespmem:s10+$0xFFFFFFE0] =	vst v2;
	v2 =	vshll.u32 v4, $0x10  }
0x1ab: {  	[tilespmem:s10+$0x110] =	vst v8;
	v4 =	vand.u32 $0xFFFF0000, v4;
	v2 =	vmul.f32 v2, v6  }
0x1ac: {  	[tilespmem:s10+$0xFFFFFFA0] =	vst v5;
	v4 =	vmul.f32 v4, v6;
	v5 =	vshll.u32 v3, $0x10  }
0x1ad: {  	v3 =	vand.u32 $0xFFFF0000, v3;
	v5 =	vmul.f32 v5, v8;
	[tilespmem:s10+$0xFFFFFF10] =	vst v2  }
0x1ae: {  	v2 =	vmul.f32 v3, v8;
	[tilespmem:s10+$0xFFFFFF50] =	vst v4  }
0x1af: {  	[tilespmem:s10+$0xC0] =	vst v5  }
0x1b0: {  	s9 =	simm.s32 $0x2E40;
	s11 =	simm.s32 $0x0;
	[tilespmem:s10+$0x100] =	vst v2  }
0x1b1: {  	[spmem:s2] =	stream.indirect.scatter.add.f32 [tilespmem:s9], [sflag:$0x7], $0x90, s11, s29, $0xb8;
	[tilespmem:$0x1E830] =	vst v63  }
0x1b2: {  	_ =	swait.ge [sflag:s16], $0x1400  }
0x1b3: {  	[sflag:s16] =	ssyncset.done $0x0  }
0x1b4: {  	[sflag:s16] =	ssyncadd.s32 $0xFFFFEC00  }
0x1b5: {  	_ =	swait.ge [sflag:s17], $0x50  }
0x1b6: {  	[sflag:s17] =	ssyncset.done $0x0  }
0x1b7: {  	[sflag:s17] =	ssyncadd.s32 $0xFFFFFFB0  }
0x1b8: {  	_ =	swait.ge [sflag:s17], $0x50  }
0x1b9: {  	[sflag:s17] =	ssyncset.done $0x0  }
0x1ba: {  	s13 =	simm.s32 $0xA0;
	s10 =	simm.s32 $0x320;
	[sflag:s17] =	ssyncadd.s32 $0xFFFFFFB0  }
0x1bb: {  	[tilespmem:s10], [sflag:$0x3] =	stream.indirect.gather [hbm4b:s7+s29], $0x1, s13, s29, $0xb8;
	[tilespmem:$0x1E830] =	vst v63  }
0x1bc: {  	s19 =	simm.s32 $0x460;
	s25 =	simm.s32 $0x7;
	s14 =	simm.s32 $0x1E0  }
0x1bd: {  	[tilespmem:s19], [sflag:$0x3] =	stream.indirect.gather [hbm4b:s8+s29], $0x1, s14, s29, $0xb8;
	[tilespmem:$0x1E830] =	vst v63  }
0x1be: {  	_ =	swait.ge [sflag:s25], $0x2D00  }
0x1bf: {  	[sflag:s25] =	ssyncset.done $0x0;
	s10 =	sld [smem:$0x7FA]  }
0x1c0: {  	s26 =	simm.s32 $0x640;
	[sflag:s25] =	ssyncadd.s32 $0xFFFFD300  }
0x1c1: {  	[tilespmem:s26], [sflag:$0x5] =	stream.indirect.gather [hbm4b:s1+s29], $0x40, s14, s29, $0xb8;
	[tilespmem:$0x1E830] =	vst v63  }
0x1c2: {  	s9 =	sadd.s32 s12, s10  }
0x1c3: {  	s9 =	sshrl.u32 s9, $0x3  }
0x1c4: {  	s14 =	simm.s32 $0xF0;
	s13 =	sadd.s32 s5, s9  }
0x1c5: {  	[tilespmem:s14], [sflag:$0x4] =	stream.linear.gather [hbm4b:s13+s11], $0x50, $0x38;
	[tilespmem:$0x1E830] =	vst v63  }
0x1c6: {  	s9 =	sadd.s32 s6, s9  }
0x1c7: {  	[tilespmem:s23], [sflag:$0x4] =	stream.linear.gather [hbm4b:s9+s11], $0x50, $0x38;
	[tilespmem:$0x1E830] =	vst v63  }
0x1c8: {  	_ =	swait.ge [sflag:s4], $0x50  }
0x1c9: {  	[sflag:s4] =	ssyncset.done $0x0  }
0x1ca: {  	[sflag:s4] =	ssyncadd.s32 $0xFFFFFFB0  }
0x1cb: {  	_ =	swait.ge [sflag:s4], $0x50  }
0x1cc: {  	[sflag:s4] =	ssyncset.done $0x0  }
0x1cd: {  	[sflag:s4] =	ssyncadd.s32 $0xFFFFFFB0  }
0x1ce: {  	v2 =	vld [tilespmem:$0x2D0]  }
0x1cf: {  	v3 =	vld [tilespmem:$0x410];
	_ =	sdelay $0x3  }
0x1d0: {  	v4 =	vld [tilespmem:$0x2E0]  }
0x1d1: {  	v5 =	vld [tilespmem:$0x2F0];
	v2 =	vadd.f32 v3, v2  }
0x1d2: {  	v7 =	vld [tilespmem:$0x430]  }
0x1d3: {  	v3 =	vld [tilespmem:$0x420];
	v6 =	vmul.f32 $2.000000030e-01, v2  }
0x1d4: {  	v8 =	vld [tilespmem:$0x300];
	vm0 =	vge.f32 v2, $0.0e+00  }
0x1d5: {  	v9 =	vld [tilespmem:$0x310];
	v2 =	vsel vm0, v2, v6  }
0x1d6: {  	v6 =	vld [tilespmem:$0x440];
	v2 =	vsub.f32 v2, v1  }
0x1d7: {  	v10 =	vld [tilespmem:$0x450]  }
0x1d8: {  	v3 =	vadd.f32 v3, v4;
	v2 =	vmul.f32 $1.442695020e+00, v2  }
0x1d9: {  	v4 =	vadd.f32 v7, v5  }
0x1da: {  	(erf) = vpow2.f32 v2;
	v2 =	vmul.f32 $2.000000030e-01, v3  }
0x1db: {  	vm7 =	vge.f32 v3, $0.0e+00;
	v5 =	vmul.f32 $2.000000030e-01, v4;
	v6 =	vadd.f32 v6, v8  }
0x1dc: {  	vm8 =	vge.f32 v4, $0.0e+00;
	v2 =	vsel vm7, v3, v2;
	v3 =	vadd.f32 v10, v9  }
0x1dd: {  	v4 =	vsel vm8, v4, v5;
	v5 =	vmul.f32 $2.000000030e-01, v6;
	v2 =	vsub.f32 v2, v1  }
0x1de: {  	v4 =	vsub.f32 v4, v1;
	vm9 =	vge.f32 v6, $0.0e+00;
	v7 =	vmul.f32 $2.000000030e-01, v3  }
0x1df: {  	v5 =	vsel vm9, v6, v5;
	vm10 =	vge.f32 v3, $0.0e+00;
	v2 =	vmul.f32 $1.442695020e+00, v2  }
0x1e0: {  	v4 =	vmul.f32 $1.442695020e+00, v4;
	v5 =	vsub.f32 v5, v1;
	v3 =	vsel vm10, v3, v7  }
0x1e1: {  	(erf) = vpow2.f32 v2;
	v2 =	vsub.f32 v3, v1  }
0x1e2: {  	v3 =	vld [tilespmem:$0x8850];
	(erf) = vpow2.f32 v4;
	v4 =	vmul.f32 $1.442695020e+00, v5  }
0x1e3: {  	s23 =	sld [smem:$0x7FD];
	v2 =	vmul.f32 $1.442695020e+00, v2  }
0x1e4: {  	v5 =	vld [tilespmem:$0x8860];
	(erf) = vpow2.f32 v4  }
0x1e5: {  	v4 =	vld [tilespmem:$0x8870];
	(erf) = vpow2.f32 v2  }
0x1e6: {  	s9 =	sadd.s32 s23, s12  }
0x1e7: {  	v2 =	vadd.s32 s9, v3;
	v3 =	vld [tilespmem:$0x8880]  }
0x1e8: {  	v6 =	vpop (erf);
	vm11 =	vlt.s32 v2, $0x4E200;
	v2 =	vld [tilespmem:$0x8890]  }
0x1e9: {  	s25 =	simm.s32 $0x2;
	v5 =	vadd.s32 s9, v5;
	v6 =	vnsel vm11, $0x0, v6  }
0x1ea: {  	vm12 =	vlt.s32 v5, $0x4E200;
	v5 =	vmov s25;
	v4 =	vadd.s32 s9, v4;
	v7 =	vpop (erf)  }
0x1eb: {  	vm13 =	vlt.s32 v4, $0x4E200;
	v4 =	vand.u32 $0xFFFFFFFE, v5;
	v8 =	vpop (erf);
	v7 =	vnsel vm12, $0x0, v7  }
0x1ec: {  	s26 =	simm.s32 $0x1;
	[tilespmem:$0x550] =	vst v6;
	v3 =	vadd.s32 s9, v3;
	v4 =	vbroadcast v4, $0x0;
	v5 =	vnsel vm13, $0x0, v8  }
0x1ed: {  	[tilespmem:$0x560] =	vst v7;
	vm14 =	vlt.s32 v3, $0x4E200;
	v2 =	vadd.s32 s9, v2;
	v3 =	vmov s26;
	v6 =	vpop (erf)  }
0x1ee: {  	[tilespmem:$0x570] =	vst v5;
	vm15 =	vlt.s32 v2, $0x4E200;
	v2 =	vand.u32 $0xFFFFFFFD, v3;
	v5 =	vnsel vm14, $0x0, v6;
	v6 =	vpop (erf)  }
0x1ef: {  	v2 =	vbroadcast v2, $0x0;
	[tilespmem:$0x580] =	vst v5;
	v3 =	vnsel vm15, $0x0, v6;
	v5 =	vmov s11  }
0x1f0: {  	s13 =	simm.s32 $0x1AC0;
	[tilespmem:$0x590] =	vst v3;
	v3 =	vand.u32 $0xFFFFFFFC, v5  }
0x1f1: {  	v3 =	vbroadcast v3, $0x0;
	v6 =	vld [tilespmem:s13+$0x0]  }
0x1f2: {  	v5 =	vld.idx.msk [tilespmem:v4+s18+$0x0], $0xffff  }
0x1f3: {  	s10 =	simm.s32 $0x3  }
0x1f4: {  	v8 =	vmov s10;
	v7 =	vld [tilespmem:s13+$0xFFFFFFC0]  }
0x1f5: {  	v4 =	vld.idx.msk [tilespmem:v2+s18+$0x0], $0xffff  }
0x1f6: {  	v9 =	vld [tilespmem:s13+$0xFFFFFF80];
	v2 =	vshll.u32 v6, $0x10  }
0x1f7: {  	v6 =	vand.u32 $0xFFFF0000, v6;
	v3 =	vld.idx.msk [tilespmem:v3+s18+$0x0], $0xffff;
	v2 =	vmul.f32 v2, v5  }
0x1f8: {  	s25 =	simm.s32 $0x5C60;
	v10 =	vld [tilespmem:s13+$0x40];
	v6 =	vmul.f32 v6, v5  }
0x1f9: {  	v11 =	vshll.u32 v7, $0x10;
	[tilespmem:s25+$0x0] =	vst v2;
	v2 =	vld.idx.msk [tilespmem:v8+s18+$0x0], $0xffff  }
0x1fa: {  	v7 =	vand.u32 $0xFFFF0000, v7;
	v8 =	vmul.f32 v11, v4;
	[tilespmem:s25+$0x40] =	vst v6  }
0x1fb: {  	v6 =	vshll.u32 v9, $0x10;
	v7 =	vmul.f32 v7, v4;
	v11 =	vld [tilespmem:s13+$0x10]  }
0x1fc: {  	v9 =	vand.u32 $0xFFFF0000, v9;
	[tilespmem:s25+$0xFFFFFF70] =	vst v8;
	v6 =	vmul.f32 v6, v3  }
0x1fd: {  	[tilespmem:s25+$0xFFFFFFB0] =	vst v7;
	v7 =	vshll.u32 v10, $0x10;
	v8 =	vmul.f32 v9, v3  }
0x1fe: {  	v9 =	vand.u32 $0xFFFF0000, v10;
	[tilespmem:s25+$0xFFFFFEE0] =	vst v6;
	v6 =	vld [tilespmem:s13+$0xFFFFFFD0];
	v7 =	vmul.f32 v7, v2  }
0x1ff: {  	[tilespmem:s25+$0xFFFFFF20] =	vst v8;
	v8 =	vmul.f32 v9, v2  }
0x200: {  	v9 =	vld [tilespmem:s13+$0xFFFFFF90];
	v10 =	vshll.u32 v11, $0x10;
	[tilespmem:s25+$0x90] =	vst v7  }
0x201: {  	v7 =	vand.u32 $0xFFFF0000, v11;
	v10 =	vmul.f32 v10, v5;
	[tilespmem:s25+$0xD0] =	vst v8  }
0x202: {  	v7 =	vmul.f32 v7, v5;
	v8 =	vld [tilespmem:s13+$0x50]  }
0x203: {  	[tilespmem:s25+$0x10] =	vst v10;
	v11 =	vshll.u32 v6, $0x10  }
0x204: {  	v6 =	vand.u32 $0xFFFF0000, v6;
	[tilespmem:s25+$0x50] =	vst v7;
	v10 =	vmul.f32 v11, v4  }
0x205: {  	v6 =	vmul.f32 v6, v4;
	v7 =	vshll.u32 v9, $0x10;
	v11 =	vld [tilespmem:s13+$0x20]  }
0x206: {  	v9 =	vand.u32 $0xFFFF0000, v9;
	v7 =	vmul.f32 v7, v3;
	[tilespmem:s25+$0xFFFFFF80] =	vst v10  }
0x207: {  	s11 =	simm.s32 $0x4;
	v9 =	vmul.f32 v9, v3;
	[tilespmem:s25+$0xFFFFFFC0] =	vst v6;
	v6 =	vshll.u32 v8, $0x10  }
0x208: {  	s14 =	simm.s32 $0x5;
	v8 =	vand.u32 $0xFFFF0000, v8;
	v10 =	vmov s11;
	[tilespmem:s25+$0xFFFFFEF0] =	vst v7;
	v7 =	vld [tilespmem:s13+$0xFFFFFFE0];
	v12 =	vmul.f32 v6, v2  }
0x209: {  	v13 =	vmul.f32 v8, v2;
	v6 =	vand.u32 $0xFFFFFFFC, v10;
	[tilespmem:s25+$0xFFFFFF30] =	vst v9;
	v8 =	vmov s14  }
0x20a: {  	s23 =	simm.s32 $0x7;
	v6 =	vbroadcast v6, $0x0;
	v14 =	vld [tilespmem:s13+$0xFFFFFFA0];
	v10 =	vand.u32 $0xFFFFFFFD, v8;
	v9 =	vshll.u32 v11, $0x10;
	[tilespmem:s25+$0xA0] =	vst v12  }
0x20b: {  	v8 =	vmov s23;
	v11 =	vand.u32 $0xFFFF0000, v11;
	[tilespmem:s25+$0xE0] =	vst v13;
	v12 =	vmul.f32 v9, v5  }
0x20c: {  	s26 =	simm.s32 $0x6;
	v9 =	vbroadcast v10, $0x0;
	v11 =	vmul.f32 v11, v5;
	v10 =	vld [tilespmem:s13+$0x60]  }
0x20d: {  	v13 =	vmov s26;
	v15 =	vshll.u32 v7, $0x10;
	v7 =	vand.u32 $0xFFFF0000, v7;
	[tilespmem:s25+$0x20] =	vst v12  }
0x20e: {  	s19 =	simm.s32 $0x1E0;
	v16 =	vand.u32 $0xFFFFFFFE, v13;
	[tilespmem:s25+$0x60] =	vst v11;
	v13 =	vmul.f32 v15, v4;
	v12 =	vmul.f32 v7, v4  }
0x20f: {  	s11 =	simm.s32 $0x8;
	s14 =	simm.s32 $0x1AC0;
	s26 =	simm.s32 $0x5C60;
	v7 =	vbroadcast v16, $0x0;
	v15 =	vshll.u32 v14, $0x10;
	v14 =	vand.u32 $0xFFFF0000, v14;
	v11 =	vld [tilespmem:s13+$0x30]  }
.LBB2_7:
0x210: {  	p0 =	slt.u32 s11, $0x4C;
	v8 =	vld.idx.msk [tilespmem:v8+s18+$0x0], $0xffff;
	v15 =	vmul.f32 v15, v3;
	v14 =	vmul.f32 v14, v3;
	[tilespmem:s25+$0xFFFFFF90] =	vst v13  }
0x211: {  	v6 =	vld.idx.msk [tilespmem:v6+s18+$0x0], $0xffff;
	[tilespmem:s25+$0xFFFFFFD0] =	vst v12;
	v12 =	vshll.u32 v10, $0x10;
	v10 =	vand.u32 $0xFFFF0000, v10  }
0x212: {  	[tilespmem:s25+$0xFFFFFF00] =	vst v15;
	v13 =	vld [tilespmem:s13+$0xFFFFFFF0];
	v12 =	vmul.f32 v12, v2;
	v10 =	vmul.f32 v10, v2  }
0x213: {  	s13 =	sadd.s32 $0x100, s13;
	v9 =	vld.idx.msk [tilespmem:v9+s18+$0x0], $0xffff;
	[tilespmem:s25+$0xFFFFFF40] =	vst v14  }
0x214: {  	v14 =	vld [tilespmem:s13+$0x0];
	v15 =	vshll.u32 v11, $0x10;
	v11 =	vand.u32 $0xFFFF0000, v11;
	[tilespmem:s25+$0xB0] =	vst v12  }
0x215: {  	v7 =	vld.idx.msk [tilespmem:v7+s18+$0x0], $0xffff;
	v12 =	vmul.f32 v15, v5;
	v11 =	vmul.f32 v11, v5;
	[tilespmem:s25+$0xF0] =	vst v10  }
0x216: {  	v10 =	vld [tilespmem:s13+$0xFFFFFF80];
	[tilespmem:s25+$0xFFFFFFF0] =	vst v4  }
0x217: {  	v15 =	vld [tilespmem:s13+$0xFFFFFFC0];
	v16 =	vshll.u32 v13, $0x10;
	v13 =	vand.u32 $0xFFFF0000, v13;
	[tilespmem:s25+$0x70] =	vst v11  }
0x218: {  	v11 =	vld [tilespmem:s13+$0x40];
	v16 =	vmul.f32 v16, v4;
	v13 =	vmul.f32 v13, v4;
	[tilespmem:s25+$0x30] =	vst v12  }
0x219: {  	v4 =	vmov v9;
	v12 =	vld [tilespmem:s14+$0xFFFFFFB0];
	[tilespmem:s25+$0x80] =	vst v5  }
0x21a: {  	v18 =	vshll.u32 v14, $0x10;
	[tilespmem:s25+$0xFFFFFFA0] =	vst v16;
	v9 =	vld [tilespmem:s14+$0x70];
	s14 =	smov.u32 s13  }
0x21b: {  	v14 =	vand.u32 $0xFFFF0000, v14;
	v17 =	vmul.f32 v18, v7;
	v5 =	vmovc v7;
	v16 =	vshll.u32 v10, $0x10;
	[tilespmem:s25+$0xFFFFFFE0] =	vst v13  }
0x21c: {  	v7 =	vand.u32 $0xFFFF0000, v10;
	v13 =	vmul.f32 v14, v5;
	s25 =	sadd.s32 $0x240, s25;
	v10 =	vshll.u32 v15, $0x10;
	[tilespmem:s26+$0xFFFFFF60] =	vst v3  }
0x21d: {  	v14 =	vand.u32 $0xFFFF0000, v15;
	[tilespmem:s25+$0x0] =	vst v17;
	v15 =	vshll.u32 v11, $0x10;
	v11 =	vand.u32 $0xFFFF0000, v11  }
0x21e: {  	v10 =	vmul.f32 v10, v4;
	v14 =	vmul.f32 v14, v4;
	[tilespmem:s25+$0x40] =	vst v13;
	v13 =	vshll.u32 v12, $0x10  }
0x21f: {  	v16 =	vmul.f32 v16, v6;
	v7 =	vmul.f32 v7, v6;
	v12 =	vand.u32 $0xFFFF0000, v12;
	v17 =	vld [tilespmem:s13+$0x10];
	[tilespmem:s26+$0x110] =	vst v2  }
0x220: {  	v11 =	vmul.f32 v11, v8;
	[tilespmem:s25+$0xFFFFFF70] =	vst v10;
	v10 =	vmul.f32 v15, v8;
	v15 =	vshll.u32 v9, $0x10  }
0x221: {  	v13 =	vmul.f32 v13, v3;
	v12 =	vmul.f32 v12, v3;
	v3 =	vmovc v6;
	v9 =	vand.u32 $0xFFFF0000, v9;
	[tilespmem:s25+$0xFFFFFFB0] =	vst v14  }
0x222: {  	v14 =	vmul.f32 v15, v2;
	[tilespmem:s25+$0xFFFFFEE0] =	vst v16;
	v6 =	vld [tilespmem:s13+$0xFFFFFFD0];
	v16 =	vmul.f32 v9, v2;
	v2 =	vmov v8  }
0x223: {  	[tilespmem:s25+$0xFFFFFF20] =	vst v7  }
0x224: {  	v7 =	vld [tilespmem:s13+$0xFFFFFF90];
	v8 =	vshll.u32 v17, $0x10;
	[tilespmem:s25+$0x90] =	vst v10  }
0x225: {  	v9 =	vand.u32 $0xFFFF0000, v17;
	v8 =	vmul.f32 v8, v5;
	[tilespmem:s25+$0xD0] =	vst v11  }
0x226: {  	v9 =	vmul.f32 v9, v5;
	v10 =	vld [tilespmem:s13+$0x50];
	[tilespmem:s26+$0xFFFFFF10] =	vst v13  }
0x227: {  	v11 =	vshll.u32 v6, $0x10;
	v6 =	vand.u32 $0xFFFF0000, v6;
	[tilespmem:s25+$0x10] =	vst v8  }
0x228: {  	v8 =	vmul.f32 v11, v4;
	v6 =	vmul.f32 v6, v4;
	[tilespmem:s25+$0x50] =	vst v9  }
0x229: {  	v9 =	vshll.u32 v7, $0x10;
	v7 =	vand.u32 $0xFFFF0000, v7;
	v11 =	vld [tilespmem:s13+$0x20];
	[tilespmem:s26+$0xFFFFFF50] =	vst v12  }
0x22a: {  	v9 =	vmul.f32 v9, v3;
	v7 =	vmul.f32 v7, v3;
	[tilespmem:s25+$0xFFFFFF80] =	vst v8  }
0x22b: {  	[tilespmem:s25+$0xFFFFFFC0] =	vst v6;
	v6 =	vshll.u32 v10, $0x10;
	v8 =	vand.u32 $0xFFFF0000, v10  }
0x22c: {  	s9 =	sadd.s32 $0x3, s11;
	v10 =	vmov s11;
	[tilespmem:s25+$0xFFFFFEF0] =	vst v9;
	v12 =	vld [tilespmem:s13+$0xFFFFFFE0];
	v9 =	vmul.f32 v6, v2;
	v13 =	vmul.f32 v8, v2  }
0x22d: {  	s10 =	sadd.s32 $0x1, s11;
	v6 =	vand.u32 $0xFFFFFFFC, v10;
	v8 =	vmov s9;
	[tilespmem:s25+$0xFFFFFF30] =	vst v7  }
0x22e: {  	v6 =	vbroadcast v6, $0x0;
	v7 =	vmov s10;
	v17 =	vld [tilespmem:s13+$0xFFFFFFA0];
	v10 =	vshll.u32 v11, $0x10;
	[tilespmem:s25+$0xA0] =	vst v9  }
.Ltmp2:
0x22f: {  	v7 =	vand.u32 $0xFFFFFFFD, v7;
	v11 =	vand.u32 $0xFFFF0000, v11;
	v15 =	vmul.f32 v10, v5;
	[tilespmem:s25+$0xE0] =	vst v13;
	(pc) =	sbr.rel @p0 .LBB2_7-.Ltmp2, $4  }
0x230: {  	s9 =	sadd.s32 $0x2, s11;
	v9 =	vbroadcast v7, $0x0;
	v7 =	vmul.f32 v11, v5;
	v10 =	vld [tilespmem:s13+$0x60];
	[tilespmem:s26+$0xC0] =	vst v14  }
0x231: {  	v11 =	vmov s9;
	v13 =	vshll.u32 v12, $0x10;
	v12 =	vand.u32 $0xFFFF0000, v12;
	[tilespmem:s25+$0x20] =	vst v15  }
0x232: {  	v11 =	vand.u32 $0xFFFFFFFE, v11;
	v13 =	vmul.f32 v13, v4;
	v12 =	vmul.f32 v12, v4;
	[tilespmem:s25+$0x60] =	vst v7  }
0x233: {  	s11 =	sadd.s32 $0x4, s11;
	v7 =	vbroadcast v11, $0x0;
	v15 =	vshll.u32 v17, $0x10;
	v14 =	vand.u32 $0xFFFF0000, v17;
	v11 =	vld [tilespmem:s13+$0x30];
	[tilespmem:s26+$0x100] =	vst v16;
	s26 =	smov.u32 s25  }
0x234: {  	[tilespmem:s25+$0xFFFFFF90] =	vst v13  }
0x235: {  	[tilespmem:s25+$0xFFFFFFD0] =	vst v12  }
0x236: {  	v13 =	vmul.f32 v14, v3;
	[tilespmem:s25+$0x80] =	vst v5;
	v12 =	vshll.u32 v10, $0x10;
	v14 =	vld [tilespmem:s13+$0xFFFFFFF0]  }
0x237: {  	[tilespmem:s25+$0xFFFFFFF0] =	vst v4;
	v12 =	vmul.f32 v12, v2  }
0x238: {  	v15 =	vmul.f32 v15, v3;
	s11 =	sadd.s32 $0x100, s13;
	v10 =	vand.u32 $0xFFFF0000, v10;
	[tilespmem:s25+$0xFFFFFF40] =	vst v13  }
0x239: {  	v10 =	vmul.f32 v10, v2;
	v13 =	vand.u32 $0xFFFF0000, v11;
	[tilespmem:s25+$0xB0] =	vst v12;
	v12 =	vld [tilespmem:s11+$0x0]  }
0x23a: {  	v7 =	vld.idx.msk [tilespmem:v7+s18+$0x0], $0xffff;
	[tilespmem:s25+$0xFFFFFF00] =	vst v15;
	v11 =	vshll.u32 v11, $0x10;
	v13 =	vmul.f32 v13, v5  }
0x23b: {  	v6 =	vld.idx.msk [tilespmem:v6+s18+$0x0], $0xffff;
	[tilespmem:s25+$0xF0] =	vst v10;
	v10 =	vmul.f32 v11, v5;
	v11 =	vshll.u32 v14, $0x10  }
0x23c: {  	v14 =	vand.u32 $0xFFFF0000, v14;
	[tilespmem:s25+$0x70] =	vst v13;
	v13 =	vld [tilespmem:s11+$0xFFFFFFC0];
	v11 =	vmul.f32 v11, v4  }
0x23d: {  	v9 =	vld.idx.msk [tilespmem:v9+s18+$0x0], $0xffff;
	[tilespmem:s25+$0x30] =	vst v10;
	v4 =	vmul.f32 v14, v4  }
0x23e: {  	v5 =	vld [tilespmem:s11+$0xFFFFFF80];
	v10 =	vshll.u32 v12, $0x10;
	[tilespmem:s25+$0xFFFFFFA0] =	vst v11  }
0x23f: {  	v11 =	vld [tilespmem:s14+$0xFFFFFFB0];
	v12 =	vand.u32 $0xFFFF0000, v12;
	[tilespmem:s25+$0xFFFFFFE0] =	vst v4;
	v10 =	vmul.f32 v10, v7  }
0x240: {  	s23 =	sadd.s32 $0x240, s25;
	v4 =	vld [tilespmem:s11+$0x40];
	[tilespmem:s26+$0xFFFFFF60] =	vst v3;
	v12 =	vmul.f32 v12, v7  }
0x241: {  	v8 =	vld.idx.msk [tilespmem:v8+s18+$0x0], $0xffff;
	v14 =	vshll.u32 v13, $0x10;
	[tilespmem:s23+$0x0] =	vst v10  }
0x242: {  	v10 =	vld [tilespmem:s14+$0x70];
	v13 =	vand.u32 $0xFFFF0000, v13;
	[tilespmem:s23+$0x40] =	vst v12;
	v14 =	vmul.f32 v14, v9  }
0x243: {  	v12 =	vshll.u32 v5, $0x10;
	[tilespmem:s26+$0x110] =	vst v2;
	v13 =	vmul.f32 v13, v9;
	v15 =	vld [tilespmem:s11+$0x10]  }
0x244: {  	v5 =	vand.u32 $0xFFFF0000, v5;
	v12 =	vmul.f32 v12, v6;
	[tilespmem:s23+$0xFFFFFF70] =	vst v14  }
0x245: {  	v5 =	vmul.f32 v5, v6;
	v14 =	vshll.u32 v4, $0x10;
	[tilespmem:s23+$0xFFFFFFB0] =	vst v13  }
0x246: {  	v4 =	vand.u32 $0xFFFF0000, v4;
	[tilespmem:s23+$0xFFFFFEE0] =	vst v12;
	v13 =	vmul.f32 v14, v8;
	v12 =	vld [tilespmem:s11+$0xFFFFFFD0]  }
0x247: {  	[tilespmem:s23+$0xFFFFFF20] =	vst v5;
	v14 =	vshll.u32 v11, $0x10;
	v4 =	vmul.f32 v4, v8  }
0x248: {  	v5 =	vmul.f32 v14, v3;
	v14 =	vld [tilespmem:s11+$0xFFFFFF90];
	v16 =	vshll.u32 v15, $0x10;
	[tilespmem:s23+$0x90] =	vst v13  }
0x249: {  	v13 =	vand.u32 $0xFFFF0000, v15;
	[tilespmem:s23+$0xD0] =	vst v4;
	v15 =	vmul.f32 v16, v7  }
0x24a: {  	v4 =	vand.u32 $0xFFFF0000, v11;
	v11 =	vmul.f32 v13, v7;
	v13 =	vld [tilespmem:s11+$0x50];
	[tilespmem:s26+$0xFFFFFF10] =	vst v5  }
0x24b: {  	v3 =	vmul.f32 v4, v3;
	v4 =	vshll.u32 v12, $0x10;
	[tilespmem:s23+$0x10] =	vst v15  }
0x24c: {  	v5 =	vand.u32 $0xFFFF0000, v12;
	[tilespmem:s23+$0x50] =	vst v11;
	v4 =	vmul.f32 v4, v9  }
0x24d: {  	[tilespmem:s26+$0xFFFFFF50] =	vst v3;
	v5 =	vmul.f32 v5, v9;
	v11 =	vshll.u32 v14, $0x10;
	v12 =	vld [tilespmem:s11+$0x20]  }
0x24e: {  	v3 =	vand.u32 $0xFFFF0000, v14;
	v11 =	vmul.f32 v11, v6;
	[tilespmem:s23+$0xFFFFFF80] =	vst v4  }
0x24f: {  	v3 =	vmul.f32 v3, v6;
	[tilespmem:s23+$0xFFFFFFC0] =	vst v5;
	v4 =	vshll.u32 v13, $0x10  }
0x250: {  	v5 =	vand.u32 $0xFFFF0000, v13;
	[tilespmem:s23+$0xFFFFFEF0] =	vst v11;
	v4 =	vmul.f32 v4, v8  }
0x251: {  	v13 =	vshll.u32 v10, $0x10;
	v11 =	vld [tilespmem:s11+$0xFFFFFFE0];
	v5 =	vmul.f32 v5, v8;
	[tilespmem:s23+$0xFFFFFF30] =	vst v3  }
0x252: {  	v3 =	vmul.f32 v13, v2;
	v14 =	vshll.u32 v12, $0x10;
	[tilespmem:s23+$0xA0] =	vst v4  }
0x253: {  	v13 =	vld [tilespmem:s11+$0xFFFFFFA0];
	v4 =	vand.u32 $0xFFFF0000, v12;
	[tilespmem:s23+$0xE0] =	vst v5;
	v12 =	vmul.f32 v14, v7  }
0x254: {  	v5 =	vand.u32 $0xFFFF0000, v10;
	[tilespmem:s26+$0xC0] =	vst v3;
	v4 =	vmul.f32 v4, v7  }
0x255: {  	v10 =	vld [tilespmem:s11+$0x60];
	v2 =	vmul.f32 v5, v2;
	[tilespmem:s23+$0x20] =	vst v12  }
0x256: {  	v3 =	vshll.u32 v11, $0x10;
	[tilespmem:s23+$0x60] =	vst v4  }
0x257: {  	v5 =	vand.u32 $0xFFFF0000, v11;
	[tilespmem:s26+$0x100] =	vst v2;
	v3 =	vmul.f32 v3, v9;
	v11 =	vld [tilespmem:s11+$0x30]  }
0x258: {  	v4 =	vmul.f32 v5, v9;
	v5 =	vshll.u32 v13, $0x10;
	[tilespmem:s23+$0x80] =	vst v7  }
0x259: {  	v2 =	vand.u32 $0xFFFF0000, v13;
	v5 =	vmul.f32 v5, v6;
	[tilespmem:s23+$0xFFFFFF90] =	vst v3  }
0x25a: {  	v2 =	vmul.f32 v2, v6;
	[tilespmem:s23+$0xFFFFFFD0] =	vst v4;
	v3 =	vshll.u32 v10, $0x10  }
0x25b: {  	v4 =	vand.u32 $0xFFFF0000, v10;
	[tilespmem:s23+$0xFFFFFF00] =	vst v5;
	v5 =	vld [tilespmem:s11+$0xFFFFFFF0];
	v3 =	vmul.f32 v3, v8  }
0x25c: {  	v4 =	vmul.f32 v4, v8;
	[tilespmem:s23+$0xFFFFFF40] =	vst v2;
	v2 =	vand.u32 $0xFFFF0000, v11  }
0x25d: {  	[tilespmem:s23+$0xB0] =	vst v3;
	v3 =	vshll.u32 v11, $0x10;
	v2 =	vmul.f32 v2, v7  }
0x25e: {  	[tilespmem:s23+$0xF0] =	vst v4;
	v4 =	vld [tilespmem:s11+$0xFFFFFFB0];
	v3 =	vmul.f32 v3, v7  }
0x25f: {  	[tilespmem:s23+$0x70] =	vst v2  }
0x260: {  	v2 =	vand.u32 $0xFFFF0000, v5;
	[tilespmem:s23+$0x30] =	vst v3;
	v3 =	vld [tilespmem:s11+$0x70]  }
0x261: {  	[tilespmem:s23+$0xFFFFFFF0] =	vst v9;
	v2 =	vmul.f32 v2, v9  }
0x262: {  	[tilespmem:s23+$0xFFFFFF60] =	vst v6;
	v10 =	vshll.u32 v5, $0x10  }
0x263: {  	v5 =	vmul.f32 v10, v9;
	[tilespmem:s23+$0xFFFFFFE0] =	vst v2;
	v2 =	vshll.u32 v4, $0x10  }
0x264: {  	[tilespmem:s23+$0x110] =	vst v8;
	v4 =	vand.u32 $0xFFFF0000, v4;
	v2 =	vmul.f32 v2, v6  }
0x265: {  	[tilespmem:s23+$0xFFFFFFA0] =	vst v5;
	v4 =	vmul.f32 v4, v6;
	v5 =	vshll.u32 v3, $0x10  }
0x266: {  	v3 =	vand.u32 $0xFFFF0000, v3;
	v5 =	vmul.f32 v5, v8;
	[tilespmem:s23+$0xFFFFFF10] =	vst v2  }
0x267: {  	v2 =	vmul.f32 v3, v8;
	[tilespmem:s23+$0xFFFFFF50] =	vst v4  }
0x268: {  	[tilespmem:s23+$0xC0] =	vst v5  }
0x269: {  	s9 =	simm.s32 $0x5B40;
	[tilespmem:s23+$0x100] =	vst v2  }
0x26a: {  	[spmem:s2] =	stream.indirect.scatter.add.f32 [tilespmem:s9], [sflag:$0x8], $0x90, s29, s29, $0xb8;
	[tilespmem:$0x1E830] =	vst v63  }
0x26b: {  	_ =	swait.ge [sflag:s3], $0x1400  }
0x26c: {  	[sflag:s3] =	ssyncset.done $0x0  }
0x26d: {  	[sflag:s3] =	ssyncadd.s32 $0xFFFFEC00  }
0x26e: {  	_ =	swait.ge [sflag:s0], $0x50  }
0x26f: {  	[sflag:s0] =	ssyncset.done $0x0  }
0x270: {  	[sflag:s0] =	ssyncadd.s32 $0xFFFFFFB0  }
0x271: {  	_ =	swait.ge [sflag:s0], $0x50  }
0x272: {  	[sflag:s0] =	ssyncset.done $0x0  }
0x273: {  	s10 =	simm.s32 $0x370;
	s25 =	simm.s32 $0xF0;
	[sflag:s0] =	ssyncadd.s32 $0xFFFFFFB0  }
0x274: {  	[tilespmem:s10], [sflag:$0x4] =	stream.indirect.gather [hbm4b:s7+s29], $0x1, s25, s29, $0xb8;
	[tilespmem:$0x1E830] =	vst v63  }
0x275: {  	s13 =	simm.s32 $0x8;
	s26 =	simm.s32 $0x230;
	s11 =	simm.s32 $0x4B0  }
0x276: {  	[tilespmem:s11], [sflag:$0x4] =	stream.indirect.gather [hbm4b:s8+s29], $0x1, s26, s29, $0xb8;
	[tilespmem:$0x1E830] =	vst v63  }
0x277: {  	_ =	swait.ge [sflag:s13], $0x2D00  }
0x278: {  	[sflag:s13] =	ssyncset.done $0x0;
	s9 =	sld [smem:$0x7FB]  }
0x279: {  	p0 =	seq.s32 s24, $0x1F;
	s14 =	simm.s32 $0x1A40;
	[sflag:s13] =	ssyncadd.s32 $0xFFFFD300  }
0x27a: {  	[tilespmem:s14], [sflag:$0x6] =	stream.indirect.gather [hbm4b:s1+s29], $0x40, s26, s29, $0xb8;
	[tilespmem:$0x1E830] =	vst v63  }
0x27b: {  	s9 =	sadd.s32 @!p0 s12, s9  }
0x27c: {  	s9 =	sshrl.u32 @!p0 s9, $0x3  }
0x27d: {  	s11 =	simm.s32 @!p0 $0x0;
	s10 =	sadd.s32 @!p0 s5, s9  }
0x27e: {  	[tilespmem:s11], [sflag:$0x1] =	stream.linear.gather @!p0 [hbm4b:s10+s11], $0x50, $0x38;
	[tilespmem:$0x1E830] =	vst v63  }
0x27f: {  	s9 =	sadd.s32 @!p0 s6, s9;
	s10 =	simm.s32 @!p0 $0x140  }
0x280: {  	[tilespmem:s10], [sflag:$0x1] =	stream.linear.gather @!p0 [hbm4b:s9+s11], $0x50, $0x38;
	[tilespmem:$0x1E830] =	vst v63  }
0x281: {  	_ =	swait.ge [sflag:s17], $0x50  }
0x282: {  	[sflag:s17] =	ssyncset.done $0x0  }
0x283: {  	[sflag:s17] =	ssyncadd.s32 $0xFFFFFFB0  }
0x284: {  	_ =	swait.ge [sflag:s17], $0x50  }
0x285: {  	[sflag:s17] =	ssyncset.done $0x0  }
0x286: {  	[sflag:s17] =	ssyncadd.s32 $0xFFFFFFB0  }
0x287: {  	v2 =	vld [tilespmem:$0x320]  }
0x288: {  	v3 =	vld [tilespmem:$0x460];
	_ =	sdelay $0x3  }
0x289: {  	v4 =	vld [tilespmem:$0x330]  }
0x28a: {  	v5 =	vld [tilespmem:$0x340];
	v2 =	vadd.f32 v3, v2  }
0x28b: {  	v7 =	vld [tilespmem:$0x480]  }
0x28c: {  	v3 =	vld [tilespmem:$0x470];
	v6 =	vmul.f32 $2.000000030e-01, v2  }
0x28d: {  	v8 =	vld [tilespmem:$0x350];
	vm0 =	vge.f32 v2, $0.0e+00  }
0x28e: {  	v9 =	vld [tilespmem:$0x360];
	v2 =	vsel vm0, v2, v6  }
0x28f: {  	v6 =	vld [tilespmem:$0x490];
	v2 =	vsub.f32 v2, v1  }
0x290: {  	v10 =	vld [tilespmem:$0x4A0]  }
0x291: {  	v3 =	vadd.f32 v3, v4;
	v2 =	vmul.f32 $1.442695020e+00, v2  }
0x292: {  	v4 =	vadd.f32 v7, v5  }
0x293: {  	(erf) = vpow2.f32 v2;
	v2 =	vmul.f32 $2.000000030e-01, v3  }
0x294: {  	vm7 =	vge.f32 v3, $0.0e+00;
	v5 =	vmul.f32 $2.000000030e-01, v4;
	v6 =	vadd.f32 v6, v8  }
0x295: {  	vm8 =	vge.f32 v4, $0.0e+00;
	v2 =	vsel vm7, v3, v2;
	v3 =	vadd.f32 v10, v9  }
0x296: {  	v4 =	vsel vm8, v4, v5;
	v5 =	vmul.f32 $2.000000030e-01, v6;
	v2 =	vsub.f32 v2, v1  }
0x297: {  	v4 =	vsub.f32 v4, v1;
	vm9 =	vge.f32 v6, $0.0e+00;
	v7 =	vmul.f32 $2.000000030e-01, v3  }
0x298: {  	v5 =	vsel vm9, v6, v5;
	vm10 =	vge.f32 v3, $0.0e+00;
	v2 =	vmul.f32 $1.442695020e+00, v2  }
0x299: {  	v4 =	vmul.f32 $1.442695020e+00, v4;
	v5 =	vsub.f32 v5, v1;
	v3 =	vsel vm10, v3, v7  }
0x29a: {  	(erf) = vpow2.f32 v2;
	v2 =	vsub.f32 v3, v1  }
0x29b: {  	v3 =	vld [tilespmem:$0x8850];
	(erf) = vpow2.f32 v4;
	v4 =	vmul.f32 $1.442695020e+00, v5  }
0x29c: {  	v2 =	vmul.f32 $1.442695020e+00, v2  }
0x29d: {  	v5 =	vld [tilespmem:$0x8860];
	(erf) = vpow2.f32 v4  }
0x29e: {  	v4 =	vld [tilespmem:$0x8870];
	(erf) = vpow2.f32 v2;
	_ =	sdelay $0x1  }
0x29f: {  	v2 =	vadd.s32 s30, v3;
	v3 =	vld [tilespmem:$0x8880]  }
0x2a0: {  	v6 =	vpop (erf);
	vm11 =	vlt.s32 v2, $0x4E200;
	v2 =	vld [tilespmem:$0x8890]  }
0x2a1: {  	s25 =	simm.s32 $0x2;
	v5 =	vadd.s32 s30, v5;
	v6 =	vnsel vm11, $0x0, v6  }
0x2a2: {  	vm12 =	vlt.s32 v5, $0x4E200;
	v5 =	vmov s25;
	v4 =	vadd.s32 s30, v4;
	v7 =	vpop (erf)  }
0x2a3: {  	vm13 =	vlt.s32 v4, $0x4E200;
	v4 =	vand.u32 $0xFFFFFFFE, v5;
	v8 =	vpop (erf);
	v7 =	vnsel vm12, $0x0, v7  }
0x2a4: {  	s26 =	simm.s32 $0x1;
	[tilespmem:$0x5A0] =	vst v6;
	v3 =	vadd.s32 s30, v3;
	v4 =	vbroadcast v4, $0x0;
	v5 =	vnsel vm13, $0x0, v8  }
0x2a5: {  	[tilespmem:$0x5B0] =	vst v7;
	vm14 =	vlt.s32 v3, $0x4E200;
	v2 =	vadd.s32 s30, v2;
	v3 =	vmov s26;
	v6 =	vpop (erf)  }
0x2a6: {  	s30 =	simm.s32 $0x0;
	[tilespmem:$0x5C0] =	vst v5;
	vm15 =	vlt.s32 v2, $0x4E200;
	v2 =	vand.u32 $0xFFFFFFFD, v3;
	v5 =	vnsel vm14, $0x0, v6;
	v6 =	vpop (erf)  }
0x2a7: {  	v2 =	vbroadcast v2, $0x0;
	[tilespmem:$0x5D0] =	vst v5;
	v3 =	vnsel vm15, $0x0, v6;
	v5 =	vmov s30  }
0x2a8: {  	s13 =	simm.s32 $0x6C0;
	[tilespmem:$0x5E0] =	vst v3;
	v3 =	vand.u32 $0xFFFFFFFC, v5  }
0x2a9: {  	v3 =	vbroadcast v3, $0x0;
	v6 =	vld [tilespmem:s13+$0x0]  }
0x2aa: {  	v5 =	vld.idx.msk [tilespmem:v4+s20+$0x0], $0xffff  }
0x2ab: {  	s10 =	simm.s32 $0x3  }
0x2ac: {  	v8 =	vmov s10;
	v7 =	vld [tilespmem:s13+$0xFFFFFFC0]  }
0x2ad: {  	v4 =	vld.idx.msk [tilespmem:v2+s20+$0x0], $0xffff  }
0x2ae: {  	v9 =	vld [tilespmem:s13+$0xFFFFFF80];
	v2 =	vshll.u32 v6, $0x10  }
0x2af: {  	v6 =	vand.u32 $0xFFFF0000, v6;
	v3 =	vld.idx.msk [tilespmem:v3+s20+$0x0], $0xffff;
	v2 =	vmul.f32 v2, v5  }
0x2b0: {  	s25 =	simm.s32 $0x2F60;
	v10 =	vld [tilespmem:s13+$0x40];
	v6 =	vmul.f32 v6, v5  }
0x2b1: {  	v11 =	vshll.u32 v7, $0x10;
	[tilespmem:s25+$0x0] =	vst v2;
	v2 =	vld.idx.msk [tilespmem:v8+s20+$0x0], $0xffff  }
0x2b2: {  	v7 =	vand.u32 $0xFFFF0000, v7;
	v8 =	vmul.f32 v11, v4;
	[tilespmem:s25+$0x40] =	vst v6  }
0x2b3: {  	v6 =	vshll.u32 v9, $0x10;
	v7 =	vmul.f32 v7, v4;
	v11 =	vld [tilespmem:s13+$0x10]  }
0x2b4: {  	v9 =	vand.u32 $0xFFFF0000, v9;
	[tilespmem:s25+$0xFFFFFF70] =	vst v8;
	v6 =	vmul.f32 v6, v3  }
0x2b5: {  	[tilespmem:s25+$0xFFFFFFB0] =	vst v7;
	v7 =	vshll.u32 v10, $0x10;
	v8 =	vmul.f32 v9, v3  }
0x2b6: {  	v9 =	vand.u32 $0xFFFF0000, v10;
	[tilespmem:s25+$0xFFFFFEE0] =	vst v6;
	v6 =	vld [tilespmem:s13+$0xFFFFFFD0];
	v7 =	vmul.f32 v7, v2  }
0x2b7: {  	[tilespmem:s25+$0xFFFFFF20] =	vst v8;
	v8 =	vmul.f32 v9, v2  }
0x2b8: {  	v9 =	vld [tilespmem:s13+$0xFFFFFF90];
	v10 =	vshll.u32 v11, $0x10;
	[tilespmem:s25+$0x90] =	vst v7  }
0x2b9: {  	v7 =	vand.u32 $0xFFFF0000, v11;
	v10 =	vmul.f32 v10, v5;
	[tilespmem:s25+$0xD0] =	vst v8  }
0x2ba: {  	v7 =	vmul.f32 v7, v5;
	v8 =	vld [tilespmem:s13+$0x50]  }
0x2bb: {  	[tilespmem:s25+$0x10] =	vst v10;
	v11 =	vshll.u32 v6, $0x10  }
0x2bc: {  	v6 =	vand.u32 $0xFFFF0000, v6;
	[tilespmem:s25+$0x50] =	vst v7;
	v10 =	vmul.f32 v11, v4  }
0x2bd: {  	v6 =	vmul.f32 v6, v4;
	v7 =	vshll.u32 v9, $0x10;
	v11 =	vld [tilespmem:s13+$0x20]  }
0x2be: {  	v9 =	vand.u32 $0xFFFF0000, v9;
	v7 =	vmul.f32 v7, v3;
	[tilespmem:s25+$0xFFFFFF80] =	vst v10  }
0x2bf: {  	s11 =	simm.s32 $0x4;
	v9 =	vmul.f32 v9, v3;
	[tilespmem:s25+$0xFFFFFFC0] =	vst v6;
	v6 =	vshll.u32 v8, $0x10  }
0x2c0: {  	s14 =	simm.s32 $0x5;
	v8 =	vand.u32 $0xFFFF0000, v8;
	v10 =	vmov s11;
	[tilespmem:s25+$0xFFFFFEF0] =	vst v7;
	v7 =	vld [tilespmem:s13+$0xFFFFFFE0];
	v12 =	vmul.f32 v6, v2  }
0x2c1: {  	v13 =	vmul.f32 v8, v2;
	v6 =	vand.u32 $0xFFFFFFFC, v10;
	[tilespmem:s25+$0xFFFFFF30] =	vst v9;
	v8 =	vmov s14  }
0x2c2: {  	s26 =	simm.s32 $0x7;
	v6 =	vbroadcast v6, $0x0;
	v14 =	vld [tilespmem:s13+$0xFFFFFFA0];
	v10 =	vand.u32 $0xFFFFFFFD, v8;
	v9 =	vshll.u32 v11, $0x10;
	[tilespmem:s25+$0xA0] =	vst v12  }
0x2c3: {  	v8 =	vmov s26;
	v11 =	vand.u32 $0xFFFF0000, v11;
	[tilespmem:s25+$0xE0] =	vst v13;
	v12 =	vmul.f32 v9, v5  }
0x2c4: {  	s30 =	simm.s32 $0x6;
	v9 =	vbroadcast v10, $0x0;
	v11 =	vmul.f32 v11, v5;
	v10 =	vld [tilespmem:s13+$0x60]  }
0x2c5: {  	v13 =	vmov s30;
	v15 =	vshll.u32 v7, $0x10;
	v7 =	vand.u32 $0xFFFF0000, v7;
	[tilespmem:s25+$0x20] =	vst v12  }
0x2c6: {  	s23 =	simm.s32 $0x230;
	v16 =	vand.u32 $0xFFFFFFFE, v13;
	[tilespmem:s25+$0x60] =	vst v11;
	v13 =	vmul.f32 v15, v4;
	v12 =	vmul.f32 v7, v4  }
0x2c7: {  	s11 =	simm.s32 $0x8;
	s14 =	simm.s32 $0x6C0;
	s26 =	simm.s32 $0x2F60;
	v7 =	vbroadcast v16, $0x0;
	v15 =	vshll.u32 v14, $0x10;
	v14 =	vand.u32 $0xFFFF0000, v14;
	v11 =	vld [tilespmem:s13+$0x30]  }
.LBB2_9:
0x2c8: {  	p0 =	slt.u32 s11, $0x4C;
	v8 =	vld.idx.msk [tilespmem:v8+s20+$0x0], $0xffff;
	v15 =	vmul.f32 v15, v3;
	v14 =	vmul.f32 v14, v3;
	[tilespmem:s25+$0xFFFFFF90] =	vst v13  }
0x2c9: {  	v6 =	vld.idx.msk [tilespmem:v6+s20+$0x0], $0xffff;
	[tilespmem:s25+$0xFFFFFFD0] =	vst v12;
	v12 =	vshll.u32 v10, $0x10;
	v10 =	vand.u32 $0xFFFF0000, v10  }
0x2ca: {  	[tilespmem:s25+$0xFFFFFF00] =	vst v15;
	v13 =	vld [tilespmem:s13+$0xFFFFFFF0];
	v12 =	vmul.f32 v12, v2;
	v10 =	vmul.f32 v10, v2  }
0x2cb: {  	s13 =	sadd.s32 $0x100, s13;
	v9 =	vld.idx.msk [tilespmem:v9+s20+$0x0], $0xffff;
	[tilespmem:s25+$0xFFFFFF40] =	vst v14  }
0x2cc: {  	v14 =	vld [tilespmem:s13+$0x0];
	v15 =	vshll.u32 v11, $0x10;
	v11 =	vand.u32 $0xFFFF0000, v11;
	[tilespmem:s25+$0xB0] =	vst v12  }
0x2cd: {  	v7 =	vld.idx.msk [tilespmem:v7+s20+$0x0], $0xffff;
	v12 =	vmul.f32 v15, v5;
	v11 =	vmul.f32 v11, v5;
	[tilespmem:s25+$0xF0] =	vst v10  }
0x2ce: {  	v10 =	vld [tilespmem:s13+$0xFFFFFF80];
	[tilespmem:s25+$0xFFFFFFF0] =	vst v4  }
0x2cf: {  	v15 =	vld [tilespmem:s13+$0xFFFFFFC0];
	v16 =	vshll.u32 v13, $0x10;
	v13 =	vand.u32 $0xFFFF0000, v13;
	[tilespmem:s25+$0x70] =	vst v11  }
0x2d0: {  	v11 =	vld [tilespmem:s13+$0x40];
	v16 =	vmul.f32 v16, v4;
	v13 =	vmul.f32 v13, v4;
	[tilespmem:s25+$0x30] =	vst v12  }
0x2d1: {  	v4 =	vmov v9;
	v12 =	vld [tilespmem:s14+$0xFFFFFFB0];
	[tilespmem:s25+$0x80] =	vst v5  }
0x2d2: {  	v18 =	vshll.u32 v14, $0x10;
	[tilespmem:s25+$0xFFFFFFA0] =	vst v16;
	v9 =	vld [tilespmem:s14+$0x70];
	s14 =	smov.u32 s13  }
0x2d3: {  	v14 =	vand.u32 $0xFFFF0000, v14;
	v17 =	vmul.f32 v18, v7;
	v5 =	vmovc v7;
	v16 =	vshll.u32 v10, $0x10;
	[tilespmem:s25+$0xFFFFFFE0] =	vst v13  }
0x2d4: {  	v7 =	vand.u32 $0xFFFF0000, v10;
	v13 =	vmul.f32 v14, v5;
	s25 =	sadd.s32 $0x240, s25;
	v10 =	vshll.u32 v15, $0x10;
	[tilespmem:s26+$0xFFFFFF60] =	vst v3  }
0x2d5: {  	v14 =	vand.u32 $0xFFFF0000, v15;
	[tilespmem:s25+$0x0] =	vst v17;
	v15 =	vshll.u32 v11, $0x10;
	v11 =	vand.u32 $0xFFFF0000, v11  }
0x2d6: {  	v10 =	vmul.f32 v10, v4;
	v14 =	vmul.f32 v14, v4;
	[tilespmem:s25+$0x40] =	vst v13;
	v13 =	vshll.u32 v12, $0x10  }
0x2d7: {  	v16 =	vmul.f32 v16, v6;
	v7 =	vmul.f32 v7, v6;
	v12 =	vand.u32 $0xFFFF0000, v12;
	v17 =	vld [tilespmem:s13+$0x10];
	[tilespmem:s26+$0x110] =	vst v2  }
0x2d8: {  	v11 =	vmul.f32 v11, v8;
	[tilespmem:s25+$0xFFFFFF70] =	vst v10;
	v10 =	vmul.f32 v15, v8;
	v15 =	vshll.u32 v9, $0x10  }
0x2d9: {  	v13 =	vmul.f32 v13, v3;
	v12 =	vmul.f32 v12, v3;
	v3 =	vmovc v6;
	v9 =	vand.u32 $0xFFFF0000, v9;
	[tilespmem:s25+$0xFFFFFFB0] =	vst v14  }
0x2da: {  	v14 =	vmul.f32 v15, v2;
	[tilespmem:s25+$0xFFFFFEE0] =	vst v16;
	v6 =	vld [tilespmem:s13+$0xFFFFFFD0];
	v16 =	vmul.f32 v9, v2;
	v2 =	vmov v8  }
0x2db: {  	[tilespmem:s25+$0xFFFFFF20] =	vst v7  }
0x2dc: {  	v7 =	vld [tilespmem:s13+$0xFFFFFF90];
	v8 =	vshll.u32 v17, $0x10;
	[tilespmem:s25+$0x90] =	vst v10  }
0x2dd: {  	v9 =	vand.u32 $0xFFFF0000, v17;
	v8 =	vmul.f32 v8, v5;
	[tilespmem:s25+$0xD0] =	vst v11  }
0x2de: {  	v9 =	vmul.f32 v9, v5;
	v10 =	vld [tilespmem:s13+$0x50];
	[tilespmem:s26+$0xFFFFFF10] =	vst v13  }
0x2df: {  	v11 =	vshll.u32 v6, $0x10;
	v6 =	vand.u32 $0xFFFF0000, v6;
	[tilespmem:s25+$0x10] =	vst v8  }
0x2e0: {  	v8 =	vmul.f32 v11, v4;
	v6 =	vmul.f32 v6, v4;
	[tilespmem:s25+$0x50] =	vst v9  }
0x2e1: {  	v9 =	vshll.u32 v7, $0x10;
	v7 =	vand.u32 $0xFFFF0000, v7;
	v11 =	vld [tilespmem:s13+$0x20];
	[tilespmem:s26+$0xFFFFFF50] =	vst v12  }
0x2e2: {  	v9 =	vmul.f32 v9, v3;
	v7 =	vmul.f32 v7, v3;
	[tilespmem:s25+$0xFFFFFF80] =	vst v8  }
0x2e3: {  	[tilespmem:s25+$0xFFFFFFC0] =	vst v6;
	v6 =	vshll.u32 v10, $0x10;
	v8 =	vand.u32 $0xFFFF0000, v10  }
0x2e4: {  	s9 =	sadd.s32 $0x3, s11;
	v10 =	vmov s11;
	[tilespmem:s25+$0xFFFFFEF0] =	vst v9;
	v12 =	vld [tilespmem:s13+$0xFFFFFFE0];
	v9 =	vmul.f32 v6, v2;
	v13 =	vmul.f32 v8, v2  }
0x2e5: {  	s10 =	sadd.s32 $0x1, s11;
	v6 =	vand.u32 $0xFFFFFFFC, v10;
	v8 =	vmov s9;
	[tilespmem:s25+$0xFFFFFF30] =	vst v7  }
0x2e6: {  	v6 =	vbroadcast v6, $0x0;
	v7 =	vmov s10;
	v17 =	vld [tilespmem:s13+$0xFFFFFFA0];
	v10 =	vshll.u32 v11, $0x10;
	[tilespmem:s25+$0xA0] =	vst v9  }
.Ltmp3:
0x2e7: {  	v7 =	vand.u32 $0xFFFFFFFD, v7;
	v11 =	vand.u32 $0xFFFF0000, v11;
	v15 =	vmul.f32 v10, v5;
	[tilespmem:s25+$0xE0] =	vst v13;
	(pc) =	sbr.rel @p0 .LBB2_9-.Ltmp3, $4  }
0x2e8: {  	s9 =	sadd.s32 $0x2, s11;
	v9 =	vbroadcast v7, $0x0;
	v7 =	vmul.f32 v11, v5;
	v10 =	vld [tilespmem:s13+$0x60];
	[tilespmem:s26+$0xC0] =	vst v14  }
0x2e9: {  	v11 =	vmov s9;
	v13 =	vshll.u32 v12, $0x10;
	v12 =	vand.u32 $0xFFFF0000, v12;
	[tilespmem:s25+$0x20] =	vst v15  }
0x2ea: {  	v11 =	vand.u32 $0xFFFFFFFE, v11;
	v13 =	vmul.f32 v13, v4;
	v12 =	vmul.f32 v12, v4;
	[tilespmem:s25+$0x60] =	vst v7  }
0x2eb: {  	s11 =	sadd.s32 $0x4, s11;
	v7 =	vbroadcast v11, $0x0;
	v15 =	vshll.u32 v17, $0x10;
	v14 =	vand.u32 $0xFFFF0000, v17;
	v11 =	vld [tilespmem:s13+$0x30];
	[tilespmem:s26+$0x100] =	vst v16;
	s26 =	smov.u32 s25  }
0x2ec: {  	[tilespmem:s25+$0xFFFFFF90] =	vst v13  }
0x2ed: {  	[tilespmem:s25+$0xFFFFFFD0] =	vst v12  }
0x2ee: {  	v13 =	vmul.f32 v14, v3;
	[tilespmem:s25+$0x80] =	vst v5;
	v12 =	vshll.u32 v10, $0x10;
	v14 =	vld [tilespmem:s13+$0xFFFFFFF0]  }
0x2ef: {  	[tilespmem:s25+$0xFFFFFFF0] =	vst v4;
	v12 =	vmul.f32 v12, v2  }
0x2f0: {  	v15 =	vmul.f32 v15, v3;
	s11 =	sadd.s32 $0x100, s13;
	v10 =	vand.u32 $0xFFFF0000, v10;
	[tilespmem:s25+$0xFFFFFF40] =	vst v13  }
0x2f1: {  	v10 =	vmul.f32 v10, v2;
	v13 =	vand.u32 $0xFFFF0000, v11;
	[tilespmem:s25+$0xB0] =	vst v12;
	v12 =	vld [tilespmem:s11+$0x0]  }
0x2f2: {  	v7 =	vld.idx.msk [tilespmem:v7+s20+$0x0], $0xffff;
	[tilespmem:s25+$0xFFFFFF00] =	vst v15;
	v11 =	vshll.u32 v11, $0x10;
	v13 =	vmul.f32 v13, v5  }
0x2f3: {  	v6 =	vld.idx.msk [tilespmem:v6+s20+$0x0], $0xffff;
	[tilespmem:s25+$0xF0] =	vst v10;
	v10 =	vmul.f32 v11, v5;
	v11 =	vshll.u32 v14, $0x10  }
0x2f4: {  	v14 =	vand.u32 $0xFFFF0000, v14;
	[tilespmem:s25+$0x70] =	vst v13;
	v13 =	vld [tilespmem:s11+$0xFFFFFFC0];
	v11 =	vmul.f32 v11, v4  }
0x2f5: {  	v9 =	vld.idx.msk [tilespmem:v9+s20+$0x0], $0xffff;
	[tilespmem:s25+$0x30] =	vst v10;
	v4 =	vmul.f32 v14, v4  }
0x2f6: {  	v5 =	vld [tilespmem:s11+$0xFFFFFF80];
	v10 =	vshll.u32 v12, $0x10;
	[tilespmem:s25+$0xFFFFFFA0] =	vst v11  }
0x2f7: {  	v11 =	vld [tilespmem:s14+$0xFFFFFFB0];
	v12 =	vand.u32 $0xFFFF0000, v12;
	[tilespmem:s25+$0xFFFFFFE0] =	vst v4;
	v10 =	vmul.f32 v10, v7  }
0x2f8: {  	v4 =	vld [tilespmem:s11+$0x40];
	[tilespmem:s26+$0xFFFFFF60] =	vst v3;
	s25 =	sadd.s32 $0x240, s25;
	v12 =	vmul.f32 v12, v7  }
0x2f9: {  	v8 =	vld.idx.msk [tilespmem:v8+s20+$0x0], $0xffff;
	v14 =	vshll.u32 v13, $0x10;
	[tilespmem:s25+$0x0] =	vst v10  }
0x2fa: {  	v10 =	vld [tilespmem:s14+$0x70];
	v13 =	vand.u32 $0xFFFF0000, v13;
	[tilespmem:s25+$0x40] =	vst v12;
	v14 =	vmul.f32 v14, v9  }
0x2fb: {  	v12 =	vshll.u32 v5, $0x10;
	[tilespmem:s26+$0x110] =	vst v2;
	v13 =	vmul.f32 v13, v9;
	v15 =	vld [tilespmem:s11+$0x10]  }
0x2fc: {  	v5 =	vand.u32 $0xFFFF0000, v5;
	v12 =	vmul.f32 v12, v6;
	[tilespmem:s25+$0xFFFFFF70] =	vst v14  }
0x2fd: {  	v5 =	vmul.f32 v5, v6;
	v14 =	vshll.u32 v4, $0x10;
	[tilespmem:s25+$0xFFFFFFB0] =	vst v13  }
0x2fe: {  	v4 =	vand.u32 $0xFFFF0000, v4;
	[tilespmem:s25+$0xFFFFFEE0] =	vst v12;
	v13 =	vmul.f32 v14, v8;
	v12 =	vld [tilespmem:s11+$0xFFFFFFD0]  }
0x2ff: {  	[tilespmem:s25+$0xFFFFFF20] =	vst v5;
	v14 =	vshll.u32 v11, $0x10;
	v4 =	vmul.f32 v4, v8  }
0x300: {  	v5 =	vmul.f32 v14, v3;
	v14 =	vld [tilespmem:s11+$0xFFFFFF90];
	v16 =	vshll.u32 v15, $0x10;
	[tilespmem:s25+$0x90] =	vst v13  }
0x301: {  	v13 =	vand.u32 $0xFFFF0000, v15;
	[tilespmem:s25+$0xD0] =	vst v4;
	v15 =	vmul.f32 v16, v7  }
0x302: {  	v4 =	vand.u32 $0xFFFF0000, v11;
	v11 =	vmul.f32 v13, v7;
	v13 =	vld [tilespmem:s11+$0x50];
	[tilespmem:s26+$0xFFFFFF10] =	vst v5  }
0x303: {  	v3 =	vmul.f32 v4, v3;
	v4 =	vshll.u32 v12, $0x10;
	[tilespmem:s25+$0x10] =	vst v15  }
0x304: {  	v5 =	vand.u32 $0xFFFF0000, v12;
	[tilespmem:s25+$0x50] =	vst v11;
	v4 =	vmul.f32 v4, v9  }
0x305: {  	[tilespmem:s26+$0xFFFFFF50] =	vst v3;
	v5 =	vmul.f32 v5, v9;
	v11 =	vshll.u32 v14, $0x10;
	v12 =	vld [tilespmem:s11+$0x20]  }
0x306: {  	v3 =	vand.u32 $0xFFFF0000, v14;
	v11 =	vmul.f32 v11, v6;
	[tilespmem:s25+$0xFFFFFF80] =	vst v4  }
0x307: {  	v3 =	vmul.f32 v3, v6;
	[tilespmem:s25+$0xFFFFFFC0] =	vst v5;
	v4 =	vshll.u32 v13, $0x10  }
0x308: {  	v5 =	vand.u32 $0xFFFF0000, v13;
	[tilespmem:s25+$0xFFFFFEF0] =	vst v11;
	v4 =	vmul.f32 v4, v8  }
0x309: {  	v13 =	vshll.u32 v10, $0x10;
	v11 =	vld [tilespmem:s11+$0xFFFFFFE0];
	v5 =	vmul.f32 v5, v8;
	[tilespmem:s25+$0xFFFFFF30] =	vst v3  }
0x30a: {  	v3 =	vmul.f32 v13, v2;
	v14 =	vshll.u32 v12, $0x10;
	[tilespmem:s25+$0xA0] =	vst v4  }
0x30b: {  	v13 =	vld [tilespmem:s11+$0xFFFFFFA0];
	v4 =	vand.u32 $0xFFFF0000, v12;
	[tilespmem:s25+$0xE0] =	vst v5;
	v12 =	vmul.f32 v14, v7  }
0x30c: {  	v5 =	vand.u32 $0xFFFF0000, v10;
	[tilespmem:s26+$0xC0] =	vst v3;
	v4 =	vmul.f32 v4, v7  }
0x30d: {  	v10 =	vld [tilespmem:s11+$0x60];
	v2 =	vmul.f32 v5, v2;
	[tilespmem:s25+$0x20] =	vst v12  }
0x30e: {  	v3 =	vshll.u32 v11, $0x10;
	[tilespmem:s25+$0x60] =	vst v4  }
0x30f: {  	v5 =	vand.u32 $0xFFFF0000, v11;
	[tilespmem:s26+$0x100] =	vst v2;
	v3 =	vmul.f32 v3, v9;
	v11 =	vld [tilespmem:s11+$0x30]  }
0x310: {  	v4 =	vmul.f32 v5, v9;
	v5 =	vshll.u32 v13, $0x10;
	[tilespmem:s25+$0x80] =	vst v7  }
0x311: {  	v2 =	vand.u32 $0xFFFF0000, v13;
	v5 =	vmul.f32 v5, v6;
	[tilespmem:s25+$0xFFFFFF90] =	vst v3  }
0x312: {  	v2 =	vmul.f32 v2, v6;
	[tilespmem:s25+$0xFFFFFFD0] =	vst v4;
	v3 =	vshll.u32 v10, $0x10  }
0x313: {  	v4 =	vand.u32 $0xFFFF0000, v10;
	[tilespmem:s25+$0xFFFFFF00] =	vst v5;
	v5 =	vld [tilespmem:s11+$0xFFFFFFF0];
	v3 =	vmul.f32 v3, v8  }
0x314: {  	v4 =	vmul.f32 v4, v8;
	[tilespmem:s25+$0xFFFFFF40] =	vst v2;
	v2 =	vand.u32 $0xFFFF0000, v11  }
0x315: {  	[tilespmem:s25+$0xB0] =	vst v3;
	v3 =	vshll.u32 v11, $0x10;
	v2 =	vmul.f32 v2, v7  }
0x316: {  	[tilespmem:s25+$0xF0] =	vst v4;
	v4 =	vld [tilespmem:s11+$0xFFFFFFB0];
	v3 =	vmul.f32 v3, v7  }
0x317: {  	[tilespmem:s25+$0x70] =	vst v2  }
0x318: {  	v2 =	vand.u32 $0xFFFF0000, v5;
	[tilespmem:s25+$0x30] =	vst v3;
	v3 =	vld [tilespmem:s11+$0x70]  }
0x319: {  	[tilespmem:s25+$0xFFFFFFF0] =	vst v9;
	v2 =	vmul.f32 v2, v9  }
0x31a: {  	[tilespmem:s25+$0xFFFFFF60] =	vst v6;
	v10 =	vshll.u32 v5, $0x10  }
0x31b: {  	v5 =	vmul.f32 v10, v9;
	[tilespmem:s25+$0xFFFFFFE0] =	vst v2;
	v2 =	vshll.u32 v4, $0x10  }
0x31c: {  	[tilespmem:s25+$0x110] =	vst v8;
	v4 =	vand.u32 $0xFFFF0000, v4;
	v2 =	vmul.f32 v2, v6  }
0x31d: {  	[tilespmem:s25+$0xFFFFFFA0] =	vst v5;
	v4 =	vmul.f32 v4, v6;
	v5 =	vshll.u32 v3, $0x10  }
0x31e: {  	v3 =	vand.u32 $0xFFFF0000, v3;
	v5 =	vmul.f32 v5, v8;
	[tilespmem:s25+$0xFFFFFF10] =	vst v2  }
0x31f: {  	v2 =	vmul.f32 v3, v8;
	[tilespmem:s25+$0xFFFFFF50] =	vst v4  }
0x320: {  	[tilespmem:s25+$0xC0] =	vst v5  }
0x321: {  	s9 =	simm.s32 $0x2E40;
	s10 =	simm.s32 $0xA0;
	[tilespmem:s25+$0x100] =	vst v2  }
0x322: {  	[spmem:s2] =	stream.indirect.scatter.add.f32 [tilespmem:s9], [sflag:$0x7], $0x90, s10, s29, $0xb8;
	[tilespmem:$0x1E830] =	vst v63  }
0x323: {  	s30 =	sor.u32 $0x3, s28;
	_ =	swait.ge [sflag:s16], $0x1400  }
0x324: {  	p0 =	slt.u32 s30, $0x7F;
	[sflag:s16] =	ssyncset.done $0x0  }
0x325: {  	s9 =	simm.s32 @p0 $0x1;
	[sflag:s16] =	ssyncadd.s32 $0xFFFFEC00  }
0x326: {  	_ =	swait.ge @p0 [sflag:s9], $0x50  }
0x327: {  	[sflag:s9] =	ssyncset.done @p0 $0x0  }
0x328: {  	[sflag:s9] =	ssyncadd.s32 @p0 $0xFFFFFFB0  }
0x329: {  	_ =	swait.ge @p0 [sflag:s9], $0x50  }
0x32a: {  	s13 =	simm.s32 @p0 $0x280;
	[sflag:s9] =	ssyncset.done @p0 $0x0  }
0x32b: {  	s10 =	simm.s32 @p0 $0x0;
	[sflag:s9] =	ssyncadd.s32 @p0 $0xFFFFFFB0;
	s9 =	simm.s32 @p0 $0x50  }
0x32c: {  	[tilespmem:s13], [sflag:$0x1] =	stream.indirect.gather @p0 [hbm4b:s7+s9], $0x1, s10, s9, $0xb8;
	[tilespmem:$0x1E830] =	vst v63  }
0x32d: {  	s14 =	simm.s32 @p0 $0x3C0;
	s13 =	simm.s32 @p0 $0x140  }
0x32e: {  	[tilespmem:s14], [sflag:$0x1] =	stream.indirect.gather @p0 [hbm4b:s8+s9], $0x1, s13, s9, $0xb8;
	[tilespmem:$0x1E830] =	vst v63  }
0x32f: {  	s14 =	simm.s32 @p0 $0x7  }
0x330: {  	_ =	swait.ge @p0 [sflag:s14], $0x2D00  }
0x331: {  	[sflag:s14] =	ssyncset.done @p0 $0x0  }
0x332: {  	[sflag:s14] =	ssyncadd.s32 @p0 $0xFFFFD300;
	s14 =	simm.s32 @p0 $0x640  }
0x333: {  	[tilespmem:s14], [sflag:$0x5] =	stream.indirect.gather @p0 [hbm4b:s1+s9], $0x40, s13, s9, $0xb8;
	[tilespmem:$0x1E830] =	vst v63  }
0x334: {  	s13 =	sld [smem:$0x7FC];
	_ =	sdelay $0x2  }
0x335: {  	s12 =	sadd.s32 @p0 s12, s13  }
0x336: {  	s12 =	sshrl.u32 @p0 s12, $0x3  }
0x337: {  	s13 =	sadd.s32 @p0 s5, s12  }
0x338: {  	[tilespmem:s9], [sflag:$0x2] =	stream.linear.gather @p0 [hbm4b:s13+s10], $0x50, $0x38;
	[tilespmem:$0x1E830] =	vst v63  }
0x339: {  	s9 =	sadd.s32 @p0 s6, s12;
	s12 =	simm.s32 @p0 $0x190  }
0x33a: {  	[tilespmem:s12], [sflag:$0x2] =	stream.linear.gather @p0 [hbm4b:s9+s10], $0x50, $0x38;
	[tilespmem:$0x1E830] =	vst v63  }
0x33b: {  	s9 =	simm.s32 @!p0 $0x7  }
0x33c: {  	_ =	swait.ge @!p0 [sflag:s9], $0x2D00  }
0x33d: {  	[sflag:s9] =	ssyncset.done @!p0 $0x0  }
0x33e: {  	[sflag:s9] =	ssyncadd.s32 @!p0 $0xFFFFD300  }
0x33f: {  	_ =	swait.ge [sflag:s0], $0x50  }
0x340: {  	[sflag:s0] =	ssyncset.done $0x0  }
0x341: {  	[sflag:s0] =	ssyncadd.s32 $0xFFFFFFB0  }
0x342: {  	_ =	swait.ge [sflag:s0], $0x50  }
0x343: {  	[sflag:s0] =	ssyncset.done $0x0  }
0x344: {  	[sflag:s0] =	ssyncadd.s32 $0xFFFFFFB0  }
0x345: {  	v2 =	vld [tilespmem:$0x370]  }
0x346: {  	v3 =	vld [tilespmem:$0x4B0];
	_ =	sdelay $0x3  }
0x347: {  	v4 =	vld [tilespmem:$0x380]  }
0x348: {  	v5 =	vld [tilespmem:$0x390];
	v2 =	vadd.f32 v3, v2  }
0x349: {  	v7 =	vld [tilespmem:$0x4D0]  }
0x34a: {  	v3 =	vld [tilespmem:$0x4C0];
	v6 =	vmul.f32 $2.000000030e-01, v2  }
0x34b: {  	v8 =	vld [tilespmem:$0x3A0];
	vm0 =	vge.f32 v2, $0.0e+00  }
0x34c: {  	v9 =	vld [tilespmem:$0x3B0];
	v2 =	vsel vm0, v2, v6  }
0x34d: {  	v6 =	vld [tilespmem:$0x4E0];
	v2 =	vsub.f32 v2, v1  }
0x34e: {  	v10 =	vld [tilespmem:$0x4F0]  }
0x34f: {  	v3 =	vadd.f32 v3, v4;
	v2 =	vmul.f32 $1.442695020e+00, v2  }
0x350: {  	v4 =	vadd.f32 v7, v5  }
0x351: {  	(erf) = vpow2.f32 v2;
	v2 =	vmul.f32 $2.000000030e-01, v3  }
0x352: {  	vm7 =	vge.f32 v3, $0.0e+00;
	v5 =	vmul.f32 $2.000000030e-01, v4;
	v6 =	vadd.f32 v6, v8  }
0x353: {  	vm8 =	vge.f32 v4, $0.0e+00;
	v2 =	vsel vm7, v3, v2;
	v3 =	vadd.f32 v10, v9  }
0x354: {  	v4 =	vsel vm8, v4, v5;
	v5 =	vmul.f32 $2.000000030e-01, v6;
	v2 =	vsub.f32 v2, v1  }
0x355: {  	v4 =	vsub.f32 v4, v1;
	vm9 =	vge.f32 v6, $0.0e+00;
	v7 =	vmul.f32 $2.000000030e-01, v3  }
0x356: {  	v5 =	vsel vm9, v6, v5;
	vm10 =	vge.f32 v3, $0.0e+00;
	v2 =	vmul.f32 $1.442695020e+00, v2  }
0x357: {  	v4 =	vmul.f32 $1.442695020e+00, v4;
	v5 =	vsub.f32 v5, v1;
	v3 =	vsel vm10, v3, v7  }
0x358: {  	(erf) = vpow2.f32 v2;
	v2 =	vsub.f32 v3, v1  }
0x359: {  	v3 =	vld [tilespmem:$0x8850];
	(erf) = vpow2.f32 v4;
	v4 =	vmul.f32 $1.442695020e+00, v5  }
0x35a: {  	v2 =	vmul.f32 $1.442695020e+00, v2  }
0x35b: {  	s10 =	smul.u32 $0x50, s30;
	v5 =	vld [tilespmem:$0x8860];
	(erf) = vpow2.f32 v4  }
0x35c: {  	v4 =	vld [tilespmem:$0x8870];
	(erf) = vpow2.f32 v2  }
0x35d: {  	s9 =	sadd.s32 s22, s10  }
0x35e: {  	v2 =	vadd.s32 s9, v3;
	v3 =	vld [tilespmem:$0x8880]  }
0x35f: {  	v6 =	vpop (erf);
	vm11 =	vlt.s32 v2, $0x4E200;
	v2 =	vld [tilespmem:$0x8890]  }
0x360: {  	s11 =	simm.s32 $0x2;
	v5 =	vadd.s32 s9, v5;
	v6 =	vnsel vm11, $0x0, v6  }
0x361: {  	vm12 =	vlt.s32 v5, $0x4E200;
	v5 =	vmov s11;
	v4 =	vadd.s32 s9, v4;
	v7 =	vpop (erf)  }
0x362: {  	vm13 =	vlt.s32 v4, $0x4E200;
	v4 =	vand.u32 $0xFFFFFFFE, v5;
	v8 =	vpop (erf);
	v7 =	vnsel vm12, $0x0, v7  }
0x363: {  	s12 =	simm.s32 $0x1;
	[tilespmem:$0x5F0] =	vst v6;
	v3 =	vadd.s32 s9, v3;
	v4 =	vbroadcast v4, $0x0;
	v5 =	vnsel vm13, $0x0, v8  }
0x364: {  	[tilespmem:$0x600] =	vst v7;
	vm14 =	vlt.s32 v3, $0x4E200;
	v2 =	vadd.s32 s9, v2;
	v3 =	vmov s12;
	v6 =	vpop (erf)  }
0x365: {  	s13 =	simm.s32 $0x0;
	[tilespmem:$0x610] =	vst v5;
	vm15 =	vlt.s32 v2, $0x4E200;
	v2 =	vand.u32 $0xFFFFFFFD, v3;
	v5 =	vnsel vm14, $0x0, v6;
	v6 =	vpop (erf)  }
0x366: {  	v2 =	vbroadcast v2, $0x0;
	[tilespmem:$0x620] =	vst v5;
	v3 =	vnsel vm15, $0x0, v6;
	v5 =	vmov s13  }
0x367: {  	s13 =	simm.s32 $0x1AC0;
	[tilespmem:$0x630] =	vst v3;
	v3 =	vand.u32 $0xFFFFFFFC, v5  }
0x368: {  	v3 =	vbroadcast v3, $0x0;
	v6 =	vld [tilespmem:s13+$0x0]  }
0x369: {  	v5 =	vld.idx.msk [tilespmem:v4+s21+$0x0], $0xffff  }
0x36a: {  	s14 =	simm.s32 $0x3  }
0x36b: {  	v8 =	vmov s14;
	v7 =	vld [tilespmem:s13+$0xFFFFFFC0]  }
0x36c: {  	v4 =	vld.idx.msk [tilespmem:v2+s21+$0x0], $0xffff  }
0x36d: {  	v9 =	vld [tilespmem:s13+$0xFFFFFF80];
	v2 =	vshll.u32 v6, $0x10  }
0x36e: {  	v6 =	vand.u32 $0xFFFF0000, v6;
	v3 =	vld.idx.msk [tilespmem:v3+s21+$0x0], $0xffff;
	v2 =	vmul.f32 v2, v5  }
0x36f: {  	s12 =	simm.s32 $0x5C60;
	v10 =	vld [tilespmem:s13+$0x40];
	v6 =	vmul.f32 v6, v5  }
0x370: {  	v11 =	vshll.u32 v7, $0x10;
	[tilespmem:s12+$0x0] =	vst v2;
	v2 =	vld.idx.msk [tilespmem:v8+s21+$0x0], $0xffff  }
0x371: {  	v7 =	vand.u32 $0xFFFF0000, v7;
	v8 =	vmul.f32 v11, v4;
	[tilespmem:s12+$0x40] =	vst v6  }
0x372: {  	v6 =	vshll.u32 v9, $0x10;
	v7 =	vmul.f32 v7, v4;
	v11 =	vld [tilespmem:s13+$0x10]  }
0x373: {  	v9 =	vand.u32 $0xFFFF0000, v9;
	[tilespmem:s12+$0xFFFFFF70] =	vst v8;
	v6 =	vmul.f32 v6, v3  }
0x374: {  	[tilespmem:s12+$0xFFFFFFB0] =	vst v7;
	v7 =	vshll.u32 v10, $0x10;
	v8 =	vmul.f32 v9, v3  }
0x375: {  	v9 =	vand.u32 $0xFFFF0000, v10;
	[tilespmem:s12+$0xFFFFFEE0] =	vst v6;
	v6 =	vld [tilespmem:s13+$0xFFFFFFD0];
	v7 =	vmul.f32 v7, v2  }
0x376: {  	[tilespmem:s12+$0xFFFFFF20] =	vst v8;
	v8 =	vmul.f32 v9, v2  }
0x377: {  	v9 =	vld [tilespmem:s13+$0xFFFFFF90];
	v10 =	vshll.u32 v11, $0x10;
	[tilespmem:s12+$0x90] =	vst v7  }
0x378: {  	v7 =	vand.u32 $0xFFFF0000, v11;
	v10 =	vmul.f32 v10, v5;
	[tilespmem:s12+$0xD0] =	vst v8  }
0x379: {  	v7 =	vmul.f32 v7, v5;
	v8 =	vld [tilespmem:s13+$0x50]  }
0x37a: {  	[tilespmem:s12+$0x10] =	vst v10;
	v11 =	vshll.u32 v6, $0x10  }
0x37b: {  	v6 =	vand.u32 $0xFFFF0000, v6;
	[tilespmem:s12+$0x50] =	vst v7;
	v10 =	vmul.f32 v11, v4  }
0x37c: {  	v6 =	vmul.f32 v6, v4;
	v7 =	vshll.u32 v9, $0x10;
	v11 =	vld [tilespmem:s13+$0x20]  }
0x37d: {  	v9 =	vand.u32 $0xFFFF0000, v9;
	v7 =	vmul.f32 v7, v3;
	[tilespmem:s12+$0xFFFFFF80] =	vst v10  }
0x37e: {  	s25 =	simm.s32 $0x4;
	v9 =	vmul.f32 v9, v3;
	[tilespmem:s12+$0xFFFFFFC0] =	vst v6;
	v6 =	vshll.u32 v8, $0x10  }
0x37f: {  	s26 =	simm.s32 $0x5;
	v8 =	vand.u32 $0xFFFF0000, v8;
	v10 =	vmov s25;
	[tilespmem:s12+$0xFFFFFEF0] =	vst v7;
	v7 =	vld [tilespmem:s13+$0xFFFFFFE0];
	v12 =	vmul.f32 v6, v2  }
0x380: {  	v13 =	vmul.f32 v8, v2;
	v6 =	vand.u32 $0xFFFFFFFC, v10;
	[tilespmem:s12+$0xFFFFFF30] =	vst v9;
	v8 =	vmov s26  }
0x381: {  	s28 =	simm.s32 $0x7;
	v6 =	vbroadcast v6, $0x0;
	v14 =	vld [tilespmem:s13+$0xFFFFFFA0];
	v10 =	vand.u32 $0xFFFFFFFD, v8;
	v9 =	vshll.u32 v11, $0x10;
	[tilespmem:s12+$0xA0] =	vst v12  }
0x382: {  	v8 =	vmov s28;
	v11 =	vand.u32 $0xFFFF0000, v11;
	[tilespmem:s12+$0xE0] =	vst v13;
	v12 =	vmul.f32 v9, v5  }
0x383: {  	s30 =	simm.s32 $0x6;
	v9 =	vbroadcast v10, $0x0;
	v11 =	vmul.f32 v11, v5;
	v10 =	vld [tilespmem:s13+$0x60]  }
0x384: {  	v13 =	vmov s30;
	v15 =	vshll.u32 v7, $0x10;
	v7 =	vand.u32 $0xFFFF0000, v7;
	[tilespmem:s12+$0x20] =	vst v12  }
0x385: {  	v16 =	vand.u32 $0xFFFFFFFE, v13;
	[tilespmem:s12+$0x60] =	vst v11;
	v13 =	vmul.f32 v15, v4;
	v12 =	vmul.f32 v7, v4  }
0x386: {  	s11 =	simm.s32 $0x8;
	s14 =	simm.s32 $0x1AC0;
	s25 =	simm.s32 $0x5C60;
	v7 =	vbroadcast v16, $0x0;
	v15 =	vshll.u32 v14, $0x10;
	v14 =	vand.u32 $0xFFFF0000, v14;
	v11 =	vld [tilespmem:s13+$0x30]  }
.LBB2_11:
0x387: {  	p0 =	slt.u32 s11, $0x4C;
	v8 =	vld.idx.msk [tilespmem:v8+s21+$0x0], $0xffff;
	v15 =	vmul.f32 v15, v3;
	v14 =	vmul.f32 v14, v3;
	[tilespmem:s12+$0xFFFFFF90] =	vst v13  }
0x388: {  	v6 =	vld.idx.msk [tilespmem:v6+s21+$0x0], $0xffff;
	[tilespmem:s12+$0xFFFFFFD0] =	vst v12;
	v12 =	vshll.u32 v10, $0x10;
	v10 =	vand.u32 $0xFFFF0000, v10  }
0x389: {  	[tilespmem:s12+$0xFFFFFF00] =	vst v15;
	v13 =	vld [tilespmem:s13+$0xFFFFFFF0];
	v12 =	vmul.f32 v12, v2;
	v10 =	vmul.f32 v10, v2  }
0x38a: {  	s13 =	sadd.s32 $0x100, s13;
	v9 =	vld.idx.msk [tilespmem:v9+s21+$0x0], $0xffff;
	[tilespmem:s12+$0xFFFFFF40] =	vst v14  }
0x38b: {  	v14 =	vld [tilespmem:s13+$0x0];
	v15 =	vshll.u32 v11, $0x10;
	v11 =	vand.u32 $0xFFFF0000, v11;
	[tilespmem:s12+$0xB0] =	vst v12  }
0x38c: {  	v7 =	vld.idx.msk [tilespmem:v7+s21+$0x0], $0xffff;
	v12 =	vmul.f32 v15, v5;
	v11 =	vmul.f32 v11, v5;
	[tilespmem:s12+$0xF0] =	vst v10  }
0x38d: {  	v10 =	vld [tilespmem:s13+$0xFFFFFF80];
	[tilespmem:s12+$0xFFFFFFF0] =	vst v4  }
0x38e: {  	v15 =	vld [tilespmem:s13+$0xFFFFFFC0];
	v16 =	vshll.u32 v13, $0x10;
	v13 =	vand.u32 $0xFFFF0000, v13;
	[tilespmem:s12+$0x70] =	vst v11  }
0x38f: {  	v11 =	vld [tilespmem:s13+$0x40];
	v16 =	vmul.f32 v16, v4;
	v13 =	vmul.f32 v13, v4;
	[tilespmem:s12+$0x30] =	vst v12  }
0x390: {  	v4 =	vmov v9;
	v12 =	vld [tilespmem:s14+$0xFFFFFFB0];
	[tilespmem:s12+$0x80] =	vst v5  }
0x391: {  	v18 =	vshll.u32 v14, $0x10;
	[tilespmem:s12+$0xFFFFFFA0] =	vst v16;
	v9 =	vld [tilespmem:s14+$0x70];
	s14 =	smov.u32 s13  }
0x392: {  	v14 =	vand.u32 $0xFFFF0000, v14;
	v17 =	vmul.f32 v18, v7;
	v5 =	vmovc v7;
	v16 =	vshll.u32 v10, $0x10;
	[tilespmem:s12+$0xFFFFFFE0] =	vst v13  }
0x393: {  	v7 =	vand.u32 $0xFFFF0000, v10;
	v13 =	vmul.f32 v14, v5;
	s12 =	sadd.s32 $0x240, s12;
	v10 =	vshll.u32 v15, $0x10;
	[tilespmem:s25+$0xFFFFFF60] =	vst v3  }
0x394: {  	v14 =	vand.u32 $0xFFFF0000, v15;
	[tilespmem:s12+$0x0] =	vst v17;
	v15 =	vshll.u32 v11, $0x10;
	v11 =	vand.u32 $0xFFFF0000, v11  }
0x395: {  	v10 =	vmul.f32 v10, v4;
	v14 =	vmul.f32 v14, v4;
	[tilespmem:s12+$0x40] =	vst v13;
	v13 =	vshll.u32 v12, $0x10  }
0x396: {  	v16 =	vmul.f32 v16, v6;
	v7 =	vmul.f32 v7, v6;
	v12 =	vand.u32 $0xFFFF0000, v12;
	v17 =	vld [tilespmem:s13+$0x10];
	[tilespmem:s25+$0x110] =	vst v2  }
0x397: {  	v11 =	vmul.f32 v11, v8;
	[tilespmem:s12+$0xFFFFFF70] =	vst v10;
	v10 =	vmul.f32 v15, v8;
	v15 =	vshll.u32 v9, $0x10  }
0x398: {  	v13 =	vmul.f32 v13, v3;
	v12 =	vmul.f32 v12, v3;
	v3 =	vmovc v6;
	v9 =	vand.u32 $0xFFFF0000, v9;
	[tilespmem:s12+$0xFFFFFFB0] =	vst v14  }
0x399: {  	v14 =	vmul.f32 v15, v2;
	[tilespmem:s12+$0xFFFFFEE0] =	vst v16;
	v6 =	vld [tilespmem:s13+$0xFFFFFFD0];
	v16 =	vmul.f32 v9, v2;
	v2 =	vmov v8  }
0x39a: {  	[tilespmem:s12+$0xFFFFFF20] =	vst v7  }
0x39b: {  	v7 =	vld [tilespmem:s13+$0xFFFFFF90];
	v8 =	vshll.u32 v17, $0x10;
	[tilespmem:s12+$0x90] =	vst v10  }
0x39c: {  	v9 =	vand.u32 $0xFFFF0000, v17;
	v8 =	vmul.f32 v8, v5;
	[tilespmem:s12+$0xD0] =	vst v11  }
0x39d: {  	v9 =	vmul.f32 v9, v5;
	v10 =	vld [tilespmem:s13+$0x50];
	[tilespmem:s25+$0xFFFFFF10] =	vst v13  }
0x39e: {  	v11 =	vshll.u32 v6, $0x10;
	v6 =	vand.u32 $0xFFFF0000, v6;
	[tilespmem:s12+$0x10] =	vst v8  }
0x39f: {  	v8 =	vmul.f32 v11, v4;
	v6 =	vmul.f32 v6, v4;
	[tilespmem:s12+$0x50] =	vst v9  }
0x3a0: {  	v9 =	vshll.u32 v7, $0x10;
	v7 =	vand.u32 $0xFFFF0000, v7;
	v11 =	vld [tilespmem:s13+$0x20];
	[tilespmem:s25+$0xFFFFFF50] =	vst v12  }
0x3a1: {  	v9 =	vmul.f32 v9, v3;
	v7 =	vmul.f32 v7, v3;
	[tilespmem:s12+$0xFFFFFF80] =	vst v8  }
0x3a2: {  	[tilespmem:s12+$0xFFFFFFC0] =	vst v6;
	v6 =	vshll.u32 v10, $0x10;
	v8 =	vand.u32 $0xFFFF0000, v10  }
0x3a3: {  	s9 =	sadd.s32 $0x3, s11;
	v10 =	vmov s11;
	[tilespmem:s12+$0xFFFFFEF0] =	vst v9;
	v12 =	vld [tilespmem:s13+$0xFFFFFFE0];
	v9 =	vmul.f32 v6, v2;
	v13 =	vmul.f32 v8, v2  }
0x3a4: {  	s10 =	sadd.s32 $0x1, s11;
	v6 =	vand.u32 $0xFFFFFFFC, v10;
	v8 =	vmov s9;
	[tilespmem:s12+$0xFFFFFF30] =	vst v7  }
0x3a5: {  	v6 =	vbroadcast v6, $0x0;
	v7 =	vmov s10;
	v17 =	vld [tilespmem:s13+$0xFFFFFFA0];
	v10 =	vshll.u32 v11, $0x10;
	[tilespmem:s12+$0xA0] =	vst v9  }
.Ltmp4:
0x3a6: {  	v7 =	vand.u32 $0xFFFFFFFD, v7;
	v11 =	vand.u32 $0xFFFF0000, v11;
	v15 =	vmul.f32 v10, v5;
	[tilespmem:s12+$0xE0] =	vst v13;
	(pc) =	sbr.rel @p0 .LBB2_11-.Ltmp4, $4  }
0x3a7: {  	s9 =	sadd.s32 $0x2, s11;
	v9 =	vbroadcast v7, $0x0;
	v7 =	vmul.f32 v11, v5;
	v10 =	vld [tilespmem:s13+$0x60];
	[tilespmem:s25+$0xC0] =	vst v14  }
0x3a8: {  	v11 =	vmov s9;
	v13 =	vshll.u32 v12, $0x10;
	v12 =	vand.u32 $0xFFFF0000, v12;
	[tilespmem:s12+$0x20] =	vst v15  }
0x3a9: {  	v11 =	vand.u32 $0xFFFFFFFE, v11;
	v13 =	vmul.f32 v13, v4;
	v12 =	vmul.f32 v12, v4;
	[tilespmem:s12+$0x60] =	vst v7  }
0x3aa: {  	s11 =	sadd.s32 $0x4, s11;
	v7 =	vbroadcast v11, $0x0;
	v15 =	vshll.u32 v17, $0x10;
	v14 =	vand.u32 $0xFFFF0000, v17;
	v11 =	vld [tilespmem:s13+$0x30];
	[tilespmem:s25+$0x100] =	vst v16;
	s25 =	smov.u32 s12  }
0x3ab: {  	[tilespmem:s12+$0xFFFFFF90] =	vst v13  }
0x3ac: {  	[tilespmem:s12+$0xFFFFFFD0] =	vst v12  }
0x3ad: {  	v15 =	vmul.f32 v15, v3;
	[tilespmem:s12+$0x80] =	vst v5  }
0x3ae: {  	v58 =	vmul.f32 v14, v3;
	v61 =	vld [tilespmem:s13+$0xFFFFFFF0];
	[tilespmem:s12+$0xFFFFFFF0] =	vst v4  }
0x3af: {  	s11 =	sadd.s32 $0x100, s13;
	v9 =	vld.idx.msk [tilespmem:v9+s21+$0x0], $0xffff;
	v59 =	vshll.u32 v10, $0x10;
	[tilespmem:s12+$0xFFFFFF00] =	vst v15  }
0x3b0: {  	v60 =	vand.u32 $0xFFFF0000, v10;
	v63 =	vld [tilespmem:s11+$0x0];
	v12 =	vmul.f32 v59, v2;
	[tilespmem:s12+$0xFFFFFF40] =	vst v58  }
0x3b1: {  	v10 =	vmul.f32 v60, v2;
	v23 =	vld [tilespmem:s14+$0xFFFFFFB0];
	[tilespmem:s25+$0xFFFFFF60] =	vst v3  }
0x3b2: {  	v7 =	vld.idx.msk [tilespmem:v7+s21+$0x0], $0xffff;
	v62 =	vand.u32 $0xFFFF0000, v11;
	[tilespmem:s12+$0xB0] =	vst v12  }
0x3b3: {  	v19 =	vld [tilespmem:s11+$0xFFFFFFC0];
	v16 =	vshll.u32 v11, $0x10;
	[tilespmem:s12+$0xF0] =	vst v10;
	v13 =	vmul.f32 v62, v5  }
0x3b4: {  	v17 =	vmul.f32 v16, v5;
	v26 =	vld [tilespmem:s14+$0x70];
	[tilespmem:s25+$0x110] =	vst v2;
	v18 =	vshll.u32 v61, $0x10  }
0x3b5: {  	v21 =	vld [tilespmem:s11+$0xFFFFFF80];
	v14 =	vand.u32 $0xFFFF0000, v61;
	[tilespmem:s12+$0x70] =	vst v13;
	v11 =	vmul.f32 v18, v4  }
0x3b6: {  	v6 =	vld.idx.msk [tilespmem:v6+s21+$0x0], $0xffff;
	v22 =	vshll.u32 v63, $0x10;
	[tilespmem:s12+$0x30] =	vst v17;
	v20 =	vmul.f32 v14, v4  }
0x3b7: {  	v24 =	vld [tilespmem:s11+$0x40];
	v12 =	vand.u32 $0xFFFF0000, v63;
	v10 =	vmul.f32 v22, v7;
	[tilespmem:s12+$0xFFFFFFA0] =	vst v11  }
0x3b8: {  	s30 =	sadd.s32 $0x240, s12;
	v8 =	vld.idx.msk [tilespmem:v8+s21+$0x0], $0xffff;
	v25 =	vshll.u32 v19, $0x10;
	v12 =	vmul.f32 v12, v7;
	[tilespmem:s12+$0xFFFFFFE0] =	vst v20  }
0x3b9: {  	v13 =	vand.u32 $0xFFFF0000, v19;
	v14 =	vmul.f32 v25, v9;
	[tilespmem:s30+$0x0] =	vst v10  }
0x3ba: {  	v5 =	vand.u32 $0xFFFF0000, v21;
	v13 =	vmul.f32 v13, v9;
	[tilespmem:s30+$0x40] =	vst v12  }
0x3bb: {  	v27 =	vshll.u32 v21, $0x10;
	v5 =	vmul.f32 v5, v6;
	[tilespmem:s30+$0xFFFFFF70] =	vst v14;
	v28 =	vld [tilespmem:s11+$0x10]  }
0x3bc: {  	v29 =	vshll.u32 v24, $0x10;
	v12 =	vmul.f32 v27, v6;
	[tilespmem:s30+$0xFFFFFFB0] =	vst v13  }
0x3bd: {  	v4 =	vand.u32 $0xFFFF0000, v24;
	v30 =	vmul.f32 v29, v8;
	[tilespmem:s30+$0xFFFFFF20] =	vst v5;
	v31 =	vld [tilespmem:s11+$0xFFFFFFD0]  }
0x3be: {  	v32 =	vshll.u32 v23, $0x10;
	v4 =	vmul.f32 v4, v8;
	[tilespmem:s30+$0xFFFFFEE0] =	vst v12  }
0x3bf: {  	v37 =	vand.u32 $0xFFFF0000, v23;
	v33 =	vmul.f32 v32, v3;
	[tilespmem:s30+$0x90] =	vst v30;
	v34 =	vld [tilespmem:s11+$0xFFFFFF90]  }
0x3c0: {  	v3 =	vmul.f32 v37, v3;
	[tilespmem:s30+$0xD0] =	vst v4;
	v16 =	vshll.u32 v28, $0x10  }
0x3c1: {  	v39 =	vld [tilespmem:s11+$0x50];
	[tilespmem:s25+$0xFFFFFF10] =	vst v33;
	v35 =	vand.u32 $0xFFFF0000, v28;
	v36 =	vmul.f32 v16, v7  }
0x3c2: {  	[tilespmem:s25+$0xFFFFFF50] =	vst v3;
	v38 =	vmul.f32 v35, v7;
	v40 =	vshll.u32 v31, $0x10  }
0x3c3: {  	v41 =	vand.u32 $0xFFFF0000, v31;
	v4 =	vmul.f32 v40, v9;
	[tilespmem:s30+$0x10] =	vst v36  }
0x3c4: {  	v5 =	vmul.f32 v41, v9;
	v42 =	vshll.u32 v34, $0x10;
	[tilespmem:s30+$0x50] =	vst v38  }
0x3c5: {  	v3 =	vand.u32 $0xFFFF0000, v34;
	v11 =	vmul.f32 v42, v6;
	v43 =	vld [tilespmem:s11+$0x20];
	[tilespmem:s30+$0xFFFFFF80] =	vst v4  }
0x3c6: {  	v44 =	vshll.u32 v39, $0x10;
	v3 =	vmul.f32 v3, v6;
	[tilespmem:s30+$0xFFFFFFC0] =	vst v5  }
0x3c7: {  	v45 =	vand.u32 $0xFFFF0000, v39;
	v4 =	vmul.f32 v44, v8;
	[tilespmem:s30+$0xFFFFFEF0] =	vst v11;
	v46 =	vld [tilespmem:s11+$0xFFFFFFE0]  }
0x3c8: {  	v47 =	vshll.u32 v26, $0x10;
	v5 =	vmul.f32 v45, v8;
	[tilespmem:s30+$0xFFFFFF30] =	vst v3  }
0x3c9: {  	v52 =	vand.u32 $0xFFFF0000, v26;
	v3 =	vmul.f32 v47, v2;
	[tilespmem:s30+$0xA0] =	vst v4  }
0x3ca: {  	v2 =	vmul.f32 v52, v2;
	v48 =	vld [tilespmem:s11+$0xFFFFFFA0];
	[tilespmem:s30+$0xE0] =	vst v5;
	v49 =	vshll.u32 v43, $0x10  }
0x3cb: {  	[tilespmem:s25+$0xC0] =	vst v3;
	v50 =	vand.u32 $0xFFFF0000, v43;
	v51 =	vmul.f32 v49, v7  }
0x3cc: {  	v53 =	vld [tilespmem:s11+$0x60];
	[tilespmem:s25+$0x100] =	vst v2;
	v4 =	vmul.f32 v50, v7;
	v3 =	vshll.u32 v46, $0x10  }
0x3cd: {  	v54 =	vand.u32 $0xFFFF0000, v46;
	v3 =	vmul.f32 v3, v9;
	[tilespmem:s30+$0x20] =	vst v51  }
0x3ce: {  	v55 =	vmul.f32 v54, v9;
	[tilespmem:s30+$0x60] =	vst v4  }
0x3cf: {  	v56 =	vshll.u32 v48, $0x10;
	v57 =	vld [tilespmem:s11+$0x30];
	[tilespmem:s30+$0xFFFFFF90] =	vst v3  }
0x3d0: {  	v2 =	vand.u32 $0xFFFF0000, v48;
	v5 =	vmul.f32 v56, v6;
	[tilespmem:s30+$0xFFFFFFD0] =	vst v55  }
0x3d1: {  	v2 =	vmul.f32 v2, v6;
	v3 =	vshll.u32 v53, $0x10;
	[tilespmem:s30+$0x80] =	vst v7  }
0x3d2: {  	[tilespmem:s30+$0xFFFFFF00] =	vst v5;
	v3 =	vmul.f32 v3, v8  }
0x3d3: {  	v58 =	vand.u32 $0xFFFF0000, v53;
	v59 =	vld [tilespmem:s11+$0xFFFFFFF0];
	[tilespmem:s30+$0xFFFFFF40] =	vst v2  }
0x3d4: {  	v4 =	vmul.f32 v58, v8;
	[tilespmem:s30+$0xB0] =	vst v3;
	v3 =	vshll.u32 v57, $0x10  }
0x3d5: {  	[tilespmem:s30+$0xFFFFFFF0] =	vst v9;
	v60 =	vld [tilespmem:s11+$0xFFFFFFB0];
	v2 =	vand.u32 $0xFFFF0000, v57;
	v3 =	vmul.f32 v3, v7  }
0x3d6: {  	[tilespmem:s30+$0xF0] =	vst v4;
	v2 =	vmul.f32 v2, v7  }
0x3d7: {  	[tilespmem:s30+$0x30] =	vst v3;
	v3 =	vld [tilespmem:s11+$0x70]  }
0x3d8: {  	[tilespmem:s30+$0x70] =	vst v2;
	v2 =	vand.u32 $0xFFFF0000, v59  }
0x3d9: {  	[tilespmem:s30+$0xFFFFFF60] =	vst v6;
	v61 =	vshll.u32 v59, $0x10;
	v2 =	vmul.f32 v2, v9  }
0x3da: {  	v62 =	vmul.f32 v61, v9;
	v4 =	vand.u32 $0xFFFF0000, v60;
	[tilespmem:s30+$0x110] =	vst v8  }
0x3db: {  	s24 =	sadd.s32 $0x1, s24;
	v4 =	vmul.f32 v4, v6;
	[tilespmem:s30+$0xFFFFFFE0] =	vst v2;
	v2 =	vshll.u32 v60, $0x10  }
0x3dc: {  	p0 =	sne.s32 s24, $0x20;
	[tilespmem:s30+$0xFFFFFFA0] =	vst v62;
	v2 =	vmul.f32 v2, v6;
	v63 =	vshll.u32 v3, $0x10  }
.Ltmp5:
0x3dd: {  	[tilespmem:s30+$0xFFFFFF50] =	vst v4;
	v3 =	vand.u32 $0xFFFF0000, v3;
	v5 =	vmul.f32 v63, v8;
	(pc) =	sbr.rel @p0 .LBB2_4-.Ltmp5, $4  }
0x3de: {  	[tilespmem:s30+$0xFFFFFF10] =	vst v2;
	v2 =	vmul.f32 v3, v8  }
0x3df: {  	[tilespmem:s30+$0xC0] =	vst v5  }
0x3e0: {  	s9 =	simm.s32 $0xF0;
	s10 =	simm.s32 $0x5B40;
	[tilespmem:s30+$0x100] =	vst v2  }
0x3e1: {  	[spmem:s2] =	stream.indirect.scatter.add.f32 [tilespmem:s10], [sflag:$0x8], $0x90, s9, s29, $0xb8;
	[tilespmem:$0x1E830] =	vst v63  }
0x3e2: {  	s9 =	simm.s32 $0x8  }
0x3e3: {  	_ =	swait.ge [sflag:s9], $0x2D00  }
0x3e4: {  	[sflag:s9] =	ssyncset.done $0x0  }
0x3e5: {  	[sflag:s9] =	ssyncadd.s32 $0xFFFFD300  }
0x3e6: {  	[bflag:$0x0] =	sbarrier.arrive $0xFFFF  }
0x3e7: {  	s26 =	stileid.u32;
	s11 =	sld [smem:$0x7F7]  }
0x3e8: {  	s9 =	sshll.u32 s26, $0x6;
	s13 =	rddreg [dreg:$0x6]  }
0x3e9: {  	s14 =	simm.s32 $0x9;
	s9 =	sor.u32 $0x1C09, s9;
	s10 =	sshrl.u32 s13, $0x3  }
0x3ea: {  	[hbm:s11], [sflag:s9] =	dma.local [spmem:s10], $0x2BF2  }
0x3eb: {  	_ =	swait.ge [sflag:s14], $0x2BF2  }
0x3ec: {  	s28 =	sld [smem:$0x7F3]  }
0x3ed: {  	s30 =	sld [smem:$0x7F8];
	_ =	sdelay $0x1  }
0x3ee: {  	s10 =	sadd.s32 $0x1, s28  }
0x3ef: {  	p0 =	sne.s32 s10, s30  }
.Ltmp6:
0x3f0: {  	_ = 	snop;
	(pc) =	sbr.rel @p0 .LBB2_1-.Ltmp6, $3  }
0x3f1: {  	_ =	sdelay $0x1  }
0x3f2: {  	[sflag:s14] =	ssyncset.done $0x0  }
0x3f3: {  	[sflag:s14] =	ssyncadd.s32 $0xFFFFD40E  }
0x3f4: {  	_ =	sfence.sel $0x180000  }
0x3f5: {  	[bflag:$0x0] =	sbarrier.arrive $0xFFFF  }
0x3f6: {  	_ =	strace $0x90000047  }
0x3f7: {  	s0 =	stileid.u32;
	[bflag:$0x2] =	sbarrier.arrive $0xFFFF  }
0x3f8: {  	p0 =	sne.s32 s0, $0x0;
	s0 =	rddreg [dreg:$0x3]  }
0x3f9: {  	s0 =	sadd.s32 @!p0 $0x100000, s0  }
0x3fa: {  	[sflag:s0] =	ssyncadd.tile.s32 @!p0 $0x1;
	_ =	shalt  }
.Lfunc_end2:
_tile_overlayer_lowered:
.L_overlay_start_2:
0x3fb: {  	(tag) =	ssettag $0x2  }
0x3fc: {  	s0 =	rddreg [dreg:$0x0];
	s2 =	stileid.u32  }
0x3fd: {  	s1 =	rddreg [dreg:$0x1];
	p0 =	sne.s32 s2, $0x0  }
0x3fe: {  	s3 =	rddreg [dreg:$0x2];
	[bflag:$0x3] =	sbarrier.arrive $0xFFFF;
	s2 =	simm.s32 @!p0 $0x1C09  }
0x3ff: {  	[timem:s3], [sflag:s2] =	dma.local @!p0 [hbm:s0], s1  }
0x400: {  	s0 =	simm.s32 @!p0 $0x9  }
0x401: {  	_ =	swait.ge @!p0 [sflag:s0], s1  }
0x402: {  	s1 =	ssub.s32 @!p0 $0x0, s1;
	[sflag:s0] =	ssyncset.done @!p0 $0x0  }
0x403: {  	[sflag:s0] =	ssyncadd.s32 @!p0 s1  }
0x404: {  	[bflag:$0x3] =	sbarrier.arrive $0xFFFF  }
0x405: {  	_ =	shalt  }

</sc_bundles>
